<compile_context>
chip_gen: v7x
topology: tpu7x:2x2x1
jax: 0.10.2.dev20260603
libtpu: 0.0.44.dev20260713+nightly
codegen_flags: <defaults>
</compile_context>

<pallas_src>
import functools

import jax
import jax.numpy as jnp
from jax import lax
from jax.experimental import pallas as pl
from jax.experimental.pallas import tpu as pltpu
from jax.experimental.pallas import tpu_sc as plsc

B, S, DIM, T, TOPK = 64, 64, 512, 1024, 4
_F32 = jnp.float32
NEG_INF = float("-inf")


def _dot(a, b):
    return lax.dot_general(a, b, (((1,), (0,)), ((), ())),
                           preferred_element_type=_F32)


def _dotT(a, b):
    return lax.dot_general(a, b, (((1,), (1,)), ((), ())),
                           preferred_element_type=_F32)


def _route_one(rem_ref, m, wr_ref, br_ref, wt_ref, bt_ref,
               idx_ref, rs_ref):
    q = jnp.mean(rem_ref[...], axis=1)
    qn = q / jnp.maximum(jnp.sqrt(jnp.sum(q * q, axis=1, keepdims=True)),
                         1e-8)
    mn = m / jnp.maximum(jnp.sqrt(jnp.sum(m * m, axis=1, keepdims=True)),
                         1e-8)
    valid = (jnp.sum(m, axis=1, keepdims=True) != 0).astype(_F32)
    sim = _dotT(qn, mn * valid)

    avg_rem = _dotT(q, wr_ref[...]) + br_ref[...]
    u = _dot(avg_rem, wt_ref[...])
    c = jnp.sum(avg_rem * bt_ref[...], axis=1, keepdims=True)
    score_all = _dotT(u, m) + c

    iota_t = lax.broadcasted_iota(jnp.int32, (B, T), 1)
    lane = lax.broadcasted_iota(jnp.int32, (B, 128), 1)
    lanes = lax.broadcasted_iota(jnp.int32, (B, TOPK * _NSUB), 1)
    kk = lanes // _NSUB
    cc = lanes % _NSUB
    work = sim
    isub = jnp.zeros((B, TOPK * _NSUB), jnp.int32)
    scw = jnp.full((B, 128), NEG_INF, _F32)
    for j in range(TOPK):
        mx = jnp.max(work, axis=1, keepdims=True)
        amx = jnp.min(jnp.where(work == mx, iota_t, T), axis=1,
                      keepdims=True)
        sel = iota_t == amx
        s_j = jnp.sum(jnp.where(sel, score_all, 0.0), axis=1,
                      keepdims=True)
        isub = jnp.where(kk == j, amx * _NSUB, isub)
        scw = jnp.where(lane == j, s_j, scw)
        work = jnp.where(sel, NEG_INF, work)
    isub = isub + cc
    smx = jnp.max(scw, axis=1, keepdims=True)
    e = jnp.exp(scw - smx)
    rs = e / jnp.sum(e, axis=1, keepdims=True)
    idx_ref[...] = isub
    rs_ref[...] = rs.reshape(B, 1, 128)


_MTB = 32


def _means_route_body(mi_ref, mt_ref, text_ref, image_ref,
                      iwr_ref, ibr_ref, iwt_ref, ibt_ref,
                      twr_ref, tbr_ref, twt_ref, tbt_ref,
                      idx1_ref, rs1_ref, idx2_ref, rs2_ref,
                      ms_i, ms_t):
    i = pl.program_id(0)
    ms_i[pl.ds(i * _MTB, _MTB), :] = jnp.mean(mi_ref[...], axis=1)
    ms_t[pl.ds(i * _MTB, _MTB), :] = jnp.mean(mt_ref[...], axis=1)

    @pl.when(i == T // _MTB - 1)
    def _():
        _route_one(text_ref, ms_i[...], iwr_ref, ibr_ref, iwt_ref, ibt_ref,
                   idx1_ref, rs1_ref)
        _route_one(image_ref, ms_t[...], twr_ref, tbr_ref, twt_ref, tbt_ref,
                   idx2_ref, rs2_ref)


def _means_route(memory_image, memory_text, text, image,
                 iWr, ibr, iWt, ibt, tWr, tbr, tWt, tbt):
    const3 = lambda i: (0, 0, 0)
    const2 = lambda i: (0, 0)
    return pl.pallas_call(
        _means_route_body,
        grid=(T // _MTB,),
        in_specs=[
            pl.BlockSpec((_MTB, S, DIM), lambda i: (i, 0, 0)),
            pl.BlockSpec((_MTB, S, DIM), lambda i: (i, 0, 0)),
            pl.BlockSpec((B, S, DIM), const3),
            pl.BlockSpec((B, S, DIM), const3),
            pl.BlockSpec((DIM, DIM), const2),
            pl.BlockSpec((1, DIM), const2),
            pl.BlockSpec((DIM, DIM), const2),
            pl.BlockSpec((1, DIM), const2),
            pl.BlockSpec((DIM, DIM), const2),
            pl.BlockSpec((1, DIM), const2),
            pl.BlockSpec((DIM, DIM), const2),
            pl.BlockSpec((1, DIM), const2),
        ],
        out_specs=[
            pl.BlockSpec((B, TOPK * _NSUB), const2),
            pl.BlockSpec((B, 1, 128), const3),
            pl.BlockSpec((B, TOPK * _NSUB), const2),
            pl.BlockSpec((B, 1, 128), const3),
        ],
        out_shape=[
            jax.ShapeDtypeStruct((B, TOPK * _NSUB), jnp.int32),
            jax.ShapeDtypeStruct((B, 1, 128), _F32),
            jax.ShapeDtypeStruct((B, TOPK * _NSUB), jnp.int32),
            jax.ShapeDtypeStruct((B, 1, 128), _F32),
        ],
        scratch_shapes=[
            pltpu.VMEM((T, DIM), _F32),
            pltpu.VMEM((T, DIM), _F32),
        ],
    )(memory_image, memory_text, text, image,
      iWr, ibr.reshape(1, DIM), iWt, ibt.reshape(1, DIM),
      tWr, tbr.reshape(1, DIM), tWt, tbt.reshape(1, DIM))


_ROWS = B * TOPK
_RW = S * DIM
_NW = 32
_RPW = _ROWS // _NW


_NSUB = 64
_SUBW = _RW // _NSUB
_NSLOT = 3
_LA = 2
_BPW = B // _NW


def _sc_gather1_body(mem_hbm, idx_hbm, act_hbm, out_hbm, idx_v, act_v, buf,
                     gs0, gs1, gs2, ss0, ss1, ss2):
    wid = lax.axis_index("s") * 2 + lax.axis_index("c")
    base = wid * _RPW
    pltpu.sync_copy(idx_hbm.at[pl.ds(wid * _BPW, _BPW)], idx_v)
    pltpu.sync_copy(act_hbm.at[pl.ds(wid * _BPW, _BPW)], act_v)
    gsem = (gs0, gs1, gs2)
    ssem = (ss0, ss1, ss2)

    for bo in range(_BPW):
        actf = act_v[bo][0]

        @pl.when(actf > 0)
        def _(bo=bo):
            gat = [None] * _NSLOT
            scat = [None] * _NSLOT
            for t in range(TOPK + 1):
                if t < TOPK:
                    s = t % _NSLOT
                    if scat[s] is not None:
                        scat[s].wait()
                    gat[s] = pltpu.async_copy(
                        mem_hbm.at[idx_v.at[bo, pl.ds(t * _NSUB, _NSUB)]],
                        buf.at[s], gsem[s])
                if t >= 1:
                    j = t - 1
                    s2 = j % _NSLOT
                    gat[s2].wait()
                    scat[s2] = pltpu.async_copy(
                        buf.at[s2],
                        out_hbm.at[pl.ds((base + bo * TOPK + j) * _NSUB,
                                         _NSUB)],
                        ssem[s2])
            for s in range(_NSLOT):
                if scat[s] is not None:
                    scat[s].wait()


def _sc_gather1(mem, idx, act):
    mesh = plsc.VectorSubcoreMesh(core_axis_name="c", subcore_axis_name="s")
    run = functools.partial(
        pl.kernel,
        out_type=jax.ShapeDtypeStruct((_ROWS * _NSUB, _SUBW), _F32),
        mesh=mesh,
        scratch_types=[
            pltpu.VMEM((_BPW, TOPK * _NSUB), jnp.int32),
            pltpu.VMEM((_BPW, 16), jnp.int32),
            pltpu.VMEM((_NSLOT, _NSUB, _SUBW), _F32),
            pltpu.SemaphoreType.DMA,
            pltpu.SemaphoreType.DMA,
            pltpu.SemaphoreType.DMA,
            pltpu.SemaphoreType.DMA,
            pltpu.SemaphoreType.DMA,
            pltpu.SemaphoreType.DMA,
        ],
    )(_sc_gather1_body)
    return run(mem, idx, act)


_BBLK = 8


def _experts_body(g_ref, w1_ref, b1_ref, w2_ref, b2_ref, rs_ref,
                  quer_ref, flags_ref, comp_ref, full_ref,
                  w1s_ref, w2s_ref):
    @pl.when(pl.program_id(0) == 0)
    def _():
        w1s_ref[...] = w1_ref[...].astype(jnp.bfloat16)
        w2s_ref[...] = w2_ref[...].astype(jnp.bfloat16)

    acc = jnp.zeros((_BBLK, S, DIM), _F32)
    for k in range(TOPK):
        rows = g_ref[:, k].reshape(_BBLK * S, DIM).astype(jnp.bfloat16)
        h = jnp.maximum(_dotT(rows, w1s_ref[k]) + b1_ref[k:k + 1, :], 0.0)
        eo = _dotT(h.astype(jnp.bfloat16), w2s_ref[k]) + b2_ref[k:k + 1, :]
        acc = acc + eo.reshape(_BBLK, S, DIM) * rs_ref[:, :, k:k + 1]
    miss = flags_ref[:, :, 0:1] > 0.5
    exist = flags_ref[:, :, 1:2] > 0.5
    comp_ref[...] = jnp.where(miss, acc, quer_ref[...])
    full_ref[...] = jnp.where(exist, acc, 0.0)


def _experts(g, W1, b1, W2, b2, rs3, quer, flags3):
    return pl.pallas_call(
        _experts_body,
        grid=(B // _BBLK,),
        in_specs=[
            pl.BlockSpec((_BBLK, TOPK, S, DIM), lambda i: (i, 0, 0, 0)),
            pl.BlockSpec((TOPK, DIM, DIM), lambda i: (0, 0, 0)),
            pl.BlockSpec((TOPK, DIM), lambda i: (0, 0)),
            pl.BlockSpec((TOPK, DIM, DIM), lambda i: (0, 0, 0)),
            pl.BlockSpec((TOPK, DIM), lambda i: (0, 0)),
            pl.BlockSpec((_BBLK, 1, 128), lambda i: (i, 0, 0)),
            pl.BlockSpec((_BBLK, S, DIM), lambda i: (i, 0, 0)),
            pl.BlockSpec((_BBLK, 1, 128), lambda i: (i, 0, 0)),
        ],
        out_specs=[
            pl.BlockSpec((_BBLK, S, DIM), lambda i: (i, 0, 0)),
            pl.BlockSpec((_BBLK, S, DIM), lambda i: (i, 0, 0)),
        ],
        out_shape=[
            jax.ShapeDtypeStruct((B, S, DIM), _F32),
            jax.ShapeDtypeStruct((B, S, DIM), _F32),
        ],
        scratch_shapes=[
            pltpu.VMEM((TOPK, DIM, DIM), jnp.bfloat16),
            pltpu.VMEM((TOPK, DIM, DIM), jnp.bfloat16),
        ],
    )(g, W1, b1, W2, b2, rs3, quer, flags3)


def _expert_call(g, rs3, quer, flags, W1, b1, W2, b2):
    return _experts(g.reshape(B, TOPK, S, DIM), W1, b1, W2, b2,
                    rs3, quer, flags)


def kernel(image, text, m1, m2, memory_image, memory_text,
           ig_Wr, ig_br, ig_Wt, ig_bt, ig_W1, ig_b1, ig_W2, ig_b2,
           tg_Wr, tg_br, tg_Wt, tg_bt, tg_W1, tg_b1, tg_W2, tg_b2):
    text_exist = (m2 == 1)[:, 0]
    image_exist = (m1 == 1)[:, 0]
    img_missing = ((m1 == 0) & (m2 == 1))[:, 0]
    txt_missing = ((m2 == 0) & (m1 == 1))[:, 0]

    lane = jnp.arange(128)[None, :]

    def mkflags(miss, exist):
        f = (jnp.where(lane == 0, miss[:, None].astype(_F32), 0.0)
             + jnp.where(lane == 1, exist[:, None].astype(_F32), 0.0))
        return f.reshape(B, 1, 128)

    flags_img = mkflags(img_missing, text_exist)
    flags_txt = mkflags(txt_missing, image_exist)

    i1, r1, i2, r2 = _means_route(memory_image, memory_text, text, image,
                                  ig_Wr, ig_br, ig_Wt, ig_bt,
                                  tg_Wr, tg_br, tg_Wt, tg_bt)
    act1 = jnp.broadcast_to(text_exist.astype(jnp.int32)[:, None], (B, 16))
    act2 = jnp.broadcast_to(image_exist.astype(jnp.int32)[:, None], (B, 16))
    g1 = _sc_gather1(memory_image.reshape(T * _NSUB, _SUBW), i1, act1)
    g2 = _sc_gather1(memory_text.reshape(T * _NSUB, _SUBW), i2, act2)
    completed_image, gen_image_full = _expert_call(
        g1, r1, image, flags_img, ig_W1, ig_b1, ig_W2, ig_b2)
    completed_text, gen_text_full = _expert_call(
        g2, r2, text, flags_txt, tg_W1, tg_b1, tg_W2, tg_b2)

    return completed_image, completed_text, gen_image_full, gen_text_full

# --- scband reference (transcript-rebuilt; emitter-appended) ---
"""Pipeline reference for scband-retrieval-guided-completion-82248623718829 (READ-ONLY COPY).

The authoritative reference and input builder live on the scoring server;
editing this copy changes nothing except your own understanding.
"""

import jax, jax.numpy as jnp
import numpy as np

B, S, DIM, T, TOPK = 64, 64, 512, 1024, 4


def _linear(x, W, b):
    return jnp.matmul(x, W.T) + b


def _router(rem, ret, Wr, br, Wt, bt):
    rem = _linear(rem, Wr, br)
    ret = _linear(ret, Wt, bt)
    avg_rem = rem.mean(axis=1)
    avg_ret = ret.mean(axis=2)
    score = jnp.einsum('bd,bkd->bk', avg_rem, avg_ret)
    return jax.nn.softmax(score, axis=1)


def _cmoe(rem, ret, Wr, br, Wt, bt, W1, b1, W2, b2):
    rs = _router(rem, ret, Wr, br, Wt, bt)
    h = jnp.einsum('bksd,kfd->bksf', ret, W1) + b1[None, :, None, :]
    h = jax.nn.relu(h)
    eo = jnp.einsum('bksf,kgf->bksg', h, W2) + b2[None, :, None, :]
    return jnp.einsum('bksd,bk->bsd', eo, rs)


def _retrieve(query, memory, topk):
    q = query.mean(axis=1)
    m = memory.mean(axis=1)
    qn = q / jnp.maximum(jnp.linalg.norm(q, axis=-1, keepdims=True), 1e-8)
    mn = m / jnp.maximum(jnp.linalg.norm(m, axis=-1, keepdims=True), 1e-8)
    sim = jnp.matmul(qn, mn.T)
    valid = (m.sum(axis=1) != 0).astype(sim.dtype)[None, :]
    sim = sim * valid
    _, idx = jax.lax.top_k(sim, topk)
    return memory[idx]


def _forward(image, text, memory_image, memory_text, ig, tg, m1, m2):
    text_exist = (m2 == 1)[:, 0]
    image_exist = (m1 == 1)[:, 0]
    # image completion branch (guided by text); computed for all rows then masked,
    # equivalent to torch's per-sample boolean-subset computation
    ret_img = _retrieve(text, memory_image, TOPK)
    gen_image = _cmoe(text, ret_img, *ig)
    img_missing = ((m1 == 0) & (m2 == 1))[:, 0]
    completed_image = jnp.where(img_missing[:, None, None], gen_image, image)
    gen_image_full = jnp.where(text_exist[:, None, None], gen_image, 0.0)
    # text completion branch (guided by image)
    ret_txt = _retrieve(image, memory_text, TOPK)
    gen_text = _cmoe(image, ret_txt, *tg)
    txt_missing = ((m2 == 0) & (m1 == 1))[:, 0]
    completed_text = jnp.where(txt_missing[:, None, None], gen_text, text)
    gen_text_full = jnp.where(image_exist[:, None, None], gen_text, 0.0)
    return completed_image, completed_text, gen_image_full, gen_text_full


PARAM_NAMES = []
for p in ['ig', 'tg']:
    PARAM_NAMES += [p + '_Wr', p + '_br', p + '_Wt', p + '_bt', p + '_W1', p + '_b1', p + '_W2', p + '_b2']


def setup_inputs(seed: int = 0) -> dict:
    key = jax.random.key(seed)
    ks = jax.random.split(key, 32)
    d = {}
    d['image'] = jax.random.normal(ks[0], (B, S, DIM), jnp.float32)
    d['text'] = jax.random.normal(ks[1], (B, S, DIM), jnp.float32)
    d['m1'] = jax.random.randint(ks[2], (B, 1), 0, 2)
    d['m2'] = jax.random.randint(ks[3], (B, 1), 0, 2)
    d['memory_image'] = jax.random.normal(ks[4], (T, S, DIM), jnp.float32)
    d['memory_text'] = jax.random.normal(ks[5], (T, S, DIM), jnp.float32)
    shapes = {'Wr': (DIM, DIM), 'br': (DIM,), 'Wt': (DIM, DIM), 'bt': (DIM,),
              'W1': (TOPK, DIM, DIM), 'b1': (TOPK, DIM), 'W2': (TOPK, DIM, DIM), 'b2': (TOPK, DIM)}
    i = 6
    for name in PARAM_NAMES:
        suf = name.split('_', 1)[1]
        d[name] = jax.random.normal(ks[i], shapes[suf], jnp.float32) * 0.02
        i += 1
    return d


def reference(image, text, m1, m2, memory_image, memory_text,
              ig_Wr, ig_br, ig_Wt, ig_bt, ig_W1, ig_b1, ig_W2, ig_b2,
              tg_Wr, tg_br, tg_Wt, tg_bt, tg_W1, tg_b1, tg_W2, tg_b2):
    ig = (ig_Wr, ig_br, ig_Wt, ig_bt, ig_W1, ig_b1, ig_W2, ig_b2)
    tg = (tg_Wr, tg_br, tg_Wt, tg_bt, tg_W1, tg_b1, tg_W2, tg_b2)
    return _forward(image, text, memory_image, memory_text, ig, tg, m1, m2)

if __name__ == "__main__":
    import jax
    _d = setup_inputs()
    print(jax.jit(kernel)(*tuple(_d.values())))

</pallas_src>

<mosaic_0001>
#map = affine_map<(d0, d1) -> (0, 0)>
module attributes {stable_mosaic.version = 14 : i64} {
  func.func @_sc_gather1_body(%arg0: i32, %arg1: i32, %arg2: memref<65536x512xf32, #tpu.memory_space<hbm>>, %arg3: memref<64x256xi32, #tpu.memory_space<hbm>>, %arg4: memref<64x16xi32, #tpu.memory_space<hbm>>, %arg5: memref<16384x512xf32, #tpu.memory_space<hbm>>, %arg6: memref<2x256xi32, #tpu.memory_space<vmem>>, %arg7: memref<2x16xi32, #tpu.memory_space<vmem>>, %arg8: memref<3x64x512xf32, #tpu.memory_space<vmem>>, %arg9: memref<!tpu.dma_semaphore, #tpu.memory_space<semaphore_mem>>, %arg10: memref<!tpu.dma_semaphore, #tpu.memory_space<semaphore_mem>>, %arg11: memref<!tpu.dma_semaphore, #tpu.memory_space<semaphore_mem>>, %arg12: memref<!tpu.dma_semaphore, #tpu.memory_space<semaphore_mem>>, %arg13: memref<!tpu.dma_semaphore, #tpu.memory_space<semaphore_mem>>, %arg14: memref<!tpu.dma_semaphore, #tpu.memory_space<semaphore_mem>>) attributes {dimension_semantics = [#tpu.dimension_semantics<core_parallel>, #tpu.dimension_semantics<subcore_parallel>], iteration_bounds = array<i64: 2, 16>, scalar_prefetch = 0 : i64, scratch_operands = 9 : i64, tpu.core_type = #tpu.core_type<sc_vector_subcore>, window_params = [{transform_indices = #map}, {transform_indices = #map}, {transform_indices = #map}, {transform_indices = #map}]} {
    %mul3A = arith.constant 2 : i32
    %mul3A_0 = arith.muli %arg1, %mul3A : i32
    %add3A = arith.addi %mul3A_0, %arg0 : i32
    %mul3A_1 = arith.constant 8 : i32
    %mul3A_2 = arith.muli %add3A, %mul3A_1 : i32
    %mul3A_3 = arith.constant 2 : i32
    %mul3A_4 = arith.muli %add3A, %mul3A_3 : i32
    "tpu.region"() ({
      %run_scoped3A = tpu.sem_alloc : memref<!tpu.dma_semaphore, #tpu.memory_space<semaphore_mem>>
      %dma_start3A = arith.constant 0 : i32
      %dma_start3A_25 = tpu.memref_slice %arg3[%mul3A_4, %dma_start3A] : memref<64x256xi32, #tpu.memory_space<hbm>> -> memref<2x256xi32, #tpu.memory_space<hbm>>
      %dma_start3A_26 = arith.constant 0 : i32
      %dma_start3A_27 = tpu.memref_slice %arg3[%mul3A_4, %dma_start3A_26] : memref<64x256xi32, #tpu.memory_space<hbm>> -> memref<2x256xi32, #tpu.memory_space<hbm>>
      tpu.enqueue_dma source(%dma_start3A_27 : memref<2x256xi32, #tpu.memory_space<hbm>>) target(%arg6 : memref<2x256xi32, #tpu.memory_space<vmem>>) target_semaphore(%run_scoped3A : memref<!tpu.dma_semaphore, #tpu.memory_space<semaphore_mem>>)
      %dma_wait3A = arith.constant 0 : i32
      %dma_wait3A_28 = tpu.memref_slice %arg3[%mul3A_4, %dma_wait3A] : memref<64x256xi32, #tpu.memory_space<hbm>> -> memref<2x256xi32, #tpu.memory_space<hbm>>
      %dma_wait3A_29 = arith.constant 0 : i32
      %dma_wait3A_30 = tpu.memref_slice %arg3[%mul3A_4, %dma_wait3A_29] : memref<64x256xi32, #tpu.memory_space<hbm>> -> memref<2x256xi32, #tpu.memory_space<hbm>>
      tpu.wait_dma2 semaphore(%run_scoped3A : memref<!tpu.dma_semaphore, #tpu.memory_space<semaphore_mem>>) src(%dma_wait3A_30 : memref<2x256xi32, #tpu.memory_space<hbm>>) dst(%arg6 : memref<2x256xi32, #tpu.memory_space<vmem>>)
      tpu.yield
    }) : () -> ()
    %mul3A_5 = arith.constant 2 : i32
    %mul3A_6 = arith.muli %add3A, %mul3A_5 : i32
    "tpu.region"() ({
      %run_scoped3A = tpu.sem_alloc : memref<!tpu.dma_semaphore, #tpu.memory_space<semaphore_mem>>
      %dma_start3A = arith.constant 0 : i32
      %dma_start3A_25 = tpu.memref_slice %arg4[%mul3A_6, %dma_start3A] : memref<64x16xi32, #tpu.memory_space<hbm>> -> memref<2x16xi32, #tpu.memory_space<hbm>>
      %dma_start3A_26 = arith.constant 0 : i32
      %dma_start3A_27 = tpu.memref_slice %arg4[%mul3A_6, %dma_start3A_26] : memref<64x16xi32, #tpu.memory_space<hbm>> -> memref<2x16xi32, #tpu.memory_space<hbm>>
      tpu.enqueue_dma source(%dma_start3A_27 : memref<2x16xi32, #tpu.memory_space<hbm>>) target(%arg7 : memref<2x16xi32, #tpu.memory_space<vmem>>) target_semaphore(%run_scoped3A : memref<!tpu.dma_semaphore, #tpu.memory_space<semaphore_mem>>)
      %dma_wait3A = arith.constant 0 : i32
      %dma_wait3A_28 = tpu.memref_slice %arg4[%mul3A_6, %dma_wait3A] : memref<64x16xi32, #tpu.memory_space<hbm>> -> memref<2x16xi32, #tpu.memory_space<hbm>>
      %dma_wait3A_29 = arith.constant 0 : i32
      %dma_wait3A_30 = tpu.memref_slice %arg4[%mul3A_6, %dma_wait3A_29] : memref<64x16xi32, #tpu.memory_space<hbm>> -> memref<2x16xi32, #tpu.memory_space<hbm>>
      tpu.wait_dma2 semaphore(%run_scoped3A : memref<!tpu.dma_semaphore, #tpu.memory_space<semaphore_mem>>) src(%dma_wait3A_30 : memref<2x16xi32, #tpu.memory_space<hbm>>) dst(%arg7 : memref<2x16xi32, #tpu.memory_space<vmem>>)
      tpu.yield
    }) : () -> ()
    %get3A = arith.constant 0 : i32
    %get3A_7 = arith.index_cast %get3A : i32 to index
    %get3A_8 = arith.constant 0 : index
    %get3A_9 = tpu.vector_load %arg7[%get3A_7, %get3A_8] {strides = array<i32>} : memref<2x16xi32, #tpu.memory_space<vmem>>, vector<1x16xi32>,
    %get3A_10 = vector.shape_cast %get3A_9 : vector<1x16xi32> to vector<16xi32>
    %slice3A = vector.extract_strided_slice %get3A_10 {offsets = [0], sizes = [1], strides = [1]} : vector<16xi32> to vector<1xi32>
    %squeeze3A = vector.extract %slice3A[0] : i32 from vector<1xi32>
    %gt3A = arith.constant 0 : i32
    %gt3A_11 = arith.cmpi sgt, %squeeze3A, %gt3A : i32
    %convert_element_type3A = arith.extui %gt3A_11 : i1 to i32
    %cond3A = arith.constant 0 : i32
    %cond3A_12 = arith.cmpi ne, %convert_element_type3A, %cond3A : i32
    scf.if %cond3A_12 {
      %dma_start3A = arith.constant 0 : i32
      %dma_start3A_25 = arith.constant 0 : i32
      %dma_start3A_26 = arith.constant 0 : i32
      %dma_start3A_27 = arith.constant 0 : i32
      %dma_start3A_28 = tpu.memref_slice %arg8[%dma_start3A_25, %dma_start3A_26, %dma_start3A_27] : memref<3x64x512xf32, #tpu.memory_space<vmem>> -> memref<1x64x512xf32, #tpu.memory_space<vmem>>
      %dma_start3A_29 = tpu.memref_squeeze %dma_start3A_28 : memref<1x64x512xf32, #tpu.memory_space<vmem>> -> memref<64x512xf32, #tpu.memory_space<vmem>>
      %dma_start3A_30 = arith.constant 0 : i32
      %dma_start3A_31 = tpu.memref_slice %arg6[%dma_start3A, %dma_start3A_30] : memref<2x256xi32, #tpu.memory_space<vmem>> -> memref<1x64xi32, #tpu.memory_space<vmem>>
      %dma_start3A_32 = tpu.memref_squeeze %dma_start3A_31 : memref<1x64xi32, #tpu.memory_space<vmem>> -> memref<64xi32, #tpu.memory_space<vmem>>
      %dma_start3A_33 = arith.constant 0 : i32
      %dma_start3A_34 = arith.constant 0 : i32
      %dma_start3A_35 = tpu.memref_slice %arg2[%dma_start3A_33, %dma_start3A_34] : memref<65536x512xf32, #tpu.memory_space<hbm>> -> memref<65536x512xf32, #tpu.memory_space<hbm>>
      tpu.enqueue_indirect_dma source(%dma_start3A_35 : memref<65536x512xf32, #tpu.memory_space<hbm>>) target(%dma_start3A_29 : memref<64x512xf32, #tpu.memory_space<vmem>>) offsets(%dma_start3A_32 : memref<64xi32, #tpu.memory_space<vmem>>) semaphore(%arg9 : memref<!tpu.dma_semaphore, #tpu.memory_space<semaphore_mem>>)
      %dma_start3A_36 = arith.constant 0 : i32
      %dma_start3A_37 = arith.constant 1 : i32
      %dma_start3A_38 = arith.constant 0 : i32
      %dma_start3A_39 = arith.constant 0 : i32
      %dma_start3A_40 = tpu.memref_slice %arg8[%dma_start3A_37, %dma_start3A_38, %dma_start3A_39] : memref<3x64x512xf32, #tpu.memory_space<vmem>> -> memref<1x64x512xf32, #tpu.memory_space<vmem>>
      %dma_start3A_41 = tpu.memref_squeeze %dma_start3A_40 : memref<1x64x512xf32, #tpu.memory_space<vmem>> -> memref<64x512xf32, #tpu.memory_space<vmem>>
      %dma_start3A_42 = arith.constant 64 : i32
      %dma_start3A_43 = tpu.memref_slice %arg6[%dma_start3A_36, %dma_start3A_42] : memref<2x256xi32, #tpu.memory_space<vmem>> -> memref<1x64xi32, #tpu.memory_space<vmem>>
      %dma_start3A_44 = tpu.memref_squeeze %dma_start3A_43 : memref<1x64xi32, #tpu.memory_space<vmem>> -> memref<64xi32, #tpu.memory_space<vmem>>
      %dma_start3A_45 = arith.constant 0 : i32
      %dma_start3A_46 = arith.constant 0 : i32
      %dma_start3A_47 = tpu.memref_slice %arg2[%dma_start3A_45, %dma_start3A_46] : memref<65536x512xf32, #tpu.memory_space<hbm>> -> memref<65536x512xf32, #tpu.memory_space<hbm>>
      tpu.enqueue_indirect_dma source(%dma_start3A_47 : memref<65536x512xf32, #tpu.memory_space<hbm>>) target(%dma_start3A_41 : memref<64x512xf32, #tpu.memory_space<vmem>>) offsets(%dma_start3A_44 : memref<64xi32, #tpu.memory_space<vmem>>) semaphore(%arg10 : memref<!tpu.dma_semaphore, #tpu.memory_space<semaphore_mem>>)
      %dma_wait3A = arith.constant 0 : i32
      %dma_wait3A_48 = arith.constant 0 : i32
      %dma_wait3A_49 = arith.constant 0 : i32
      %dma_wait3A_50 = arith.constant 0 : i32
      %dma_wait3A_51 = tpu.memref_slice %arg8[%dma_wait3A_48, %dma_wait3A_49, %dma_wait3A_50] : memref<3x64x512xf32, #tpu.memory_space<vmem>> -> memref<1x64x512xf32, #tpu.memory_space<vmem>>
      %dma_wait3A_52 = tpu.memref_squeeze %dma_wait3A_51 : memref<1x64x512xf32, #tpu.memory_space<vmem>> -> memref<64x512xf32, #tpu.memory_space<vmem>>
      %dma_wait3A_53 = arith.constant 0 : i32
      %dma_wait3A_54 = tpu.memref_slice %arg6[%dma_wait3A, %dma_wait3A_53] : memref<2x256xi32, #tpu.memory_space<vmem>> -> memref<1x64xi32, #tpu.memory_space<vmem>>
      %dma_wait3A_55 = tpu.memref_squeeze %dma_wait3A_54 : memref<1x64xi32, #tpu.memory_space<vmem>> -> memref<64xi32, #tpu.memory_space<vmem>>
      %dma_wait3A_56 = arith.constant 0 : i32
      %dma_wait3A_57 = arith.constant 0 : i32
      %dma_wait3A_58 = tpu.memref_slice %arg2[%dma_wait3A_56, %dma_wait3A_57] : memref<65536x512xf32, #tpu.memory_space<hbm>> -> memref<65536x512xf32, #tpu.memory_space<hbm>>
      tpu.wait_indirect_dma semaphore(%arg9 : memref<!tpu.dma_semaphore, #tpu.memory_space<semaphore_mem>>) src(%dma_wait3A_58 : memref<65536x512xf32, #tpu.memory_space<hbm>>) dst(%dma_wait3A_52 : memref<64x512xf32, #tpu.memory_space<vmem>>)
      %add3A_59 = arith.constant 0 : i32
      %add3A_60 = arith.addi %mul3A_2, %add3A_59 : i32
      %add3A_61 = arith.constant 0 : i32
      %add3A_62 = arith.addi %add3A_60, %add3A_61 : i32
      %mul3A_63 = arith.constant 64 : i32
      %mul3A_64 = arith.muli %add3A_62, %mul3A_63 : i32
      %dma_start3A_65 = arith.constant 0 : i32
      %dma_start3A_66 = arith.constant 0 : i32
      %dma_start3A_67 = arith.constant 0 : i32
      %dma_start3A_68 = tpu.memref_slice %arg8[%dma_start3A_65, %dma_start3A_66, %dma_start3A_67] : memref<3x64x512xf32, #tpu.memory_space<vmem>> -> memref<1x64x512xf32, #tpu.memory_space<vmem>>
      %dma_start3A_69 = tpu.memref_squeeze %dma_start3A_68 : memref<1x64x512xf32, #tpu.memory_space<vmem>> -> memref<64x512xf32, #tpu.memory_space<vmem>>
      %dma_start3A_70 = arith.constant 0 : i32
      %dma_start3A_71 = tpu.memref_slice %arg5[%mul3A_64, %dma_start3A_70] : memref<16384x512xf32, #tpu.memory_space<hbm>> -> memref<64x512xf32, #tpu.memory_space<hbm>>
      %dma_start3A_72 = arith.constant 0 : i32
      %dma_start3A_73 = tpu.memref_slice %arg5[%mul3A_64, %dma_start3A_72] : memref<16384x512xf32, #tpu.memory_space<hbm>> -> memref<64x512xf32, #tpu.memory_space<hbm>>
      %dma_start3A_74 = arith.constant 0 : i32
      %dma_start3A_75 = arith.constant 0 : i32
      %dma_start3A_76 = tpu.memref_slice %arg8[%dma_start3A_65, %dma_start3A_74, %dma_start3A_75] : memref<3x64x512xf32, #tpu.memory_space<vmem>> -> memref<1x64x512xf32, #tpu.memory_space<vmem>>
      %dma_start3A_77 = tpu.memref_squeeze %dma_start3A_76 : memref<1x64x512xf32, #tpu.memory_space<vmem>> -> memref<64x512xf32, #tpu.memory_space<vmem>>
      tpu.enqueue_dma source(%dma_start3A_77 : memref<64x512xf32, #tpu.memory_space<vmem>>) target(%dma_start3A_73 : memref<64x512xf32, #tpu.memory_space<hbm>>) target_semaphore(%arg12 : memref<!tpu.dma_semaphore, #tpu.memory_space<semaphore_mem>>)
      %dma_start3A_78 = arith.constant 0 : i32
      %dma_start3A_79 = arith.constant 2 : i32
      %dma_start3A_80 = arith.constant 0 : i32
      %dma_start3A_81 = arith.constant 0 : i32
      %dma_start3A_82 = tpu.memref_slice %arg8[%dma_start3A_79, %dma_start3A_80, %dma_start3A_81] : memref<3x64x512xf32, #tpu.memory_space<vmem>> -> memref<1x64x512xf32, #tpu.memory_space<vmem>>
      %dma_start3A_83 = tpu.memref_squeeze %dma_start3A_82 : memref<1x64x512xf32, #tpu.memory_space<vmem>> -> memref<64x512xf32, #tpu.memory_space<vmem>>
      %dma_start3A_84 = arith.constant 128 : i32
      %dma_start3A_85 = tpu.memref_slice %arg6[%dma_start3A_78, %dma_start3A_84] : memref<2x256xi32, #tpu.memory_space<vmem>> -> memref<1x64xi32, #tpu.memory_space<vmem>>
      %dma_start3A_86 = tpu.memref_squeeze %dma_start3A_85 : memref<1x64xi32, #tpu.memory_space<vmem>> -> memref<64xi32, #tpu.memory_space<vmem>>
      %dma_start3A_87 = arith.constant 0 : i32
      %dma_start3A_88 = arith.constant 0 : i32
      %dma_start3A_89 = tpu.memref_slice %arg2[%dma_start3A_87, %dma_start3A_88] : memref<65536x512xf32, #tpu.memory_space<hbm>> -> memref<65536x512xf32, #tpu.memory_space<hbm>>
      tpu.enqueue_indirect_dma source(%dma_start3A_89 : memref<65536x512xf32, #tpu.memory_space<hbm>>) target(%dma_start3A_83 : memref<64x512xf32, #tpu.memory_space<vmem>>) offsets(%dma_start3A_86 : memref<64xi32, #tpu.memory_space<vmem>>) semaphore(%arg11 : memref<!tpu.dma_semaphore, #tpu.memory_space<semaphore_mem>>)
      %dma_wait3A_90 = arith.constant 0 : i32
      %dma_wait3A_91 = arith.constant 1 : i32
      %dma_wait3A_92 = arith.constant 0 : i32
      %dma_wait3A_93 = arith.constant 0 : i32
      %dma_wait3A_94 = tpu.memref_slice %arg8[%dma_wait3A_91, %dma_wait3A_92, %dma_wait3A_93] : memref<3x64x512xf32, #tpu.memory_space<vmem>> -> memref<1x64x512xf32, #tpu.memory_space<vmem>>
      %dma_wait3A_95 = tpu.memref_squeeze %dma_wait3A_94 : memref<1x64x512xf32, #tpu.memory_space<vmem>> -> memref<64x512xf32, #tpu.memory_space<vmem>>
      %dma_wait3A_96 = arith.constant 64 : i32
      %dma_wait3A_97 = tpu.memref_slice %arg6[%dma_wait3A_90, %dma_wait3A_96] : memref<2x256xi32, #tpu.memory_space<vmem>> -> memref<1x64xi32, #tpu.memory_space<vmem>>
      %dma_wait3A_98 = tpu.memref_squeeze %dma_wait3A_97 : memref<1x64xi32, #tpu.memory_space<vmem>> -> memref<64xi32, #tpu.memory_space<vmem>>
      %dma_wait3A_99 = arith.constant 0 : i32
      %dma_wait3A_100 = arith.constant 0 : i32
      %dma_wait3A_101 = tpu.memref_slice %arg2[%dma_wait3A_99, %dma_wait3A_100] : memref<65536x512xf32, #tpu.memory_space<hbm>> -> memref<65536x512xf32, #tpu.memory_space<hbm>>
      tpu.wait_indirect_dma semaphore(%arg10 : memref<!tpu.dma_semaphore, #tpu.memory_space<semaphore_mem>>) src(%dma_wait3A_101 : memref<65536x512xf32, #tpu.memory_space<hbm>>) dst(%dma_wait3A_95 : memref<64x512xf32, #tpu.memory_space<vmem>>)
      %add3A_102 = arith.constant 0 : i32
      %add3A_103 = arith.addi %mul3A_2, %add3A_102 : i32
      %add3A_104 = arith.constant 1 : i32
      %add3A_105 = arith.addi %add3A_103, %add3A_104 : i32
      %mul3A_106 = arith.constant 64 : i32
      %mul3A_107 = arith.muli %add3A_105, %mul3A_106 : i32
      %dma_start3A_108 = arith.constant 1 : i32
      %dma_start3A_109 = arith.constant 0 : i32
      %dma_start3A_110 = arith.constant 0 : i32
      %dma_start3A_111 = tpu.memref_slice %arg8[%dma_start3A_108, %dma_start3A_109, %dma_start3A_110] : memref<3x64x512xf32, #tpu.memory_space<vmem>> -> memref<1x64x512xf32, #tpu.memory_space<vmem>>
      %dma_start3A_112 = tpu.memref_squeeze %dma_start3A_111 : memref<1x64x512xf32, #tpu.memory_space<vmem>> -> memref<64x512xf32, #tpu.memory_space<vmem>>
      %dma_start3A_113 = arith.constant 0 : i32
      %dma_start3A_114 = tpu.memref_slice %arg5[%mul3A_107, %dma_start3A_113] : memref<16384x512xf32, #tpu.memory_space<hbm>> -> memref<64x512xf32, #tpu.memory_space<hbm>>
      %dma_start3A_115 = arith.constant 0 : i32
      %dma_start3A_116 = tpu.memref_slice %arg5[%mul3A_107, %dma_start3A_115] : memref<16384x512xf32, #tpu.memory_space<hbm>> -> memref<64x512xf32, #tpu.memory_space<hbm>>
      %dma_start3A_117 = arith.constant 0 : i32
      %dma_start3A_118 = arith.constant 0 : i32
      %dma_start3A_119 = tpu.memref_slice %arg8[%dma_start3A_108, %dma_start3A_117, %dma_start3A_118] : memref<3x64x512xf32, #tpu.memory_space<vmem>> -> memref<1x64x512xf32, #tpu.memory_space<vmem>>
      %dma_start3A_120 = tpu.memref_squeeze %dma_start3A_119 : memref<1x64x512xf32, #tpu.memory_space<vmem>> -> memref<64x512xf32, #tpu.memory_space<vmem>>
      tpu.enqueue_dma source(%dma_start3A_120 : memref<64x512xf32, #tpu.memory_space<vmem>>) target(%dma_start3A_116 : memref<64x512xf32, #tpu.memory_space<hbm>>) target_semaphore(%arg13 : memref<!tpu.dma_semaphore, #tpu.memory_space<semaphore_mem>>)
      %dma_wait3A_121 = arith.constant 0 : i32
      %dma_wait3A_122 = arith.constant 0 : i32
      %dma_wait3A_123 = arith.constant 0 : i32
      %dma_wait3A_124 = tpu.memref_slice %arg8[%dma_wait3A_121, %dma_wait3A_122, %dma_wait3A_123] : memref<3x64x512xf32, #tpu.memory_space<vmem>> -> memref<1x64x512xf32, #tpu.memory_space<vmem>>
      %dma_wait3A_125 = tpu.memref_squeeze %dma_wait3A_124 : memref<1x64x512xf32, #tpu.memory_space<vmem>> -> memref<64x512xf32, #tpu.memory_space<vmem>>
      %dma_wait3A_126 = arith.constant 0 : i32
      %dma_wait3A_127 = tpu.memref_slice %arg5[%mul3A_64, %dma_wait3A_126] : memref<16384x512xf32, #tpu.memory_space<hbm>> -> memref<64x512xf32, #tpu.memory_space<hbm>>
      %dma_wait3A_128 = arith.constant 0 : i32
      %dma_wait3A_129 = tpu.memref_slice %arg5[%mul3A_64, %dma_wait3A_128] : memref<16384x512xf32, #tpu.memory_space<hbm>> -> memref<64x512xf32, #tpu.memory_space<hbm>>
      %dma_wait3A_130 = arith.constant 0 : i32
      %dma_wait3A_131 = arith.constant 0 : i32
      %dma_wait3A_132 = tpu.memref_slice %arg8[%dma_wait3A_121, %dma_wait3A_130, %dma_wait3A_131] : memref<3x64x512xf32, #tpu.memory_space<vmem>> -> memref<1x64x512xf32, #tpu.memory_space<vmem>>
      %dma_wait3A_133 = tpu.memref_squeeze %dma_wait3A_132 : memref<1x64x512xf32, #tpu.memory_space<vmem>> -> memref<64x512xf32, #tpu.memory_space<vmem>>
      tpu.wait_dma2 semaphore(%arg12 : memref<!tpu.dma_semaphore, #tpu.memory_space<semaphore_mem>>) src(%dma_wait3A_133 : memref<64x512xf32, #tpu.memory_space<vmem>>) dst(%dma_wait3A_129 : memref<64x512xf32, #tpu.memory_space<hbm>>)
      %dma_start3A_134 = arith.constant 0 : i32
      %dma_start3A_135 = arith.constant 0 : i32
      %dma_start3A_136 = arith.constant 0 : i32
      %dma_start3A_137 = arith.constant 0 : i32
      %dma_start3A_138 = tpu.memref_slice %arg8[%dma_start3A_135, %dma_start3A_136, %dma_start3A_137] : memref<3x64x512xf32, #tpu.memory_space<vmem>> -> memref<1x64x512xf32, #tpu.memory_space<vmem>>
      %dma_start3A_139 = tpu.memref_squeeze %dma_start3A_138 : memref<1x64x512xf32, #tpu.memory_space<vmem>> -> memref<64x512xf32, #tpu.memory_space<vmem>>
      %dma_start3A_140 = arith.constant 192 : i32
      %dma_start3A_141 = tpu.memref_slice %arg6[%dma_start3A_134, %dma_start3A_140] : memref<2x256xi32, #tpu.memory_space<vmem>> -> memref<1x64xi32, #tpu.memory_space<vmem>>
      %dma_start3A_142 = tpu.memref_squeeze %dma_start3A_141 : memref<1x64xi32, #tpu.memory_space<vmem>> -> memref<64xi32, #tpu.memory_space<vmem>>
      %dma_start3A_143 = arith.constant 0 : i32
      %dma_start3A_144 = arith.constant 0 : i32
      %dma_start3A_145 = tpu.memref_slice %arg2[%dma_start3A_143, %dma_start3A_144] : memref<65536x512xf32, #tpu.memory_space<hbm>> -> memref<65536x512xf32, #tpu.memory_space<hbm>>
      tpu.enqueue_indirect_dma source(%dma_start3A_145 : memref<65536x512xf32, #tpu.memory_space<hbm>>) target(%dma_start3A_139 : memref<64x512xf32, #tpu.memory_space<vmem>>) offsets(%dma_start3A_142 : memref<64xi32, #tpu.memory_space<vmem>>) semaphore(%arg9 : memref<!tpu.dma_semaphore, #tpu.memory_space<semaphore_mem>>)
      %dma_wait3A_146 = arith.constant 0 : i32
      %dma_wait3A_147 = arith.constant 2 : i32
      %dma_wait3A_148 = arith.constant 0 : i32
      %dma_wait3A_149 = arith.constant 0 : i32
      %dma_wait3A_150 = tpu.memref_slice %arg8[%dma_wait3A_147, %dma_wait3A_148, %dma_wait3A_149] : memref<3x64x512xf32, #tpu.memory_space<vmem>> -> memref<1x64x512xf32, #tpu.memory_space<vmem>>
      %dma_wait3A_151 = tpu.memref_squeeze %dma_wait3A_150 : memref<1x64x512xf32, #tpu.memory_space<vmem>> -> memref<64x512xf32, #tpu.memory_space<vmem>>
      %dma_wait3A_152 = arith.constant 128 : i32
      %dma_wait3A_153 = tpu.memref_slice %arg6[%dma_wait3A_146, %dma_wait3A_152] : memref<2x256xi32, #tpu.memory_space<vmem>> -> memref<1x64xi32, #tpu.memory_space<vmem>>
      %dma_wait3A_154 = tpu.memref_squeeze %dma_wait3A_153 : memref<1x64xi32, #tpu.memory_space<vmem>> -> memref<64xi32, #tpu.memory_space<vmem>>
      %dma_wait3A_155 = arith.constant 0 : i32
      %dma_wait3A_156 = arith.constant 0 : i32
      %dma_wait3A_157 = tpu.memref_slice %arg2[%dma_wait3A_155, %dma_wait3A_156] : memref<65536x512xf32, #tpu.memory_space<hbm>> -> memref<65536x512xf32, #tpu.memory_space<hbm>>
      tpu.wait_indirect_dma semaphore(%arg11 : memref<!tpu.dma_semaphore, #tpu.memory_space<semaphore_mem>>) src(%dma_wait3A_157 : memref<65536x512xf32, #tpu.memory_space<hbm>>) dst(%dma_wait3A_151 : memref<64x512xf32, #tpu.memory_space<vmem>>)
      %add3A_158 = arith.constant 0 : i32
      %add3A_159 = arith.addi %mul3A_2, %add3A_158 : i32
      %add3A_160 = arith.constant 2 : i32
      %add3A_161 = arith.addi %add3A_159, %add3A_160 : i32
      %mul3A_162 = arith.constant 64 : i32
      %mul3A_163 = arith.muli %add3A_161, %mul3A_162 : i32
      %dma_start3A_164 = arith.constant 2 : i32
      %dma_start3A_165 = arith.constant 0 : i32
      %dma_start3A_166 = arith.constant 0 : i32
      %dma_start3A_167 = tpu.memref_slice %arg8[%dma_start3A_164, %dma_start3A_165, %dma_start3A_166] : memref<3x64x512xf32, #tpu.memory_space<vmem>> -> memref<1x64x512xf32, #tpu.memory_space<vmem>>
      %dma_start3A_168 = tpu.memref_squeeze %dma_start3A_167 : memref<1x64x512xf32, #tpu.memory_space<vmem>> -> memref<64x512xf32, #tpu.memory_space<vmem>>
      %dma_start3A_169 = arith.constant 0 : i32
      %dma_start3A_170 = tpu.memref_slice %arg5[%mul3A_163, %dma_start3A_169] : memref<16384x512xf32, #tpu.memory_space<hbm>> -> memref<64x512xf32, #tpu.memory_space<hbm>>
      %dma_start3A_171 = arith.constant 0 : i32
      %dma_start3A_172 = tpu.memref_slice %arg5[%mul3A_163, %dma_start3A_171] : memref<16384x512xf32, #tpu.memory_space<hbm>> -> memref<64x512xf32, #tpu.memory_space<hbm>>
      %dma_start3A_173 = arith.constant 0 : i32
      %dma_start3A_174 = arith.constant 0 : i32
      %dma_start3A_175 = tpu.memref_slice %arg8[%dma_start3A_164, %dma_start3A_173, %dma_start3A_174] : memref<3x64x512xf32, #tpu.memory_space<vmem>> -> memref<1x64x512xf32, #tpu.memory_space<vmem>>
      %dma_start3A_176 = tpu.memref_squeeze %dma_start3A_175 : memref<1x64x512xf32, #tpu.memory_space<vmem>> -> memref<64x512xf32, #tpu.memory_space<vmem>>
      tpu.enqueue_dma source(%dma_start3A_176 : memref<64x512xf32, #tpu.memory_space<vmem>>) target(%dma_start3A_172 : memref<64x512xf32, #tpu.memory_space<hbm>>) target_semaphore(%arg14 : memref<!tpu.dma_semaphore, #tpu.memory_space<semaphore_mem>>)
      %dma_wait3A_177 = arith.constant 0 : i32
      %dma_wait3A_178 = arith.constant 0 : i32
      %dma_wait3A_179 = arith.constant 0 : i32
      %dma_wait3A_180 = arith.constant 0 : i32
      %dma_wait3A_181 = tpu.memref_slice %arg8[%dma_wait3A_178, %dma_wait3A_179, %dma_wait3A_180] : memref<3x64x512xf32, #tpu.memory_space<vmem>> -> memref<1x64x512xf32, #tpu.memory_space<vmem>>
      %dma_wait3A_182 = tpu.memref_squeeze %dma_wait3A_181 : memref<1x64x512xf32, #tpu.memory_space<vmem>> -> memref<64x512xf32, #tpu.memory_space<vmem>>
      %dma_wait3A_183 = arith.constant 192 : i32
      %dma_wait3A_184 = tpu.memref_slice %arg6[%dma_wait3A_177, %dma_wait3A_183] : memref<2x256xi32, #tpu.memory_space<vmem>> -> memref<1x64xi32, #tpu.memory_space<vmem>>
      %dma_wait3A_185 = tpu.memref_squeeze %dma_wait3A_184 : memref<1x64xi32, #tpu.memory_space<vmem>> -> memref<64xi32, #tpu.memory_space<vmem>>
      %dma_wait3A_186 = arith.constant 0 : i32
      %dma_wait3A_187 = arith.constant 0 : i32
      %dma_wait3A_188 = tpu.memref_slice %arg2[%dma_wait3A_186, %dma_wait3A_187] : memref<65536x512xf32, #tpu.memory_space<hbm>> -> memref<65536x512xf32, #tpu.memory_space<hbm>>
      tpu.wait_indirect_dma semaphore(%arg9 : memref<!tpu.dma_semaphore, #tpu.memory_space<semaphore_mem>>) src(%dma_wait3A_188 : memref<65536x512xf32, #tpu.memory_space<hbm>>) dst(%dma_wait3A_182 : memref<64x512xf32, #tpu.memory_space<vmem>>)
      %add3A_189 = arith.constant 0 : i32
      %add3A_190 = arith.addi %mul3A_2, %add3A_189 : i32
      %add3A_191 = arith.constant 3 : i32
      %add3A_192 = arith.addi %add3A_190, %add3A_191 : i32
      %mul3A_193 = arith.constant 64 : i32
      %mul3A_194 = arith.muli %add3A_192, %mul3A_193 : i32
      %dma_start3A_195 = arith.constant 0 : i32
      %dma_start3A_196 = arith.constant 0 : i32
      %dma_start3A_197 = arith.constant 0 : i32
      %dma_start3A_198 = tpu.memref_slice %arg8[%dma_start3A_195, %dma_start3A_196, %dma_start3A_197] : memref<3x64x512xf32, #tpu.memory_space<vmem>> -> memref<1x64x512xf32, #tpu.memory_space<vmem>>
      %dma_start3A_199 = tpu.memref_squeeze %dma_start3A_198 : memref<1x64x512xf32, #tpu.memory_space<vmem>> -> memref<64x512xf32, #tpu.memory_space<vmem>>
      %dma_start3A_200 = arith.constant 0 : i32
      %dma_start3A_201 = tpu.memref_slice %arg5[%mul3A_194, %dma_start3A_200] : memref<16384x512xf32, #tpu.memory_space<hbm>> -> memref<64x512xf32, #tpu.memory_space<hbm>>
      %dma_start3A_202 = arith.constant 0 : i32
      %dma_start3A_203 = tpu.memref_slice %arg5[%mul3A_194, %dma_start3A_202] : memref<16384x512xf32, #tpu.memory_space<hbm>> -> memref<64x512xf32, #tpu.memory_space<hbm>>
      %dma_start3A_204 = arith.constant 0 : i32
      %dma_start3A_205 = arith.constant 0 : i32
      %dma_start3A_206 = tpu.memref_slice %arg8[%dma_start3A_195, %dma_start3A_204, %dma_start3A_205] : memref<3x64x512xf32, #tpu.memory_space<vmem>> -> memref<1x64x512xf32, #tpu.memory_space<vmem>>
      %dma_start3A_207 = tpu.memref_squeeze %dma_start3A_206 : memref<1x64x512xf32, #tpu.memory_space<vmem>> -> memref<64x512xf32, #tpu.memory_space<vmem>>
      tpu.enqueue_dma source(%dma_start3A_207 : memref<64x512xf32, #tpu.memory_space<vmem>>) target(%dma_start3A_203 : memref<64x512xf32, #tpu.memory_space<hbm>>) target_semaphore(%arg12 : memref<!tpu.dma_semaphore, #tpu.memory_space<semaphore_mem>>)
      %dma_wait3A_208 = arith.constant 0 : i32
      %dma_wait3A_209 = arith.constant 0 : i32
      %dma_wait3A_210 = arith.constant 0 : i32
      %dma_wait3A_211 = tpu.memref_slice %arg8[%dma_wait3A_208, %dma_wait3A_209, %dma_wait3A_210] : memref<3x64x512xf32, #tpu.memory_space<vmem>> -> memref<1x64x512xf32, #tpu.memory_space<vmem>>
      %dma_wait3A_212 = tpu.memref_squeeze %dma_wait3A_211 : memref<1x64x512xf32, #tpu.memory_space<vmem>> -> memref<64x512xf32, #tpu.memory_space<vmem>>
      %dma_wait3A_213 = arith.constant 0 : i32
      %dma_wait3A_214 = tpu.memref_slice %arg5[%mul3A_194, %dma_wait3A_213] : memref<16384x512xf32, #tpu.memory_space<hbm>> -> memref<64x512xf32, #tpu.memory_space<hbm>>
      %dma_wait3A_215 = arith.constant 0 : i32
      %dma_wait3A_216 = tpu.memref_slice %arg5[%mul3A_194, %dma_wait3A_215] : memref<16384x512xf32, #tpu.memory_space<hbm>> -> memref<64x512xf32, #tpu.memory_space<hbm>>
      %dma_wait3A_217 = arith.constant 0 : i32
      %dma_wait3A_218 = arith.constant 0 : i32
      %dma_wait3A_219 = tpu.memref_slice %arg8[%dma_wait3A_208, %dma_wait3A_217, %dma_wait3A_218] : memref<3x64x512xf32, #tpu.memory_space<vmem>> -> memref<1x64x512xf32, #tpu.memory_space<vmem>>
      %dma_wait3A_220 = tpu.memref_squeeze %dma_wait3A_219 : memref<1x64x512xf32, #tpu.memory_space<vmem>> -> memref<64x512xf32, #tpu.memory_space<vmem>>
      tpu.wait_dma2 semaphore(%arg12 : memref<!tpu.dma_semaphore, #tpu.memory_space<semaphore_mem>>) src(%dma_wait3A_220 : memref<64x512xf32, #tpu.memory_space<vmem>>) dst(%dma_wait3A_216 : memref<64x512xf32, #tpu.memory_space<hbm>>)
      %dma_wait3A_221 = arith.constant 1 : i32
      %dma_wait3A_222 = arith.constant 0 : i32
      %dma_wait3A_223 = arith.constant 0 : i32
      %dma_wait3A_224 = tpu.memref_slice %arg8[%dma_wait3A_221, %dma_wait3A_222, %dma_wait3A_223] : memref<3x64x512xf32, #tpu.memory_space<vmem>> -> memref<1x64x512xf32, #tpu.memory_space<vmem>>
      %dma_wait3A_225 = tpu.memref_squeeze %dma_wait3A_224 : memref<1x64x512xf32, #tpu.memory_space<vmem>> -> memref<64x512xf32, #tpu.memory_space<vmem>>
      %dma_wait3A_226 = arith.constant 0 : i32
      %dma_wait3A_227 = tpu.memref_slice %arg5[%mul3A_107, %dma_wait3A_226] : memref<16384x512xf32, #tpu.memory_space<hbm>> -> memref<64x512xf32, #tpu.memory_space<hbm>>
      %dma_wait3A_228 = arith.constant 0 : i32
      %dma_wait3A_229 = tpu.memref_slice %arg5[%mul3A_107, %dma_wait3A_228] : memref<16384x512xf32, #tpu.memory_space<hbm>> -> memref<64x512xf32, #tpu.memory_space<hbm>>
      %dma_wait3A_230 = arith.constant 0 : i32
      %dma_wait3A_231 = arith.constant 0 : i32
      %dma_wait3A_232 = tpu.memref_slice %arg8[%dma_wait3A_221, %dma_wait3A_230, %dma_wait3A_231] : memref<3x64x512xf32, #tpu.memory_space<vmem>> -> memref<1x64x512xf32, #tpu.memory_space<vmem>>
      %dma_wait3A_233 = tpu.memref_squeeze %dma_wait3A_232 : memref<1x64x512xf32, #tpu.memory_space<vmem>> -> memref<64x512xf32, #tpu.memory_space<vmem>>
      tpu.wait_dma2 semaphore(%arg13 : memref<!tpu.dma_semaphore, #tpu.memory_space<semaphore_mem>>) src(%dma_wait3A_233 : memref<64x512xf32, #tpu.memory_space<vmem>>) dst(%dma_wait3A_229 : memref<64x512xf32, #tpu.memory_space<hbm>>)
      %dma_wait3A_234 = arith.constant 2 : i32
      %dma_wait3A_235 = arith.constant 0 : i32
      %dma_wait3A_236 = arith.constant 0 : i32
      %dma_wait3A_237 = tpu.memref_slice %arg8[%dma_wait3A_234, %dma_wait3A_235, %dma_wait3A_236] : memref<3x64x512xf32, #tpu.memory_space<vmem>> -> memref<1x64x512xf32, #tpu.memory_space<vmem>>
      %dma_wait3A_238 = tpu.memref_squeeze %dma_wait3A_237 : memref<1x64x512xf32, #tpu.memory_space<vmem>> -> memref<64x512xf32, #tpu.memory_space<vmem>>
      %dma_wait3A_239 = arith.constant 0 : i32
      %dma_wait3A_240 = tpu.memref_slice %arg5[%mul3A_163, %dma_wait3A_239] : memref<16384x512xf32, #tpu.memory_space<hbm>> -> memref<64x512xf32, #tpu.memory_space<hbm>>
      %dma_wait3A_241 = arith.constant 0 : i32
      %dma_wait3A_242 = tpu.memref_slice %arg5[%mul3A_163, %dma_wait3A_241] : memref<16384x512xf32, #tpu.memory_space<hbm>> -> memref<64x512xf32, #tpu.memory_space<hbm>>
      %dma_wait3A_243 = arith.constant 0 : i32
      %dma_wait3A_244 = arith.constant 0 : i32
      %dma_wait3A_245 = tpu.memref_slice %arg8[%dma_wait3A_234, %dma_wait3A_243, %dma_wait3A_244] : memref<3x64x512xf32, #tpu.memory_space<vmem>> -> memref<1x64x512xf32, #tpu.memory_space<vmem>>
      %dma_wait3A_246 = tpu.memref_squeeze %dma_wait3A_245 : memref<1x64x512xf32, #tpu.memory_space<vmem>> -> memref<64x512xf32, #tpu.memory_space<vmem>>
      tpu.wait_dma2 semaphore(%arg14 : memref<!tpu.dma_semaphore, #tpu.memory_space<semaphore_mem>>) src(%dma_wait3A_246 : memref<64x512xf32, #tpu.memory_space<vmem>>) dst(%dma_wait3A_242 : memref<64x512xf32, #tpu.memory_space<hbm>>)
    } else {
    }
    %get3A_13 = arith.constant 1 : i32
    %get3A_14 = arith.index_cast %get3A_13 : i32 to index
    %get3A_15 = arith.constant 0 : index
    %get3A_16 = tpu.vector_load %arg7[%get3A_14, %get3A_15] {strides = array<i32>} : memref<2x16xi32, #tpu.memory_space<vmem>>, vector<1x16xi32>,
    %get3A_17 = vector.shape_cast %get3A_16 : vector<1x16xi32> to vector<16xi32>
    %slice3A_18 = vector.extract_strided_slice %get3A_17 {offsets = [0], sizes = [1], strides = [1]} : vector<16xi32> to vector<1xi32>
    %squeeze3A_19 = vector.extract %slice3A_18[0] : i32 from vector<1xi32>
    %gt3A_20 = arith.constant 0 : i32
    %gt3A_21 = arith.cmpi sgt, %squeeze3A_19, %gt3A_20 : i32
    %convert_element_type3A_22 = arith.extui %gt3A_21 : i1 to i32
    %cond3A_23 = arith.constant 0 : i32
    %cond3A_24 = arith.cmpi ne, %convert_element_type3A_22, %cond3A_23 : i32
    scf.if %cond3A_24 {
      %dma_start3A = arith.constant 1 : i32
      %dma_start3A_25 = arith.constant 0 : i32
      %dma_start3A_26 = arith.constant 0 : i32
      %dma_start3A_27 = arith.constant 0 : i32
      %dma_start3A_28 = tpu.memref_slice %arg8[%dma_start3A_25, %dma_start3A_26, %dma_start3A_27] : memref<3x64x512xf32, #tpu.memory_space<vmem>> -> memref<1x64x512xf32, #tpu.memory_space<vmem>>
      %dma_start3A_29 = tpu.memref_squeeze %dma_start3A_28 : memref<1x64x512xf32, #tpu.memory_space<vmem>> -> memref<64x512xf32, #tpu.memory_space<vmem>>
      %dma_start3A_30 = arith.constant 0 : i32
      %dma_start3A_31 = tpu.memref_slice %arg6[%dma_start3A, %dma_start3A_30] : memref<2x256xi32, #tpu.memory_space<vmem>> -> memref<1x64xi32, #tpu.memory_space<vmem>>
      %dma_start3A_32 = tpu.memref_squeeze %dma_start3A_31 : memref<1x64xi32, #tpu.memory_space<vmem>> -> memref<64xi32, #tpu.memory_space<vmem>>
      %dma_start3A_33 = arith.constant 0 : i32
      %dma_start3A_34 = arith.constant 0 : i32
      %dma_start3A_35 = tpu.memref_slice %arg2[%dma_start3A_33, %dma_start3A_34] : memref<65536x512xf32, #tpu.memory_space<hbm>> -> memref<65536x512xf32, #tpu.memory_space<hbm>>
      tpu.enqueue_indirect_dma source(%dma_start3A_35 : memref<65536x512xf32, #tpu.memory_space<hbm>>) target(%dma_start3A_29 : memref<64x512xf32, #tpu.memory_space<vmem>>) offsets(%dma_start3A_32 : memref<64xi32, #tpu.memory_space<vmem>>) semaphore(%arg9 : memref<!tpu.dma_semaphore, #tpu.memory_space<semaphore_mem>>)
      %dma_start3A_36 = arith.constant 1 : i32
      %dma_start3A_37 = arith.constant 1 : i32
      %dma_start3A_38 = arith.constant 0 : i32
      %dma_start3A_39 = arith.constant 0 : i32
      %dma_start3A_40 = tpu.memref_slice %arg8[%dma_start3A_37, %dma_start3A_38, %dma_start3A_39] : memref<3x64x512xf32, #tpu.memory_space<vmem>> -> memref<1x64x512xf32, #tpu.memory_space<vmem>>
      %dma_start3A_41 = tpu.memref_squeeze %dma_start3A_40 : memref<1x64x512xf32, #tpu.memory_space<vmem>> -> memref<64x512xf32, #tpu.memory_space<vmem>>
      %dma_start3A_42 = arith.constant 64 : i32
      %dma_start3A_43 = tpu.memref_slice %arg6[%dma_start3A_36, %dma_start3A_42] : memref<2x256xi32, #tpu.memory_space<vmem>> -> memref<1x64xi32, #tpu.memory_space<vmem>>
      %dma_start3A_44 = tpu.memref_squeeze %dma_start3A_43 : memref<1x64xi32, #tpu.memory_space<vmem>> -> memref<64xi32, #tpu.memory_space<vmem>>
      %dma_start3A_45 = arith.constant 0 : i32
      %dma_start3A_46 = arith.constant 0 : i32
      %dma_start3A_47 = tpu.memref_slice %arg2[%dma_start3A_45, %dma_start3A_46] : memref<65536x512xf32, #tpu.memory_space<hbm>> -> memref<65536x512xf32, #tpu.memory_space<hbm>>
      tpu.enqueue_indirect_dma source(%dma_start3A_47 : memref<65536x512xf32, #tpu.memory_space<hbm>>) target(%dma_start3A_41 : memref<64x512xf32, #tpu.memory_space<vmem>>) offsets(%dma_start3A_44 : memref<64xi32, #tpu.memory_space<vmem>>) semaphore(%arg10 : memref<!tpu.dma_semaphore, #tpu.memory_space<semaphore_mem>>)
      %dma_wait3A = arith.constant 1 : i32
      %dma_wait3A_48 = arith.constant 0 : i32
      %dma_wait3A_49 = arith.constant 0 : i32
      %dma_wait3A_50 = arith.constant 0 : i32
      %dma_wait3A_51 = tpu.memref_slice %arg8[%dma_wait3A_48, %dma_wait3A_49, %dma_wait3A_50] : memref<3x64x512xf32, #tpu.memory_space<vmem>> -> memref<1x64x512xf32, #tpu.memory_space<vmem>>
      %dma_wait3A_52 = tpu.memref_squeeze %dma_wait3A_51 : memref<1x64x512xf32, #tpu.memory_space<vmem>> -> memref<64x512xf32, #tpu.memory_space<vmem>>
      %dma_wait3A_53 = arith.constant 0 : i32
      %dma_wait3A_54 = tpu.memref_slice %arg6[%dma_wait3A, %dma_wait3A_53] : memref<2x256xi32, #tpu.memory_space<vmem>> -> memref<1x64xi32, #tpu.memory_space<vmem>>
      %dma_wait3A_55 = tpu.memref_squeeze %dma_wait3A_54 : memref<1x64xi32, #tpu.memory_space<vmem>> -> memref<64xi32, #tpu.memory_space<vmem>>
      %dma_wait3A_56 = arith.constant 0 : i32
      %dma_wait3A_57 = arith.constant 0 : i32
      %dma_wait3A_58 = tpu.memref_slice %arg2[%dma_wait3A_56, %dma_wait3A_57] : memref<65536x512xf32, #tpu.memory_space<hbm>> -> memref<65536x512xf32, #tpu.memory_space<hbm>>
      tpu.wait_indirect_dma semaphore(%arg9 : memref<!tpu.dma_semaphore, #tpu.memory_space<semaphore_mem>>) src(%dma_wait3A_58 : memref<65536x512xf32, #tpu.memory_space<hbm>>) dst(%dma_wait3A_52 : memref<64x512xf32, #tpu.memory_space<vmem>>)
      %add3A_59 = arith.constant 4 : i32
      %add3A_60 = arith.addi %mul3A_2, %add3A_59 : i32
      %add3A_61 = arith.constant 0 : i32
      %add3A_62 = arith.addi %add3A_60, %add3A_61 : i32
      %mul3A_63 = arith.constant 64 : i32
      %mul3A_64 = arith.muli %add3A_62, %mul3A_63 : i32
      %dma_start3A_65 = arith.constant 0 : i32
      %dma_start3A_66 = arith.constant 0 : i32
      %dma_start3A_67 = arith.constant 0 : i32
      %dma_start3A_68 = tpu.memref_slice %arg8[%dma_start3A_65, %dma_start3A_66, %dma_start3A_67] : memref<3x64x512xf32, #tpu.memory_space<vmem>> -> memref<1x64x512xf32, #tpu.memory_space<vmem>>
      %dma_start3A_69 = tpu.memref_squeeze %dma_start3A_68 : memref<1x64x512xf32, #tpu.memory_space<vmem>> -> memref<64x512xf32, #tpu.memory_space<vmem>>
      %dma_start3A_70 = arith.constant 0 : i32
      %dma_start3A_71 = tpu.memref_slice %arg5[%mul3A_64, %dma_start3A_70] : memref<16384x512xf32, #tpu.memory_space<hbm>> -> memref<64x512xf32, #tpu.memory_space<hbm>>
      %dma_start3A_72 = arith.constant 0 : i32
      %dma_start3A_73 = tpu.memref_slice %arg5[%mul3A_64, %dma_start3A_72] : memref<16384x512xf32, #tpu.memory_space<hbm>> -> memref<64x512xf32, #tpu.memory_space<hbm>>
      %dma_start3A_74 = arith.constant 0 : i32
      %dma_start3A_75 = arith.constant 0 : i32
      %dma_start3A_76 = tpu.memref_slice %arg8[%dma_start3A_65, %dma_start3A_74, %dma_start3A_75] : memref<3x64x512xf32, #tpu.memory_space<vmem>> -> memref<1x64x512xf32, #tpu.memory_space<vmem>>
      %dma_start3A_77 = tpu.memref_squeeze %dma_start3A_76 : memref<1x64x512xf32, #tpu.memory_space<vmem>> -> memref<64x512xf32, #tpu.memory_space<vmem>>
      tpu.enqueue_dma source(%dma_start3A_77 : memref<64x512xf32, #tpu.memory_space<vmem>>) target(%dma_start3A_73 : memref<64x512xf32, #tpu.memory_space<hbm>>) target_semaphore(%arg12 : memref<!tpu.dma_semaphore, #tpu.memory_space<semaphore_mem>>)
      %dma_start3A_78 = arith.constant 1 : i32
      %dma_start3A_79 = arith.constant 2 : i32
      %dma_start3A_80 = arith.constant 0 : i32
      %dma_start3A_81 = arith.constant 0 : i32
      %dma_start3A_82 = tpu.memref_slice %arg8[%dma_start3A_79, %dma_start3A_80, %dma_start3A_81] : memref<3x64x512xf32, #tpu.memory_space<vmem>> -> memref<1x64x512xf32, #tpu.memory_space<vmem>>
      %dma_start3A_83 = tpu.memref_squeeze %dma_start3A_82 : memref<1x64x512xf32, #tpu.memory_space<vmem>> -> memref<64x512xf32, #tpu.memory_space<vmem>>
      %dma_start3A_84 = arith.constant 128 : i32
      %dma_start3A_85 = tpu.memref_slice %arg6[%dma_start3A_78, %dma_start3A_84] : memref<2x256xi32, #tpu.memory_space<vmem>> -> memref<1x64xi32, #tpu.memory_space<vmem>>
      %dma_start3A_86 = tpu.memref_squeeze %dma_start3A_85 : memref<1x64xi32, #tpu.memory_space<vmem>> -> memref<64xi32, #tpu.memory_space<vmem>>
      %dma_start3A_87 = arith.constant 0 : i32
      %dma_start3A_88 = arith.constant 0 : i32
      %dma_start3A_89 = tpu.memref_slice %arg2[%dma_start3A_87, %dma_start3A_88] : memref<65536x512xf32, #tpu.memory_space<hbm>> -> memref<65536x512xf32, #tpu.memory_space<hbm>>
      tpu.enqueue_indirect_dma source(%dma_start3A_89 : memref<65536x512xf32, #tpu.memory_space<hbm>>) target(%dma_start3A_83 : memref<64x512xf32, #tpu.memory_space<vmem>>) offsets(%dma_start3A_86 : memref<64xi32, #tpu.memory_space<vmem>>) semaphore(%arg11 : memref<!tpu.dma_semaphore, #tpu.memory_space<semaphore_mem>>)
      %dma_wait3A_90 = arith.constant 1 : i32
      %dma_wait3A_91 = arith.constant 1 : i32
      %dma_wait3A_92 = arith.constant 0 : i32
      %dma_wait3A_93 = arith.constant 0 : i32
      %dma_wait3A_94 = tpu.memref_slice %arg8[%dma_wait3A_91, %dma_wait3A_92, %dma_wait3A_93] : memref<3x64x512xf32, #tpu.memory_space<vmem>> -> memref<1x64x512xf32, #tpu.memory_space<vmem>>
      %dma_wait3A_95 = tpu.memref_squeeze %dma_wait3A_94 : memref<1x64x512xf32, #tpu.memory_space<vmem>> -> memref<64x512xf32, #tpu.memory_space<vmem>>
      %dma_wait3A_96 = arith.constant 64 : i32
      %dma_wait3A_97 = tpu.memref_slice %arg6[%dma_wait3A_90, %dma_wait3A_96] : memref<2x256xi32, #tpu.memory_space<vmem>> -> memref<1x64xi32, #tpu.memory_space<vmem>>
      %dma_wait3A_98 = tpu.memref_squeeze %dma_wait3A_97 : memref<1x64xi32, #tpu.memory_space<vmem>> -> memref<64xi32, #tpu.memory_space<vmem>>
      %dma_wait3A_99 = arith.constant 0 : i32
      %dma_wait3A_100 = arith.constant 0 : i32
      %dma_wait3A_101 = tpu.memref_slice %arg2[%dma_wait3A_99, %dma_wait3A_100] : memref<65536x512xf32, #tpu.memory_space<hbm>> -> memref<65536x512xf32, #tpu.memory_space<hbm>>
      tpu.wait_indirect_dma semaphore(%arg10 : memref<!tpu.dma_semaphore, #tpu.memory_space<semaphore_mem>>) src(%dma_wait3A_101 : memref<65536x512xf32, #tpu.memory_space<hbm>>) dst(%dma_wait3A_95 : memref<64x512xf32, #tpu.memory_space<vmem>>)
      %add3A_102 = arith.constant 4 : i32
      %add3A_103 = arith.addi %mul3A_2, %add3A_102 : i32
      %add3A_104 = arith.constant 1 : i32
      %add3A_105 = arith.addi %add3A_103, %add3A_104 : i32
      %mul3A_106 = arith.constant 64 : i32
      %mul3A_107 = arith.muli %add3A_105, %mul3A_106 : i32
      %dma_start3A_108 = arith.constant 1 : i32
      %dma_start3A_109 = arith.constant 0 : i32
      %dma_start3A_110 = arith.constant 0 : i32
      %dma_start3A_111 = tpu.memref_slice %arg8[%dma_start3A_108, %dma_start3A_109, %dma_start3A_110] : memref<3x64x512xf32, #tpu.memory_space<vmem>> -> memref<1x64x512xf32, #tpu.memory_space<vmem>>
      %dma_start3A_112 = tpu.memref_squeeze %dma_start3A_111 : memref<1x64x512xf32, #tpu.memory_space<vmem>> -> memref<64x512xf32, #tpu.memory_space<vmem>>
      %dma_start3A_113 = arith.constant 0 : i32
      %dma_start3A_114 = tpu.memref_slice %arg5[%mul3A_107, %dma_start3A_113] : memref<16384x512xf32, #tpu.memory_space<hbm>> -> memref<64x512xf32, #tpu.memory_space<hbm>>
      %dma_start3A_115 = arith.constant 0 : i32
      %dma_start3A_116 = tpu.memref_slice %arg5[%mul3A_107, %dma_start3A_115] : memref<16384x512xf32, #tpu.memory_space<hbm>> -> memref<64x512xf32, #tpu.memory_space<hbm>>
      %dma_start3A_117 = arith.constant 0 : i32
      %dma_start3A_118 = arith.constant 0 : i32
      %dma_start3A_119 = tpu.memref_slice %arg8[%dma_start3A_108, %dma_start3A_117, %dma_start3A_118] : memref<3x64x512xf32, #tpu.memory_space<vmem>> -> memref<1x64x512xf32, #tpu.memory_space<vmem>>
      %dma_start3A_120 = tpu.memref_squeeze %dma_start3A_119 : memref<1x64x512xf32, #tpu.memory_space<vmem>> -> memref<64x512xf32, #tpu.memory_space<vmem>>
      tpu.enqueue_dma source(%dma_start3A_120 : memref<64x512xf32, #tpu.memory_space<vmem>>) target(%dma_start3A_116 : memref<64x512xf32, #tpu.memory_space<hbm>>) target_semaphore(%arg13 : memref<!tpu.dma_semaphore, #tpu.memory_space<semaphore_mem>>)
      %dma_wait3A_121 = arith.constant 0 : i32
      %dma_wait3A_122 = arith.constant 0 : i32
      %dma_wait3A_123 = arith.constant 0 : i32
      %dma_wait3A_124 = tpu.memref_slice %arg8[%dma_wait3A_121, %dma_wait3A_122, %dma_wait3A_123] : memref<3x64x512xf32, #tpu.memory_space<vmem>> -> memref<1x64x512xf32, #tpu.memory_space<vmem>>
      %dma_wait3A_125 = tpu.memref_squeeze %dma_wait3A_124 : memref<1x64x512xf32, #tpu.memory_space<vmem>> -> memref<64x512xf32, #tpu.memory_space<vmem>>
      %dma_wait3A_126 = arith.constant 0 : i32
      %dma_wait3A_127 = tpu.memref_slice %arg5[%mul3A_64, %dma_wait3A_126] : memref<16384x512xf32, #tpu.memory_space<hbm>> -> memref<64x512xf32, #tpu.memory_space<hbm>>
      %dma_wait3A_128 = arith.constant 0 : i32
      %dma_wait3A_129 = tpu.memref_slice %arg5[%mul3A_64, %dma_wait3A_128] : memref<16384x512xf32, #tpu.memory_space<hbm>> -> memref<64x512xf32, #tpu.memory_space<hbm>>
      %dma_wait3A_130 = arith.constant 0 : i32
      %dma_wait3A_131 = arith.constant 0 : i32
      %dma_wait3A_132 = tpu.memref_slice %arg8[%dma_wait3A_121, %dma_wait3A_130, %dma_wait3A_131] : memref<3x64x512xf32, #tpu.memory_space<vmem>> -> memref<1x64x512xf32, #tpu.memory_space<vmem>>
      %dma_wait3A_133 = tpu.memref_squeeze %dma_wait3A_132 : memref<1x64x512xf32, #tpu.memory_space<vmem>> -> memref<64x512xf32, #tpu.memory_space<vmem>>
      tpu.wait_dma2 semaphore(%arg12 : memref<!tpu.dma_semaphore, #tpu.memory_space<semaphore_mem>>) src(%dma_wait3A_133 : memref<64x512xf32, #tpu.memory_space<vmem>>) dst(%dma_wait3A_129 : memref<64x512xf32, #tpu.memory_space<hbm>>)
      %dma_start3A_134 = arith.constant 1 : i32
      %dma_start3A_135 = arith.constant 0 : i32
      %dma_start3A_136 = arith.constant 0 : i32
      %dma_start3A_137 = arith.constant 0 : i32
      %dma_start3A_138 = tpu.memref_slice %arg8[%dma_start3A_135, %dma_start3A_136, %dma_start3A_137] : memref<3x64x512xf32, #tpu.memory_space<vmem>> -> memref<1x64x512xf32, #tpu.memory_space<vmem>>
      %dma_start3A_139 = tpu.memref_squeeze %dma_start3A_138 : memref<1x64x512xf32, #tpu.memory_space<vmem>> -> memref<64x512xf32, #tpu.memory_space<vmem>>
      %dma_start3A_140 = arith.constant 192 : i32
      %dma_start3A_141 = tpu.memref_slice %arg6[%dma_start3A_134, %dma_start3A_140] : memref<2x256xi32, #tpu.memory_space<vmem>> -> memref<1x64xi32, #tpu.memory_space<vmem>>
      %dma_start3A_142 = tpu.memref_squeeze %dma_start3A_141 : memref<1x64xi32, #tpu.memory_space<vmem>> -> memref<64xi32, #tpu.memory_space<vmem>>
      %dma_start3A_143 = arith.constant 0 : i32
      %dma_start3A_144 = arith.constant 0 : i32
      %dma_start3A_145 = tpu.memref_slice %arg2[%dma_start3A_143, %dma_start3A_144] : memref<65536x512xf32, #tpu.memory_space<hbm>> -> memref<65536x512xf32, #tpu.memory_space<hbm>>
      tpu.enqueue_indirect_dma source(%dma_start3A_145 : memref<65536x512xf32, #tpu.memory_space<hbm>>) target(%dma_start3A_139 : memref<64x512xf32, #tpu.memory_space<vmem>>) offsets(%dma_start3A_142 : memref<64xi32, #tpu.memory_space<vmem>>) semaphore(%arg9 : memref<!tpu.dma_semaphore, #tpu.memory_space<semaphore_mem>>)
      %dma_wait3A_146 = arith.constant 1 : i32
      %dma_wait3A_147 = arith.constant 2 : i32
      %dma_wait3A_148 = arith.constant 0 : i32
      %dma_wait3A_149 = arith.constant 0 : i32
      %dma_wait3A_150 = tpu.memref_slice %arg8[%dma_wait3A_147, %dma_wait3A_148, %dma_wait3A_149] : memref<3x64x512xf32, #tpu.memory_space<vmem>> -> memref<1x64x512xf32, #tpu.memory_space<vmem>>
      %dma_wait3A_151 = tpu.memref_squeeze %dma_wait3A_150 : memref<1x64x512xf32, #tpu.memory_space<vmem>> -> memref<64x512xf32, #tpu.memory_space<vmem>>
      %dma_wait3A_152 = arith.constant 128 : i32
      %dma_wait3A_153 = tpu.memref_slice %arg6[%dma_wait3A_146, %dma_wait3A_152] : memref<2x256xi32, #tpu.memory_space<vmem>> -> memref<1x64xi32, #tpu.memory_space<vmem>>
      %dma_wait3A_154 = tpu.memref_squeeze %dma_wait3A_153 : memref<1x64xi32, #tpu.memory_space<vmem>> -> memref<64xi32, #tpu.memory_space<vmem>>
      %dma_wait3A_155 = arith.constant 0 : i32
      %dma_wait3A_156 = arith.constant 0 : i32
      %dma_wait3A_157 = tpu.memref_slice %arg2[%dma_wait3A_155, %dma_wait3A_156] : memref<65536x512xf32, #tpu.memory_space<hbm>> -> memref<65536x512xf32, #tpu.memory_space<hbm>>
      tpu.wait_indirect_dma semaphore(%arg11 : memref<!tpu.dma_semaphore, #tpu.memory_space<semaphore_mem>>) src(%dma_wait3A_157 : memref<65536x512xf32, #tpu.memory_space<hbm>>) dst(%dma_wait3A_151 : memref<64x512xf32, #tpu.memory_space<vmem>>)
      %add3A_158 = arith.constant 4 : i32
      %add3A_159 = arith.addi %mul3A_2, %add3A_158 : i32
      %add3A_160 = arith.constant 2 : i32
      %add3A_161 = arith.addi %add3A_159, %add3A_160 : i32
      %mul3A_162 = arith.constant 64 : i32
      %mul3A_163 = arith.muli %add3A_161, %mul3A_162 : i32
      %dma_start3A_164 = arith.constant 2 : i32
      %dma_start3A_165 = arith.constant 0 : i32
      %dma_start3A_166 = arith.constant 0 : i32
      %dma_start3A_167 = tpu.memref_slice %arg8[%dma_start3A_164, %dma_start3A_165, %dma_start3A_166] : memref<3x64x512xf32, #tpu.memory_space<vmem>> -> memref<1x64x512xf32, #tpu.memory_space<vmem>>
      %dma_start3A_168 = tpu.memref_squeeze %dma_start3A_167 : memref<1x64x512xf32, #tpu.memory_space<vmem>> -> memref<64x512xf32, #tpu.memory_space<vmem>>
      %dma_start3A_169 = arith.constant 0 : i32
      %dma_start3A_170 = tpu.memref_slice %arg5[%mul3A_163, %dma_start3A_169] : memref<16384x512xf32, #tpu.memory_space<hbm>> -> memref<64x512xf32, #tpu.memory_space<hbm>>
      %dma_start3A_171 = arith.constant 0 : i32
      %dma_start3A_172 = tpu.memref_slice %arg5[%mul3A_163, %dma_start3A_171] : memref<16384x512xf32, #tpu.memory_space<hbm>> -> memref<64x512xf32, #tpu.memory_space<hbm>>
      %dma_start3A_173 = arith.constant 0 : i32
      %dma_start3A_174 = arith.constant 0 : i32
      %dma_start3A_175 = tpu.memref_slice %arg8[%dma_start3A_164, %dma_start3A_173, %dma_start3A_174] : memref<3x64x512xf32, #tpu.memory_space<vmem>> -> memref<1x64x512xf32, #tpu.memory_space<vmem>>
      %dma_start3A_176 = tpu.memref_squeeze %dma_start3A_175 : memref<1x64x512xf32, #tpu.memory_space<vmem>> -> memref<64x512xf32, #tpu.memory_space<vmem>>
      tpu.enqueue_dma source(%dma_start3A_176 : memref<64x512xf32, #tpu.memory_space<vmem>>) target(%dma_start3A_172 : memref<64x512xf32, #tpu.memory_space<hbm>>) target_semaphore(%arg14 : memref<!tpu.dma_semaphore, #tpu.memory_space<semaphore_mem>>)
      %dma_wait3A_177 = arith.constant 1 : i32
      %dma_wait3A_178 = arith.constant 0 : i32
      %dma_wait3A_179 = arith.constant 0 : i32
      %dma_wait3A_180 = arith.constant 0 : i32
      %dma_wait3A_181 = tpu.memref_slice %arg8[%dma_wait3A_178, %dma_wait3A_179, %dma_wait3A_180] : memref<3x64x512xf32, #tpu.memory_space<vmem>> -> memref<1x64x512xf32, #tpu.memory_space<vmem>>
      %dma_wait3A_182 = tpu.memref_squeeze %dma_wait3A_181 : memref<1x64x512xf32, #tpu.memory_space<vmem>> -> memref<64x512xf32, #tpu.memory_space<vmem>>
      %dma_wait3A_183 = arith.constant 192 : i32
      %dma_wait3A_184 = tpu.memref_slice %arg6[%dma_wait3A_177, %dma_wait3A_183] : memref<2x256xi32, #tpu.memory_space<vmem>> -> memref<1x64xi32, #tpu.memory_space<vmem>>
      %dma_wait3A_185 = tpu.memref_squeeze %dma_wait3A_184 : memref<1x64xi32, #tpu.memory_space<vmem>> -> memref<64xi32, #tpu.memory_space<vmem>>
      %dma_wait3A_186 = arith.constant 0 : i32
      %dma_wait3A_187 = arith.constant 0 : i32
      %dma_wait3A_188 = tpu.memref_slice %arg2[%dma_wait3A_186, %dma_wait3A_187] : memref<65536x512xf32, #tpu.memory_space<hbm>> -> memref<65536x512xf32, #tpu.memory_space<hbm>>
      tpu.wait_indirect_dma semaphore(%arg9 : memref<!tpu.dma_semaphore, #tpu.memory_space<semaphore_mem>>) src(%dma_wait3A_188 : memref<65536x512xf32, #tpu.memory_space<hbm>>) dst(%dma_wait3A_182 : memref<64x512xf32, #tpu.memory_space<vmem>>)
      %add3A_189 = arith.constant 4 : i32
      %add3A_190 = arith.addi %mul3A_2, %add3A_189 : i32
      %add3A_191 = arith.constant 3 : i32
      %add3A_192 = arith.addi %add3A_190, %add3A_191 : i32
      %mul3A_193 = arith.constant 64 : i32
      %mul3A_194 = arith.muli %add3A_192, %mul3A_193 : i32
      %dma_start3A_195 = arith.constant 0 : i32
      %dma_start3A_196 = arith.constant 0 : i32
      %dma_start3A_197 = arith.constant 0 : i32
      %dma_start3A_198 = tpu.memref_slice %arg8[%dma_start3A_195, %dma_start3A_196, %dma_start3A_197] : memref<3x64x512xf32, #tpu.memory_space<vmem>> -> memref<1x64x512xf32, #tpu.memory_space<vmem>>
      %dma_start3A_199 = tpu.memref_squeeze %dma_start3A_198 : memref<1x64x512xf32, #tpu.memory_space<vmem>> -> memref<64x512xf32, #tpu.memory_space<vmem>>
      %dma_start3A_200 = arith.constant 0 : i32
      %dma_start3A_201 = tpu.memref_slice %arg5[%mul3A_194, %dma_start3A_200] : memref<16384x512xf32, #tpu.memory_space<hbm>> -> memref<64x512xf32, #tpu.memory_space<hbm>>
      %dma_start3A_202 = arith.constant 0 : i32
      %dma_start3A_203 = tpu.memref_slice %arg5[%mul3A_194, %dma_start3A_202] : memref<16384x512xf32, #tpu.memory_space<hbm>> -> memref<64x512xf32, #tpu.memory_space<hbm>>
      %dma_start3A_204 = arith.constant 0 : i32
      %dma_start3A_205 = arith.constant 0 : i32
      %dma_start3A_206 = tpu.memref_slice %arg8[%dma_start3A_195, %dma_start3A_204, %dma_start3A_205] : memref<3x64x512xf32, #tpu.memory_space<vmem>> -> memref<1x64x512xf32, #tpu.memory_space<vmem>>
      %dma_start3A_207 = tpu.memref_squeeze %dma_start3A_206 : memref<1x64x512xf32, #tpu.memory_space<vmem>> -> memref<64x512xf32, #tpu.memory_space<vmem>>
      tpu.enqueue_dma source(%dma_start3A_207 : memref<64x512xf32, #tpu.memory_space<vmem>>) target(%dma_start3A_203 : memref<64x512xf32, #tpu.memory_space<hbm>>) target_semaphore(%arg12 : memref<!tpu.dma_semaphore, #tpu.memory_space<semaphore_mem>>)
      %dma_wait3A_208 = arith.constant 0 : i32
      %dma_wait3A_209 = arith.constant 0 : i32
      %dma_wait3A_210 = arith.constant 0 : i32
      %dma_wait3A_211 = tpu.memref_slice %arg8[%dma_wait3A_208, %dma_wait3A_209, %dma_wait3A_210] : memref<3x64x512xf32, #tpu.memory_space<vmem>> -> memref<1x64x512xf32, #tpu.memory_space<vmem>>
      %dma_wait3A_212 = tpu.memref_squeeze %dma_wait3A_211 : memref<1x64x512xf32, #tpu.memory_space<vmem>> -> memref<64x512xf32, #tpu.memory_space<vmem>>
      %dma_wait3A_213 = arith.constant 0 : i32
      %dma_wait3A_214 = tpu.memref_slice %arg5[%mul3A_194, %dma_wait3A_213] : memref<16384x512xf32, #tpu.memory_space<hbm>> -> memref<64x512xf32, #tpu.memory_space<hbm>>
      %dma_wait3A_215 = arith.constant 0 : i32
      %dma_wait3A_216 = tpu.memref_slice %arg5[%mul3A_194, %dma_wait3A_215] : memref<16384x512xf32, #tpu.memory_space<hbm>> -> memref<64x512xf32, #tpu.memory_space<hbm>>
      %dma_wait3A_217 = arith.constant 0 : i32
      %dma_wait3A_218 = arith.constant 0 : i32
      %dma_wait3A_219 = tpu.memref_slice %arg8[%dma_wait3A_208, %dma_wait3A_217, %dma_wait3A_218] : memref<3x64x512xf32, #tpu.memory_space<vmem>> -> memref<1x64x512xf32, #tpu.memory_space<vmem>>
      %dma_wait3A_220 = tpu.memref_squeeze %dma_wait3A_219 : memref<1x64x512xf32, #tpu.memory_space<vmem>> -> memref<64x512xf32, #tpu.memory_space<vmem>>
      tpu.wait_dma2 semaphore(%arg12 : memref<!tpu.dma_semaphore, #tpu.memory_space<semaphore_mem>>) src(%dma_wait3A_220 : memref<64x512xf32, #tpu.memory_space<vmem>>) dst(%dma_wait3A_216 : memref<64x512xf32, #tpu.memory_space<hbm>>)
      %dma_wait3A_221 = arith.constant 1 : i32
      %dma_wait3A_222 = arith.constant 0 : i32
      %dma_wait3A_223 = arith.constant 0 : i32
      %dma_wait3A_224 = tpu.memref_slice %arg8[%dma_wait3A_221, %dma_wait3A_222, %dma_wait3A_223] : memref<3x64x512xf32, #tpu.memory_space<vmem>> -> memref<1x64x512xf32, #tpu.memory_space<vmem>>
      %dma_wait3A_225 = tpu.memref_squeeze %dma_wait3A_224 : memref<1x64x512xf32, #tpu.memory_space<vmem>> -> memref<64x512xf32, #tpu.memory_space<vmem>>
      %dma_wait3A_226 = arith.constant 0 : i32
      %dma_wait3A_227 = tpu.memref_slice %arg5[%mul3A_107, %dma_wait3A_226] : memref<16384x512xf32, #tpu.memory_space<hbm>> -> memref<64x512xf32, #tpu.memory_space<hbm>>
      %dma_wait3A_228 = arith.constant 0 : i32
      %dma_wait3A_229 = tpu.memref_slice %arg5[%mul3A_107, %dma_wait3A_228] : memref<16384x512xf32, #tpu.memory_space<hbm>> -> memref<64x512xf32, #tpu.memory_space<hbm>>
      %dma_wait3A_230 = arith.constant 0 : i32
      %dma_wait3A_231 = arith.constant 0 : i32
      %dma_wait3A_232 = tpu.memref_slice %arg8[%dma_wait3A_221, %dma_wait3A_230, %dma_wait3A_231] : memref<3x64x512xf32, #tpu.memory_space<vmem>> -> memref<1x64x512xf32, #tpu.memory_space<vmem>>
      %dma_wait3A_233 = tpu.memref_squeeze %dma_wait3A_232 : memref<1x64x512xf32, #tpu.memory_space<vmem>> -> memref<64x512xf32, #tpu.memory_space<vmem>>
      tpu.wait_dma2 semaphore(%arg13 : memref<!tpu.dma_semaphore, #tpu.memory_space<semaphore_mem>>) src(%dma_wait3A_233 : memref<64x512xf32, #tpu.memory_space<vmem>>) dst(%dma_wait3A_229 : memref<64x512xf32, #tpu.memory_space<hbm>>)
      %dma_wait3A_234 = arith.constant 2 : i32
      %dma_wait3A_235 = arith.constant 0 : i32
      %dma_wait3A_236 = arith.constant 0 : i32
      %dma_wait3A_237 = tpu.memref_slice %arg8[%dma_wait3A_234, %dma_wait3A_235, %dma_wait3A_236] : memref<3x64x512xf32, #tpu.memory_space<vmem>> -> memref<1x64x512xf32, #tpu.memory_space<vmem>>
      %dma_wait3A_238 = tpu.memref_squeeze %dma_wait3A_237 : memref<1x64x512xf32, #tpu.memory_space<vmem>> -> memref<64x512xf32, #tpu.memory_space<vmem>>
      %dma_wait3A_239 = arith.constant 0 : i32
      %dma_wait3A_240 = tpu.memref_slice %arg5[%mul3A_163, %dma_wait3A_239] : memref<16384x512xf32, #tpu.memory_space<hbm>> -> memref<64x512xf32, #tpu.memory_space<hbm>>
      %dma_wait3A_241 = arith.constant 0 : i32
      %dma_wait3A_242 = tpu.memref_slice %arg5[%mul3A_163, %dma_wait3A_241] : memref<16384x512xf32, #tpu.memory_space<hbm>> -> memref<64x512xf32, #tpu.memory_space<hbm>>
      %dma_wait3A_243 = arith.constant 0 : i32
      %dma_wait3A_244 = arith.constant 0 : i32
      %dma_wait3A_245 = tpu.memref_slice %arg8[%dma_wait3A_234, %dma_wait3A_243, %dma_wait3A_244] : memref<3x64x512xf32, #tpu.memory_space<vmem>> -> memref<1x64x512xf32, #tpu.memory_space<vmem>>
      %dma_wait3A_246 = tpu.memref_squeeze %dma_wait3A_245 : memref<1x64x512xf32, #tpu.memory_space<vmem>> -> memref<64x512xf32, #tpu.memory_space<vmem>>
      tpu.wait_dma2 semaphore(%arg14 : memref<!tpu.dma_semaphore, #tpu.memory_space<semaphore_mem>>) src(%dma_wait3A_246 : memref<64x512xf32, #tpu.memory_space<vmem>>) dst(%dma_wait3A_242 : memref<64x512xf32, #tpu.memory_space<hbm>>)
    } else {
    }
    return
  }
}

#map = affine_map<(d0, d1) -> (0, 0)>
module attributes {stable_mosaic.version = 14 : i64} {
  func.func @_sc_gather1_body(%arg0: i32, %arg1: i32, %arg2: memref<65536x512xf32, #tpu.memory_space<hbm>>, %arg3: memref<64x256xi32, #tpu.memory_space<hbm>>, %arg4: memref<64x16xi32, #tpu.memory_space<hbm>>, %arg5: memref<16384x512xf32, #tpu.memory_space<hbm>>, %arg6: memref<2x256xi32, #tpu.memory_space<vmem>>, %arg7: memref<2x16xi32, #tpu.memory_space<vmem>>, %arg8: memref<3x64x512xf32, #tpu.memory_space<vmem>>, %arg9: memref<!tpu.dma_semaphore, #tpu.memory_space<semaphore_mem>>, %arg10: memref<!tpu.dma_semaphore, #tpu.memory_space<semaphore_mem>>, %arg11: memref<!tpu.dma_semaphore, #tpu.memory_space<semaphore_mem>>, %arg12: memref<!tpu.dma_semaphore, #tpu.memory_space<semaphore_mem>>, %arg13: memref<!tpu.dma_semaphore, #tpu.memory_space<semaphore_mem>>, %arg14: memref<!tpu.dma_semaphore, #tpu.memory_space<semaphore_mem>>) attributes {dimension_semantics = [#tpu.dimension_semantics<core_parallel>, #tpu.dimension_semantics<subcore_parallel>], iteration_bounds = array<i64: 2, 16>, scalar_prefetch = 0 : i64, scratch_operands = 9 : i64, tpu.core_type = #tpu.core_type<sc_vector_subcore>, window_params = [{transform_indices = #map}, {transform_indices = #map}, {transform_indices = #map}, {transform_indices = #map}]} {
    %mul3A = arith.constant 2 : i32
    %mul3A_0 = arith.muli %arg1, %mul3A : i32
    %add3A = arith.addi %mul3A_0, %arg0 : i32
    %mul3A_1 = arith.constant 8 : i32
    %mul3A_2 = arith.muli %add3A, %mul3A_1 : i32
    %mul3A_3 = arith.constant 2 : i32
    %mul3A_4 = arith.muli %add3A, %mul3A_3 : i32
    "tpu.region"() ({
      %run_scoped3A = tpu.sem_alloc : memref<!tpu.dma_semaphore, #tpu.memory_space<semaphore_mem>>
      %dma_start3A = arith.constant 0 : i32
      %dma_start3A_25 = tpu.memref_slice %arg3[%mul3A_4, %dma_start3A] : memref<64x256xi32, #tpu.memory_space<hbm>> -> memref<2x256xi32, #tpu.memory_space<hbm>>
      %dma_start3A_26 = arith.constant 0 : i32
      %dma_start3A_27 = tpu.memref_slice %arg3[%mul3A_4, %dma_start3A_26] : memref<64x256xi32, #tpu.memory_space<hbm>> -> memref<2x256xi32, #tpu.memory_space<hbm>>
      tpu.enqueue_dma source(%dma_start3A_27 : memref<2x256xi32, #tpu.memory_space<hbm>>) target(%arg6 : memref<2x256xi32, #tpu.memory_space<vmem>>) target_semaphore(%run_scoped3A : memref<!tpu.dma_semaphore, #tpu.memory_space<semaphore_mem>>)
      %dma_wait3A = arith.constant 0 : i32
      %dma_wait3A_28 = tpu.memref_slice %arg3[%mul3A_4, %dma_wait3A] : memref<64x256xi32, #tpu.memory_space<hbm>> -> memref<2x256xi32, #tpu.memory_space<hbm>>
      %dma_wait3A_29 = arith.constant 0 : i32
      %dma_wait3A_30 = tpu.memref_slice %arg3[%mul3A_4, %dma_wait3A_29] : memref<64x256xi32, #tpu.memory_space<hbm>> -> memref<2x256xi32, #tpu.memory_space<hbm>>
      tpu.wait_dma2 semaphore(%run_scoped3A : memref<!tpu.dma_semaphore, #tpu.memory_space<semaphore_mem>>) src(%dma_wait3A_30 : memref<2x256xi32, #tpu.memory_space<hbm>>) dst(%arg6 : memref<2x256xi32, #tpu.memory_space<vmem>>)
      tpu.yield
    }) : () -> ()
    %mul3A_5 = arith.constant 2 : i32
    %mul3A_6 = arith.muli %add3A, %mul3A_5 : i32
    "tpu.region"() ({
      %run_scoped3A = tpu.sem_alloc : memref<!tpu.dma_semaphore, #tpu.memory_space<semaphore_mem>>
      %dma_start3A = arith.constant 0 : i32
      %dma_start3A_25 = tpu.memref_slice %arg4[%mul3A_6, %dma_start3A] : memref<64x16xi32, #tpu.memory_space<hbm>> -> memref<2x16xi32, #tpu.memory_space<hbm>>
      %dma_start3A_26 = arith.constant 0 : i32
      %dma_start3A_27 = tpu.memref_slice %arg4[%mul3A_6, %dma_start3A_26] : memref<64x16xi32, #tpu.memory_space<hbm>> -> memref<2x16xi32, #tpu.memory_space<hbm>>
      tpu.enqueue_dma source(%dma_start3A_27 : memref<2x16xi32, #tpu.memory_space<hbm>>) target(%arg7 : memref<2x16xi32, #tpu.memory_space<vmem>>) target_semaphore(%run_scoped3A : memref<!tpu.dma_semaphore, #tpu.memory_space<semaphore_mem>>)
      %dma_wait3A = arith.constant 0 : i32
      %dma_wait3A_28 = tpu.memref_slice %arg4[%mul3A_6, %dma_wait3A] : memref<64x16xi32, #tpu.memory_space<hbm>> -> memref<2x16xi32, #tpu.memory_space<hbm>>
      %dma_wait3A_29 = arith.constant 0 : i32
      %dma_wait3A_30 = tpu.memref_slice %arg4[%mul3A_6, %dma_wait3A_29] : memref<64x16xi32, #tpu.memory_space<hbm>> -> memref<2x16xi32, #tpu.memory_space<hbm>>
      tpu.wait_dma2 semaphore(%run_scoped3A : memref<!tpu.dma_semaphore, #tpu.memory_space<semaphore_mem>>) src(%dma_wait3A_30 : memref<2x16xi32, #tpu.memory_space<hbm>>) dst(%arg7 : memref<2x16xi32, #tpu.memory_space<vmem>>)
      tpu.yield
    }) : () -> ()
    %get3A = arith.constant 0 : i32
    %get3A_7 = arith.index_cast %get3A : i32 to index
    %get3A_8 = arith.constant 0 : index
    %get3A_9 = tpu.vector_load %arg7[%get3A_7, %get3A_8] {strides = array<i32>} : memref<2x16xi32, #tpu.memory_space<vmem>>, vector<1x16xi32>,
    %get3A_10 = vector.shape_cast %get3A_9 : vector<1x16xi32> to vector<16xi32>
    %slice3A = vector.extract_strided_slice %get3A_10 {offsets = [0], sizes = [1], strides = [1]} : vector<16xi32> to vector<1xi32>
    %squeeze3A = vector.extract %slice3A[0] : i32 from vector<1xi32>
    %gt3A = arith.constant 0 : i32
    %gt3A_11 = arith.cmpi sgt, %squeeze3A, %gt3A : i32
    %convert_element_type3A = arith.extui %gt3A_11 : i1 to i32
    %cond3A = arith.constant 0 : i32
    %cond3A_12 = arith.cmpi ne, %convert_element_type3A, %cond3A : i32
    scf.if %cond3A_12 {
      %dma_start3A = arith.constant 0 : i32
      %dma_start3A_25 = arith.constant 0 : i32
      %dma_start3A_26 = arith.constant 0 : i32
      %dma_start3A_27 = arith.constant 0 : i32
      %dma_start3A_28 = tpu.memref_slice %arg8[%dma_start3A_25, %dma_start3A_26, %dma_start3A_27] : memref<3x64x512xf32, #tpu.memory_space<vmem>> -> memref<1x64x512xf32, #tpu.memory_space<vmem>>
      %dma_start3A_29 = tpu.memref_squeeze %dma_start3A_28 : memref<1x64x512xf32, #tpu.memory_space<vmem>> -> memref<64x512xf32, #tpu.memory_space<vmem>>
      %dma_start3A_30 = arith.constant 0 : i32
      %dma_start3A_31 = tpu.memref_slice %arg6[%dma_start3A, %dma_start3A_30] : memref<2x256xi32, #tpu.memory_space<vmem>> -> memref<1x64xi32, #tpu.memory_space<vmem>>
      %dma_start3A_32 = tpu.memref_squeeze %dma_start3A_31 : memref<1x64xi32, #tpu.memory_space<vmem>> -> memref<64xi32, #tpu.memory_space<vmem>>
      %dma_start3A_33 = arith.constant 0 : i32
      %dma_start3A_34 = arith.constant 0 : i32
      %dma_start3A_35 = tpu.memref_slice %arg2[%dma_start3A_33, %dma_start3A_34] : memref<65536x512xf32, #tpu.memory_space<hbm>> -> memref<65536x512xf32, #tpu.memory_space<hbm>>
      tpu.enqueue_indirect_dma source(%dma_start3A_35 : memref<65536x512xf32, #tpu.memory_space<hbm>>) target(%dma_start3A_29 : memref<64x512xf32, #tpu.memory_space<vmem>>) offsets(%dma_start3A_32 : memref<64xi32, #tpu.memory_space<vmem>>) semaphore(%arg9 : memref<!tpu.dma_semaphore, #tpu.memory_space<semaphore_mem>>)
      %dma_start3A_36 = arith.constant 0 : i32
      %dma_start3A_37 = arith.constant 1 : i32
      %dma_start3A_38 = arith.constant 0 : i32
      %dma_start3A_39 = arith.constant 0 : i32
      %dma_start3A_40 = tpu.memref_slice %arg8[%dma_start3A_37, %dma_start3A_38, %dma_start3A_39] : memref<3x64x512xf32, #tpu.memory_space<vmem>> -> memref<1x64x512xf32, #tpu.memory_space<vmem>>
      %dma_start3A_41 = tpu.memref_squeeze %dma_start3A_40 : memref<1x64x512xf32, #tpu.memory_space<vmem>> -> memref<64x512xf32, #tpu.memory_space<vmem>>
      %dma_start3A_42 = arith.constant 64 : i32
      %dma_start3A_43 = tpu.memref_slice %arg6[%dma_start3A_36, %dma_start3A_42] : memref<2x256xi32, #tpu.memory_space<vmem>> -> memref<1x64xi32, #tpu.memory_space<vmem>>
      %dma_start3A_44 = tpu.memref_squeeze %dma_start3A_43 : memref<1x64xi32, #tpu.memory_space<vmem>> -> memref<64xi32, #tpu.memory_space<vmem>>
      %dma_start3A_45 = arith.constant 0 : i32
      %dma_start3A_46 = arith.constant 0 : i32
      %dma_start3A_47 = tpu.memref_slice %arg2[%dma_start3A_45, %dma_start3A_46] : memref<65536x512xf32, #tpu.memory_space<hbm>> -> memref<65536x512xf32, #tpu.memory_space<hbm>>
      tpu.enqueue_indirect_dma source(%dma_start3A_47 : memref<65536x512xf32, #tpu.memory_space<hbm>>) target(%dma_start3A_41 : memref<64x512xf32, #tpu.memory_space<vmem>>) offsets(%dma_start3A_44 : memref<64xi32, #tpu.memory_space<vmem>>) semaphore(%arg10 : memref<!tpu.dma_semaphore, #tpu.memory_space<semaphore_mem>>)
      %dma_wait3A = arith.constant 0 : i32
      %dma_wait3A_48 = arith.constant 0 : i32
      %dma_wait3A_49 = arith.constant 0 : i32
      %dma_wait3A_50 = arith.constant 0 : i32
      %dma_wait3A_51 = tpu.memref_slice %arg8[%dma_wait3A_48, %dma_wait3A_49, %dma_wait3A_50] : memref<3x64x512xf32, #tpu.memory_space<vmem>> -> memref<1x64x512xf32, #tpu.memory_space<vmem>>
      %dma_wait3A_52 = tpu.memref_squeeze %dma_wait3A_51 : memref<1x64x512xf32, #tpu.memory_space<vmem>> -> memref<64x512xf32, #tpu.memory_space<vmem>>
      %dma_wait3A_53 = arith.constant 0 : i32
      %dma_wait3A_54 = tpu.memref_slice %arg6[%dma_wait3A, %dma_wait3A_53] : memref<2x256xi32, #tpu.memory_space<vmem>> -> memref<1x64xi32, #tpu.memory_space<vmem>>
      %dma_wait3A_55 = tpu.memref_squeeze %dma_wait3A_54 : memref<1x64xi32, #tpu.memory_space<vmem>> -> memref<64xi32, #tpu.memory_space<vmem>>
      %dma_wait3A_56 = arith.constant 0 : i32
      %dma_wait3A_57 = arith.constant 0 : i32
      %dma_wait3A_58 = tpu.memref_slice %arg2[%dma_wait3A_56, %dma_wait3A_57] : memref<65536x512xf32, #tpu.memory_space<hbm>> -> memref<65536x512xf32, #tpu.memory_space<hbm>>
      tpu.wait_indirect_dma semaphore(%arg9 : memref<!tpu.dma_semaphore, #tpu.memory_space<semaphore_mem>>) src(%dma_wait3A_58 : memref<65536x512xf32, #tpu.memory_space<hbm>>) dst(%dma_wait3A_52 : memref<64x512xf32, #tpu.memory_space<vmem>>)
      %add3A_59 = arith.constant 0 : i32
      %add3A_60 = arith.addi %mul3A_2, %add3A_59 : i32
      %add3A_61 = arith.constant 0 : i32
      %add3A_62 = arith.addi %add3A_60, %add3A_61 : i32
      %mul3A_63 = arith.constant 64 : i32
      %mul3A_64 = arith.muli %add3A_62, %mul3A_63 : i32
      %dma_start3A_65 = arith.constant 0 : i32
      %dma_start3A_66 = arith.constant 0 : i32
      %dma_start3A_67 = arith.constant 0 : i32
      %dma_start3A_68 = tpu.memref_slice %arg8[%dma_start3A_65, %dma_start3A_66, %dma_start3A_67] : memref<3x64x512xf32, #tpu.memory_space<vmem>> -> memref<1x64x512xf32, #tpu.memory_space<vmem>>
      %dma_start3A_69 = tpu.memref_squeeze %dma_start3A_68 : memref<1x64x512xf32, #tpu.memory_space<vmem>> -> memref<64x512xf32, #tpu.memory_space<vmem>>
      %dma_start3A_70 = arith.constant 0 : i32
      %dma_start3A_71 = tpu.memref_slice %arg5[%mul3A_64, %dma_start3A_70] : memref<16384x512xf32, #tpu.memory_space<hbm>> -> memref<64x512xf32, #tpu.memory_space<hbm>>
      %dma_start3A_72 = arith.constant 0 : i32
      %dma_start3A_73 = tpu.memref_slice %arg5[%mul3A_64, %dma_start3A_72] : memref<16384x512xf32, #tpu.memory_space<hbm>> -> memref<64x512xf32, #tpu.memory_space<hbm>>
      %dma_start3A_74 = arith.constant 0 : i32
      %dma_start3A_75 = arith.constant 0 : i32
      %dma_start3A_76 = tpu.memref_slice %arg8[%dma_start3A_65, %dma_start3A_74, %dma_start3A_75] : memref<3x64x512xf32, #tpu.memory_space<vmem>> -> memref<1x64x512xf32, #tpu.memory_space<vmem>>
      %dma_start3A_77 = tpu.memref_squeeze %dma_start3A_76 : memref<1x64x512xf32, #tpu.memory_space<vmem>> -> memref<64x512xf32, #tpu.memory_space<vmem>>
      tpu.enqueue_dma source(%dma_start3A_77 : memref<64x512xf32, #tpu.memory_space<vmem>>) target(%dma_start3A_73 : memref<64x512xf32, #tpu.memory_space<hbm>>) target_semaphore(%arg12 : memref<!tpu.dma_semaphore, #tpu.memory_space<semaphore_mem>>)
      %dma_start3A_78 = arith.constant 0 : i32
      %dma_start3A_79 = arith.constant 2 : i32
      %dma_start3A_80 = arith.constant 0 : i32
      %dma_start3A_81 = arith.constant 0 : i32
      %dma_start3A_82 = tpu.memref_slice %arg8[%dma_start3A_79, %dma_start3A_80, %dma_start3A_81] : memref<3x64x512xf32, #tpu.memory_space<vmem>> -> memref<1x64x512xf32, #tpu.memory_space<vmem>>
      %dma_start3A_83 = tpu.memref_squeeze %dma_start3A_82 : memref<1x64x512xf32, #tpu.memory_space<vmem>> -> memref<64x512xf32, #tpu.memory_space<vmem>>
      %dma_start3A_84 = arith.constant 128 : i32
      %dma_start3A_85 = tpu.memref_slice %arg6[%dma_start3A_78, %dma_start3A_84] : memref<2x256xi32, #tpu.memory_space<vmem>> -> memref<1x64xi32, #tpu.memory_space<vmem>>
      %dma_start3A_86 = tpu.memref_squeeze %dma_start3A_85 : memref<1x64xi32, #tpu.memory_space<vmem>> -> memref<64xi32, #tpu.memory_space<vmem>>
      %dma_start3A_87 = arith.constant 0 : i32
      %dma_start3A_88 = arith.constant 0 : i32
      %dma_start3A_89 = tpu.memref_slice %arg2[%dma_start3A_87, %dma_start3A_88] : memref<65536x512xf32, #tpu.memory_space<hbm>> -> memref<65536x512xf32, #tpu.memory_space<hbm>>
      tpu.enqueue_indirect_dma source(%dma_start3A_89 : memref<65536x512xf32, #tpu.memory_space<hbm>>) target(%dma_start3A_83 : memref<64x512xf32, #tpu.memory_space<vmem>>) offsets(%dma_start3A_86 : memref<64xi32, #tpu.memory_space<vmem>>) semaphore(%arg11 : memref<!tpu.dma_semaphore, #tpu.memory_space<semaphore_mem>>)
      %dma_wait3A_90 = arith.constant 0 : i32
      %dma_wait3A_91 = arith.constant 1 : i32
      %dma_wait3A_92 = arith.constant 0 : i32
      %dma_wait3A_93 = arith.constant 0 : i32
      %dma_wait3A_94 = tpu.memref_slice %arg8[%dma_wait3A_91, %dma_wait3A_92, %dma_wait3A_93] : memref<3x64x512xf32, #tpu.memory_space<vmem>> -> memref<1x64x512xf32, #tpu.memory_space<vmem>>
      %dma_wait3A_95 = tpu.memref_squeeze %dma_wait3A_94 : memref<1x64x512xf32, #tpu.memory_space<vmem>> -> memref<64x512xf32, #tpu.memory_space<vmem>>
      %dma_wait3A_96 = arith.constant 64 : i32
      %dma_wait3A_97 = tpu.memref_slice %arg6[%dma_wait3A_90, %dma_wait3A_96] : memref<2x256xi32, #tpu.memory_space<vmem>> -> memref<1x64xi32, #tpu.memory_space<vmem>>
      %dma_wait3A_98 = tpu.memref_squeeze %dma_wait3A_97 : memref<1x64xi32, #tpu.memory_space<vmem>> -> memref<64xi32, #tpu.memory_space<vmem>>
      %dma_wait3A_99 = arith.constant 0 : i32
      %dma_wait3A_100 = arith.constant 0 : i32
      %dma_wait3A_101 = tpu.memref_slice %arg2[%dma_wait3A_99, %dma_wait3A_100] : memref<65536x512xf32, #tpu.memory_space<hbm>> -> memref<65536x512xf32, #tpu.memory_space<hbm>>
      tpu.wait_indirect_dma semaphore(%arg10 : memref<!tpu.dma_semaphore, #tpu.memory_space<semaphore_mem>>) src(%dma_wait3A_101 : memref<65536x512xf32, #tpu.memory_space<hbm>>) dst(%dma_wait3A_95 : memref<64x512xf32, #tpu.memory_space<vmem>>)
      %add3A_102 = arith.constant 0 : i32
      %add3A_103 = arith.addi %mul3A_2, %add3A_102 : i32
      %add3A_104 = arith.constant 1 : i32
      %add3A_105 = arith.addi %add3A_103, %add3A_104 : i32
      %mul3A_106 = arith.constant 64 : i32
      %mul3A_107 = arith.muli %add3A_105, %mul3A_106 : i32
      %dma_start3A_108 = arith.constant 1 : i32
      %dma_start3A_109 = arith.constant 0 : i32
      %dma_start3A_110 = arith.constant 0 : i32
      %dma_start3A_111 = tpu.memref_slice %arg8[%dma_start3A_108, %dma_start3A_109, %dma_start3A_110] : memref<3x64x512xf32, #tpu.memory_space<vmem>> -> memref<1x64x512xf32, #tpu.memory_space<vmem>>
      %dma_start3A_112 = tpu.memref_squeeze %dma_start3A_111 : memref<1x64x512xf32, #tpu.memory_space<vmem>> -> memref<64x512xf32, #tpu.memory_space<vmem>>
      %dma_start3A_113 = arith.constant 0 : i32
      %dma_start3A_114 = tpu.memref_slice %arg5[%mul3A_107, %dma_start3A_113] : memref<16384x512xf32, #tpu.memory_space<hbm>> -> memref<64x512xf32, #tpu.memory_space<hbm>>
      %dma_start3A_115 = arith.constant 0 : i32
      %dma_start3A_116 = tpu.memref_slice %arg5[%mul3A_107, %dma_start3A_115] : memref<16384x512xf32, #tpu.memory_space<hbm>> -> memref<64x512xf32, #tpu.memory_space<hbm>>
      %dma_start3A_117 = arith.constant 0 : i32
      %dma_start3A_118 = arith.constant 0 : i32
      %dma_start3A_119 = tpu.memref_slice %arg8[%dma_start3A_108, %dma_start3A_117, %dma_start3A_118] : memref<3x64x512xf32, #tpu.memory_space<vmem>> -> memref<1x64x512xf32, #tpu.memory_space<vmem>>
      %dma_start3A_120 = tpu.memref_squeeze %dma_start3A_119 : memref<1x64x512xf32, #tpu.memory_space<vmem>> -> memref<64x512xf32, #tpu.memory_space<vmem>>
      tpu.enqueue_dma source(%dma_start3A_120 : memref<64x512xf32, #tpu.memory_space<vmem>>) target(%dma_start3A_116 : memref<64x512xf32, #tpu.memory_space<hbm>>) target_semaphore(%arg13 : memref<!tpu.dma_semaphore, #tpu.memory_space<semaphore_mem>>)
      %dma_wait3A_121 = arith.constant 0 : i32
      %dma_wait3A_122 = arith.constant 0 : i32
      %dma_wait3A_123 = arith.constant 0 : i32
      %dma_wait3A_124 = tpu.memref_slice %arg8[%dma_wait3A_121, %dma_wait3A_122, %dma_wait3A_123] : memref<3x64x512xf32, #tpu.memory_space<vmem>> -> memref<1x64x512xf32, #tpu.memory_space<vmem>>
      %dma_wait3A_125 = tpu.memref_squeeze %dma_wait3A_124 : memref<1x64x512xf32, #tpu.memory_space<vmem>> -> memref<64x512xf32, #tpu.memory_space<vmem>>
      %dma_wait3A_126 = arith.constant 0 : i32
      %dma_wait3A_127 = tpu.memref_slice %arg5[%mul3A_64, %dma_wait3A_126] : memref<16384x512xf32, #tpu.memory_space<hbm>> -> memref<64x512xf32, #tpu.memory_space<hbm>>
      %dma_wait3A_128 = arith.constant 0 : i32
      %dma_wait3A_129 = tpu.memref_slice %arg5[%mul3A_64, %dma_wait3A_128] : memref<16384x512xf32, #tpu.memory_space<hbm>> -> memref<64x512xf32, #tpu.memory_space<hbm>>
      %dma_wait3A_130 = arith.constant 0 : i32
      %dma_wait3A_131 = arith.constant 0 : i32
      %dma_wait3A_132 = tpu.memref_slice %arg8[%dma_wait3A_121, %dma_wait3A_130, %dma_wait3A_131] : memref<3x64x512xf32, #tpu.memory_space<vmem>> -> memref<1x64x512xf32, #tpu.memory_space<vmem>>
      %dma_wait3A_133 = tpu.memref_squeeze %dma_wait3A_132 : memref<1x64x512xf32, #tpu.memory_space<vmem>> -> memref<64x512xf32, #tpu.memory_space<vmem>>
      tpu.wait_dma2 semaphore(%arg12 : memref<!tpu.dma_semaphore, #tpu.memory_space<semaphore_mem>>) src(%dma_wait3A_133 : memref<64x512xf32, #tpu.memory_space<vmem>>) dst(%dma_wait3A_129 : memref<64x512xf32, #tpu.memory_space<hbm>>)
      %dma_start3A_134 = arith.constant 0 : i32
      %dma_start3A_135 = arith.constant 0 : i32
      %dma_start3A_136 = arith.constant 0 : i32
      %dma_start3A_137 = arith.constant 0 : i32
      %dma_start3A_138 = tpu.memref_slice %arg8[%dma_start3A_135, %dma_start3A_136, %dma_start3A_137] : memref<3x64x512xf32, #tpu.memory_space<vmem>> -> memref<1x64x512xf32, #tpu.memory_space<vmem>>
      %dma_start3A_139 = tpu.memref_squeeze %dma_start3A_138 : memref<1x64x512xf32, #tpu.memory_space<vmem>> -> memref<64x512xf32, #tpu.memory_space<vmem>>
      %dma_start3A_140 = arith.constant 192 : i32
      %dma_start3A_141 = tpu.memref_slice %arg6[%dma_start3A_134, %dma_start3A_140] : memref<2x256xi32, #tpu.memory_space<vmem>> -> memref<1x64xi32, #tpu.memory_space<vmem>>
      %dma_start3A_142 = tpu.memref_squeeze %dma_start3A_141 : memref<1x64xi32, #tpu.memory_space<vmem>> -> memref<64xi32, #tpu.memory_space<vmem>>
      %dma_start3A_143 = arith.constant 0 : i32
      %dma_start3A_144 = arith.constant 0 : i32
      %dma_start3A_145 = tpu.memref_slice %arg2[%dma_start3A_143, %dma_start3A_144] : memref<65536x512xf32, #tpu.memory_space<hbm>> -> memref<65536x512xf32, #tpu.memory_space<hbm>>
      tpu.enqueue_indirect_dma source(%dma_start3A_145 : memref<65536x512xf32, #tpu.memory_space<hbm>>) target(%dma_start3A_139 : memref<64x512xf32, #tpu.memory_space<vmem>>) offsets(%dma_start3A_142 : memref<64xi32, #tpu.memory_space<vmem>>) semaphore(%arg9 : memref<!tpu.dma_semaphore, #tpu.memory_space<semaphore_mem>>)
      %dma_wait3A_146 = arith.constant 0 : i32
      %dma_wait3A_147 = arith.constant 2 : i32
      %dma_wait3A_148 = arith.constant 0 : i32
      %dma_wait3A_149 = arith.constant 0 : i32
      %dma_wait3A_150 = tpu.memref_slice %arg8[%dma_wait3A_147, %dma_wait3A_148, %dma_wait3A_149] : memref<3x64x512xf32, #tpu.memory_space<vmem>> -> memref<1x64x512xf32, #tpu.memory_space<vmem>>
      %dma_wait3A_151 = tpu.memref_squeeze %dma_wait3A_150 : memref<1x64x512xf32, #tpu.memory_space<vmem>> -> memref<64x512xf32, #tpu.memory_space<vmem>>
      %dma_wait3A_152 = arith.constant 128 : i32
      %dma_wait3A_153 = tpu.memref_slice %arg6[%dma_wait3A_146, %dma_wait3A_152] : memref<2x256xi32, #tpu.memory_space<vmem>> -> memref<1x64xi32, #tpu.memory_space<vmem>>
      %dma_wait3A_154 = tpu.memref_squeeze %dma_wait3A_153 : memref<1x64xi32, #tpu.memory_space<vmem>> -> memref<64xi32, #tpu.memory_space<vmem>>
      %dma_wait3A_155 = arith.constant 0 : i32
      %dma_wait3A_156 = arith.constant 0 : i32
      %dma_wait3A_157 = tpu.memref_slice %arg2[%dma_wait3A_155, %dma_wait3A_156] : memref<65536x512xf32, #tpu.memory_space<hbm>> -> memref<65536x512xf32, #tpu.memory_space<hbm>>
      tpu.wait_indirect_dma semaphore(%arg11 : memref<!tpu.dma_semaphore, #tpu.memory_space<semaphore_mem>>) src(%dma_wait3A_157 : memref<65536x512xf32, #tpu.memory_space<hbm>>) dst(%dma_wait3A_151 : memref<64x512xf32, #tpu.memory_space<vmem>>)
      %add3A_158 = arith.constant 0 : i32
      %add3A_159 = arith.addi %mul3A_2, %add3A_158 : i32
      %add3A_160 = arith.constant 2 : i32
      %add3A_161 = arith.addi %add3A_159, %add3A_160 : i32
      %mul3A_162 = arith.constant 64 : i32
      %mul3A_163 = arith.muli %add3A_161, %mul3A_162 : i32
      %dma_start3A_164 = arith.constant 2 : i32
      %dma_start3A_165 = arith.constant 0 : i32
      %dma_start3A_166 = arith.constant 0 : i32
      %dma_start3A_167 = tpu.memref_slice %arg8[%dma_start3A_164, %dma_start3A_165, %dma_start3A_166] : memref<3x64x512xf32, #tpu.memory_space<vmem>> -> memref<1x64x512xf32, #tpu.memory_space<vmem>>
      %dma_start3A_168 = tpu.memref_squeeze %dma_start3A_167 : memref<1x64x512xf32, #tpu.memory_space<vmem>> -> memref<64x512xf32, #tpu.memory_space<vmem>>
      %dma_start3A_169 = arith.constant 0 : i32
      %dma_start3A_170 = tpu.memref_slice %arg5[%mul3A_163, %dma_start3A_169] : memref<16384x512xf32, #tpu.memory_space<hbm>> -> memref<64x512xf32, #tpu.memory_space<hbm>>
      %dma_start3A_171 = arith.constant 0 : i32
      %dma_start3A_172 = tpu.memref_slice %arg5[%mul3A_163, %dma_start3A_171] : memref<16384x512xf32, #tpu.memory_space<hbm>> -> memref<64x512xf32, #tpu.memory_space<hbm>>
      %dma_start3A_173 = arith.constant 0 : i32
      %dma_start3A_174 = arith.constant 0 : i32
      %dma_start3A_175 = tpu.memref_slice %arg8[%dma_start3A_164, %dma_start3A_173, %dma_start3A_174] : memref<3x64x512xf32, #tpu.memory_space<vmem>> -> memref<1x64x512xf32, #tpu.memory_space<vmem>>
      %dma_start3A_176 = tpu.memref_squeeze %dma_start3A_175 : memref<1x64x512xf32, #tpu.memory_space<vmem>> -> memref<64x512xf32, #tpu.memory_space<vmem>>
      tpu.enqueue_dma source(%dma_start3A_176 : memref<64x512xf32, #tpu.memory_space<vmem>>) target(%dma_start3A_172 : memref<64x512xf32, #tpu.memory_space<hbm>>) target_semaphore(%arg14 : memref<!tpu.dma_semaphore, #tpu.memory_space<semaphore_mem>>)
      %dma_wait3A_177 = arith.constant 0 : i32
      %dma_wait3A_178 = arith.constant 0 : i32
      %dma_wait3A_179 = arith.constant 0 : i32
      %dma_wait3A_180 = arith.constant 0 : i32
      %dma_wait3A_181 = tpu.memref_slice %arg8[%dma_wait3A_178, %dma_wait3A_179, %dma_wait3A_180] : memref<3x64x512xf32, #tpu.memory_space<vmem>> -> memref<1x64x512xf32, #tpu.memory_space<vmem>>
      %dma_wait3A_182 = tpu.memref_squeeze %dma_wait3A_181 : memref<1x64x512xf32, #tpu.memory_space<vmem>> -> memref<64x512xf32, #tpu.memory_space<vmem>>
      %dma_wait3A_183 = arith.constant 192 : i32
      %dma_wait3A_184 = tpu.memref_slice %arg6[%dma_wait3A_177, %dma_wait3A_183] : memref<2x256xi32, #tpu.memory_space<vmem>> -> memref<1x64xi32, #tpu.memory_space<vmem>>
      %dma_wait3A_185 = tpu.memref_squeeze %dma_wait3A_184 : memref<1x64xi32, #tpu.memory_space<vmem>> -> memref<64xi32, #tpu.memory_space<vmem>>
      %dma_wait3A_186 = arith.constant 0 : i32
      %dma_wait3A_187 = arith.constant 0 : i32
      %dma_wait3A_188 = tpu.memref_slice %arg2[%dma_wait3A_186, %dma_wait3A_187] : memref<65536x512xf32, #tpu.memory_space<hbm>> -> memref<65536x512xf32, #tpu.memory_space<hbm>>
      tpu.wait_indirect_dma semaphore(%arg9 : memref<!tpu.dma_semaphore, #tpu.memory_space<semaphore_mem>>) src(%dma_wait3A_188 : memref<65536x512xf32, #tpu.memory_space<hbm>>) dst(%dma_wait3A_182 : memref<64x512xf32, #tpu.memory_space<vmem>>)
      %add3A_189 = arith.constant 0 : i32
      %add3A_190 = arith.addi %mul3A_2, %add3A_189 : i32
      %add3A_191 = arith.constant 3 : i32
      %add3A_192 = arith.addi %add3A_190, %add3A_191 : i32
      %mul3A_193 = arith.constant 64 : i32
      %mul3A_194 = arith.muli %add3A_192, %mul3A_193 : i32
      %dma_start3A_195 = arith.constant 0 : i32
      %dma_start3A_196 = arith.constant 0 : i32
      %dma_start3A_197 = arith.constant 0 : i32
      %dma_start3A_198 = tpu.memref_slice %arg8[%dma_start3A_195, %dma_start3A_196, %dma_start3A_197] : memref<3x64x512xf32, #tpu.memory_space<vmem>> -> memref<1x64x512xf32, #tpu.memory_space<vmem>>
      %dma_start3A_199 = tpu.memref_squeeze %dma_start3A_198 : memref<1x64x512xf32, #tpu.memory_space<vmem>> -> memref<64x512xf32, #tpu.memory_space<vmem>>
      %dma_start3A_200 = arith.constant 0 : i32
      %dma_start3A_201 = tpu.memref_slice %arg5[%mul3A_194, %dma_start3A_200] : memref<16384x512xf32, #tpu.memory_space<hbm>> -> memref<64x512xf32, #tpu.memory_space<hbm>>
      %dma_start3A_202 = arith.constant 0 : i32
      %dma_start3A_203 = tpu.memref_slice %arg5[%mul3A_194, %dma_start3A_202] : memref<16384x512xf32, #tpu.memory_space<hbm>> -> memref<64x512xf32, #tpu.memory_space<hbm>>
      %dma_start3A_204 = arith.constant 0 : i32
      %dma_start3A_205 = arith.constant 0 : i32
      %dma_start3A_206 = tpu.memref_slice %arg8[%dma_start3A_195, %dma_start3A_204, %dma_start3A_205] : memref<3x64x512xf32, #tpu.memory_space<vmem>> -> memref<1x64x512xf32, #tpu.memory_space<vmem>>
      %dma_start3A_207 = tpu.memref_squeeze %dma_start3A_206 : memref<1x64x512xf32, #tpu.memory_space<vmem>> -> memref<64x512xf32, #tpu.memory_space<vmem>>
      tpu.enqueue_dma source(%dma_start3A_207 : memref<64x512xf32, #tpu.memory_space<vmem>>) target(%dma_start3A_203 : memref<64x512xf32, #tpu.memory_space<hbm>>) target_semaphore(%arg12 : memref<!tpu.dma_semaphore, #tpu.memory_space<semaphore_mem>>)
      %dma_wait3A_208 = arith.constant 0 : i32
      %dma_wait3A_209 = arith.constant 0 : i32
      %dma_wait3A_210 = arith.constant 0 : i32
      %dma_wait3A_211 = tpu.memref_slice %arg8[%dma_wait3A_208, %dma_wait3A_209, %dma_wait3A_210] : memref<3x64x512xf32, #tpu.memory_space<vmem>> -> memref<1x64x512xf32, #tpu.memory_space<vmem>>
      %dma_wait3A_212 = tpu.memref_squeeze %dma_wait3A_211 : memref<1x64x512xf32, #tpu.memory_space<vmem>> -> memref<64x512xf32, #tpu.memory_space<vmem>>
      %dma_wait3A_213 = arith.constant 0 : i32
      %dma_wait3A_214 = tpu.memref_slice %arg5[%mul3A_194, %dma_wait3A_213] : memref<16384x512xf32, #tpu.memory_space<hbm>> -> memref<64x512xf32, #tpu.memory_space<hbm>>
      %dma_wait3A_215 = arith.constant 0 : i32
      %dma_wait3A_216 = tpu.memref_slice %arg5[%mul3A_194, %dma_wait3A_215] : memref<16384x512xf32, #tpu.memory_space<hbm>> -> memref<64x512xf32, #tpu.memory_space<hbm>>
      %dma_wait3A_217 = arith.constant 0 : i32
      %dma_wait3A_218 = arith.constant 0 : i32
      %dma_wait3A_219 = tpu.memref_slice %arg8[%dma_wait3A_208, %dma_wait3A_217, %dma_wait3A_218] : memref<3x64x512xf32, #tpu.memory_space<vmem>> -> memref<1x64x512xf32, #tpu.memory_space<vmem>>
      %dma_wait3A_220 = tpu.memref_squeeze %dma_wait3A_219 : memref<1x64x512xf32, #tpu.memory_space<vmem>> -> memref<64x512xf32, #tpu.memory_space<vmem>>
      tpu.wait_dma2 semaphore(%arg12 : memref<!tpu.dma_semaphore, #tpu.memory_space<semaphore_mem>>) src(%dma_wait3A_220 : memref<64x512xf32, #tpu.memory_space<vmem>>) dst(%dma_wait3A_216 : memref<64x512xf32, #tpu.memory_space<hbm>>)
      %dma_wait3A_221 = arith.constant 1 : i32
      %dma_wait3A_222 = arith.constant 0 : i32
      %dma_wait3A_223 = arith.constant 0 : i32
      %dma_wait3A_224 = tpu.memref_slice %arg8[%dma_wait3A_221, %dma_wait3A_222, %dma_wait3A_223] : memref<3x64x512xf32, #tpu.memory_space<vmem>> -> memref<1x64x512xf32, #tpu.memory_space<vmem>>
      %dma_wait3A_225 = tpu.memref_squeeze %dma_wait3A_224 : memref<1x64x512xf32, #tpu.memory_space<vmem>> -> memref<64x512xf32, #tpu.memory_space<vmem>>
      %dma_wait3A_226 = arith.constant 0 : i32
      %dma_wait3A_227 = tpu.memref_slice %arg5[%mul3A_107, %dma_wait3A_226] : memref<16384x512xf32, #tpu.memory_space<hbm>> -> memref<64x512xf32, #tpu.memory_space<hbm>>
      %dma_wait3A_228 = arith.constant 0 : i32
      %dma_wait3A_229 = tpu.memref_slice %arg5[%mul3A_107, %dma_wait3A_228] : memref<16384x512xf32, #tpu.memory_space<hbm>> -> memref<64x512xf32, #tpu.memory_space<hbm>>
      %dma_wait3A_230 = arith.constant 0 : i32
      %dma_wait3A_231 = arith.constant 0 : i32
      %dma_wait3A_232 = tpu.memref_slice %arg8[%dma_wait3A_221, %dma_wait3A_230, %dma_wait3A_231] : memref<3x64x512xf32, #tpu.memory_space<vmem>> -> memref<1x64x512xf32, #tpu.memory_space<vmem>>
      %dma_wait3A_233 = tpu.memref_squeeze %dma_wait3A_232 : memref<1x64x512xf32, #tpu.memory_space<vmem>> -> memref<64x512xf32, #tpu.memory_space<vmem>>
      tpu.wait_dma2 semaphore(%arg13 : memref<!tpu.dma_semaphore, #tpu.memory_space<semaphore_mem>>) src(%dma_wait3A_233 : memref<64x512xf32, #tpu.memory_space<vmem>>) dst(%dma_wait3A_229 : memref<64x512xf32, #tpu.memory_space<hbm>>)
      %dma_wait3A_234 = arith.constant 2 : i32
      %dma_wait3A_235 = arith.constant 0 : i32
      %dma_wait3A_236 = arith.constant 0 : i32
      %dma_wait3A_237 = tpu.memref_slice %arg8[%dma_wait3A_234, %dma_wait3A_235, %dma_wait3A_236] : memref<3x64x512xf32, #tpu.memory_space<vmem>> -> memref<1x64x512xf32, #tpu.memory_space<vmem>>
      %dma_wait3A_238 = tpu.memref_squeeze %dma_wait3A_237 : memref<1x64x512xf32, #tpu.memory_space<vmem>> -> memref<64x512xf32, #tpu.memory_space<vmem>>
      %dma_wait3A_239 = arith.constant 0 : i32
      %dma_wait3A_240 = tpu.memref_slice %arg5[%mul3A_163, %dma_wait3A_239] : memref<16384x512xf32, #tpu.memory_space<hbm>> -> memref<64x512xf32, #tpu.memory_space<hbm>>
      %dma_wait3A_241 = arith.constant 0 : i32
      %dma_wait3A_242 = tpu.memref_slice %arg5[%mul3A_163, %dma_wait3A_241] : memref<16384x512xf32, #tpu.memory_space<hbm>> -> memref<64x512xf32, #tpu.memory_space<hbm>>
      %dma_wait3A_243 = arith.constant 0 : i32
      %dma_wait3A_244 = arith.constant 0 : i32
      %dma_wait3A_245 = tpu.memref_slice %arg8[%dma_wait3A_234, %dma_wait3A_243, %dma_wait3A_244] : memref<3x64x512xf32, #tpu.memory_space<vmem>> -> memref<1x64x512xf32, #tpu.memory_space<vmem>>
      %dma_wait3A_246 = tpu.memref_squeeze %dma_wait3A_245 : memref<1x64x512xf32, #tpu.memory_space<vmem>> -> memref<64x512xf32, #tpu.memory_space<vmem>>
      tpu.wait_dma2 semaphore(%arg14 : memref<!tpu.dma_semaphore, #tpu.memory_space<semaphore_mem>>) src(%dma_wait3A_246 : memref<64x512xf32, #tpu.memory_space<vmem>>) dst(%dma_wait3A_242 : memref<64x512xf32, #tpu.memory_space<hbm>>)
    } else {
    }
    %get3A_13 = arith.constant 1 : i32
    %get3A_14 = arith.index_cast %get3A_13 : i32 to index
    %get3A_15 = arith.constant 0 : index
    %get3A_16 = tpu.vector_load %arg7[%get3A_14, %get3A_15] {strides = array<i32>} : memref<2x16xi32, #tpu.memory_space<vmem>>, vector<1x16xi32>,
    %get3A_17 = vector.shape_cast %get3A_16 : vector<1x16xi32> to vector<16xi32>
    %slice3A_18 = vector.extract_strided_slice %get3A_17 {offsets = [0], sizes = [1], strides = [1]} : vector<16xi32> to vector<1xi32>
    %squeeze3A_19 = vector.extract %slice3A_18[0] : i32 from vector<1xi32>
    %gt3A_20 = arith.constant 0 : i32
    %gt3A_21 = arith.cmpi sgt, %squeeze3A_19, %gt3A_20 : i32
    %convert_element_type3A_22 = arith.extui %gt3A_21 : i1 to i32
    %cond3A_23 = arith.constant 0 : i32
    %cond3A_24 = arith.cmpi ne, %convert_element_type3A_22, %cond3A_23 : i32
    scf.if %cond3A_24 {
      %dma_start3A = arith.constant 1 : i32
      %dma_start3A_25 = arith.constant 0 : i32
      %dma_start3A_26 = arith.constant 0 : i32
      %dma_start3A_27 = arith.constant 0 : i32
      %dma_start3A_28 = tpu.memref_slice %arg8[%dma_start3A_25, %dma_start3A_26, %dma_start3A_27] : memref<3x64x512xf32, #tpu.memory_space<vmem>> -> memref<1x64x512xf32, #tpu.memory_space<vmem>>
      %dma_start3A_29 = tpu.memref_squeeze %dma_start3A_28 : memref<1x64x512xf32, #tpu.memory_space<vmem>> -> memref<64x512xf32, #tpu.memory_space<vmem>>
      %dma_start3A_30 = arith.constant 0 : i32
      %dma_start3A_31 = tpu.memref_slice %arg6[%dma_start3A, %dma_start3A_30] : memref<2x256xi32, #tpu.memory_space<vmem>> -> memref<1x64xi32, #tpu.memory_space<vmem>>
      %dma_start3A_32 = tpu.memref_squeeze %dma_start3A_31 : memref<1x64xi32, #tpu.memory_space<vmem>> -> memref<64xi32, #tpu.memory_space<vmem>>
      %dma_start3A_33 = arith.constant 0 : i32
      %dma_start3A_34 = arith.constant 0 : i32
      %dma_start3A_35 = tpu.memref_slice %arg2[%dma_start3A_33, %dma_start3A_34] : memref<65536x512xf32, #tpu.memory_space<hbm>> -> memref<65536x512xf32, #tpu.memory_space<hbm>>
      tpu.enqueue_indirect_dma source(%dma_start3A_35 : memref<65536x512xf32, #tpu.memory_space<hbm>>) target(%dma_start3A_29 : memref<64x512xf32, #tpu.memory_space<vmem>>) offsets(%dma_start3A_32 : memref<64xi32, #tpu.memory_space<vmem>>) semaphore(%arg9 : memref<!tpu.dma_semaphore, #tpu.memory_space<semaphore_mem>>)
      %dma_start3A_36 = arith.constant 1 : i32
      %dma_start3A_37 = arith.constant 1 : i32
      %dma_start3A_38 = arith.constant 0 : i32
      %dma_start3A_39 = arith.constant 0 : i32
      %dma_start3A_40 = tpu.memref_slice %arg8[%dma_start3A_37, %dma_start3A_38, %dma_start3A_39] : memref<3x64x512xf32, #tpu.memory_space<vmem>> -> memref<1x64x512xf32, #tpu.memory_space<vmem>>
      %dma_start3A_41 = tpu.memref_squeeze %dma_start3A_40 : memref<1x64x512xf32, #tpu.memory_space<vmem>> -> memref<64x512xf32, #tpu.memory_space<vmem>>
      %dma_start3A_42 = arith.constant 64 : i32
      %dma_start3A_43 = tpu.memref_slice %arg6[%dma_start3A_36, %dma_start3A_42] : memref<2x256xi32, #tpu.memory_space<vmem>> -> memref<1x64xi32, #tpu.memory_space<vmem>>
      %dma_start3A_44 = tpu.memref_squeeze %dma_start3A_43 : memref<1x64xi32, #tpu.memory_space<vmem>> -> memref<64xi32, #tpu.memory_space<vmem>>
      %dma_start3A_45 = arith.constant 0 : i32
      %dma_start3A_46 = arith.constant 0 : i32
      %dma_start3A_47 = tpu.memref_slice %arg2[%dma_start3A_45, %dma_start3A_46] : memref<65536x512xf32, #tpu.memory_space<hbm>> -> memref<65536x512xf32, #tpu.memory_space<hbm>>
      tpu.enqueue_indirect_dma source(%dma_start3A_47 : memref<65536x512xf32, #tpu.memory_space<hbm>>) target(%dma_start3A_41 : memref<64x512xf32, #tpu.memory_space<vmem>>) offsets(%dma_start3A_44 : memref<64xi32, #tpu.memory_space<vmem>>) semaphore(%arg10 : memref<!tpu.dma_semaphore, #tpu.memory_space<semaphore_mem>>)
      %dma_wait3A = arith.constant 1 : i32
      %dma_wait3A_48 = arith.constant 0 : i32
      %dma_wait3A_49 = arith.constant 0 : i32
      %dma_wait3A_50 = arith.constant 0 : i32
      %dma_wait3A_51 = tpu.memref_slice %arg8[%dma_wait3A_48, %dma_wait3A_49, %dma_wait3A_50] : memref<3x64x512xf32, #tpu.memory_space<vmem>> -> memref<1x64x512xf32, #tpu.memory_space<vmem>>
      %dma_wait3A_52 = tpu.memref_squeeze %dma_wait3A_51 : memref<1x64x512xf32, #tpu.memory_space<vmem>> -> memref<64x512xf32, #tpu.memory_space<vmem>>
      %dma_wait3A_53 = arith.constant 0 : i32
      %dma_wait3A_54 = tpu.memref_slice %arg6[%dma_wait3A, %dma_wait3A_53] : memref<2x256xi32, #tpu.memory_space<vmem>> -> memref<1x64xi32, #tpu.memory_space<vmem>>
      %dma_wait3A_55 = tpu.memref_squeeze %dma_wait3A_54 : memref<1x64xi32, #tpu.memory_space<vmem>> -> memref<64xi32, #tpu.memory_space<vmem>>
      %dma_wait3A_56 = arith.constant 0 : i32
      %dma_wait3A_57 = arith.constant 0 : i32
      %dma_wait3A_58 = tpu.memref_slice %arg2[%dma_wait3A_56, %dma_wait3A_57] : memref<65536x512xf32, #tpu.memory_space<hbm>> -> memref<65536x512xf32, #tpu.memory_space<hbm>>
      tpu.wait_indirect_dma semaphore(%arg9 : memref<!tpu.dma_semaphore, #tpu.memory_space<semaphore_mem>>) src(%dma_wait3A_58 : memref<65536x512xf32, #tpu.memory_space<hbm>>) dst(%dma_wait3A_52 : memref<64x512xf32, #tpu.memory_space<vmem>>)
      %add3A_59 = arith.constant 4 : i32
      %add3A_60 = arith.addi %mul3A_2, %add3A_59 : i32
      %add3A_61 = arith.constant 0 : i32
      %add3A_62 = arith.addi %add3A_60, %add3A_61 : i32
      %mul3A_63 = arith.constant 64 : i32
      %mul3A_64 = arith.muli %add3A_62, %mul3A_63 : i32
      %dma_start3A_65 = arith.constant 0 : i32
      %dma_start3A_66 = arith.constant 0 : i32
      %dma_start3A_67 = arith.constant 0 : i32
      %dma_start3A_68 = tpu.memref_slice %arg8[%dma_start3A_65, %dma_start3A_66, %dma_start3A_67] : memref<3x64x512xf32, #tpu.memory_space<vmem>> -> memref<1x64x512xf32, #tpu.memory_space<vmem>>
      %dma_start3A_69 = tpu.memref_squeeze %dma_start3A_68 : memref<1x64x512xf32, #tpu.memory_space<vmem>> -> memref<64x512xf32, #tpu.memory_space<vmem>>
      %dma_start3A_70 = arith.constant 0 : i32
      %dma_start3A_71 = tpu.memref_slice %arg5[%mul3A_64, %dma_start3A_70] : memref<16384x512xf32, #tpu.memory_space<hbm>> -> memref<64x512xf32, #tpu.memory_space<hbm>>
      %dma_start3A_72 = arith.constant 0 : i32
      %dma_start3A_73 = tpu.memref_slice %arg5[%mul3A_64, %dma_start3A_72] : memref<16384x512xf32, #tpu.memory_space<hbm>> -> memref<64x512xf32, #tpu.memory_space<hbm>>
      %dma_start3A_74 = arith.constant 0 : i32
      %dma_start3A_75 = arith.constant 0 : i32
      %dma_start3A_76 = tpu.memref_slice %arg8[%dma_start3A_65, %dma_start3A_74, %dma_start3A_75] : memref<3x64x512xf32, #tpu.memory_space<vmem>> -> memref<1x64x512xf32, #tpu.memory_space<vmem>>
      %dma_start3A_77 = tpu.memref_squeeze %dma_start3A_76 : memref<1x64x512xf32, #tpu.memory_space<vmem>> -> memref<64x512xf32, #tpu.memory_space<vmem>>
      tpu.enqueue_dma source(%dma_start3A_77 : memref<64x512xf32, #tpu.memory_space<vmem>>) target(%dma_start3A_73 : memref<64x512xf32, #tpu.memory_space<hbm>>) target_semaphore(%arg12 : memref<!tpu.dma_semaphore, #tpu.memory_space<semaphore_mem>>)
      %dma_start3A_78 = arith.constant 1 : i32
      %dma_start3A_79 = arith.constant 2 : i32
      %dma_start3A_80 = arith.constant 0 : i32
      %dma_start3A_81 = arith.constant 0 : i32
      %dma_start3A_82 = tpu.memref_slice %arg8[%dma_start3A_79, %dma_start3A_80, %dma_start3A_81] : memref<3x64x512xf32, #tpu.memory_space<vmem>> -> memref<1x64x512xf32, #tpu.memory_space<vmem>>
      %dma_start3A_83 = tpu.memref_squeeze %dma_start3A_82 : memref<1x64x512xf32, #tpu.memory_space<vmem>> -> memref<64x512xf32, #tpu.memory_space<vmem>>
      %dma_start3A_84 = arith.constant 128 : i32
      %dma_start3A_85 = tpu.memref_slice %arg6[%dma_start3A_78, %dma_start3A_84] : memref<2x256xi32, #tpu.memory_space<vmem>> -> memref<1x64xi32, #tpu.memory_space<vmem>>
      %dma_start3A_86 = tpu.memref_squeeze %dma_start3A_85 : memref<1x64xi32, #tpu.memory_space<vmem>> -> memref<64xi32, #tpu.memory_space<vmem>>
      %dma_start3A_87 = arith.constant 0 : i32
      %dma_start3A_88 = arith.constant 0 : i32
      %dma_start3A_89 = tpu.memref_slice %arg2[%dma_start3A_87, %dma_start3A_88] : memref<65536x512xf32, #tpu.memory_space<hbm>> -> memref<65536x512xf32, #tpu.memory_space<hbm>>
      tpu.enqueue_indirect_dma source(%dma_start3A_89 : memref<65536x512xf32, #tpu.memory_space<hbm>>) target(%dma_start3A_83 : memref<64x512xf32, #tpu.memory_space<vmem>>) offsets(%dma_start3A_86 : memref<64xi32, #tpu.memory_space<vmem>>) semaphore(%arg11 : memref<!tpu.dma_semaphore, #tpu.memory_space<semaphore_mem>>)
      %dma_wait3A_90 = arith.constant 1 : i32
      %dma_wait3A_91 = arith.constant 1 : i32
      %dma_wait3A_92 = arith.constant 0 : i32
      %dma_wait3A_93 = arith.constant 0 : i32
      %dma_wait3A_94 = tpu.memref_slice %arg8[%dma_wait3A_91, %dma_wait3A_92, %dma_wait3A_93] : memref<3x64x512xf32, #tpu.memory_space<vmem>> -> memref<1x64x512xf32, #tpu.memory_space<vmem>>
      %dma_wait3A_95 = tpu.memref_squeeze %dma_wait3A_94 : memref<1x64x512xf32, #tpu.memory_space<vmem>> -> memref<64x512xf32, #tpu.memory_space<vmem>>
      %dma_wait3A_96 = arith.constant 64 : i32
      %dma_wait3A_97 = tpu.memref_slice %arg6[%dma_wait3A_90, %dma_wait3A_96] : memref<2x256xi32, #tpu.memory_space<vmem>> -> memref<1x64xi32, #tpu.memory_space<vmem>>
      %dma_wait3A_98 = tpu.memref_squeeze %dma_wait3A_97 : memref<1x64xi32, #tpu.memory_space<vmem>> -> memref<64xi32, #tpu.memory_space<vmem>>
      %dma_wait3A_99 = arith.constant 0 : i32
      %dma_wait3A_100 = arith.constant 0 : i32
      %dma_wait3A_101 = tpu.memref_slice %arg2[%dma_wait3A_99, %dma_wait3A_100] : memref<65536x512xf32, #tpu.memory_space<hbm>> -> memref<65536x512xf32, #tpu.memory_space<hbm>>
      tpu.wait_indirect_dma semaphore(%arg10 : memref<!tpu.dma_semaphore, #tpu.memory_space<semaphore_mem>>) src(%dma_wait3A_101 : memref<65536x512xf32, #tpu.memory_space<hbm>>) dst(%dma_wait3A_95 : memref<64x512xf32, #tpu.memory_space<vmem>>)
      %add3A_102 = arith.constant 4 : i32
      %add3A_103 = arith.addi %mul3A_2, %add3A_102 : i32
      %add3A_104 = arith.constant 1 : i32
      %add3A_105 = arith.addi %add3A_103, %add3A_104 : i32
      %mul3A_106 = arith.constant 64 : i32
      %mul3A_107 = arith.muli %add3A_105, %mul3A_106 : i32
      %dma_start3A_108 = arith.constant 1 : i32
      %dma_start3A_109 = arith.constant 0 : i32
      %dma_start3A_110 = arith.constant 0 : i32
      %dma_start3A_111 = tpu.memref_slice %arg8[%dma_start3A_108, %dma_start3A_109, %dma_start3A_110] : memref<3x64x512xf32, #tpu.memory_space<vmem>> -> memref<1x64x512xf32, #tpu.memory_space<vmem>>
      %dma_start3A_112 = tpu.memref_squeeze %dma_start3A_111 : memref<1x64x512xf32, #tpu.memory_space<vmem>> -> memref<64x512xf32, #tpu.memory_space<vmem>>
      %dma_start3A_113 = arith.constant 0 : i32
      %dma_start3A_114 = tpu.memref_slice %arg5[%mul3A_107, %dma_start3A_113] : memref<16384x512xf32, #tpu.memory_space<hbm>> -> memref<64x512xf32, #tpu.memory_space<hbm>>
      %dma_start3A_115 = arith.constant 0 : i32
      %dma_start3A_116 = tpu.memref_slice %arg5[%mul3A_107, %dma_start3A_115] : memref<16384x512xf32, #tpu.memory_space<hbm>> -> memref<64x512xf32, #tpu.memory_space<hbm>>
      %dma_start3A_117 = arith.constant 0 : i32
      %dma_start3A_118 = arith.constant 0 : i32
      %dma_start3A_119 = tpu.memref_slice %arg8[%dma_start3A_108, %dma_start3A_117, %dma_start3A_118] : memref<3x64x512xf32, #tpu.memory_space<vmem>> -> memref<1x64x512xf32, #tpu.memory_space<vmem>>
      %dma_start3A_120 = tpu.memref_squeeze %dma_start3A_119 : memref<1x64x512xf32, #tpu.memory_space<vmem>> -> memref<64x512xf32, #tpu.memory_space<vmem>>
      tpu.enqueue_dma source(%dma_start3A_120 : memref<64x512xf32, #tpu.memory_space<vmem>>) target(%dma_start3A_116 : memref<64x512xf32, #tpu.memory_space<hbm>>) target_semaphore(%arg13 : memref<!tpu.dma_semaphore, #tpu.memory_space<semaphore_mem>>)
      %dma_wait3A_121 = arith.constant 0 : i32
      %dma_wait3A_122 = arith.constant 0 : i32
      %dma_wait3A_123 = arith.constant 0 : i32
      %dma_wait3A_124 = tpu.memref_slice %arg8[%dma_wait3A_121, %dma_wait3A_122, %dma_wait3A_123] : memref<3x64x512xf32, #tpu.memory_space<vmem>> -> memref<1x64x512xf32, #tpu.memory_space<vmem>>
      %dma_wait3A_125 = tpu.memref_squeeze %dma_wait3A_124 : memref<1x64x512xf32, #tpu.memory_space<vmem>> -> memref<64x512xf32, #tpu.memory_space<vmem>>
      %dma_wait3A_126 = arith.constant 0 : i32
      %dma_wait3A_127 = tpu.memref_slice %arg5[%mul3A_64, %dma_wait3A_126] : memref<16384x512xf32, #tpu.memory_space<hbm>> -> memref<64x512xf32, #tpu.memory_space<hbm>>
      %dma_wait3A_128 = arith.constant 0 : i32
      %dma_wait3A_129 = tpu.memref_slice %arg5[%mul3A_64, %dma_wait3A_128] : memref<16384x512xf32, #tpu.memory_space<hbm>> -> memref<64x512xf32, #tpu.memory_space<hbm>>
      %dma_wait3A_130 = arith.constant 0 : i32
      %dma_wait3A_131 = arith.constant 0 : i32
      %dma_wait3A_132 = tpu.memref_slice %arg8[%dma_wait3A_121, %dma_wait3A_130, %dma_wait3A_131] : memref<3x64x512xf32, #tpu.memory_space<vmem>> -> memref<1x64x512xf32, #tpu.memory_space<vmem>>
      %dma_wait3A_133 = tpu.memref_squeeze %dma_wait3A_132 : memref<1x64x512xf32, #tpu.memory_space<vmem>> -> memref<64x512xf32, #tpu.memory_space<vmem>>
      tpu.wait_dma2 semaphore(%arg12 : memref<!tpu.dma_semaphore, #tpu.memory_space<semaphore_mem>>) src(%dma_wait3A_133 : memref<64x512xf32, #tpu.memory_space<vmem>>) dst(%dma_wait3A_129 : memref<64x512xf32, #tpu.memory_space<hbm>>)
      %dma_start3A_134 = arith.constant 1 : i32
      %dma_start3A_135 = arith.constant 0 : i32
      %dma_start3A_136 = arith.constant 0 : i32
      %dma_start3A_137 = arith.constant 0 : i32
      %dma_start3A_138 = tpu.memref_slice %arg8[%dma_start3A_135, %dma_start3A_136, %dma_start3A_137] : memref<3x64x512xf32, #tpu.memory_space<vmem>> -> memref<1x64x512xf32, #tpu.memory_space<vmem>>
      %dma_start3A_139 = tpu.memref_squeeze %dma_start3A_138 : memref<1x64x512xf32, #tpu.memory_space<vmem>> -> memref<64x512xf32, #tpu.memory_space<vmem>>
      %dma_start3A_140 = arith.constant 192 : i32
      %dma_start3A_141 = tpu.memref_slice %arg6[%dma_start3A_134, %dma_start3A_140] : memref<2x256xi32, #tpu.memory_space<vmem>> -> memref<1x64xi32, #tpu.memory_space<vmem>>
      %dma_start3A_142 = tpu.memref_squeeze %dma_start3A_141 : memref<1x64xi32, #tpu.memory_space<vmem>> -> memref<64xi32, #tpu.memory_space<vmem>>
      %dma_start3A_143 = arith.constant 0 : i32
      %dma_start3A_144 = arith.constant 0 : i32
      %dma_start3A_145 = tpu.memref_slice %arg2[%dma_start3A_143, %dma_start3A_144] : memref<65536x512xf32, #tpu.memory_space<hbm>> -> memref<65536x512xf32, #tpu.memory_space<hbm>>
      tpu.enqueue_indirect_dma source(%dma_start3A_145 : memref<65536x512xf32, #tpu.memory_space<hbm>>) target(%dma_start3A_139 : memref<64x512xf32, #tpu.memory_space<vmem>>) offsets(%dma_start3A_142 : memref<64xi32, #tpu.memory_space<vmem>>) semaphore(%arg9 : memref<!tpu.dma_semaphore, #tpu.memory_space<semaphore_mem>>)
      %dma_wait3A_146 = arith.constant 1 : i32
      %dma_wait3A_147 = arith.constant 2 : i32
      %dma_wait3A_148 = arith.constant 0 : i32
      %dma_wait3A_149 = arith.constant 0 : i32
      %dma_wait3A_150 = tpu.memref_slice %arg8[%dma_wait3A_147, %dma_wait3A_148, %dma_wait3A_149] : memref<3x64x512xf32, #tpu.memory_space<vmem>> -> memref<1x64x512xf32, #tpu.memory_space<vmem>>
      %dma_wait3A_151 = tpu.memref_squeeze %dma_wait3A_150 : memref<1x64x512xf32, #tpu.memory_space<vmem>> -> memref<64x512xf32, #tpu.memory_space<vmem>>
      %dma_wait3A_152 = arith.constant 128 : i32
      %dma_wait3A_153 = tpu.memref_slice %arg6[%dma_wait3A_146, %dma_wait3A_152] : memref<2x256xi32, #tpu.memory_space<vmem>> -> memref<1x64xi32, #tpu.memory_space<vmem>>
      %dma_wait3A_154 = tpu.memref_squeeze %dma_wait3A_153 : memref<1x64xi32, #tpu.memory_space<vmem>> -> memref<64xi32, #tpu.memory_space<vmem>>
      %dma_wait3A_155 = arith.constant 0 : i32
      %dma_wait3A_156 = arith.constant 0 : i32
      %dma_wait3A_157 = tpu.memref_slice %arg2[%dma_wait3A_155, %dma_wait3A_156] : memref<65536x512xf32, #tpu.memory_space<hbm>> -> memref<65536x512xf32, #tpu.memory_space<hbm>>
      tpu.wait_indirect_dma semaphore(%arg11 : memref<!tpu.dma_semaphore, #tpu.memory_space<semaphore_mem>>) src(%dma_wait3A_157 : memref<65536x512xf32, #tpu.memory_space<hbm>>) dst(%dma_wait3A_151 : memref<64x512xf32, #tpu.memory_space<vmem>>)
      %add3A_158 = arith.constant 4 : i32
      %add3A_159 = arith.addi %mul3A_2, %add3A_158 : i32
      %add3A_160 = arith.constant 2 : i32
      %add3A_161 = arith.addi %add3A_159, %add3A_160 : i32
      %mul3A_162 = arith.constant 64 : i32
      %mul3A_163 = arith.muli %add3A_161, %mul3A_162 : i32
      %dma_start3A_164 = arith.constant 2 : i32
      %dma_start3A_165 = arith.constant 0 : i32
      %dma_start3A_166 = arith.constant 0 : i32
      %dma_start3A_167 = tpu.memref_slice %arg8[%dma_start3A_164, %dma_start3A_165, %dma_start3A_166] : memref<3x64x512xf32, #tpu.memory_space<vmem>> -> memref<1x64x512xf32, #tpu.memory_space<vmem>>
      %dma_start3A_168 = tpu.memref_squeeze %dma_start3A_167 : memref<1x64x512xf32, #tpu.memory_space<vmem>> -> memref<64x512xf32, #tpu.memory_space<vmem>>
      %dma_start3A_169 = arith.constant 0 : i32
      %dma_start3A_170 = tpu.memref_slice %arg5[%mul3A_163, %dma_start3A_169] : memref<16384x512xf32, #tpu.memory_space<hbm>> -> memref<64x512xf32, #tpu.memory_space<hbm>>
      %dma_start3A_171 = arith.constant 0 : i32
      %dma_start3A_172 = tpu.memref_slice %arg5[%mul3A_163, %dma_start3A_171] : memref<16384x512xf32, #tpu.memory_space<hbm>> -> memref<64x512xf32, #tpu.memory_space<hbm>>
      %dma_start3A_173 = arith.constant 0 : i32
      %dma_start3A_174 = arith.constant 0 : i32
      %dma_start3A_175 = tpu.memref_slice %arg8[%dma_start3A_164, %dma_start3A_173, %dma_start3A_174] : memref<3x64x512xf32, #tpu.memory_space<vmem>> -> memref<1x64x512xf32, #tpu.memory_space<vmem>>
      %dma_start3A_176 = tpu.memref_squeeze %dma_start3A_175 : memref<1x64x512xf32, #tpu.memory_space<vmem>> -> memref<64x512xf32, #tpu.memory_space<vmem>>
      tpu.enqueue_dma source(%dma_start3A_176 : memref<64x512xf32, #tpu.memory_space<vmem>>) target(%dma_start3A_172 : memref<64x512xf32, #tpu.memory_space<hbm>>) target_semaphore(%arg14 : memref<!tpu.dma_semaphore, #tpu.memory_space<semaphore_mem>>)
      %dma_wait3A_177 = arith.constant 1 : i32
      %dma_wait3A_178 = arith.constant 0 : i32
      %dma_wait3A_179 = arith.constant 0 : i32
      %dma_wait3A_180 = arith.constant 0 : i32
      %dma_wait3A_181 = tpu.memref_slice %arg8[%dma_wait3A_178, %dma_wait3A_179, %dma_wait3A_180] : memref<3x64x512xf32, #tpu.memory_space<vmem>> -> memref<1x64x512xf32, #tpu.memory_space<vmem>>
      %dma_wait3A_182 = tpu.memref_squeeze %dma_wait3A_181 : memref<1x64x512xf32, #tpu.memory_space<vmem>> -> memref<64x512xf32, #tpu.memory_space<vmem>>
      %dma_wait3A_183 = arith.constant 192 : i32
      %dma_wait3A_184 = tpu.memref_slice %arg6[%dma_wait3A_177, %dma_wait3A_183] : memref<2x256xi32, #tpu.memory_space<vmem>> -> memref<1x64xi32, #tpu.memory_space<vmem>>
      %dma_wait3A_185 = tpu.memref_squeeze %dma_wait3A_184 : memref<1x64xi32, #tpu.memory_space<vmem>> -> memref<64xi32, #tpu.memory_space<vmem>>
      %dma_wait3A_186 = arith.constant 0 : i32
      %dma_wait3A_187 = arith.constant 0 : i32
      %dma_wait3A_188 = tpu.memref_slice %arg2[%dma_wait3A_186, %dma_wait3A_187] : memref<65536x512xf32, #tpu.memory_space<hbm>> -> memref<65536x512xf32, #tpu.memory_space<hbm>>
      tpu.wait_indirect_dma semaphore(%arg9 : memref<!tpu.dma_semaphore, #tpu.memory_space<semaphore_mem>>) src(%dma_wait3A_188 : memref<65536x512xf32, #tpu.memory_space<hbm>>) dst(%dma_wait3A_182 : memref<64x512xf32, #tpu.memory_space<vmem>>)
      %add3A_189 = arith.constant 4 : i32
      %add3A_190 = arith.addi %mul3A_2, %add3A_189 : i32
      %add3A_191 = arith.constant 3 : i32
      %add3A_192 = arith.addi %add3A_190, %add3A_191 : i32
      %mul3A_193 = arith.constant 64 : i32
      %mul3A_194 = arith.muli %add3A_192, %mul3A_193 : i32
      %dma_start3A_195 = arith.constant 0 : i32
      %dma_start3A_196 = arith.constant 0 : i32
      %dma_start3A_197 = arith.constant 0 : i32
      %dma_start3A_198 = tpu.memref_slice %arg8[%dma_start3A_195, %dma_start3A_196, %dma_start3A_197] : memref<3x64x512xf32, #tpu.memory_space<vmem>> -> memref<1x64x512xf32, #tpu.memory_space<vmem>>
      %dma_start3A_199 = tpu.memref_squeeze %dma_start3A_198 : memref<1x64x512xf32, #tpu.memory_space<vmem>> -> memref<64x512xf32, #tpu.memory_space<vmem>>
      %dma_start3A_200 = arith.constant 0 : i32
      %dma_start3A_201 = tpu.memref_slice %arg5[%mul3A_194, %dma_start3A_200] : memref<16384x512xf32, #tpu.memory_space<hbm>> -> memref<64x512xf32, #tpu.memory_space<hbm>>
      %dma_start3A_202 = arith.constant 0 : i32
      %dma_start3A_203 = tpu.memref_slice %arg5[%mul3A_194, %dma_start3A_202] : memref<16384x512xf32, #tpu.memory_space<hbm>> -> memref<64x512xf32, #tpu.memory_space<hbm>>
      %dma_start3A_204 = arith.constant 0 : i32
      %dma_start3A_205 = arith.constant 0 : i32
      %dma_start3A_206 = tpu.memref_slice %arg8[%dma_start3A_195, %dma_start3A_204, %dma_start3A_205] : memref<3x64x512xf32, #tpu.memory_space<vmem>> -> memref<1x64x512xf32, #tpu.memory_space<vmem>>
      %dma_start3A_207 = tpu.memref_squeeze %dma_start3A_206 : memref<1x64x512xf32, #tpu.memory_space<vmem>> -> memref<64x512xf32, #tpu.memory_space<vmem>>
      tpu.enqueue_dma source(%dma_start3A_207 : memref<64x512xf32, #tpu.memory_space<vmem>>) target(%dma_start3A_203 : memref<64x512xf32, #tpu.memory_space<hbm>>) target_semaphore(%arg12 : memref<!tpu.dma_semaphore, #tpu.memory_space<semaphore_mem>>)
      %dma_wait3A_208 = arith.constant 0 : i32
      %dma_wait3A_209 = arith.constant 0 : i32
      %dma_wait3A_210 = arith.constant 0 : i32
      %dma_wait3A_211 = tpu.memref_slice %arg8[%dma_wait3A_208, %dma_wait3A_209, %dma_wait3A_210] : memref<3x64x512xf32, #tpu.memory_space<vmem>> -> memref<1x64x512xf32, #tpu.memory_space<vmem>>
      %dma_wait3A_212 = tpu.memref_squeeze %dma_wait3A_211 : memref<1x64x512xf32, #tpu.memory_space<vmem>> -> memref<64x512xf32, #tpu.memory_space<vmem>>
      %dma_wait3A_213 = arith.constant 0 : i32
      %dma_wait3A_214 = tpu.memref_slice %arg5[%mul3A_194, %dma_wait3A_213] : memref<16384x512xf32, #tpu.memory_space<hbm>> -> memref<64x512xf32, #tpu.memory_space<hbm>>
      %dma_wait3A_215 = arith.constant 0 : i32
      %dma_wait3A_216 = tpu.memref_slice %arg5[%mul3A_194, %dma_wait3A_215] : memref<16384x512xf32, #tpu.memory_space<hbm>> -> memref<64x512xf32, #tpu.memory_space<hbm>>
      %dma_wait3A_217 = arith.constant 0 : i32
      %dma_wait3A_218 = arith.constant 0 : i32
      %dma_wait3A_219 = tpu.memref_slice %arg8[%dma_wait3A_208, %dma_wait3A_217, %dma_wait3A_218] : memref<3x64x512xf32, #tpu.memory_space<vmem>> -> memref<1x64x512xf32, #tpu.memory_space<vmem>>
      %dma_wait3A_220 = tpu.memref_squeeze %dma_wait3A_219 : memref<1x64x512xf32, #tpu.memory_space<vmem>> -> memref<64x512xf32, #tpu.memory_space<vmem>>
      tpu.wait_dma2 semaphore(%arg12 : memref<!tpu.dma_semaphore, #tpu.memory_space<semaphore_mem>>) src(%dma_wait3A_220 : memref<64x512xf32, #tpu.memory_space<vmem>>) dst(%dma_wait3A_216 : memref<64x512xf32, #tpu.memory_space<hbm>>)
      %dma_wait3A_221 = arith.constant 1 : i32
      %dma_wait3A_222 = arith.constant 0 : i32
      %dma_wait3A_223 = arith.constant 0 : i32
      %dma_wait3A_224 = tpu.memref_slice %arg8[%dma_wait3A_221, %dma_wait3A_222, %dma_wait3A_223] : memref<3x64x512xf32, #tpu.memory_space<vmem>> -> memref<1x64x512xf32, #tpu.memory_space<vmem>>
      %dma_wait3A_225 = tpu.memref_squeeze %dma_wait3A_224 : memref<1x64x512xf32, #tpu.memory_space<vmem>> -> memref<64x512xf32, #tpu.memory_space<vmem>>
      %dma_wait3A_226 = arith.constant 0 : i32
      %dma_wait3A_227 = tpu.memref_slice %arg5[%mul3A_107, %dma_wait3A_226] : memref<16384x512xf32, #tpu.memory_space<hbm>> -> memref<64x512xf32, #tpu.memory_space<hbm>>
      %dma_wait3A_228 = arith.constant 0 : i32
      %dma_wait3A_229 = tpu.memref_slice %arg5[%mul3A_107, %dma_wait3A_228] : memref<16384x512xf32, #tpu.memory_space<hbm>> -> memref<64x512xf32, #tpu.memory_space<hbm>>
      %dma_wait3A_230 = arith.constant 0 : i32
      %dma_wait3A_231 = arith.constant 0 : i32
      %dma_wait3A_232 = tpu.memref_slice %arg8[%dma_wait3A_221, %dma_wait3A_230, %dma_wait3A_231] : memref<3x64x512xf32, #tpu.memory_space<vmem>> -> memref<1x64x512xf32, #tpu.memory_space<vmem>>
      %dma_wait3A_233 = tpu.memref_squeeze %dma_wait3A_232 : memref<1x64x512xf32, #tpu.memory_space<vmem>> -> memref<64x512xf32, #tpu.memory_space<vmem>>
      tpu.wait_dma2 semaphore(%arg13 : memref<!tpu.dma_semaphore, #tpu.memory_space<semaphore_mem>>) src(%dma_wait3A_233 : memref<64x512xf32, #tpu.memory_space<vmem>>) dst(%dma_wait3A_229 : memref<64x512xf32, #tpu.memory_space<hbm>>)
      %dma_wait3A_234 = arith.constant 2 : i32
      %dma_wait3A_235 = arith.constant 0 : i32
      %dma_wait3A_236 = arith.constant 0 : i32
      %dma_wait3A_237 = tpu.memref_slice %arg8[%dma_wait3A_234, %dma_wait3A_235, %dma_wait3A_236] : memref<3x64x512xf32, #tpu.memory_space<vmem>> -> memref<1x64x512xf32, #tpu.memory_space<vmem>>
      %dma_wait3A_238 = tpu.memref_squeeze %dma_wait3A_237 : memref<1x64x512xf32, #tpu.memory_space<vmem>> -> memref<64x512xf32, #tpu.memory_space<vmem>>
      %dma_wait3A_239 = arith.constant 0 : i32
      %dma_wait3A_240 = tpu.memref_slice %arg5[%mul3A_163, %dma_wait3A_239] : memref<16384x512xf32, #tpu.memory_space<hbm>> -> memref<64x512xf32, #tpu.memory_space<hbm>>
      %dma_wait3A_241 = arith.constant 0 : i32
      %dma_wait3A_242 = tpu.memref_slice %arg5[%mul3A_163, %dma_wait3A_241] : memref<16384x512xf32, #tpu.memory_space<hbm>> -> memref<64x512xf32, #tpu.memory_space<hbm>>
      %dma_wait3A_243 = arith.constant 0 : i32
      %dma_wait3A_244 = arith.constant 0 : i32
      %dma_wait3A_245 = tpu.memref_slice %arg8[%dma_wait3A_234, %dma_wait3A_243, %dma_wait3A_244] : memref<3x64x512xf32, #tpu.memory_space<vmem>> -> memref<1x64x512xf32, #tpu.memory_space<vmem>>
      %dma_wait3A_246 = tpu.memref_squeeze %dma_wait3A_245 : memref<1x64x512xf32, #tpu.memory_space<vmem>> -> memref<64x512xf32, #tpu.memory_space<vmem>>
      tpu.wait_dma2 semaphore(%arg14 : memref<!tpu.dma_semaphore, #tpu.memory_space<semaphore_mem>>) src(%dma_wait3A_246 : memref<64x512xf32, #tpu.memory_space<vmem>>) dst(%dma_wait3A_242 : memref<64x512xf32, #tpu.memory_space<hbm>>)
    } else {
    }
    return
  }
}

module attributes {stable_mosaic.version = 14 : i64} {
  func.func @_means_route_body(%arg0: i32, %arg1: memref<32x64x512xf32, #tpu.memory_space<vmem>>, %arg2: memref<32x64x512xf32, #tpu.memory_space<vmem>>, %arg3: memref<64x64x512xf32, #tpu.memory_space<vmem>>, %arg4: memref<64x64x512xf32, #tpu.memory_space<vmem>>, %arg5: memref<512x512xf32, #tpu.memory_space<vmem>>, %arg6: memref<1x512xf32, #tpu.memory_space<vmem>>, %arg7: memref<512x512xf32, #tpu.memory_space<vmem>>, %arg8: memref<1x512xf32, #tpu.memory_space<vmem>>, %arg9: memref<512x512xf32, #tpu.memory_space<vmem>>, %arg10: memref<1x512xf32, #tpu.memory_space<vmem>>, %arg11: memref<512x512xf32, #tpu.memory_space<vmem>>, %arg12: memref<1x512xf32, #tpu.memory_space<vmem>>, %arg13: memref<64x256xi32, #tpu.memory_space<vmem>>, %arg14: memref<64x1x128xf32, #tpu.memory_space<vmem>>, %arg15: memref<64x256xi32, #tpu.memory_space<vmem>>, %arg16: memref<64x1x128xf32, #tpu.memory_space<vmem>>, %arg17: memref<1024x512xf32, #tpu.memory_space<vmem>>, %arg18: memref<1024x512xf32, #tpu.memory_space<vmem>>) attributes {dimension_semantics = [#tpu.dimension_semantics<arbitrary>], iteration_bounds = array<i64: 32>, scalar_prefetch = 0 : i64, scratch_operands = 2 : i64, tpu.core_type = #tpu.core_type<tc>, window_params = [{transform_indices = @transform_0, window_bounds = array<i64: 32, 64, 512>}, {transform_indices = @transform_1, window_bounds = array<i64: 32, 64, 512>}, {pipeline_mode = #tpu.pipeline_mode<synchronous>, transform_indices = @transform_2, window_bounds = array<i64: 64, 64, 512>}, {pipeline_mode = #tpu.pipeline_mode<synchronous>, transform_indices = @transform_3, window_bounds = array<i64: 64, 64, 512>}, {pipeline_mode = #tpu.pipeline_mode<synchronous>, transform_indices = @transform_4, window_bounds = array<i64: 512, 512>}, {pipeline_mode = #tpu.pipeline_mode<synchronous>, transform_indices = @transform_5, window_bounds = array<i64: 1, 512>}, {pipeline_mode = #tpu.pipeline_mode<synchronous>, transform_indices = @transform_6, window_bounds = array<i64: 512, 512>}, {pipeline_mode = #tpu.pipeline_mode<synchronous>, transform_indices = @transform_7, window_bounds = array<i64: 1, 512>}, {pipeline_mode = #tpu.pipeline_mode<synchronous>, transform_indices = @transform_8, window_bounds = array<i64: 512, 512>}, {pipeline_mode = #tpu.pipeline_mode<synchronous>, transform_indices = @transform_9, window_bounds = array<i64: 1, 512>}, {pipeline_mode = #tpu.pipeline_mode<synchronous>, transform_indices = @transform_10, window_bounds = array<i64: 512, 512>}, {pipeline_mode = #tpu.pipeline_mode<synchronous>, transform_indices = @transform_11, window_bounds = array<i64: 1, 512>}, {pipeline_mode = #tpu.pipeline_mode<synchronous>, transform_indices = @transform_12, window_bounds = array<i64: 64, 256>}, {pipeline_mode = #tpu.pipeline_mode<synchronous>, transform_indices = @transform_13, window_bounds = array<i64: 64, 1, 128>}, {pipeline_mode = #tpu.pipeline_mode<synchronous>, transform_indices = @transform_14, window_bounds = array<i64: 64, 256>}, {pipeline_mode = #tpu.pipeline_mode<synchronous>, transform_indices = @transform_15, window_bounds = array<i64: 64, 1, 128>}]} {
    %get3A = arith.constant 0 : index
    %get3A_0 = arith.constant 0 : index
    %get3A_1 = arith.constant 0 : index
    %get3A_2 = vector.load %arg1[%get3A, %get3A_0, %get3A_1] : memref<32x64x512xf32, #tpu.memory_space<vmem>>, vector<32x64x512xf32>
    %reduce_sum3A = arith.constant dense<0.000000e+00> : vector<32x512xf32>
    %reduce_sum3A_3 = vector.multi_reduction <add>, %get3A_2, %reduce_sum3A [1] : vector<32x64x512xf32> to vector<32x512xf32>
    %div3A = arith.constant 6.400000e+01 : f32
    %div3A_4 = vector.broadcast %div3A : f32 to vector<32x512xf32>
    %div3A_5 = arith.divf %reduce_sum3A_3, %div3A_4 : vector<32x512xf32>
    %mul3A = arith.constant 32 : i32
    %mul3A_6 = arith.muli %arg0, %mul3A : i32
    %swap3A = arith.index_cast %mul3A_6 : i32 to index
    %swap3A_7 = arith.constant 0 : index
    %swap3A_8 = vector.load %arg17[%swap3A, %swap3A_7] : memref<1024x512xf32, #tpu.memory_space<vmem>>, vector<32x512xf32>
    tpu.vector_store %arg17[%swap3A, %swap3A_7], %div3A_5 {strides = array<i32>} : memref<1024x512xf32, #tpu.memory_space<vmem>>, vector<32x512xf32>,
    %get3A_9 = arith.constant 0 : index
    %get3A_10 = arith.constant 0 : index
    %get3A_11 = arith.constant 0 : index
    %get3A_12 = vector.load %arg2[%get3A_9, %get3A_10, %get3A_11] : memref<32x64x512xf32, #tpu.memory_space<vmem>>, vector<32x64x512xf32>
    %reduce_sum3A_13 = arith.constant dense<0.000000e+00> : vector<32x512xf32>
    %reduce_sum3A_14 = vector.multi_reduction <add>, %get3A_12, %reduce_sum3A_13 [1] : vector<32x64x512xf32> to vector<32x512xf32>
    %div3A_15 = arith.constant 6.400000e+01 : f32
    %div3A_16 = vector.broadcast %div3A_15 : f32 to vector<32x512xf32>
    %div3A_17 = arith.divf %reduce_sum3A_14, %div3A_16 : vector<32x512xf32>
    %mul3A_18 = arith.constant 32 : i32
    %mul3A_19 = arith.muli %arg0, %mul3A_18 : i32
    %swap3A_20 = arith.index_cast %mul3A_19 : i32 to index
    %swap3A_21 = arith.constant 0 : index
    %swap3A_22 = vector.load %arg18[%swap3A_20, %swap3A_21] : memref<1024x512xf32, #tpu.memory_space<vmem>>, vector<32x512xf32>
    tpu.vector_store %arg18[%swap3A_20, %swap3A_21], %div3A_17 {strides = array<i32>} : memref<1024x512xf32, #tpu.memory_space<vmem>>, vector<32x512xf32>,
    %eq3A = arith.constant 31 : i32
    %eq3A_23 = arith.cmpi eq, %arg0, %eq3A : i32
    %convert_element_type3A = arith.extui %eq3A_23 : i1 to i32
    %cond3A = arith.constant 0 : i32
    %cond3A_24 = arith.cmpi ne, %convert_element_type3A, %cond3A : i32
    scf.if %cond3A_24 {
      %get3A_25 = arith.constant 0 : index
      %get3A_26 = arith.constant 0 : index
      %get3A_27 = vector.load %arg17[%get3A_25, %get3A_26] : memref<1024x512xf32, #tpu.memory_space<vmem>>, vector<1024x512xf32>
      %get3A_28 = arith.constant 0 : index
      %get3A_29 = arith.constant 0 : index
      %get3A_30 = arith.constant 0 : index
      %get3A_31 = vector.load %arg3[%get3A_28, %get3A_29, %get3A_30] : memref<64x64x512xf32, #tpu.memory_space<vmem>>, vector<64x64x512xf32>
      %reduce_sum3A_32 = arith.constant dense<0.000000e+00> : vector<64x512xf32>
      %reduce_sum3A_33 = vector.multi_reduction <add>, %get3A_31, %reduce_sum3A_32 [1] : vector<64x64x512xf32> to vector<64x512xf32>
      %div3A_34 = arith.constant 6.400000e+01 : f32
      %div3A_35 = vector.broadcast %div3A_34 : f32 to vector<64x512xf32>
      %div3A_36 = arith.divf %reduce_sum3A_33, %div3A_35 : vector<64x512xf32>
      %mul3A_37 = arith.mulf %div3A_36, %div3A_36 : vector<64x512xf32>
      %reduce_sum3A_38 = arith.constant dense<0.000000e+00> : vector<64xf32>
      %reduce_sum3A_39 = vector.multi_reduction <add>, %mul3A_37, %reduce_sum3A_38 [1] : vector<64x512xf32> to vector<64xf32>
      %broadcast_in_dim3A = vector.shape_cast %reduce_sum3A_39 : vector<64xf32> to vector<64x1xf32>
      %sqrt3A = math.sqrt %broadcast_in_dim3A : vector<64x1xf32>
      %max3A = arith.constant 9.99999993E-9 : f32
      %max3A_40 = vector.broadcast %max3A : f32 to vector<64x1xf32>
      %max3A_41 = arith.maximumf %sqrt3A, %max3A_40 : vector<64x1xf32>
      %div3A_42 = vector.broadcast %max3A_41 : vector<64x1xf32> to vector<64x512xf32>
      %div3A_43 = arith.divf %div3A_36, %div3A_42 : vector<64x512xf32>
      %mul3A_44 = arith.mulf %get3A_27, %get3A_27 : vector<1024x512xf32>
      %reduce_sum3A_45 = arith.constant dense<0.000000e+00> : vector<1024xf32>
      %reduce_sum3A_46 = vector.multi_reduction <add>, %mul3A_44, %reduce_sum3A_45 [1] : vector<1024x512xf32> to vector<1024xf32>
      %broadcast_in_dim3A_47 = vector.shape_cast %reduce_sum3A_46 : vector<1024xf32> to vector<1024x1xf32>
      %sqrt3A_48 = math.sqrt %broadcast_in_dim3A_47 : vector<1024x1xf32>
      %max3A_49 = arith.constant 9.99999993E-9 : f32
      %max3A_50 = vector.broadcast %max3A_49 : f32 to vector<1024x1xf32>
      %max3A_51 = arith.maximumf %sqrt3A_48, %max3A_50 : vector<1024x1xf32>
      %div3A_52 = vector.broadcast %max3A_51 : vector<1024x1xf32> to vector<1024x512xf32>
      %div3A_53 = arith.divf %get3A_27, %div3A_52 : vector<1024x512xf32>
      %reduce_sum3A_54 = arith.constant dense<0.000000e+00> : vector<1024xf32>
      %reduce_sum3A_55 = vector.multi_reduction <add>, %get3A_27, %reduce_sum3A_54 [1] : vector<1024x512xf32> to vector<1024xf32>
      %broadcast_in_dim3A_56 = vector.shape_cast %reduce_sum3A_55 : vector<1024xf32> to vector<1024x1xf32>
      %ne3A = arith.constant 0.000000e+00 : f32
      %ne3A_57 = vector.broadcast %ne3A : f32 to vector<1024x1xf32>
      %ne3A_58 = arith.cmpf one, %broadcast_in_dim3A_56, %ne3A_57 : vector<1024x1xf32>
      %convert_element_type3A_59 = arith.extui %ne3A_58 : vector<1024x1xi1> to vector<1024x1xi32>
      %convert_element_type3A_60 = arith.sitofp %convert_element_type3A_59 : vector<1024x1xi32> to vector<1024x1xf32>
      %mul3A_61 = vector.broadcast %convert_element_type3A_60 : vector<1024x1xf32> to vector<1024x512xf32>
      %mul3A_62 = arith.mulf %div3A_53, %mul3A_61 : vector<1024x512xf32>
      %dot_general3A = arith.constant dense<0.000000e+00> : vector<64x1024xf32>
      %dot_general3A_63 = tpu.matmul %div3A_43, %mul3A_62, %dot_general3A {dimension_numbers = #tpu.dot_dimension_numbers<[1], [1], [0], [0], [0, 0, 1, 0], [], []>, transpose_lhs_hint = false} : vector<64x512xf32>, vector<1024x512xf32>, vector<64x1024xf32> -> vector<64x1024xf32>
      %get3A_64 = arith.constant 0 : index
      %get3A_65 = arith.constant 0 : index
      %get3A_66 = vector.load %arg5[%get3A_64, %get3A_65] : memref<512x512xf32, #tpu.memory_space<vmem>>, vector<512x512xf32>
      %dot_general3A_67 = arith.constant dense<0.000000e+00> : vector<64x512xf32>
      %dot_general3A_68 = tpu.matmul %div3A_36, %get3A_66, %dot_general3A_67 {dimension_numbers = #tpu.dot_dimension_numbers<[1], [1], [0], [0], [0, 0, 1, 0], [], []>, transpose_lhs_hint = false} : vector<64x512xf32>, vector<512x512xf32>, vector<64x512xf32> -> vector<64x512xf32>
      %get3A_69 = arith.constant 0 : index
      %get3A_70 = arith.constant 0 : index
      %get3A_71 = vector.load %arg6[%get3A_69, %get3A_70] : memref<1x512xf32, #tpu.memory_space<vmem>>, vector<1x512xf32>
      %add3A = vector.broadcast %get3A_71 : vector<1x512xf32> to vector<64x512xf32>
      %add3A_72 = arith.addf %dot_general3A_68, %add3A : vector<64x512xf32>
      %get3A_73 = arith.constant 0 : index
      %get3A_74 = arith.constant 0 : index
      %get3A_75 = vector.load %arg7[%get3A_73, %get3A_74] : memref<512x512xf32, #tpu.memory_space<vmem>>, vector<512x512xf32>
      %dot_general3A_76 = arith.constant dense<0.000000e+00> : vector<64x512xf32>
      %dot_general3A_77 = tpu.matmul %add3A_72, %get3A_75, %dot_general3A_76 {dimension_numbers = #tpu.dot_dimension_numbers<[1], [0], [0], [1], [0, 0, 1, 1], [], []>, transpose_lhs_hint = false} : vector<64x512xf32>, vector<512x512xf32>, vector<64x512xf32> -> vector<64x512xf32>
      %get3A_78 = arith.constant 0 : index
      %get3A_79 = arith.constant 0 : index
      %get3A_80 = vector.load %arg8[%get3A_78, %get3A_79] : memref<1x512xf32, #tpu.memory_space<vmem>>, vector<1x512xf32>
      %mul3A_81 = vector.broadcast %get3A_80 : vector<1x512xf32> to vector<64x512xf32>
      %mul3A_82 = arith.mulf %add3A_72, %mul3A_81 : vector<64x512xf32>
      %reduce_sum3A_83 = arith.constant dense<0.000000e+00> : vector<64xf32>
      %reduce_sum3A_84 = vector.multi_reduction <add>, %mul3A_82, %reduce_sum3A_83 [1] : vector<64x512xf32> to vector<64xf32>
      %broadcast_in_dim3A_85 = vector.shape_cast %reduce_sum3A_84 : vector<64xf32> to vector<64x1xf32>
      %dot_general3A_86 = arith.constant dense<0.000000e+00> : vector<64x1024xf32>
      %dot_general3A_87 = tpu.matmul %dot_general3A_77, %get3A_27, %dot_general3A_86 {dimension_numbers = #tpu.dot_dimension_numbers<[1], [1], [0], [0], [0, 0, 1, 0], [], []>, transpose_lhs_hint = false} : vector<64x512xf32>, vector<1024x512xf32>, vector<64x1024xf32> -> vector<64x1024xf32>
      %add3A_88 = vector.broadcast %broadcast_in_dim3A_85 : vector<64x1xf32> to vector<64x1024xf32>
      %add3A_89 = arith.addf %dot_general3A_87, %add3A_88 : vector<64x1024xf32>
      %iota3A = tpu.iota {dimensions = array<i32: 1>} : vector<64x1024xi32>
      %iota3A_90 = tpu.iota {dimensions = array<i32: 1>} : vector<64x128xi32>
      %iota3A_91 = tpu.iota {dimensions = array<i32: 1>} : vector<64x256xi32>
      %jit3A = arith.constant 64 : i32
      %div3A_92 = vector.broadcast %jit3A : i32 to vector<64x256xi32>
      %div3A_93 = arith.divsi %iota3A_91, %div3A_92 : vector<64x256xi32>
      %sign3A = arith.constant 0 : i32
      %sign3A_94 = vector.broadcast %sign3A : i32 to vector<64x256xi32>
      %sign3A_95 = arith.cmpi sgt, %iota3A_91, %sign3A_94 : vector<64x256xi32>
      %sign3A_96 = arith.extui %sign3A_95 : vector<64x256xi1> to vector<64x256xi32>
      %sign3A_97 = arith.constant 0 : i32
      %sign3A_98 = vector.broadcast %sign3A_97 : i32 to vector<64x256xi32>
      %sign3A_99 = arith.cmpi slt, %iota3A_91, %sign3A_98 : vector<64x256xi32>
      %sign3A_100 = arith.extui %sign3A_99 : vector<64x256xi1> to vector<64x256xi32>
      %sign3A_101 = arith.subi %sign3A_96, %sign3A_100 : vector<64x256xi32>
      %sign3A_102 = arith.constant 0 : i32
      %sign3A_103 = arith.cmpi sgt, %jit3A, %sign3A_102 : i32
      %sign3A_104 = arith.extui %sign3A_103 : i1 to i32
      %sign3A_105 = arith.constant 0 : i32
      %sign3A_106 = arith.cmpi slt, %jit3A, %sign3A_105 : i32
      %sign3A_107 = arith.extui %sign3A_106 : i1 to i32
      %sign3A_108 = arith.subi %sign3A_104, %sign3A_107 : i32
      %ne3A_109 = vector.broadcast %sign3A_108 : i32 to vector<64x256xi32>
      %ne3A_110 = arith.cmpi ne, %sign3A_101, %ne3A_109 : vector<64x256xi32>
      %rem3A = vector.broadcast %jit3A : i32 to vector<64x256xi32>
      %rem3A_111 = arith.remsi %iota3A_91, %rem3A : vector<64x256xi32>
      %ne3A_112 = arith.constant 0 : i32
      %ne3A_113 = vector.broadcast %ne3A_112 : i32 to vector<64x256xi32>
      %ne3A_114 = arith.cmpi ne, %rem3A_111, %ne3A_113 : vector<64x256xi32>
      %and3A = arith.andi %ne3A_110, %ne3A_114 : vector<64x256xi1>
      %sub3A = arith.constant 1 : i32
      %sub3A_115 = vector.broadcast %sub3A : i32 to vector<64x256xi32>
      %sub3A_116 = arith.subi %div3A_93, %sub3A_115 : vector<64x256xi32>
      %select_n3A = arith.select %and3A, %sub3A_116, %div3A_93 : vector<64x256xi1>, vector<64x256xi32>
      %jit3A_117 = arith.constant 64 : i32
      %eq3A_118 = arith.constant 0 : i32
      %eq3A_119 = arith.cmpi eq, %jit3A_117, %eq3A_118 : i32
      %jit3A_120 = arith.constant 1 : i32
      %select_n3A_121 = arith.select %eq3A_119, %jit3A_120, %jit3A_117 : i32
      %rem3A_122 = vector.broadcast %select_n3A_121 : i32 to vector<64x256xi32>
      %rem3A_123 = arith.remsi %iota3A_91, %rem3A_122 : vector<64x256xi32>
      %ne3A_124 = arith.constant 0 : i32
      %ne3A_125 = vector.broadcast %ne3A_124 : i32 to vector<64x256xi32>
      %ne3A_126 = arith.cmpi ne, %rem3A_123, %ne3A_125 : vector<64x256xi32>
      %lt3A = arith.constant 0 : i32
      %lt3A_127 = vector.broadcast %lt3A : i32 to vector<64x256xi32>
      %lt3A_128 = arith.cmpi slt, %rem3A_123, %lt3A_127 : vector<64x256xi32>
      %lt3A_129 = arith.constant 0 : i32
      %lt3A_130 = arith.cmpi slt, %select_n3A_121, %lt3A_129 : i32
      %ne3A_131 = vector.broadcast %lt3A_130 : i1 to vector<64x256xi1>
      %ne3A_132 = vector.broadcast %ne3A_131 : vector<64x256xi1> to vector<64x256xi1>
      %ne3A_133 = arith.xori %lt3A_128, %ne3A_132 : vector<64x256xi1>
      %and3A_134 = arith.andi %ne3A_133, %ne3A_126 : vector<64x256xi1>
      %add3A_135 = vector.broadcast %select_n3A_121 : i32 to vector<64x256xi32>
      %add3A_136 = arith.addi %rem3A_123, %add3A_135 : vector<64x256xi32>
      %select_n3A_137 = arith.select %and3A_134, %add3A_136, %rem3A_123 : vector<64x256xi1>, vector<64x256xi32>
      %broadcast_in_dim3A_138 = arith.constant 0 : i32
      %broadcast_in_dim3A_139 = vector.broadcast %broadcast_in_dim3A_138 : i32 to vector<64x256xi32>
      %broadcast_in_dim3A_140 = arith.constant 0xFF800000 : f32
      %broadcast_in_dim3A_141 = vector.broadcast %broadcast_in_dim3A_140 : f32 to vector<64x128xf32>
      %reduce_max3A = arith.constant dense<0xFF800000> : vector<64xf32>
      %reduce_max3A_142 = vector.multi_reduction <maximumf>, %dot_general3A_63, %reduce_max3A [1] : vector<64x1024xf32> to vector<64xf32>
      %broadcast_in_dim3A_143 = vector.shape_cast %reduce_max3A_142 : vector<64xf32> to vector<64x1xf32>
      %eq3A_144 = vector.broadcast %broadcast_in_dim3A_143 : vector<64x1xf32> to vector<64x1024xf32>
      %eq3A_145 = arith.cmpf oeq, %dot_general3A_63, %eq3A_144 : vector<64x1024xf32>
      %jit3A_146 = arith.constant 1024 : i32
      %broadcast_in_dim3A_147 = vector.broadcast %jit3A_146 : i32 to vector<64x1024xi32>
      %select_n3A_148 = arith.select %eq3A_145, %iota3A, %broadcast_in_dim3A_147 : vector<64x1024xi1>, vector<64x1024xi32>
      %reduce_min3A = arith.constant dense<2147483647> : vector<64xi32>
      %reduce_min3A_149 = vector.multi_reduction <minsi>, %select_n3A_148, %reduce_min3A [1] : vector<64x1024xi32> to vector<64xi32>
      %broadcast_in_dim3A_150 = vector.shape_cast %reduce_min3A_149 : vector<64xi32> to vector<64x1xi32>
      %eq3A_151 = vector.broadcast %broadcast_in_dim3A_150 : vector<64x1xi32> to vector<64x1024xi32>
      %eq3A_152 = arith.cmpi eq, %iota3A, %eq3A_151 : vector<64x1024xi32>
      %jit3A_153 = arith.constant 0.000000e+00 : f32
      %broadcast_in_dim3A_154 = vector.broadcast %jit3A_153 : f32 to vector<64x1024xf32>
      %select_n3A_155 = arith.select %eq3A_152, %add3A_89, %broadcast_in_dim3A_154 : vector<64x1024xi1>, vector<64x1024xf32>
      %reduce_sum3A_156 = arith.constant dense<0.000000e+00> : vector<64xf32>
      %reduce_sum3A_157 = vector.multi_reduction <add>, %select_n3A_155, %reduce_sum3A_156 [1] : vector<64x1024xf32> to vector<64xf32>
      %broadcast_in_dim3A_158 = vector.shape_cast %reduce_sum3A_157 : vector<64xf32> to vector<64x1xf32>
      %eq3A_159 = arith.constant 0 : i32
      %eq3A_160 = vector.broadcast %eq3A_159 : i32 to vector<64x256xi32>
      %eq3A_161 = arith.cmpi eq, %select_n3A, %eq3A_160 : vector<64x256xi32>
      %mul3A_162 = arith.constant 64 : i32
      %mul3A_163 = vector.broadcast %mul3A_162 : i32 to vector<64x1xi32>
      %mul3A_164 = arith.muli %broadcast_in_dim3A_150, %mul3A_163 : vector<64x1xi32>
      %broadcast_in_dim3A_165 = vector.shape_cast %mul3A_164 : vector<64x1xi32> to vector<64x1xi32>
      %broadcast_in_dim3A_166 = vector.broadcast %broadcast_in_dim3A_165 : vector<64x1xi32> to vector<64x256xi32>
      %select_n3A_167 = arith.select %eq3A_161, %broadcast_in_dim3A_166, %broadcast_in_dim3A_139 : vector<64x256xi1>, vector<64x256xi32>
      %eq3A_168 = arith.constant 0 : i32
      %eq3A_169 = vector.broadcast %eq3A_168 : i32 to vector<64x128xi32>
      %eq3A_170 = arith.cmpi eq, %iota3A_90, %eq3A_169 : vector<64x128xi32>
      %broadcast_in_dim3A_171 = vector.shape_cast %broadcast_in_dim3A_158 : vector<64x1xf32> to vector<64x1xf32>
      %broadcast_in_dim3A_172 = vector.broadcast %broadcast_in_dim3A_171 : vector<64x1xf32> to vector<64x128xf32>
      %select_n3A_173 = arith.select %eq3A_170, %broadcast_in_dim3A_172, %broadcast_in_dim3A_141 : vector<64x128xi1>, vector<64x128xf32>
      %jit3A_174 = arith.constant 0xFF800000 : f32
      %broadcast_in_dim3A_175 = vector.broadcast %jit3A_174 : f32 to vector<64x1024xf32>
      %select_n3A_176 = arith.select %eq3A_152, %broadcast_in_dim3A_175, %dot_general3A_63 : vector<64x1024xi1>, vector<64x1024xf32>
      %reduce_max3A_177 = arith.constant dense<0xFF800000> : vector<64xf32>
      %reduce_max3A_178 = vector.multi_reduction <maximumf>, %select_n3A_176, %reduce_max3A_177 [1] : vector<64x1024xf32> to vector<64xf32>
      %broadcast_in_dim3A_179 = vector.shape_cast %reduce_max3A_178 : vector<64xf32> to vector<64x1xf32>
      %eq3A_180 = vector.broadcast %broadcast_in_dim3A_179 : vector<64x1xf32> to vector<64x1024xf32>
      %eq3A_181 = arith.cmpf oeq, %select_n3A_176, %eq3A_180 : vector<64x1024xf32>
      %jit3A_182 = arith.constant 1024 : i32
      %broadcast_in_dim3A_183 = vector.broadcast %jit3A_182 : i32 to vector<64x1024xi32>
      %select_n3A_184 = arith.select %eq3A_181, %iota3A, %broadcast_in_dim3A_183 : vector<64x1024xi1>, vector<64x1024xi32>
      %reduce_min3A_185 = arith.constant dense<2147483647> : vector<64xi32>
      %reduce_min3A_186 = vector.multi_reduction <minsi>, %select_n3A_184, %reduce_min3A_185 [1] : vector<64x1024xi32> to vector<64xi32>
      %broadcast_in_dim3A_187 = vector.shape_cast %reduce_min3A_186 : vector<64xi32> to vector<64x1xi32>
      %eq3A_188 = vector.broadcast %broadcast_in_dim3A_187 : vector<64x1xi32> to vector<64x1024xi32>
      %eq3A_189 = arith.cmpi eq, %iota3A, %eq3A_188 : vector<64x1024xi32>
      %jit3A_190 = arith.constant 0.000000e+00 : f32
      %broadcast_in_dim3A_191 = vector.broadcast %jit3A_190 : f32 to vector<64x1024xf32>
      %select_n3A_192 = arith.select %eq3A_189, %add3A_89, %broadcast_in_dim3A_191 : vector<64x1024xi1>, vector<64x1024xf32>
      %reduce_sum3A_193 = arith.constant dense<0.000000e+00> : vector<64xf32>
      %reduce_sum3A_194 = vector.multi_reduction <add>, %select_n3A_192, %reduce_sum3A_193 [1] : vector<64x1024xf32> to vector<64xf32>
      %broadcast_in_dim3A_195 = vector.shape_cast %reduce_sum3A_194 : vector<64xf32> to vector<64x1xf32>
      %eq3A_196 = arith.constant 1 : i32
      %eq3A_197 = vector.broadcast %eq3A_196 : i32 to vector<64x256xi32>
      %eq3A_198 = arith.cmpi eq, %select_n3A, %eq3A_197 : vector<64x256xi32>
      %mul3A_199 = arith.constant 64 : i32
      %mul3A_200 = vector.broadcast %mul3A_199 : i32 to vector<64x1xi32>
      %mul3A_201 = arith.muli %broadcast_in_dim3A_187, %mul3A_200 : vector<64x1xi32>
      %broadcast_in_dim3A_202 = vector.shape_cast %mul3A_201 : vector<64x1xi32> to vector<64x1xi32>
      %broadcast_in_dim3A_203 = vector.broadcast %broadcast_in_dim3A_202 : vector<64x1xi32> to vector<64x256xi32>
      %select_n3A_204 = arith.select %eq3A_198, %broadcast_in_dim3A_203, %select_n3A_167 : vector<64x256xi1>, vector<64x256xi32>
      %eq3A_205 = arith.constant 1 : i32
      %eq3A_206 = vector.broadcast %eq3A_205 : i32 to vector<64x128xi32>
      %eq3A_207 = arith.cmpi eq, %iota3A_90, %eq3A_206 : vector<64x128xi32>
      %broadcast_in_dim3A_208 = vector.shape_cast %broadcast_in_dim3A_195 : vector<64x1xf32> to vector<64x1xf32>
      %broadcast_in_dim3A_209 = vector.broadcast %broadcast_in_dim3A_208 : vector<64x1xf32> to vector<64x128xf32>
      %select_n3A_210 = arith.select %eq3A_207, %broadcast_in_dim3A_209, %select_n3A_173 : vector<64x128xi1>, vector<64x128xf32>
      %jit3A_211 = arith.constant 0xFF800000 : f32
      %broadcast_in_dim3A_212 = vector.broadcast %jit3A_211 : f32 to vector<64x1024xf32>
      %select_n3A_213 = arith.select %eq3A_189, %broadcast_in_dim3A_212, %select_n3A_176 : vector<64x1024xi1>, vector<64x1024xf32>
      %reduce_max3A_214 = arith.constant dense<0xFF800000> : vector<64xf32>
      %reduce_max3A_215 = vector.multi_reduction <maximumf>, %select_n3A_213, %reduce_max3A_214 [1] : vector<64x1024xf32> to vector<64xf32>
      %broadcast_in_dim3A_216 = vector.shape_cast %reduce_max3A_215 : vector<64xf32> to vector<64x1xf32>
      %eq3A_217 = vector.broadcast %broadcast_in_dim3A_216 : vector<64x1xf32> to vector<64x1024xf32>
      %eq3A_218 = arith.cmpf oeq, %select_n3A_213, %eq3A_217 : vector<64x1024xf32>
      %jit3A_219 = arith.constant 1024 : i32
      %broadcast_in_dim3A_220 = vector.broadcast %jit3A_219 : i32 to vector<64x1024xi32>
      %select_n3A_221 = arith.select %eq3A_218, %iota3A, %broadcast_in_dim3A_220 : vector<64x1024xi1>, vector<64x1024xi32>
      %reduce_min3A_222 = arith.constant dense<2147483647> : vector<64xi32>
      %reduce_min3A_223 = vector.multi_reduction <minsi>, %select_n3A_221, %reduce_min3A_222 [1] : vector<64x1024xi32> to vector<64xi32>
      %broadcast_in_dim3A_224 = vector.shape_cast %reduce_min3A_223 : vector<64xi32> to vector<64x1xi32>
      %eq3A_225 = vector.broadcast %broadcast_in_dim3A_224 : vector<64x1xi32> to vector<64x1024xi32>
      %eq3A_226 = arith.cmpi eq, %iota3A, %eq3A_225 : vector<64x1024xi32>
      %jit3A_227 = arith.constant 0.000000e+00 : f32
      %broadcast_in_dim3A_228 = vector.broadcast %jit3A_227 : f32 to vector<64x1024xf32>
      %select_n3A_229 = arith.select %eq3A_226, %add3A_89, %broadcast_in_dim3A_228 : vector<64x1024xi1>, vector<64x1024xf32>
      %reduce_sum3A_230 = arith.constant dense<0.000000e+00> : vector<64xf32>
      %reduce_sum3A_231 = vector.multi_reduction <add>, %select_n3A_229, %reduce_sum3A_230 [1] : vector<64x1024xf32> to vector<64xf32>
      %broadcast_in_dim3A_232 = vector.shape_cast %reduce_sum3A_231 : vector<64xf32> to vector<64x1xf32>
      %eq3A_233 = arith.constant 2 : i32
      %eq3A_234 = vector.broadcast %eq3A_233 : i32 to vector<64x256xi32>
      %eq3A_235 = arith.cmpi eq, %select_n3A, %eq3A_234 : vector<64x256xi32>
      %mul3A_236 = arith.constant 64 : i32
      %mul3A_237 = vector.broadcast %mul3A_236 : i32 to vector<64x1xi32>
      %mul3A_238 = arith.muli %broadcast_in_dim3A_224, %mul3A_237 : vector<64x1xi32>
      %broadcast_in_dim3A_239 = vector.shape_cast %mul3A_238 : vector<64x1xi32> to vector<64x1xi32>
      %broadcast_in_dim3A_240 = vector.broadcast %broadcast_in_dim3A_239 : vector<64x1xi32> to vector<64x256xi32>
      %select_n3A_241 = arith.select %eq3A_235, %broadcast_in_dim3A_240, %select_n3A_204 : vector<64x256xi1>, vector<64x256xi32>
      %eq3A_242 = arith.constant 2 : i32
      %eq3A_243 = vector.broadcast %eq3A_242 : i32 to vector<64x128xi32>
      %eq3A_244 = arith.cmpi eq, %iota3A_90, %eq3A_243 : vector<64x128xi32>
      %broadcast_in_dim3A_245 = vector.shape_cast %broadcast_in_dim3A_232 : vector<64x1xf32> to vector<64x1xf32>
      %broadcast_in_dim3A_246 = vector.broadcast %broadcast_in_dim3A_245 : vector<64x1xf32> to vector<64x128xf32>
      %select_n3A_247 = arith.select %eq3A_244, %broadcast_in_dim3A_246, %select_n3A_210 : vector<64x128xi1>, vector<64x128xf32>
      %jit3A_248 = arith.constant 0xFF800000 : f32
      %broadcast_in_dim3A_249 = vector.broadcast %jit3A_248 : f32 to vector<64x1024xf32>
      %select_n3A_250 = arith.select %eq3A_226, %broadcast_in_dim3A_249, %select_n3A_213 : vector<64x1024xi1>, vector<64x1024xf32>
      %reduce_max3A_251 = arith.constant dense<0xFF800000> : vector<64xf32>
      %reduce_max3A_252 = vector.multi_reduction <maximumf>, %select_n3A_250, %reduce_max3A_251 [1] : vector<64x1024xf32> to vector<64xf32>
      %broadcast_in_dim3A_253 = vector.shape_cast %reduce_max3A_252 : vector<64xf32> to vector<64x1xf32>
      %eq3A_254 = vector.broadcast %broadcast_in_dim3A_253 : vector<64x1xf32> to vector<64x1024xf32>
      %eq3A_255 = arith.cmpf oeq, %select_n3A_250, %eq3A_254 : vector<64x1024xf32>
      %jit3A_256 = arith.constant 1024 : i32
      %broadcast_in_dim3A_257 = vector.broadcast %jit3A_256 : i32 to vector<64x1024xi32>
      %select_n3A_258 = arith.select %eq3A_255, %iota3A, %broadcast_in_dim3A_257 : vector<64x1024xi1>, vector<64x1024xi32>
      %reduce_min3A_259 = arith.constant dense<2147483647> : vector<64xi32>
      %reduce_min3A_260 = vector.multi_reduction <minsi>, %select_n3A_258, %reduce_min3A_259 [1] : vector<64x1024xi32> to vector<64xi32>
      %broadcast_in_dim3A_261 = vector.shape_cast %reduce_min3A_260 : vector<64xi32> to vector<64x1xi32>
      %eq3A_262 = vector.broadcast %broadcast_in_dim3A_261 : vector<64x1xi32> to vector<64x1024xi32>
      %eq3A_263 = arith.cmpi eq, %iota3A, %eq3A_262 : vector<64x1024xi32>
      %jit3A_264 = arith.constant 0.000000e+00 : f32
      %broadcast_in_dim3A_265 = vector.broadcast %jit3A_264 : f32 to vector<64x1024xf32>
      %select_n3A_266 = arith.select %eq3A_263, %add3A_89, %broadcast_in_dim3A_265 : vector<64x1024xi1>, vector<64x1024xf32>
      %reduce_sum3A_267 = arith.constant dense<0.000000e+00> : vector<64xf32>
      %reduce_sum3A_268 = vector.multi_reduction <add>, %select_n3A_266, %reduce_sum3A_267 [1] : vector<64x1024xf32> to vector<64xf32>
      %broadcast_in_dim3A_269 = vector.shape_cast %reduce_sum3A_268 : vector<64xf32> to vector<64x1xf32>
      %eq3A_270 = arith.constant 3 : i32
      %eq3A_271 = vector.broadcast %eq3A_270 : i32 to vector<64x256xi32>
      %eq3A_272 = arith.cmpi eq, %select_n3A, %eq3A_271 : vector<64x256xi32>
      %mul3A_273 = arith.constant 64 : i32
      %mul3A_274 = vector.broadcast %mul3A_273 : i32 to vector<64x1xi32>
      %mul3A_275 = arith.muli %broadcast_in_dim3A_261, %mul3A_274 : vector<64x1xi32>
      %broadcast_in_dim3A_276 = vector.shape_cast %mul3A_275 : vector<64x1xi32> to vector<64x1xi32>
      %broadcast_in_dim3A_277 = vector.broadcast %broadcast_in_dim3A_276 : vector<64x1xi32> to vector<64x256xi32>
      %select_n3A_278 = arith.select %eq3A_272, %broadcast_in_dim3A_277, %select_n3A_241 : vector<64x256xi1>, vector<64x256xi32>
      %eq3A_279 = arith.constant 3 : i32
      %eq3A_280 = vector.broadcast %eq3A_279 : i32 to vector<64x128xi32>
      %eq3A_281 = arith.cmpi eq, %iota3A_90, %eq3A_280 : vector<64x128xi32>
      %broadcast_in_dim3A_282 = vector.shape_cast %broadcast_in_dim3A_269 : vector<64x1xf32> to vector<64x1xf32>
      %broadcast_in_dim3A_283 = vector.broadcast %broadcast_in_dim3A_282 : vector<64x1xf32> to vector<64x128xf32>
      %select_n3A_284 = arith.select %eq3A_281, %broadcast_in_dim3A_283, %select_n3A_247 : vector<64x128xi1>, vector<64x128xf32>
      %add3A_285 = arith.addi %select_n3A_278, %select_n3A_137 : vector<64x256xi32>
      %reduce_max3A_286 = arith.constant dense<0xFF800000> : vector<64xf32>
      %reduce_max3A_287 = vector.multi_reduction <maximumf>, %select_n3A_284, %reduce_max3A_286 [1] : vector<64x128xf32> to vector<64xf32>
      %broadcast_in_dim3A_288 = vector.shape_cast %reduce_max3A_287 : vector<64xf32> to vector<64x1xf32>
      %sub3A_289 = vector.broadcast %broadcast_in_dim3A_288 : vector<64x1xf32> to vector<64x128xf32>
      %sub3A_290 = arith.subf %select_n3A_284, %sub3A_289 : vector<64x128xf32>
      %exp3A = math.exp %sub3A_290 : vector<64x128xf32>
      %reduce_sum3A_291 = arith.constant dense<0.000000e+00> : vector<64xf32>
      %reduce_sum3A_292 = vector.multi_reduction <add>, %exp3A, %reduce_sum3A_291 [1] : vector<64x128xf32> to vector<64xf32>
      %broadcast_in_dim3A_293 = vector.shape_cast %reduce_sum3A_292 : vector<64xf32> to vector<64x1xf32>
      %div3A_294 = vector.broadcast %broadcast_in_dim3A_293 : vector<64x1xf32> to vector<64x128xf32>
      %div3A_295 = arith.divf %exp3A, %div3A_294 : vector<64x128xf32>
      %swap3A_296 = arith.constant 0 : index
      %swap3A_297 = arith.constant 0 : index
      %swap3A_298 = vector.load %arg13[%swap3A_296, %swap3A_297] : memref<64x256xi32, #tpu.memory_space<vmem>>, vector<64x256xi32>
      tpu.vector_store %arg13[%swap3A_296, %swap3A_297], %add3A_285 {strides = array<i32>} : memref<64x256xi32, #tpu.memory_space<vmem>>, vector<64x256xi32>,
      %reshape3A = vector.shape_cast %div3A_295 : vector<64x128xf32> to vector<64x1x128xf32>
      %swap3A_299 = arith.constant 0 : index
      %swap3A_300 = arith.constant 0 : index
      %swap3A_301 = arith.constant 0 : index
      %swap3A_302 = vector.load %arg14[%swap3A_299, %swap3A_300, %swap3A_301] : memref<64x1x128xf32, #tpu.memory_space<vmem>>, vector<64x1x128xf32>
      tpu.vector_store %arg14[%swap3A_299, %swap3A_300, %swap3A_301], %reshape3A {strides = array<i32>} : memref<64x1x128xf32, #tpu.memory_space<vmem>>, vector<64x1x128xf32>,
      %get3A_303 = arith.constant 0 : index
      %get3A_304 = arith.constant 0 : index
      %get3A_305 = vector.load %arg18[%get3A_303, %get3A_304] : memref<1024x512xf32, #tpu.memory_space<vmem>>, vector<1024x512xf32>
      %get3A_306 = arith.constant 0 : index
      %get3A_307 = arith.constant 0 : index
      %get3A_308 = arith.constant 0 : index
      %get3A_309 = vector.load %arg4[%get3A_306, %get3A_307, %get3A_308] : memref<64x64x512xf32, #tpu.memory_space<vmem>>, vector<64x64x512xf32>
      %reduce_sum3A_310 = arith.constant dense<0.000000e+00> : vector<64x512xf32>
      %reduce_sum3A_311 = vector.multi_reduction <add>, %get3A_309, %reduce_sum3A_310 [1] : vector<64x64x512xf32> to vector<64x512xf32>
      %div3A_312 = arith.constant 6.400000e+01 : f32
      %div3A_313 = vector.broadcast %div3A_312 : f32 to vector<64x512xf32>
      %div3A_314 = arith.divf %reduce_sum3A_311, %div3A_313 : vector<64x512xf32>
      %mul3A_315 = arith.mulf %div3A_314, %div3A_314 : vector<64x512xf32>
      %reduce_sum3A_316 = arith.constant dense<0.000000e+00> : vector<64xf32>
      %reduce_sum3A_317 = vector.multi_reduction <add>, %mul3A_315, %reduce_sum3A_316 [1] : vector<64x512xf32> to vector<64xf32>
      %broadcast_in_dim3A_318 = vector.shape_cast %reduce_sum3A_317 : vector<64xf32> to vector<64x1xf32>
      %sqrt3A_319 = math.sqrt %broadcast_in_dim3A_318 : vector<64x1xf32>
      %max3A_320 = arith.constant 9.99999993E-9 : f32
      %max3A_321 = vector.broadcast %max3A_320 : f32 to vector<64x1xf32>
      %max3A_322 = arith.maximumf %sqrt3A_319, %max3A_321 : vector<64x1xf32>
      %div3A_323 = vector.broadcast %max3A_322 : vector<64x1xf32> to vector<64x512xf32>
      %div3A_324 = arith.divf %div3A_314, %div3A_323 : vector<64x512xf32>
      %mul3A_325 = arith.mulf %get3A_305, %get3A_305 : vector<1024x512xf32>
      %reduce_sum3A_326 = arith.constant dense<0.000000e+00> : vector<1024xf32>
      %reduce_sum3A_327 = vector.multi_reduction <add>, %mul3A_325, %reduce_sum3A_326 [1] : vector<1024x512xf32> to vector<1024xf32>
      %broadcast_in_dim3A_328 = vector.shape_cast %reduce_sum3A_327 : vector<1024xf32> to vector<1024x1xf32>
      %sqrt3A_329 = math.sqrt %broadcast_in_dim3A_328 : vector<1024x1xf32>
      %max3A_330 = arith.constant 9.99999993E-9 : f32
      %max3A_331 = vector.broadcast %max3A_330 : f32 to vector<1024x1xf32>
      %max3A_332 = arith.maximumf %sqrt3A_329, %max3A_331 : vector<1024x1xf32>
      %div3A_333 = vector.broadcast %max3A_332 : vector<1024x1xf32> to vector<1024x512xf32>
      %div3A_334 = arith.divf %get3A_305, %div3A_333 : vector<1024x512xf32>
      %reduce_sum3A_335 = arith.constant dense<0.000000e+00> : vector<1024xf32>
      %reduce_sum3A_336 = vector.multi_reduction <add>, %get3A_305, %reduce_sum3A_335 [1] : vector<1024x512xf32> to vector<1024xf32>
      %broadcast_in_dim3A_337 = vector.shape_cast %reduce_sum3A_336 : vector<1024xf32> to vector<1024x1xf32>
      %ne3A_338 = arith.constant 0.000000e+00 : f32
      %ne3A_339 = vector.broadcast %ne3A_338 : f32 to vector<1024x1xf32>
      %ne3A_340 = arith.cmpf one, %broadcast_in_dim3A_337, %ne3A_339 : vector<1024x1xf32>
      %convert_element_type3A_341 = arith.extui %ne3A_340 : vector<1024x1xi1> to vector<1024x1xi32>
      %convert_element_type3A_342 = arith.sitofp %convert_element_type3A_341 : vector<1024x1xi32> to vector<1024x1xf32>
      %mul3A_343 = vector.broadcast %convert_element_type3A_342 : vector<1024x1xf32> to vector<1024x512xf32>
      %mul3A_344 = arith.mulf %div3A_334, %mul3A_343 : vector<1024x512xf32>
      %dot_general3A_345 = arith.constant dense<0.000000e+00> : vector<64x1024xf32>
      %dot_general3A_346 = tpu.matmul %div3A_324, %mul3A_344, %dot_general3A_345 {dimension_numbers = #tpu.dot_dimension_numbers<[1], [1], [0], [0], [0, 0, 1, 0], [], []>, transpose_lhs_hint = false} : vector<64x512xf32>, vector<1024x512xf32>, vector<64x1024xf32> -> vector<64x1024xf32>
      %get3A_347 = arith.constant 0 : index
      %get3A_348 = arith.constant 0 : index
      %get3A_349 = vector.load %arg9[%get3A_347, %get3A_348] : memref<512x512xf32, #tpu.memory_space<vmem>>, vector<512x512xf32>
      %dot_general3A_350 = arith.constant dense<0.000000e+00> : vector<64x512xf32>
      %dot_general3A_351 = tpu.matmul %div3A_314, %get3A_349, %dot_general3A_350 {dimension_numbers = #tpu.dot_dimension_numbers<[1], [1], [0], [0], [0, 0, 1, 0], [], []>, transpose_lhs_hint = false} : vector<64x512xf32>, vector<512x512xf32>, vector<64x512xf32> -> vector<64x512xf32>
      %get3A_352 = arith.constant 0 : index
      %get3A_353 = arith.constant 0 : index
      %get3A_354 = vector.load %arg10[%get3A_352, %get3A_353] : memref<1x512xf32, #tpu.memory_space<vmem>>, vector<1x512xf32>
      %add3A_355 = vector.broadcast %get3A_354 : vector<1x512xf32> to vector<64x512xf32>
      %add3A_356 = arith.addf %dot_general3A_351, %add3A_355 : vector<64x512xf32>
      %get3A_357 = arith.constant 0 : index
      %get3A_358 = arith.constant 0 : index
      %get3A_359 = vector.load %arg11[%get3A_357, %get3A_358] : memref<512x512xf32, #tpu.memory_space<vmem>>, vector<512x512xf32>
      %dot_general3A_360 = arith.constant dense<0.000000e+00> : vector<64x512xf32>
      %dot_general3A_361 = tpu.matmul %add3A_356, %get3A_359, %dot_general3A_360 {dimension_numbers = #tpu.dot_dimension_numbers<[1], [0], [0], [1], [0, 0, 1, 1], [], []>, transpose_lhs_hint = false} : vector<64x512xf32>, vector<512x512xf32>, vector<64x512xf32> -> vector<64x512xf32>
      %get3A_362 = arith.constant 0 : index
      %get3A_363 = arith.constant 0 : index
      %get3A_364 = vector.load %arg12[%get3A_362, %get3A_363] : memref<1x512xf32, #tpu.memory_space<vmem>>, vector<1x512xf32>
      %mul3A_365 = vector.broadcast %get3A_364 : vector<1x512xf32> to vector<64x512xf32>
      %mul3A_366 = arith.mulf %add3A_356, %mul3A_365 : vector<64x512xf32>
      %reduce_sum3A_367 = arith.constant dense<0.000000e+00> : vector<64xf32>
      %reduce_sum3A_368 = vector.multi_reduction <add>, %mul3A_366, %reduce_sum3A_367 [1] : vector<64x512xf32> to vector<64xf32>
      %broadcast_in_dim3A_369 = vector.shape_cast %reduce_sum3A_368 : vector<64xf32> to vector<64x1xf32>
      %dot_general3A_370 = arith.constant dense<0.000000e+00> : vector<64x1024xf32>
      %dot_general3A_371 = tpu.matmul %dot_general3A_361, %get3A_305, %dot_general3A_370 {dimension_numbers = #tpu.dot_dimension_numbers<[1], [1], [0], [0], [0, 0, 1, 0], [], []>, transpose_lhs_hint = false} : vector<64x512xf32>, vector<1024x512xf32>, vector<64x1024xf32> -> vector<64x1024xf32>
      %add3A_372 = vector.broadcast %broadcast_in_dim3A_369 : vector<64x1xf32> to vector<64x1024xf32>
      %add3A_373 = arith.addf %dot_general3A_371, %add3A_372 : vector<64x1024xf32>
      %iota3A_374 = tpu.iota {dimensions = array<i32: 1>} : vector<64x1024xi32>
      %iota3A_375 = tpu.iota {dimensions = array<i32: 1>} : vector<64x128xi32>
      %iota3A_376 = tpu.iota {dimensions = array<i32: 1>} : vector<64x256xi32>
      %jit3A_377 = arith.constant 64 : i32
      %div3A_378 = vector.broadcast %jit3A_377 : i32 to vector<64x256xi32>
      %div3A_379 = arith.divsi %iota3A_376, %div3A_378 : vector<64x256xi32>
      %sign3A_380 = arith.constant 0 : i32
      %sign3A_381 = vector.broadcast %sign3A_380 : i32 to vector<64x256xi32>
      %sign3A_382 = arith.cmpi sgt, %iota3A_376, %sign3A_381 : vector<64x256xi32>
      %sign3A_383 = arith.extui %sign3A_382 : vector<64x256xi1> to vector<64x256xi32>
      %sign3A_384 = arith.constant 0 : i32
      %sign3A_385 = vector.broadcast %sign3A_384 : i32 to vector<64x256xi32>
      %sign3A_386 = arith.cmpi slt, %iota3A_376, %sign3A_385 : vector<64x256xi32>
      %sign3A_387 = arith.extui %sign3A_386 : vector<64x256xi1> to vector<64x256xi32>
      %sign3A_388 = arith.subi %sign3A_383, %sign3A_387 : vector<64x256xi32>
      %sign3A_389 = arith.constant 0 : i32
      %sign3A_390 = arith.cmpi sgt, %jit3A_377, %sign3A_389 : i32
      %sign3A_391 = arith.extui %sign3A_390 : i1 to i32
      %sign3A_392 = arith.constant 0 : i32
      %sign3A_393 = arith.cmpi slt, %jit3A_377, %sign3A_392 : i32
      %sign3A_394 = arith.extui %sign3A_393 : i1 to i32
      %sign3A_395 = arith.subi %sign3A_391, %sign3A_394 : i32
      %ne3A_396 = vector.broadcast %sign3A_395 : i32 to vector<64x256xi32>
      %ne3A_397 = arith.cmpi ne, %sign3A_388, %ne3A_396 : vector<64x256xi32>
      %rem3A_398 = vector.broadcast %jit3A_377 : i32 to vector<64x256xi32>
      %rem3A_399 = arith.remsi %iota3A_376, %rem3A_398 : vector<64x256xi32>
      %ne3A_400 = arith.constant 0 : i32
      %ne3A_401 = vector.broadcast %ne3A_400 : i32 to vector<64x256xi32>
      %ne3A_402 = arith.cmpi ne, %rem3A_399, %ne3A_401 : vector<64x256xi32>
      %and3A_403 = arith.andi %ne3A_397, %ne3A_402 : vector<64x256xi1>
      %sub3A_404 = arith.constant 1 : i32
      %sub3A_405 = vector.broadcast %sub3A_404 : i32 to vector<64x256xi32>
      %sub3A_406 = arith.subi %div3A_379, %sub3A_405 : vector<64x256xi32>
      %select_n3A_407 = arith.select %and3A_403, %sub3A_406, %div3A_379 : vector<64x256xi1>, vector<64x256xi32>
      %jit3A_408 = arith.constant 64 : i32
      %eq3A_409 = arith.constant 0 : i32
      %eq3A_410 = arith.cmpi eq, %jit3A_408, %eq3A_409 : i32
      %jit3A_411 = arith.constant 1 : i32
      %select_n3A_412 = arith.select %eq3A_410, %jit3A_411, %jit3A_408 : i32
      %rem3A_413 = vector.broadcast %select_n3A_412 : i32 to vector<64x256xi32>
      %rem3A_414 = arith.remsi %iota3A_376, %rem3A_413 : vector<64x256xi32>
      %ne3A_415 = arith.constant 0 : i32
      %ne3A_416 = vector.broadcast %ne3A_415 : i32 to vector<64x256xi32>
      %ne3A_417 = arith.cmpi ne, %rem3A_414, %ne3A_416 : vector<64x256xi32>
      %lt3A_418 = arith.constant 0 : i32
      %lt3A_419 = vector.broadcast %lt3A_418 : i32 to vector<64x256xi32>
      %lt3A_420 = arith.cmpi slt, %rem3A_414, %lt3A_419 : vector<64x256xi32>
      %lt3A_421 = arith.constant 0 : i32
      %lt3A_422 = arith.cmpi slt, %select_n3A_412, %lt3A_421 : i32
      %ne3A_423 = vector.broadcast %lt3A_422 : i1 to vector<64x256xi1>
      %ne3A_424 = vector.broadcast %ne3A_423 : vector<64x256xi1> to vector<64x256xi1>
      %ne3A_425 = arith.xori %lt3A_420, %ne3A_424 : vector<64x256xi1>
      %and3A_426 = arith.andi %ne3A_425, %ne3A_417 : vector<64x256xi1>
      %add3A_427 = vector.broadcast %select_n3A_412 : i32 to vector<64x256xi32>
      %add3A_428 = arith.addi %rem3A_414, %add3A_427 : vector<64x256xi32>
      %select_n3A_429 = arith.select %and3A_426, %add3A_428, %rem3A_414 : vector<64x256xi1>, vector<64x256xi32>
      %broadcast_in_dim3A_430 = arith.constant 0 : i32
      %broadcast_in_dim3A_431 = vector.broadcast %broadcast_in_dim3A_430 : i32 to vector<64x256xi32>
      %broadcast_in_dim3A_432 = arith.constant 0xFF800000 : f32
      %broadcast_in_dim3A_433 = vector.broadcast %broadcast_in_dim3A_432 : f32 to vector<64x128xf32>
      %reduce_max3A_434 = arith.constant dense<0xFF800000> : vector<64xf32>
      %reduce_max3A_435 = vector.multi_reduction <maximumf>, %dot_general3A_346, %reduce_max3A_434 [1] : vector<64x1024xf32> to vector<64xf32>
      %broadcast_in_dim3A_436 = vector.shape_cast %reduce_max3A_435 : vector<64xf32> to vector<64x1xf32>
      %eq3A_437 = vector.broadcast %broadcast_in_dim3A_436 : vector<64x1xf32> to vector<64x1024xf32>
      %eq3A_438 = arith.cmpf oeq, %dot_general3A_346, %eq3A_437 : vector<64x1024xf32>
      %jit3A_439 = arith.constant 1024 : i32
      %broadcast_in_dim3A_440 = vector.broadcast %jit3A_439 : i32 to vector<64x1024xi32>
      %select_n3A_441 = arith.select %eq3A_438, %iota3A_374, %broadcast_in_dim3A_440 : vector<64x1024xi1>, vector<64x1024xi32>
      %reduce_min3A_442 = arith.constant dense<2147483647> : vector<64xi32>
      %reduce_min3A_443 = vector.multi_reduction <minsi>, %select_n3A_441, %reduce_min3A_442 [1] : vector<64x1024xi32> to vector<64xi32>
      %broadcast_in_dim3A_444 = vector.shape_cast %reduce_min3A_443 : vector<64xi32> to vector<64x1xi32>
      %eq3A_445 = vector.broadcast %broadcast_in_dim3A_444 : vector<64x1xi32> to vector<64x1024xi32>
      %eq3A_446 = arith.cmpi eq, %iota3A_374, %eq3A_445 : vector<64x1024xi32>
      %jit3A_447 = arith.constant 0.000000e+00 : f32
      %broadcast_in_dim3A_448 = vector.broadcast %jit3A_447 : f32 to vector<64x1024xf32>
      %select_n3A_449 = arith.select %eq3A_446, %add3A_373, %broadcast_in_dim3A_448 : vector<64x1024xi1>, vector<64x1024xf32>
      %reduce_sum3A_450 = arith.constant dense<0.000000e+00> : vector<64xf32>
      %reduce_sum3A_451 = vector.multi_reduction <add>, %select_n3A_449, %reduce_sum3A_450 [1] : vector<64x1024xf32> to vector<64xf32>
      %broadcast_in_dim3A_452 = vector.shape_cast %reduce_sum3A_451 : vector<64xf32> to vector<64x1xf32>
      %eq3A_453 = arith.constant 0 : i32
      %eq3A_454 = vector.broadcast %eq3A_453 : i32 to vector<64x256xi32>
      %eq3A_455 = arith.cmpi eq, %select_n3A_407, %eq3A_454 : vector<64x256xi32>
      %mul3A_456 = arith.constant 64 : i32
      %mul3A_457 = vector.broadcast %mul3A_456 : i32 to vector<64x1xi32>
      %mul3A_458 = arith.muli %broadcast_in_dim3A_444, %mul3A_457 : vector<64x1xi32>
      %broadcast_in_dim3A_459 = vector.shape_cast %mul3A_458 : vector<64x1xi32> to vector<64x1xi32>
      %broadcast_in_dim3A_460 = vector.broadcast %broadcast_in_dim3A_459 : vector<64x1xi32> to vector<64x256xi32>
      %select_n3A_461 = arith.select %eq3A_455, %broadcast_in_dim3A_460, %broadcast_in_dim3A_431 : vector<64x256xi1>, vector<64x256xi32>
      %eq3A_462 = arith.constant 0 : i32
      %eq3A_463 = vector.broadcast %eq3A_462 : i32 to vector<64x128xi32>
      %eq3A_464 = arith.cmpi eq, %iota3A_375, %eq3A_463 : vector<64x128xi32>
      %broadcast_in_dim3A_465 = vector.shape_cast %broadcast_in_dim3A_452 : vector<64x1xf32> to vector<64x1xf32>
      %broadcast_in_dim3A_466 = vector.broadcast %broadcast_in_dim3A_465 : vector<64x1xf32> to vector<64x128xf32>
      %select_n3A_467 = arith.select %eq3A_464, %broadcast_in_dim3A_466, %broadcast_in_dim3A_433 : vector<64x128xi1>, vector<64x128xf32>
      %jit3A_468 = arith.constant 0xFF800000 : f32
      %broadcast_in_dim3A_469 = vector.broadcast %jit3A_468 : f32 to vector<64x1024xf32>
      %select_n3A_470 = arith.select %eq3A_446, %broadcast_in_dim3A_469, %dot_general3A_346 : vector<64x1024xi1>, vector<64x1024xf32>
      %reduce_max3A_471 = arith.constant dense<0xFF800000> : vector<64xf32>
      %reduce_max3A_472 = vector.multi_reduction <maximumf>, %select_n3A_470, %reduce_max3A_471 [1] : vector<64x1024xf32> to vector<64xf32>
      %broadcast_in_dim3A_473 = vector.shape_cast %reduce_max3A_472 : vector<64xf32> to vector<64x1xf32>
      %eq3A_474 = vector.broadcast %broadcast_in_dim3A_473 : vector<64x1xf32> to vector<64x1024xf32>
      %eq3A_475 = arith.cmpf oeq, %select_n3A_470, %eq3A_474 : vector<64x1024xf32>
      %jit3A_476 = arith.constant 1024 : i32
      %broadcast_in_dim3A_477 = vector.broadcast %jit3A_476 : i32 to vector<64x1024xi32>
      %select_n3A_478 = arith.select %eq3A_475, %iota3A_374, %broadcast_in_dim3A_477 : vector<64x1024xi1>, vector<64x1024xi32>
      %reduce_min3A_479 = arith.constant dense<2147483647> : vector<64xi32>
      %reduce_min3A_480 = vector.multi_reduction <minsi>, %select_n3A_478, %reduce_min3A_479 [1] : vector<64x1024xi32> to vector<64xi32>
      %broadcast_in_dim3A_481 = vector.shape_cast %reduce_min3A_480 : vector<64xi32> to vector<64x1xi32>
      %eq3A_482 = vector.broadcast %broadcast_in_dim3A_481 : vector<64x1xi32> to vector<64x1024xi32>
      %eq3A_483 = arith.cmpi eq, %iota3A_374, %eq3A_482 : vector<64x1024xi32>
      %jit3A_484 = arith.constant 0.000000e+00 : f32
      %broadcast_in_dim3A_485 = vector.broadcast %jit3A_484 : f32 to vector<64x1024xf32>
      %select_n3A_486 = arith.select %eq3A_483, %add3A_373, %broadcast_in_dim3A_485 : vector<64x1024xi1>, vector<64x1024xf32>
      %reduce_sum3A_487 = arith.constant dense<0.000000e+00> : vector<64xf32>
      %reduce_sum3A_488 = vector.multi_reduction <add>, %select_n3A_486, %reduce_sum3A_487 [1] : vector<64x1024xf32> to vector<64xf32>
      %broadcast_in_dim3A_489 = vector.shape_cast %reduce_sum3A_488 : vector<64xf32> to vector<64x1xf32>
      %eq3A_490 = arith.constant 1 : i32
      %eq3A_491 = vector.broadcast %eq3A_490 : i32 to vector<64x256xi32>
      %eq3A_492 = arith.cmpi eq, %select_n3A_407, %eq3A_491 : vector<64x256xi32>
      %mul3A_493 = arith.constant 64 : i32
      %mul3A_494 = vector.broadcast %mul3A_493 : i32 to vector<64x1xi32>
      %mul3A_495 = arith.muli %broadcast_in_dim3A_481, %mul3A_494 : vector<64x1xi32>
      %broadcast_in_dim3A_496 = vector.shape_cast %mul3A_495 : vector<64x1xi32> to vector<64x1xi32>
      %broadcast_in_dim3A_497 = vector.broadcast %broadcast_in_dim3A_496 : vector<64x1xi32> to vector<64x256xi32>
      %select_n3A_498 = arith.select %eq3A_492, %broadcast_in_dim3A_497, %select_n3A_461 : vector<64x256xi1>, vector<64x256xi32>
      %eq3A_499 = arith.constant 1 : i32
      %eq3A_500 = vector.broadcast %eq3A_499 : i32 to vector<64x128xi32>
      %eq3A_501 = arith.cmpi eq, %iota3A_375, %eq3A_500 : vector<64x128xi32>
      %broadcast_in_dim3A_502 = vector.shape_cast %broadcast_in_dim3A_489 : vector<64x1xf32> to vector<64x1xf32>
      %broadcast_in_dim3A_503 = vector.broadcast %broadcast_in_dim3A_502 : vector<64x1xf32> to vector<64x128xf32>
      %select_n3A_504 = arith.select %eq3A_501, %broadcast_in_dim3A_503, %select_n3A_467 : vector<64x128xi1>, vector<64x128xf32>
      %jit3A_505 = arith.constant 0xFF800000 : f32
      %broadcast_in_dim3A_506 = vector.broadcast %jit3A_505 : f32 to vector<64x1024xf32>
      %select_n3A_507 = arith.select %eq3A_483, %broadcast_in_dim3A_506, %select_n3A_470 : vector<64x1024xi1>, vector<64x1024xf32>
      %reduce_max3A_508 = arith.constant dense<0xFF800000> : vector<64xf32>
      %reduce_max3A_509 = vector.multi_reduction <maximumf>, %select_n3A_507, %reduce_max3A_508 [1] : vector<64x1024xf32> to vector<64xf32>
      %broadcast_in_dim3A_510 = vector.shape_cast %reduce_max3A_509 : vector<64xf32> to vector<64x1xf32>
      %eq3A_511 = vector.broadcast %broadcast_in_dim3A_510 : vector<64x1xf32> to vector<64x1024xf32>
      %eq3A_512 = arith.cmpf oeq, %select_n3A_507, %eq3A_511 : vector<64x1024xf32>
      %jit3A_513 = arith.constant 1024 : i32
      %broadcast_in_dim3A_514 = vector.broadcast %jit3A_513 : i32 to vector<64x1024xi32>
      %select_n3A_515 = arith.select %eq3A_512, %iota3A_374, %broadcast_in_dim3A_514 : vector<64x1024xi1>, vector<64x1024xi32>
      %reduce_min3A_516 = arith.constant dense<2147483647> : vector<64xi32>
      %reduce_min3A_517 = vector.multi_reduction <minsi>, %select_n3A_515, %reduce_min3A_516 [1] : vector<64x1024xi32> to vector<64xi32>
      %broadcast_in_dim3A_518 = vector.shape_cast %reduce_min3A_517 : vector<64xi32> to vector<64x1xi32>
      %eq3A_519 = vector.broadcast %broadcast_in_dim3A_518 : vector<64x1xi32> to vector<64x1024xi32>
      %eq3A_520 = arith.cmpi eq, %iota3A_374, %eq3A_519 : vector<64x1024xi32>
      %jit3A_521 = arith.constant 0.000000e+00 : f32
      %broadcast_in_dim3A_522 = vector.broadcast %jit3A_521 : f32 to vector<64x1024xf32>
      %select_n3A_523 = arith.select %eq3A_520, %add3A_373, %broadcast_in_dim3A_522 : vector<64x1024xi1>, vector<64x1024xf32>
      %reduce_sum3A_524 = arith.constant dense<0.000000e+00> : vector<64xf32>
      %reduce_sum3A_525 = vector.multi_reduction <add>, %select_n3A_523, %reduce_sum3A_524 [1] : vector<64x1024xf32> to vector<64xf32>
      %broadcast_in_dim3A_526 = vector.shape_cast %reduce_sum3A_525 : vector<64xf32> to vector<64x1xf32>
      %eq3A_527 = arith.constant 2 : i32
      %eq3A_528 = vector.broadcast %eq3A_527 : i32 to vector<64x256xi32>
      %eq3A_529 = arith.cmpi eq, %select_n3A_407, %eq3A_528 : vector<64x256xi32>
      %mul3A_530 = arith.constant 64 : i32
      %mul3A_531 = vector.broadcast %mul3A_530 : i32 to vector<64x1xi32>
      %mul3A_532 = arith.muli %broadcast_in_dim3A_518, %mul3A_531 : vector<64x1xi32>
      %broadcast_in_dim3A_533 = vector.shape_cast %mul3A_532 : vector<64x1xi32> to vector<64x1xi32>
      %broadcast_in_dim3A_534 = vector.broadcast %broadcast_in_dim3A_533 : vector<64x1xi32> to vector<64x256xi32>
      %select_n3A_535 = arith.select %eq3A_529, %broadcast_in_dim3A_534, %select_n3A_498 : vector<64x256xi1>, vector<64x256xi32>
      %eq3A_536 = arith.constant 2 : i32
      %eq3A_537 = vector.broadcast %eq3A_536 : i32 to vector<64x128xi32>
      %eq3A_538 = arith.cmpi eq, %iota3A_375, %eq3A_537 : vector<64x128xi32>
      %broadcast_in_dim3A_539 = vector.shape_cast %broadcast_in_dim3A_526 : vector<64x1xf32> to vector<64x1xf32>
      %broadcast_in_dim3A_540 = vector.broadcast %broadcast_in_dim3A_539 : vector<64x1xf32> to vector<64x128xf32>
      %select_n3A_541 = arith.select %eq3A_538, %broadcast_in_dim3A_540, %select_n3A_504 : vector<64x128xi1>, vector<64x128xf32>
      %jit3A_542 = arith.constant 0xFF800000 : f32
      %broadcast_in_dim3A_543 = vector.broadcast %jit3A_542 : f32 to vector<64x1024xf32>
      %select_n3A_544 = arith.select %eq3A_520, %broadcast_in_dim3A_543, %select_n3A_507 : vector<64x1024xi1>, vector<64x1024xf32>
      %reduce_max3A_545 = arith.constant dense<0xFF800000> : vector<64xf32>
      %reduce_max3A_546 = vector.multi_reduction <maximumf>, %select_n3A_544, %reduce_max3A_545 [1] : vector<64x1024xf32> to vector<64xf32>
      %broadcast_in_dim3A_547 = vector.shape_cast %reduce_max3A_546 : vector<64xf32> to vector<64x1xf32>
      %eq3A_548 = vector.broadcast %broadcast_in_dim3A_547 : vector<64x1xf32> to vector<64x1024xf32>
      %eq3A_549 = arith.cmpf oeq, %select_n3A_544, %eq3A_548 : vector<64x1024xf32>
      %jit3A_550 = arith.constant 1024 : i32
      %broadcast_in_dim3A_551 = vector.broadcast %jit3A_550 : i32 to vector<64x1024xi32>
      %select_n3A_552 = arith.select %eq3A_549, %iota3A_374, %broadcast_in_dim3A_551 : vector<64x1024xi1>, vector<64x1024xi32>
      %reduce_min3A_553 = arith.constant dense<2147483647> : vector<64xi32>
      %reduce_min3A_554 = vector.multi_reduction <minsi>, %select_n3A_552, %reduce_min3A_553 [1] : vector<64x1024xi32> to vector<64xi32>
      %broadcast_in_dim3A_555 = vector.shape_cast %reduce_min3A_554 : vector<64xi32> to vector<64x1xi32>
      %eq3A_556 = vector.broadcast %broadcast_in_dim3A_555 : vector<64x1xi32> to vector<64x1024xi32>
      %eq3A_557 = arith.cmpi eq, %iota3A_374, %eq3A_556 : vector<64x1024xi32>
      %jit3A_558 = arith.constant 0.000000e+00 : f32
      %broadcast_in_dim3A_559 = vector.broadcast %jit3A_558 : f32 to vector<64x1024xf32>
      %select_n3A_560 = arith.select %eq3A_557, %add3A_373, %broadcast_in_dim3A_559 : vector<64x1024xi1>, vector<64x1024xf32>
      %reduce_sum3A_561 = arith.constant dense<0.000000e+00> : vector<64xf32>
      %reduce_sum3A_562 = vector.multi_reduction <add>, %select_n3A_560, %reduce_sum3A_561 [1] : vector<64x1024xf32> to vector<64xf32>
      %broadcast_in_dim3A_563 = vector.shape_cast %reduce_sum3A_562 : vector<64xf32> to vector<64x1xf32>
      %eq3A_564 = arith.constant 3 : i32
      %eq3A_565 = vector.broadcast %eq3A_564 : i32 to vector<64x256xi32>
      %eq3A_566 = arith.cmpi eq, %select_n3A_407, %eq3A_565 : vector<64x256xi32>
      %mul3A_567 = arith.constant 64 : i32
      %mul3A_568 = vector.broadcast %mul3A_567 : i32 to vector<64x1xi32>
      %mul3A_569 = arith.muli %broadcast_in_dim3A_555, %mul3A_568 : vector<64x1xi32>
      %broadcast_in_dim3A_570 = vector.shape_cast %mul3A_569 : vector<64x1xi32> to vector<64x1xi32>
      %broadcast_in_dim3A_571 = vector.broadcast %broadcast_in_dim3A_570 : vector<64x1xi32> to vector<64x256xi32>
      %select_n3A_572 = arith.select %eq3A_566, %broadcast_in_dim3A_571, %select_n3A_535 : vector<64x256xi1>, vector<64x256xi32>
      %eq3A_573 = arith.constant 3 : i32
      %eq3A_574 = vector.broadcast %eq3A_573 : i32 to vector<64x128xi32>
      %eq3A_575 = arith.cmpi eq, %iota3A_375, %eq3A_574 : vector<64x128xi32>
      %broadcast_in_dim3A_576 = vector.shape_cast %broadcast_in_dim3A_563 : vector<64x1xf32> to vector<64x1xf32>
      %broadcast_in_dim3A_577 = vector.broadcast %broadcast_in_dim3A_576 : vector<64x1xf32> to vector<64x128xf32>
      %select_n3A_578 = arith.select %eq3A_575, %broadcast_in_dim3A_577, %select_n3A_541 : vector<64x128xi1>, vector<64x128xf32>
      %add3A_579 = arith.addi %select_n3A_572, %select_n3A_429 : vector<64x256xi32>
      %reduce_max3A_580 = arith.constant dense<0xFF800000> : vector<64xf32>
      %reduce_max3A_581 = vector.multi_reduction <maximumf>, %select_n3A_578, %reduce_max3A_580 [1] : vector<64x128xf32> to vector<64xf32>
      %broadcast_in_dim3A_582 = vector.shape_cast %reduce_max3A_581 : vector<64xf32> to vector<64x1xf32>
      %sub3A_583 = vector.broadcast %broadcast_in_dim3A_582 : vector<64x1xf32> to vector<64x128xf32>
      %sub3A_584 = arith.subf %select_n3A_578, %sub3A_583 : vector<64x128xf32>
      %exp3A_585 = math.exp %sub3A_584 : vector<64x128xf32>
      %reduce_sum3A_586 = arith.constant dense<0.000000e+00> : vector<64xf32>
      %reduce_sum3A_587 = vector.multi_reduction <add>, %exp3A_585, %reduce_sum3A_586 [1] : vector<64x128xf32> to vector<64xf32>
      %broadcast_in_dim3A_588 = vector.shape_cast %reduce_sum3A_587 : vector<64xf32> to vector<64x1xf32>
      %div3A_589 = vector.broadcast %broadcast_in_dim3A_588 : vector<64x1xf32> to vector<64x128xf32>
      %div3A_590 = arith.divf %exp3A_585, %div3A_589 : vector<64x128xf32>
      %swap3A_591 = arith.constant 0 : index
      %swap3A_592 = arith.constant 0 : index
      %swap3A_593 = vector.load %arg15[%swap3A_591, %swap3A_592] : memref<64x256xi32, #tpu.memory_space<vmem>>, vector<64x256xi32>
      tpu.vector_store %arg15[%swap3A_591, %swap3A_592], %add3A_579 {strides = array<i32>} : memref<64x256xi32, #tpu.memory_space<vmem>>, vector<64x256xi32>,
      %reshape3A_594 = vector.shape_cast %div3A_590 : vector<64x128xf32> to vector<64x1x128xf32>
      %swap3A_595 = arith.constant 0 : index
      %swap3A_596 = arith.constant 0 : index
      %swap3A_597 = arith.constant 0 : index
      %swap3A_598 = vector.load %arg16[%swap3A_595, %swap3A_596, %swap3A_597] : memref<64x1x128xf32, #tpu.memory_space<vmem>>, vector<64x1x128xf32>
      tpu.vector_store %arg16[%swap3A_595, %swap3A_596, %swap3A_597], %reshape3A_594 {strides = array<i32>} : memref<64x1x128xf32, #tpu.memory_space<vmem>>, vector<64x1x128xf32>,
    } else {
    }
    return
  }
  func.func @transform_0(%arg0: i32) -> (i32, i32, i32) {
    %c0_i32 = arith.constant 0 : i32
    %c0_i32_0 = arith.constant 0 : i32
    %c0_i32_1 = arith.constant 0 : i32
    return %arg0, %c0_i32, %c0_i32_0 : i32, i32, i32
  }
  func.func @transform_1(%arg0: i32) -> (i32, i32, i32) {
    %c0_i32 = arith.constant 0 : i32
    %c0_i32_0 = arith.constant 0 : i32
    %c0_i32_1 = arith.constant 0 : i32
    return %arg0, %c0_i32, %c0_i32_0 : i32, i32, i32
  }
  func.func @transform_2(%arg0: i32) -> (i32, i32, i32) {
    %c0_i32 = arith.constant 0 : i32
    %c0_i32_0 = arith.constant 0 : i32
    %c0_i32_1 = arith.constant 0 : i32
    %c0_i32_2 = arith.constant 0 : i32
    return %c0_i32, %c0_i32_0, %c0_i32_1 : i32, i32, i32
  }
  func.func @transform_3(%arg0: i32) -> (i32, i32, i32) {
    %c0_i32 = arith.constant 0 : i32
    %c0_i32_0 = arith.constant 0 : i32
    %c0_i32_1 = arith.constant 0 : i32
    %c0_i32_2 = arith.constant 0 : i32
    return %c0_i32, %c0_i32_0, %c0_i32_1 : i32, i32, i32
  }
  func.func @transform_4(%arg0: i32) -> (i32, i32) {
    %c0_i32 = arith.constant 0 : i32
    %c0_i32_0 = arith.constant 0 : i32
    %c0_i32_1 = arith.constant 0 : i32
    return %c0_i32, %c0_i32_0 : i32, i32
  }
  func.func @transform_5(%arg0: i32) -> (i32, i32) {
    %c0_i32 = arith.constant 0 : i32
    %c0_i32_0 = arith.constant 0 : i32
    %c0_i32_1 = arith.constant 0 : i32
    return %c0_i32, %c0_i32_0 : i32, i32
  }
  func.func @transform_6(%arg0: i32) -> (i32, i32) {
    %c0_i32 = arith.constant 0 : i32
    %c0_i32_0 = arith.constant 0 : i32
    %c0_i32_1 = arith.constant 0 : i32
    return %c0_i32, %c0_i32_0 : i32, i32
  }
  func.func @transform_7(%arg0: i32) -> (i32, i32) {
    %c0_i32 = arith.constant 0 : i32
    %c0_i32_0 = arith.constant 0 : i32
    %c0_i32_1 = arith.constant 0 : i32
    return %c0_i32, %c0_i32_0 : i32, i32
  }
  func.func @transform_8(%arg0: i32) -> (i32, i32) {
    %c0_i32 = arith.constant 0 : i32
    %c0_i32_0 = arith.constant 0 : i32
    %c0_i32_1 = arith.constant 0 : i32
    return %c0_i32, %c0_i32_0 : i32, i32
  }
  func.func @transform_9(%arg0: i32) -> (i32, i32) {
    %c0_i32 = arith.constant 0 : i32
    %c0_i32_0 = arith.constant 0 : i32
    %c0_i32_1 = arith.constant 0 : i32
    return %c0_i32, %c0_i32_0 : i32, i32
  }
  func.func @transform_10(%arg0: i32) -> (i32, i32) {
    %c0_i32 = arith.constant 0 : i32
    %c0_i32_0 = arith.constant 0 : i32
    %c0_i32_1 = arith.constant 0 : i32
    return %c0_i32, %c0_i32_0 : i32, i32
  }
  func.func @transform_11(%arg0: i32) -> (i32, i32) {
    %c0_i32 = arith.constant 0 : i32
    %c0_i32_0 = arith.constant 0 : i32
    %c0_i32_1 = arith.constant 0 : i32
    return %c0_i32, %c0_i32_0 : i32, i32
  }
  func.func @transform_12(%arg0: i32) -> (i32, i32) {
    %c0_i32 = arith.constant 0 : i32
    %c0_i32_0 = arith.constant 0 : i32
    %c0_i32_1 = arith.constant 0 : i32
    return %c0_i32, %c0_i32_0 : i32, i32
  }
  func.func @transform_13(%arg0: i32) -> (i32, i32, i32) {
    %c0_i32 = arith.constant 0 : i32
    %c0_i32_0 = arith.constant 0 : i32
    %c0_i32_1 = arith.constant 0 : i32
    %c0_i32_2 = arith.constant 0 : i32
    return %c0_i32, %c0_i32_0, %c0_i32_1 : i32, i32, i32
  }
  func.func @transform_14(%arg0: i32) -> (i32, i32) {
    %c0_i32 = arith.constant 0 : i32
    %c0_i32_0 = arith.constant 0 : i32
    %c0_i32_1 = arith.constant 0 : i32
    return %c0_i32, %c0_i32_0 : i32, i32
  }
  func.func @transform_15(%arg0: i32) -> (i32, i32, i32) {
    %c0_i32 = arith.constant 0 : i32
    %c0_i32_0 = arith.constant 0 : i32
    %c0_i32_1 = arith.constant 0 : i32
    %c0_i32_2 = arith.constant 0 : i32
    return %c0_i32, %c0_i32_0, %c0_i32_1 : i32, i32, i32
  }
}

module attributes {stable_mosaic.version = 14 : i64} {
  func.func @_experts_body(%arg0: i32, %arg1: memref<8x4x64x512xf32, #tpu.memory_space<vmem>>, %arg2: memref<4x512x512xf32, #tpu.memory_space<vmem>>, %arg3: memref<4x512xf32, #tpu.memory_space<vmem>>, %arg4: memref<4x512x512xf32, #tpu.memory_space<vmem>>, %arg5: memref<4x512xf32, #tpu.memory_space<vmem>>, %arg6: memref<8x1x128xf32, #tpu.memory_space<vmem>>, %arg7: memref<8x64x512xf32, #tpu.memory_space<vmem>>, %arg8: memref<8x1x128xf32, #tpu.memory_space<vmem>>, %arg9: memref<8x64x512xf32, #tpu.memory_space<vmem>>, %arg10: memref<8x64x512xf32, #tpu.memory_space<vmem>>, %arg11: memref<4x512x512xbf16, #tpu.memory_space<vmem>>, %arg12: memref<4x512x512xbf16, #tpu.memory_space<vmem>>) attributes {dimension_semantics = [#tpu.dimension_semantics<arbitrary>], iteration_bounds = array<i64: 8>, scalar_prefetch = 0 : i64, scratch_operands = 2 : i64, tpu.core_type = #tpu.core_type<tc>, window_params = [{transform_indices = @transform_0, window_bounds = array<i64: 8, 4, 64, 512>}, {pipeline_mode = #tpu.pipeline_mode<synchronous>, transform_indices = @transform_1, window_bounds = array<i64: 4, 512, 512>}, {pipeline_mode = #tpu.pipeline_mode<synchronous>, transform_indices = @transform_2, window_bounds = array<i64: 4, 512>}, {pipeline_mode = #tpu.pipeline_mode<synchronous>, transform_indices = @transform_3, window_bounds = array<i64: 4, 512, 512>}, {pipeline_mode = #tpu.pipeline_mode<synchronous>, transform_indices = @transform_4, window_bounds = array<i64: 4, 512>}, {transform_indices = @transform_5, window_bounds = array<i64: 8, 1, 128>}, {transform_indices = @transform_6, window_bounds = array<i64: 8, 64, 512>}, {transform_indices = @transform_7, window_bounds = array<i64: 8, 1, 128>}, {transform_indices = @transform_8, window_bounds = array<i64: 8, 64, 512>}, {transform_indices = @transform_9, window_bounds = array<i64: 8, 64, 512>}]} {
    %eq3A = arith.constant 0 : i32
    %eq3A_0 = arith.cmpi eq, %arg0, %eq3A : i32
    %convert_element_type3A = arith.extui %eq3A_0 : i1 to i32
    %cond3A = arith.constant 0 : i32
    %cond3A_1 = arith.cmpi ne, %convert_element_type3A, %cond3A : i32
    scf.if %cond3A_1 {
      %get3A_203 = arith.constant 0 : index
      %get3A_204 = arith.constant 0 : index
      %get3A_205 = arith.constant 0 : index
      %get3A_206 = vector.load %arg2[%get3A_203, %get3A_204, %get3A_205] : memref<4x512x512xf32, #tpu.memory_space<vmem>>, vector<4x512x512xf32>
      %convert_element_type3A_207 = arith.truncf %get3A_206 : vector<4x512x512xf32> to vector<4x512x512xbf16>
      %swap3A_208 = arith.constant 0 : index
      %swap3A_209 = arith.constant 0 : index
      %swap3A_210 = arith.constant 0 : index
      %swap3A_211 = vector.load %arg11[%swap3A_208, %swap3A_209, %swap3A_210] : memref<4x512x512xbf16, #tpu.memory_space<vmem>>, vector<4x512x512xbf16>
      tpu.vector_store %arg11[%swap3A_208, %swap3A_209, %swap3A_210], %convert_element_type3A_207 {strides = array<i32>} : memref<4x512x512xbf16, #tpu.memory_space<vmem>>, vector<4x512x512xbf16>,
      %get3A_212 = arith.constant 0 : index
      %get3A_213 = arith.constant 0 : index
      %get3A_214 = arith.constant 0 : index
      %get3A_215 = vector.load %arg4[%get3A_212, %get3A_213, %get3A_214] : memref<4x512x512xf32, #tpu.memory_space<vmem>>, vector<4x512x512xf32>
      %convert_element_type3A_216 = arith.truncf %get3A_215 : vector<4x512x512xf32> to vector<4x512x512xbf16>
      %swap3A_217 = arith.constant 0 : index
      %swap3A_218 = arith.constant 0 : index
      %swap3A_219 = arith.constant 0 : index
      %swap3A_220 = vector.load %arg12[%swap3A_217, %swap3A_218, %swap3A_219] : memref<4x512x512xbf16, #tpu.memory_space<vmem>>, vector<4x512x512xbf16>
      tpu.vector_store %arg12[%swap3A_217, %swap3A_218, %swap3A_219], %convert_element_type3A_216 {strides = array<i32>} : memref<4x512x512xbf16, #tpu.memory_space<vmem>>, vector<4x512x512xbf16>,
    } else {
    }
    %broadcast_in_dim3A = arith.constant 0.000000e+00 : f32
    %broadcast_in_dim3A_2 = vector.broadcast %broadcast_in_dim3A : f32 to vector<8x64x512xf32>
    %get3A = arith.constant 0 : index
    %get3A_3 = arith.constant 0 : index
    %get3A_4 = arith.constant 0 : index
    %get3A_5 = arith.constant 0 : index
    %get3A_6 = vector.load %arg1[%get3A, %get3A_3, %get3A_4, %get3A_5] : memref<8x4x64x512xf32, #tpu.memory_space<vmem>>, vector<8x1x64x512xf32>
    %get3A_7 = vector.shape_cast %get3A_6 : vector<8x1x64x512xf32> to vector<8x64x512xf32>
    %reshape3A = vector.shape_cast %get3A_7 : vector<8x64x512xf32> to vector<512x512xf32>
    %convert_element_type3A_8 = arith.truncf %reshape3A : vector<512x512xf32> to vector<512x512xbf16>
    %get3A_9 = arith.constant 0 : index
    %get3A_10 = arith.constant 0 : index
    %get3A_11 = arith.constant 0 : index
    %get3A_12 = vector.load %arg11[%get3A_9, %get3A_10, %get3A_11] : memref<4x512x512xbf16, #tpu.memory_space<vmem>>, vector<1x512x512xbf16>
    %get3A_13 = vector.shape_cast %get3A_12 : vector<1x512x512xbf16> to vector<512x512xbf16>
    %dot_general3A = arith.constant dense<0.000000e+00> : vector<512x512xf32>
    %dot_general3A_14 = tpu.matmul %convert_element_type3A_8, %get3A_13, %dot_general3A {dimension_numbers = #tpu.dot_dimension_numbers<[1], [1], [0], [0], [0, 0, 1, 0], [], []>, transpose_lhs_hint = false} : vector<512x512xbf16>, vector<512x512xbf16>, vector<512x512xf32> -> vector<512x512xf32>
    %get3A_15 = arith.constant 0 : index
    %get3A_16 = arith.constant 0 : index
    %get3A_17 = vector.load %arg3[%get3A_15, %get3A_16] : memref<4x512xf32, #tpu.memory_space<vmem>>, vector<1x512xf32>
    %add3A = vector.broadcast %get3A_17 : vector<1x512xf32> to vector<512x512xf32>
    %add3A_18 = arith.addf %dot_general3A_14, %add3A : vector<512x512xf32>
    %max3A = arith.constant 0.000000e+00 : f32
    %max3A_19 = vector.broadcast %max3A : f32 to vector<512x512xf32>
    %max3A_20 = arith.maximumf %add3A_18, %max3A_19 : vector<512x512xf32>
    %convert_element_type3A_21 = arith.truncf %max3A_20 : vector<512x512xf32> to vector<512x512xbf16>
    %get3A_22 = arith.constant 0 : index
    %get3A_23 = arith.constant 0 : index
    %get3A_24 = arith.constant 0 : index
    %get3A_25 = vector.load %arg12[%get3A_22, %get3A_23, %get3A_24] : memref<4x512x512xbf16, #tpu.memory_space<vmem>>, vector<1x512x512xbf16>
    %get3A_26 = vector.shape_cast %get3A_25 : vector<1x512x512xbf16> to vector<512x512xbf16>
    %dot_general3A_27 = arith.constant dense<0.000000e+00> : vector<512x512xf32>
    %dot_general3A_28 = tpu.matmul %convert_element_type3A_21, %get3A_26, %dot_general3A_27 {dimension_numbers = #tpu.dot_dimension_numbers<[1], [1], [0], [0], [0, 0, 1, 0], [], []>, transpose_lhs_hint = false} : vector<512x512xbf16>, vector<512x512xbf16>, vector<512x512xf32> -> vector<512x512xf32>
    %get3A_29 = arith.constant 0 : index
    %get3A_30 = arith.constant 0 : index
    %get3A_31 = vector.load %arg5[%get3A_29, %get3A_30] : memref<4x512xf32, #tpu.memory_space<vmem>>, vector<1x512xf32>
    %add3A_32 = vector.broadcast %get3A_31 : vector<1x512xf32> to vector<512x512xf32>
    %add3A_33 = arith.addf %dot_general3A_28, %add3A_32 : vector<512x512xf32>
    %reshape3A_34 = vector.shape_cast %add3A_33 : vector<512x512xf32> to vector<8x64x512xf32>
    %get3A_35 = arith.constant 0 : index
    %get3A_36 = arith.constant 0 : index
    %get3A_37 = arith.constant 0 : index
    %get3A_38 = vector.load %arg6[%get3A_35, %get3A_36, %get3A_37] : memref<8x1x128xf32, #tpu.memory_space<vmem>>, vector<8x1x1xf32>
    %mul3A = vector.broadcast %get3A_38 : vector<8x1x1xf32> to vector<8x64x512xf32>
    %mul3A_39 = arith.mulf %reshape3A_34, %mul3A : vector<8x64x512xf32>
    %add3A_40 = arith.addf %broadcast_in_dim3A_2, %mul3A_39 : vector<8x64x512xf32>
    %get3A_41 = arith.constant 0 : index
    %get3A_42 = arith.constant 1 : index
    %get3A_43 = arith.constant 0 : index
    %get3A_44 = arith.constant 0 : index
    %get3A_45 = vector.load %arg1[%get3A_41, %get3A_42, %get3A_43, %get3A_44] : memref<8x4x64x512xf32, #tpu.memory_space<vmem>>, vector<8x1x64x512xf32>
    %get3A_46 = vector.shape_cast %get3A_45 : vector<8x1x64x512xf32> to vector<8x64x512xf32>
    %reshape3A_47 = vector.shape_cast %get3A_46 : vector<8x64x512xf32> to vector<512x512xf32>
    %convert_element_type3A_48 = arith.truncf %reshape3A_47 : vector<512x512xf32> to vector<512x512xbf16>
    %get3A_49 = arith.constant 1 : index
    %get3A_50 = arith.constant 0 : index
    %get3A_51 = arith.constant 0 : index
    %get3A_52 = vector.load %arg11[%get3A_49, %get3A_50, %get3A_51] : memref<4x512x512xbf16, #tpu.memory_space<vmem>>, vector<1x512x512xbf16>
    %get3A_53 = vector.shape_cast %get3A_52 : vector<1x512x512xbf16> to vector<512x512xbf16>
    %dot_general3A_54 = arith.constant dense<0.000000e+00> : vector<512x512xf32>
    %dot_general3A_55 = tpu.matmul %convert_element_type3A_48, %get3A_53, %dot_general3A_54 {dimension_numbers = #tpu.dot_dimension_numbers<[1], [1], [0], [0], [0, 0, 1, 0], [], []>, transpose_lhs_hint = false} : vector<512x512xbf16>, vector<512x512xbf16>, vector<512x512xf32> -> vector<512x512xf32>
    %get3A_56 = arith.constant 1 : index
    %get3A_57 = arith.constant 0 : index
    %get3A_58 = vector.load %arg3[%get3A_56, %get3A_57] : memref<4x512xf32, #tpu.memory_space<vmem>>, vector<1x512xf32>
    %add3A_59 = vector.broadcast %get3A_58 : vector<1x512xf32> to vector<512x512xf32>
    %add3A_60 = arith.addf %dot_general3A_55, %add3A_59 : vector<512x512xf32>
    %max3A_61 = arith.constant 0.000000e+00 : f32
    %max3A_62 = vector.broadcast %max3A_61 : f32 to vector<512x512xf32>
    %max3A_63 = arith.maximumf %add3A_60, %max3A_62 : vector<512x512xf32>
    %convert_element_type3A_64 = arith.truncf %max3A_63 : vector<512x512xf32> to vector<512x512xbf16>
    %get3A_65 = arith.constant 1 : index
    %get3A_66 = arith.constant 0 : index
    %get3A_67 = arith.constant 0 : index
    %get3A_68 = vector.load %arg12[%get3A_65, %get3A_66, %get3A_67] : memref<4x512x512xbf16, #tpu.memory_space<vmem>>, vector<1x512x512xbf16>
    %get3A_69 = vector.shape_cast %get3A_68 : vector<1x512x512xbf16> to vector<512x512xbf16>
    %dot_general3A_70 = arith.constant dense<0.000000e+00> : vector<512x512xf32>
    %dot_general3A_71 = tpu.matmul %convert_element_type3A_64, %get3A_69, %dot_general3A_70 {dimension_numbers = #tpu.dot_dimension_numbers<[1], [1], [0], [0], [0, 0, 1, 0], [], []>, transpose_lhs_hint = false} : vector<512x512xbf16>, vector<512x512xbf16>, vector<512x512xf32> -> vector<512x512xf32>
    %get3A_72 = arith.constant 1 : index
    %get3A_73 = arith.constant 0 : index
    %get3A_74 = vector.load %arg5[%get3A_72, %get3A_73] : memref<4x512xf32, #tpu.memory_space<vmem>>, vector<1x512xf32>
    %add3A_75 = vector.broadcast %get3A_74 : vector<1x512xf32> to vector<512x512xf32>
    %add3A_76 = arith.addf %dot_general3A_71, %add3A_75 : vector<512x512xf32>
    %reshape3A_77 = vector.shape_cast %add3A_76 : vector<512x512xf32> to vector<8x64x512xf32>
    %get3A_78 = arith.constant 0 : index
    %get3A_79 = arith.constant 0 : index
    %get3A_80 = arith.constant 1 : index
    %get3A_81 = vector.load %arg6[%get3A_78, %get3A_79, %get3A_80] : memref<8x1x128xf32, #tpu.memory_space<vmem>>, vector<8x1x1xf32>
    %mul3A_82 = vector.broadcast %get3A_81 : vector<8x1x1xf32> to vector<8x64x512xf32>
    %mul3A_83 = arith.mulf %reshape3A_77, %mul3A_82 : vector<8x64x512xf32>
    %add3A_84 = arith.addf %add3A_40, %mul3A_83 : vector<8x64x512xf32>
    %get3A_85 = arith.constant 0 : index
    %get3A_86 = arith.constant 2 : index
    %get3A_87 = arith.constant 0 : index
    %get3A_88 = arith.constant 0 : index
    %get3A_89 = vector.load %arg1[%get3A_85, %get3A_86, %get3A_87, %get3A_88] : memref<8x4x64x512xf32, #tpu.memory_space<vmem>>, vector<8x1x64x512xf32>
    %get3A_90 = vector.shape_cast %get3A_89 : vector<8x1x64x512xf32> to vector<8x64x512xf32>
    %reshape3A_91 = vector.shape_cast %get3A_90 : vector<8x64x512xf32> to vector<512x512xf32>
    %convert_element_type3A_92 = arith.truncf %reshape3A_91 : vector<512x512xf32> to vector<512x512xbf16>
    %get3A_93 = arith.constant 2 : index
    %get3A_94 = arith.constant 0 : index
    %get3A_95 = arith.constant 0 : index
    %get3A_96 = vector.load %arg11[%get3A_93, %get3A_94, %get3A_95] : memref<4x512x512xbf16, #tpu.memory_space<vmem>>, vector<1x512x512xbf16>
    %get3A_97 = vector.shape_cast %get3A_96 : vector<1x512x512xbf16> to vector<512x512xbf16>
    %dot_general3A_98 = arith.constant dense<0.000000e+00> : vector<512x512xf32>
    %dot_general3A_99 = tpu.matmul %convert_element_type3A_92, %get3A_97, %dot_general3A_98 {dimension_numbers = #tpu.dot_dimension_numbers<[1], [1], [0], [0], [0, 0, 1, 0], [], []>, transpose_lhs_hint = false} : vector<512x512xbf16>, vector<512x512xbf16>, vector<512x512xf32> -> vector<512x512xf32>
    %get3A_100 = arith.constant 2 : index
    %get3A_101 = arith.constant 0 : index
    %get3A_102 = vector.load %arg3[%get3A_100, %get3A_101] : memref<4x512xf32, #tpu.memory_space<vmem>>, vector<1x512xf32>
    %add3A_103 = vector.broadcast %get3A_102 : vector<1x512xf32> to vector<512x512xf32>
    %add3A_104 = arith.addf %dot_general3A_99, %add3A_103 : vector<512x512xf32>
    %max3A_105 = arith.constant 0.000000e+00 : f32
    %max3A_106 = vector.broadcast %max3A_105 : f32 to vector<512x512xf32>
    %max3A_107 = arith.maximumf %add3A_104, %max3A_106 : vector<512x512xf32>
    %convert_element_type3A_108 = arith.truncf %max3A_107 : vector<512x512xf32> to vector<512x512xbf16>
    %get3A_109 = arith.constant 2 : index
    %get3A_110 = arith.constant 0 : index
    %get3A_111 = arith.constant 0 : index
    %get3A_112 = vector.load %arg12[%get3A_109, %get3A_110, %get3A_111] : memref<4x512x512xbf16, #tpu.memory_space<vmem>>, vector<1x512x512xbf16>
    %get3A_113 = vector.shape_cast %get3A_112 : vector<1x512x512xbf16> to vector<512x512xbf16>
    %dot_general3A_114 = arith.constant dense<0.000000e+00> : vector<512x512xf32>
    %dot_general3A_115 = tpu.matmul %convert_element_type3A_108, %get3A_113, %dot_general3A_114 {dimension_numbers = #tpu.dot_dimension_numbers<[1], [1], [0], [0], [0, 0, 1, 0], [], []>, transpose_lhs_hint = false} : vector<512x512xbf16>, vector<512x512xbf16>, vector<512x512xf32> -> vector<512x512xf32>
    %get3A_116 = arith.constant 2 : index
    %get3A_117 = arith.constant 0 : index
    %get3A_118 = vector.load %arg5[%get3A_116, %get3A_117] : memref<4x512xf32, #tpu.memory_space<vmem>>, vector<1x512xf32>
    %add3A_119 = vector.broadcast %get3A_118 : vector<1x512xf32> to vector<512x512xf32>
    %add3A_120 = arith.addf %dot_general3A_115, %add3A_119 : vector<512x512xf32>
    %reshape3A_121 = vector.shape_cast %add3A_120 : vector<512x512xf32> to vector<8x64x512xf32>
    %get3A_122 = arith.constant 0 : index
    %get3A_123 = arith.constant 0 : index
    %get3A_124 = arith.constant 2 : index
    %get3A_125 = vector.load %arg6[%get3A_122, %get3A_123, %get3A_124] : memref<8x1x128xf32, #tpu.memory_space<vmem>>, vector<8x1x1xf32>
    %mul3A_126 = vector.broadcast %get3A_125 : vector<8x1x1xf32> to vector<8x64x512xf32>
    %mul3A_127 = arith.mulf %reshape3A_121, %mul3A_126 : vector<8x64x512xf32>
    %add3A_128 = arith.addf %add3A_84, %mul3A_127 : vector<8x64x512xf32>
    %get3A_129 = arith.constant 0 : index
    %get3A_130 = arith.constant 3 : index
    %get3A_131 = arith.constant 0 : index
    %get3A_132 = arith.constant 0 : index
    %get3A_133 = vector.load %arg1[%get3A_129, %get3A_130, %get3A_131, %get3A_132] : memref<8x4x64x512xf32, #tpu.memory_space<vmem>>, vector<8x1x64x512xf32>
    %get3A_134 = vector.shape_cast %get3A_133 : vector<8x1x64x512xf32> to vector<8x64x512xf32>
    %reshape3A_135 = vector.shape_cast %get3A_134 : vector<8x64x512xf32> to vector<512x512xf32>
    %convert_element_type3A_136 = arith.truncf %reshape3A_135 : vector<512x512xf32> to vector<512x512xbf16>
    %get3A_137 = arith.constant 3 : index
    %get3A_138 = arith.constant 0 : index
    %get3A_139 = arith.constant 0 : index
    %get3A_140 = vector.load %arg11[%get3A_137, %get3A_138, %get3A_139] : memref<4x512x512xbf16, #tpu.memory_space<vmem>>, vector<1x512x512xbf16>
    %get3A_141 = vector.shape_cast %get3A_140 : vector<1x512x512xbf16> to vector<512x512xbf16>
    %dot_general3A_142 = arith.constant dense<0.000000e+00> : vector<512x512xf32>
    %dot_general3A_143 = tpu.matmul %convert_element_type3A_136, %get3A_141, %dot_general3A_142 {dimension_numbers = #tpu.dot_dimension_numbers<[1], [1], [0], [0], [0, 0, 1, 0], [], []>, transpose_lhs_hint = false} : vector<512x512xbf16>, vector<512x512xbf16>, vector<512x512xf32> -> vector<512x512xf32>
    %get3A_144 = arith.constant 3 : index
    %get3A_145 = arith.constant 0 : index
    %get3A_146 = vector.load %arg3[%get3A_144, %get3A_145] : memref<4x512xf32, #tpu.memory_space<vmem>>, vector<1x512xf32>
    %add3A_147 = vector.broadcast %get3A_146 : vector<1x512xf32> to vector<512x512xf32>
    %add3A_148 = arith.addf %dot_general3A_143, %add3A_147 : vector<512x512xf32>
    %max3A_149 = arith.constant 0.000000e+00 : f32
    %max3A_150 = vector.broadcast %max3A_149 : f32 to vector<512x512xf32>
    %max3A_151 = arith.maximumf %add3A_148, %max3A_150 : vector<512x512xf32>
    %convert_element_type3A_152 = arith.truncf %max3A_151 : vector<512x512xf32> to vector<512x512xbf16>
    %get3A_153 = arith.constant 3 : index
    %get3A_154 = arith.constant 0 : index
    %get3A_155 = arith.constant 0 : index
    %get3A_156 = vector.load %arg12[%get3A_153, %get3A_154, %get3A_155] : memref<4x512x512xbf16, #tpu.memory_space<vmem>>, vector<1x512x512xbf16>
    %get3A_157 = vector.shape_cast %get3A_156 : vector<1x512x512xbf16> to vector<512x512xbf16>
    %dot_general3A_158 = arith.constant dense<0.000000e+00> : vector<512x512xf32>
    %dot_general3A_159 = tpu.matmul %convert_element_type3A_152, %get3A_157, %dot_general3A_158 {dimension_numbers = #tpu.dot_dimension_numbers<[1], [1], [0], [0], [0, 0, 1, 0], [], []>, transpose_lhs_hint = false} : vector<512x512xbf16>, vector<512x512xbf16>, vector<512x512xf32> -> vector<512x512xf32>
    %get3A_160 = arith.constant 3 : index
    %get3A_161 = arith.constant 0 : index
    %get3A_162 = vector.load %arg5[%get3A_160, %get3A_161] : memref<4x512xf32, #tpu.memory_space<vmem>>, vector<1x512xf32>
    %add3A_163 = vector.broadcast %get3A_162 : vector<1x512xf32> to vector<512x512xf32>
    %add3A_164 = arith.addf %dot_general3A_159, %add3A_163 : vector<512x512xf32>
    %reshape3A_165 = vector.shape_cast %add3A_164 : vector<512x512xf32> to vector<8x64x512xf32>
    %get3A_166 = arith.constant 0 : index
    %get3A_167 = arith.constant 0 : index
    %get3A_168 = arith.constant 3 : index
    %get3A_169 = vector.load %arg6[%get3A_166, %get3A_167, %get3A_168] : memref<8x1x128xf32, #tpu.memory_space<vmem>>, vector<8x1x1xf32>
    %mul3A_170 = vector.broadcast %get3A_169 : vector<8x1x1xf32> to vector<8x64x512xf32>
    %mul3A_171 = arith.mulf %reshape3A_165, %mul3A_170 : vector<8x64x512xf32>
    %add3A_172 = arith.addf %add3A_128, %mul3A_171 : vector<8x64x512xf32>
    %get3A_173 = arith.constant 0 : index
    %get3A_174 = arith.constant 0 : index
    %get3A_175 = arith.constant 0 : index
    %get3A_176 = vector.load %arg8[%get3A_173, %get3A_174, %get3A_175] : memref<8x1x128xf32, #tpu.memory_space<vmem>>, vector<8x1x1xf32>
    %gt3A = arith.constant 5.000000e-01 : f32
    %gt3A_177 = vector.broadcast %gt3A : f32 to vector<8x1x1xf32>
    %gt3A_178 = arith.cmpf ogt, %get3A_176, %gt3A_177 : vector<8x1x1xf32>
    %get3A_179 = arith.constant 0 : index
    %get3A_180 = arith.constant 0 : index
    %get3A_181 = arith.constant 1 : index
    %get3A_182 = vector.load %arg8[%get3A_179, %get3A_180, %get3A_181] : memref<8x1x128xf32, #tpu.memory_space<vmem>>, vector<8x1x1xf32>
    %gt3A_183 = arith.constant 5.000000e-01 : f32
    %gt3A_184 = vector.broadcast %gt3A_183 : f32 to vector<8x1x1xf32>
    %gt3A_185 = arith.cmpf ogt, %get3A_182, %gt3A_184 : vector<8x1x1xf32>
    %get3A_186 = arith.constant 0 : index
    %get3A_187 = arith.constant 0 : index
    %get3A_188 = arith.constant 0 : index
    %get3A_189 = vector.load %arg7[%get3A_186, %get3A_187, %get3A_188] : memref<8x64x512xf32, #tpu.memory_space<vmem>>, vector<8x64x512xf32>
    %broadcast_in_dim3A_190 = vector.shape_cast %gt3A_178 : vector<8x1x1xi1> to vector<8x1x1xi1>
    %broadcast_in_dim3A_191 = vector.broadcast %broadcast_in_dim3A_190 : vector<8x1x1xi1> to vector<8x64x512xi1>
    %select_n3A = arith.select %broadcast_in_dim3A_191, %add3A_172, %get3A_189 : vector<8x64x512xi1>, vector<8x64x512xf32>
    %swap3A = arith.constant 0 : index
    %swap3A_192 = arith.constant 0 : index
    %swap3A_193 = arith.constant 0 : index
    %swap3A_194 = vector.load %arg9[%swap3A, %swap3A_192, %swap3A_193] : memref<8x64x512xf32, #tpu.memory_space<vmem>>, vector<8x64x512xf32>
    tpu.vector_store %arg9[%swap3A, %swap3A_192, %swap3A_193], %select_n3A {strides = array<i32>} : memref<8x64x512xf32, #tpu.memory_space<vmem>>, vector<8x64x512xf32>,
    %jit3A = arith.constant 0.000000e+00 : f32
    %broadcast_in_dim3A_195 = vector.shape_cast %gt3A_185 : vector<8x1x1xi1> to vector<8x1x1xi1>
    %broadcast_in_dim3A_196 = vector.broadcast %broadcast_in_dim3A_195 : vector<8x1x1xi1> to vector<8x64x512xi1>
    %broadcast_in_dim3A_197 = vector.broadcast %jit3A : f32 to vector<8x64x512xf32>
    %select_n3A_198 = arith.select %broadcast_in_dim3A_196, %add3A_172, %broadcast_in_dim3A_197 : vector<8x64x512xi1>, vector<8x64x512xf32>
    %swap3A_199 = arith.constant 0 : index
    %swap3A_200 = arith.constant 0 : index
    %swap3A_201 = arith.constant 0 : index
    %swap3A_202 = vector.load %arg10[%swap3A_199, %swap3A_200, %swap3A_201] : memref<8x64x512xf32, #tpu.memory_space<vmem>>, vector<8x64x512xf32>
    tpu.vector_store %arg10[%swap3A_199, %swap3A_200, %swap3A_201], %select_n3A_198 {strides = array<i32>} : memref<8x64x512xf32, #tpu.memory_space<vmem>>, vector<8x64x512xf32>,
    return
  }
  func.func @transform_0(%arg0: i32) -> (i32, i32, i32, i32) {
    %c0_i32 = arith.constant 0 : i32
    %c0_i32_0 = arith.constant 0 : i32
    %c0_i32_1 = arith.constant 0 : i32
    %c0_i32_2 = arith.constant 0 : i32
    return %arg0, %c0_i32, %c0_i32_0, %c0_i32_1 : i32, i32, i32, i32
  }
  func.func @transform_1(%arg0: i32) -> (i32, i32, i32) {
    %c0_i32 = arith.constant 0 : i32
    %c0_i32_0 = arith.constant 0 : i32
    %c0_i32_1 = arith.constant 0 : i32
    %c0_i32_2 = arith.constant 0 : i32
    return %c0_i32, %c0_i32_0, %c0_i32_1 : i32, i32, i32
  }
  func.func @transform_2(%arg0: i32) -> (i32, i32) {
    %c0_i32 = arith.constant 0 : i32
    %c0_i32_0 = arith.constant 0 : i32
    %c0_i32_1 = arith.constant 0 : i32
    return %c0_i32, %c0_i32_0 : i32, i32
  }
  func.func @transform_3(%arg0: i32) -> (i32, i32, i32) {
    %c0_i32 = arith.constant 0 : i32
    %c0_i32_0 = arith.constant 0 : i32
    %c0_i32_1 = arith.constant 0 : i32
    %c0_i32_2 = arith.constant 0 : i32
    return %c0_i32, %c0_i32_0, %c0_i32_1 : i32, i32, i32
  }
  func.func @transform_4(%arg0: i32) -> (i32, i32) {
    %c0_i32 = arith.constant 0 : i32
    %c0_i32_0 = arith.constant 0 : i32
    %c0_i32_1 = arith.constant 0 : i32
    return %c0_i32, %c0_i32_0 : i32, i32
  }
  func.func @transform_5(%arg0: i32) -> (i32, i32, i32) {
    %c0_i32 = arith.constant 0 : i32
    %c0_i32_0 = arith.constant 0 : i32
    %c0_i32_1 = arith.constant 0 : i32
    return %arg0, %c0_i32, %c0_i32_0 : i32, i32, i32
  }
  func.func @transform_6(%arg0: i32) -> (i32, i32, i32) {
    %c0_i32 = arith.constant 0 : i32
    %c0_i32_0 = arith.constant 0 : i32
    %c0_i32_1 = arith.constant 0 : i32
    return %arg0, %c0_i32, %c0_i32_0 : i32, i32, i32
  }
  func.func @transform_7(%arg0: i32) -> (i32, i32, i32) {
    %c0_i32 = arith.constant 0 : i32
    %c0_i32_0 = arith.constant 0 : i32
    %c0_i32_1 = arith.constant 0 : i32
    return %arg0, %c0_i32, %c0_i32_0 : i32, i32, i32
  }
  func.func @transform_8(%arg0: i32) -> (i32, i32, i32) {
    %c0_i32 = arith.constant 0 : i32
    %c0_i32_0 = arith.constant 0 : i32
    %c0_i32_1 = arith.constant 0 : i32
    return %arg0, %c0_i32, %c0_i32_0 : i32, i32, i32
  }
  func.func @transform_9(%arg0: i32) -> (i32, i32, i32) {
    %c0_i32 = arith.constant 0 : i32
    %c0_i32_0 = arith.constant 0 : i32
    %c0_i32_1 = arith.constant 0 : i32
    return %arg0, %c0_i32, %c0_i32_0 : i32, i32, i32
  }
}

</mosaic_0001>

<sc_bundles>
// kernel: kernel.10.cloned.1.call-start
scs
__scs_entry_jumppad:
0x0: {  	(pc) =	sbr.rel $0x88, $3  }
0x1: {  	(tag) =	ssettag $0x0;
	lr =	simm.s32 $0x1  }
0x2: {  	[smem:$0x3F8B] =	sst lr;
	_ =	strace $0xD0000000  }
0x3: {  	_ = 	snop  }
0x4: {  	_ = 	snop  }
0x5: {  	_ = 	snop  }
0x6: {  	_ = 	snop  }
0x7: {  	_ = 	snop  }
__scs_overlays_trampoline_lowered:
0x8: {  	[smem:$0x3F9A] =	sst s0  }
0x9: {  	[smem:$0x3F9B] =	sst s1  }
0xa: {  	[smem:$0x3F9C] =	sst s2  }
0xb: {  	[smem:$0x3F9D] =	sst s3  }
0xc: {  	[smem:$0x3F9E] =	sst s4  }
0xd: {  	[smem:$0x3F9F] =	sst s5  }
0xe: {  	[smem:$0x3FA0] =	sst s6  }
0xf: {  	[smem:$0x3FA1] =	sst s7  }
0x10: {  	[smem:$0x3FA2] =	sst s8  }
0x11: {  	[smem:$0x3FA3] =	sst s9;
	s0 =	simm.s32 @!p0 $0x0  }
0x12: {  	s1 =	sld [smem:$0x3F89];
	s0 =	simm.s32 @p0 $0x1  }
0x13: {  	[smem:$0x3FA4] =	sst s0;
	s0 =	simm.s32 @!p1 $0x0  }
0x14: {  	s2 =	sld [smem:$0x3F88];
	s0 =	simm.s32 @p1 $0x1  }
0x15: {  	[smem:$0x3FA5] =	sst s0;
	s0 =	simm.s32 @!p2 $0x0  }
0x16: {  	s3 =	sld [smem:$0x3FDB];
	s0 =	simm.s32 @p2 $0x1  }
0x17: {  	s4 =	simm.s32 $0x1BF5;
	[smem:$0x3FA7] =	sst s0  }
0x18: {  	s0 =	sld [smem:$0x3F8A];
	_ =	swait.ge [sflag:s4], $0x0  }
0x19: {  	s7 =	sld [smem:$0x3F8B]  }
0x1a: {  	s8 =	sadd.s32 $0xFFFFE003, lr  }
0x1b: {  	s9 =	sadd.s32 $0xFFFFFEF7, lr;
	s5 =	simm.s32 $0xFFFFFFFF;
	p2 =	slt.u32 s8, $0xFFFFF086  }
0x1c: {  	p1 =	slt.u32 s9, $0xF7A;
	s5 =	simm.s32 @!p2 $0x0  }
0x1d: {  	s5 =	simm.s32 @p1 $0x1;
	p0 =	seq.s32 s7, s2  }
0x1e: {  	s7 =	smul.u32 @!p0 $0xF7A, s2;
	p2 =	seq.s32 @!p0 s5, $0x0  }
0x1f: {  	s9 =	smul.u32 $0xF7A, s1;
	s8 =	simm.s32 @!p0 $0x1BF5;
	p2 =	por !p2, p0  }
0x20: {  	[sflag:s8] =	ssyncset.s32 @!p0 $0xFFFFF086;
	s6 =	sadd.s32 @!p0 s3, s7;
	s7 =	simm.s32 @!p0 $0x108  }
0x21: {  	s3 =	sadd.s32 s3, s9;
	s6 =	sadd.s32 @!p0 $0x88, s6;
	s7 =	simm.s32 @p2 $0x1082  }
0x22: {  	[simem:s7], [sflag:s8] =	dma.local @!p0 [hbm:s6], $0xF7A  }
0x23: {  	s9 =	sor.u32 $0xD0000000, s2;
	s6 =	simm.s32 $0x108;
	_ =	swait.ge @!p0 [sflag:s8], $0x0  }
0x24: {  	s3 =	sadd.s32 $0x88, s3;
	s6 =	simm.s32 @!p1 $0x1082;
	[sflag:s4] =	ssyncset.s32 $0xFFFFF086  }
0x25: {  	[simem:s6], [sflag:s4] =	dma.local [hbm:s3], $0xF7A  }
0x26: {  	[smem:$0x3F8B] =	sst s1;
	(tag) =	ssettag s2;
	_ =	strace s9  }
0x27: {  	s1 =	sld [smem:$0x3F9B]  }
0x28: {  	s2 =	sld [smem:$0x3F9C]  }
0x29: {  	s4 =	sld [smem:$0x3F9E]  }
0x2a: {  	p0 =	seq.s32 s5, $0x0;
	s5 =	sld [smem:$0x3F9F]  }
0x2b: {  	s6 =	sld [smem:$0x3FA0]  }
0x2c: {  	s7 =	sld [smem:$0x3FA1]  }
0x2d: {  	s3 =	simm.s32 $0x108;
	s8 =	sld [smem:$0x3FA2]  }
0x2e: {  	s3 =	simm.s32 @!p0 $0x1082;
	s9 =	sld [smem:$0x3FA3]  }
0x2f: {  	lr =	sadd.s32 s0, s3;
	s0 =	sld [smem:$0x3F9A]  }
0x30: {  	s3 =	sld [smem:$0x3F9D]  }
0x31: {  	[smem:$0x3FA6] =	sst s10  }
0x32: {  	s10 =	sld [smem:$0x3FA4];
	_ =	sdelay $0x3  }
0x33: {  	p0 =	seq.s32 s10, $0x1;
	s10 =	sld [smem:$0x3FA6];
	_ =	sdelay $0x3  }
0x34: {  	[smem:$0x3FA6] =	sst s10  }
0x35: {  	s10 =	sld [smem:$0x3FA5];
	_ =	sdelay $0x3  }
0x36: {  	p1 =	seq.s32 s10, $0x1;
	s10 =	sld [smem:$0x3FA6];
	_ =	sdelay $0x3  }
0x37: {  	[smem:$0x3FA6] =	sst s10  }
0x38: {  	s10 =	sld [smem:$0x3FA7]  }
0x39: {  	_ = 	snop;
	(pc) =	sbr.ind lr, $3  }
0x3a: {  	_ = 	snop  }
0x3b: {  	_ = 	snop  }
0x3c: {  	p2 =	seq.s32 s10, $0x1;
	s10 =	sld [smem:$0x3FA6]  }
0x3d: {  	_ =	shalt  }
0x3e: {  	_ =	shalt  }
0x3f: {  	_ =	shalt  }
0x40: {  	_ =	shalt  }
0x41: {  	_ =	shalt  }
0x42: {  	_ =	shalt  }
0x43: {  	_ =	shalt  }
0x44: {  	_ =	shalt  }
0x45: {  	_ =	shalt  }
0x46: {  	_ =	shalt  }
0x47: {  	_ =	shalt  }
0x48: {  	_ =	shalt  }
0x49: {  	_ =	shalt  }
0x4a: {  	_ =	shalt  }
0x4b: {  	_ =	shalt  }
0x4c: {  	_ =	shalt  }
0x4d: {  	_ =	shalt  }
0x4e: {  	_ =	shalt  }
0x4f: {  	_ =	shalt  }
0x50: {  	_ =	shalt  }
0x51: {  	_ =	shalt  }
0x52: {  	_ =	shalt  }
0x53: {  	_ =	shalt  }
0x54: {  	_ =	shalt  }
0x55: {  	_ =	shalt  }
0x56: {  	_ =	shalt  }
0x57: {  	_ =	shalt  }
0x58: {  	_ =	shalt  }
0x59: {  	_ =	shalt  }
0x5a: {  	_ =	shalt  }
0x5b: {  	_ =	shalt  }
0x5c: {  	_ =	shalt  }
0x5d: {  	_ =	shalt  }
0x5e: {  	_ =	shalt  }
0x5f: {  	_ =	shalt  }
0x60: {  	_ =	shalt  }
0x61: {  	_ =	shalt  }
0x62: {  	_ =	shalt  }
0x63: {  	_ =	shalt  }
0x64: {  	_ =	shalt  }
0x65: {  	_ =	shalt  }
0x66: {  	_ =	shalt  }
0x67: {  	_ =	shalt  }
0x68: {  	_ =	shalt  }
0x69: {  	_ =	shalt  }
0x6a: {  	_ =	shalt  }
0x6b: {  	_ =	shalt  }
0x6c: {  	_ =	shalt  }
0x6d: {  	_ =	shalt  }
0x6e: {  	_ =	shalt  }
0x6f: {  	_ =	shalt  }
0x70: {  	_ =	shalt  }
0x71: {  	_ =	shalt  }
0x72: {  	_ =	shalt  }
0x73: {  	_ =	shalt  }
0x74: {  	_ =	shalt  }
0x75: {  	_ =	shalt  }
0x76: {  	_ =	shalt  }
0x77: {  	_ =	shalt  }
0x78: {  	_ =	shalt  }
0x79: {  	_ =	shalt  }
0x7a: {  	_ =	shalt  }
0x7b: {  	_ =	shalt  }
0x7c: {  	_ =	shalt  }
0x7d: {  	_ =	shalt  }
0x7e: {  	_ =	shalt  }
0x7f: {  	_ =	shalt  }
0x80: {  	_ =	shalt  }
0x81: {  	_ =	shalt  }
0x82: {  	_ =	shalt  }
0x83: {  	_ =	shalt  }
0x84: {  	_ =	shalt  }
0x85: {  	_ =	shalt  }
0x86: {  	_ =	shalt  }
0x87: {  	_ =	shalt  }
.Lfunc_end0:
.L_simem_size_0:
called_computation.1_lowered:
.L_overlay_start_0:
0x88: {  	s2 =	sld [smem:$0x3FD9]  }
0x89: {  	s3 =	sld [smem:$0x3FFE];
	_ =	sdelay $0x1  }
0x8a: {  	s1 =	srdreg.scid  }
0x8b: {  	s0 =	sand.u32 $0x1, s1  }
0x8c: {  	s15 =	sshll.u32 s0, $0xA;
	s2 =	sadd.s32 s3, s2  }
0x8d: {  	s2 =	sadd.s32 s2, s15  }
0x8e: {  	[smem:$0x3FB2] =	sst s2  }
0x8f: {  	_ = 	snop  }
0x90: {  	s16 =	sld [smem:$0x3FD0];
	_ =	sdelay $0x2  }
0x91: {  	s4 =	simm.s32 $0xB;
	s5 =	simm.s32 $0x10;
	s2 =	sld [smem:$0x3FC4]  }
0x92: {  	[smem:s5], [sflag:s4] =	dma.local [hbm:s16], $0x1  }
0x93: {  	_ =	swait.eq [sflag:s4], $0x1  }
0x94: {  	[sflag:s4] =	ssyncset.done $0x0  }
0x95: {  	[sflag:s4] =	ssyncadd.s32 $0xFFFFFFFF  }
0x96: {  	s17 =	sld [smem:$0x11];
	(tm) =	ssettm $0x1  }
0x97: {  	s18 =	sld [smem:$0x3FFB];
	_ =	sdelay $0x3  }
0x98: {  	_ =	strace s18  }
0x99: {  	s3 =	sld [smem:$0x3FFC];
	_ =	sdelay $0x3  }
0x9a: {  	_ =	strace s3  }
0x9b: {  	s3 =	sld [smem:$0x3FFD];
	_ =	sdelay $0x3  }
0x9c: {  	_ =	strace s3  }
0x9d: {  	_ =	strace $0x8FFFFFFF  }
0x9e: {  	s19 =	sld [smem:$0x3FDB];
	_ =	sdelay $0x1  }
0x9f: {  	s20 =	simm.s32 $_scs_section_size  }
0xa0: {  	s6 =	simm.s32 $_size__tile_overlayer_lowered;
	s7 =	simm.s32 $_tile_overlayer_lowered  }
0xa1: {  	s8 =	simm.s32 $0x1BFF;
	s21 =	sshll.u32 s7, $0x1;
	s5 =	sadd.s32 s20, s19  }
0xa2: {  	s22 =	simm.s32 $0x0;
	s6 =	sshll.u32 s6, $0x1;
	s7 =	sadd.s32 s21, s5  }
0xa3: {  	[timem:s22], [sflag:s8] =	dma.local [hbm:s7], s6  }
0xa4: {  	_ =	swait.ge [sflag:s8], s6  }
0xa5: {  	s6 =	ssub.s32 $0x0, s6;
	[sflag:s8] =	ssyncset.done $0x0  }
0xa6: {  	[sflag:s8] =	ssyncadd.s32 s6;
	_ =	sdelay $0x1  }
0xa7: {  	s23 =	simm.s32 $0x1B8B  }
0xa8: {  	_ =	swait.ge [sflag:s23], $0x1  }
0xa9: {  	[sflag:s23] =	ssyncset.done $0x0  }
0xaa: {  	[sflag:s23] =	ssyncadd.s32 $0xFFFFFFFF  }
0xab: {  	s6 =	sld [smem:$0x0]  }
0xac: {  	s7 =	sand.u32 $0xFFFFFFFE, s1  }
0xad: {  	p0 =	sne.s32 s1, s7  }
0xae: {  	s7 =	sshll.u32 @p0 s7, $0xE  }
0xaf: {  	s7 =	sadd.s32 @p0 $0x11B8D, s7;
	s8 =	sshll.u32 @p0 s6, $0x11  }
0xb0: {  	s7 =	sor.u32 @p0 s8, s7  }
0xb1: {  	[sflag:s7] =	ssyncadd.remote.s32 @p0 $0x1;
	_ =	sdelay $0x1  }
0xb2: {  	s7 =	simm.s32 @p0 $0x1B8D  }
0xb3: {  	_ =	swait.eq @p0 [sflag:s7], $0x1  }
0xb4: {  	[sflag:s7] =	ssyncadd.s32 @p0 $0xFFFFFFFF  }
0xb5: {  	s8 =	sshll.u32 @!p0 s1, $0xE  }
0xb6: {  	s8 =	sor.u32 @!p0 $0x4000, s8;
	s7 =	simm.s32 @!p0 $0x1B8D  }
0xb7: {  	s6 =	sshll.u32 @!p0 s6, $0x11;
	s8 =	sadd.s32 @!p0 $0x11B8D, s8;
	_ =	swait.eq @!p0 [sflag:s7], $0x1  }
0xb8: {  	s6 =	sor.u32 @!p0 s6, s8;
	[sflag:s7] =	ssyncadd.s32 @!p0 $0xFFFFFFFF  }
0xb9: {  	s25 =	simm.s32 $0x1B8E;
	s24 =	sld [smem:$0x3FFE];
	[sflag:s6] =	ssyncadd.remote.s32 @!p0 $0x1  }
0xba: {  	s26 =	simm.s32 $execute0_lowered;
	[smem:$0x3FD2] =	sst s25  }
0xbb: {  	s7 =	sshll.u32 s26, $0x1;
	_ =	strace $0x80000049;
	[dreg:$0x1] =	wrdreg $0xFFFFFFFF  }
0xbc: {  	s28 =	simm.s32 $_size_execute0_lowered;
	s5 =	sadd.s32 s5, s7;
	[dreg:$0x0] =	wrdreg $0x0  }
0xbd: {  	s7 =	sshll.u32 s28, $0x1;
	[dreg:$0x2] =	wrdreg s5  }
0xbe: {  	[dreg:$0x3] =	wrdreg s7  }
0xbf: {  	[dreg:$0x4] =	wrdreg $0xC0  }
0xc0: {  	_ =	task [dreg:s22], $0x5FFFF  }
0xc1: {  	[dreg:$0x1] =	wrdreg $0xFFFFFFFF  }
0xc2: {  	[dreg:$0x0] =	wrdreg $0x60  }
0xc3: {  	[dreg:$0x2] =	wrdreg s2  }
0xc4: {  	[dreg:$0x3] =	wrdreg s17  }
0xc5: {  	[dreg:$0x4] =	wrdreg s24  }
0xc6: {  	[dreg:$0x5] =	wrdreg $0xA  }
0xc7: {  	_ =	task.clear_ibuf [dreg:s22], $0x6FFFF;
	_ =	strace $0x90000049  }
0xc8: {  	s29 =	simm.s32 $0xA;
	_ =	strace $0x8000004B  }
0xc9: {  	_ =	swait.ge [sflag:s29], $0x1  }
0xca: {  	[sflag:s29] =	ssyncadd.s32 $0xFFFFFFFF  }
0xcb: {  	_ =	strace $0x9000004B  }
0xcc: {  	_ =	sfence  }
0xcd: {  	s30 =	sld [smem:$0x0];
	_ =	sdelay $0x2  }
0xce: {  	s31 =	sshll.u32 s1, $0xD;
	s1 =	sshrl.u32 s1, $0x2  }
0xcf: {  	s4 =	sand.u32 $0x4000, s31;
	s1 =	sadd.s32 s1, s30  }
0xd0: {  	s0 =	sor.u32 s4, s0;
	s1 =	sshll.u32 s1, $0x11  }
0xd1: {  	s0 =	sor.u32 s1, s0  }
0xd2: {  	s0 =	sadd.s32 $0x8F2B, s0  }
0xd3: {  	[sflag:s0] =	ssyncadd.remote.s32 $0x1  }
0xd4: {  	_ =	sfence.sel $0xFFFF  }
0xd5: {  	[dreg:$0x0] =	wrdreg $0xFFFFFFFF;
	(pc) =	sbr.abs _section_cstart, $3  }
0xd6: {  	[dreg:$0x1] =	wrdreg $0xFFFFFFFF  }
0xd7: {  	_ =	task.clear_ibuf [dreg:s22], $0x2FFFF;
	_ =	strace $0x9FFFFFFF  }
0xd8: {  	(tm) =	ssettm $0x7FFFFFFF  }
0xd9: {  	_ =	shalt  }
tec
execute0_lowered:
.L_overlay_start_1:
0x0: {  	(tag) =	ssettag $0x1  }
0x1: {  	s1 =	rddreg [dreg:$0x0];
	s0 =	srdreg.scid  }
0x2: {  	s6 =	stileid.u32;
	s2 =	rddreg [dreg:$0x1]  }
0x3: {  	s4 =	rddreg [dreg:$0x2];
	s28 =	simm.s32 $0x3B00;
	s29 =	simm.s32 $0x4300  }
0x4: {  	s30 =	simm.s32 $0x4B00;
	s31 =	simm.s32 $0x5300;
	s16 =	simm.s32 $0x6B00  }
0x5: {  	s10 =	simm.s32 $0x2;
	s12 =	simm.s32 $0x4;
	s13 =	simm.s32 $0x3  }
0x6: {  	s14 =	simm.s32 $0x5;
	s0 =	sand.u32 $0x1, s0;
	s3 =	sshll.u32 s6, $0x1  }
0x7: {  	s6 =	sshrl.u32 s6, $0x1;
	s11 =	sadd.s32 $0x100, s1;
	s5 =	sor.u32 s0, s3  }
0x8: {  	s3 =	simm.s32 $0x0;
	s8 =	sshll.u32 s6, $0xA;
	s0 =	ssub.s32 $0x2, s0  }
0x9: {  	s17 =	sshll.u32 s6, $0xB;
	s7 =	sshll.u32 s5, $0x8;
	[smem:$0x7FF] =	sst s3  }
0xa: {  	s5 =	sshll.u32 s5, $0xF;
	s9 =	sshrl.u32 s0, $0x1;
	s7 =	sand.u32 $0x300, s7  }
0xb: {  	_ =	strace $0x8000004A;
	s5 =	sadd.s32 s5, s4;
	s0 =	ssub.s32 s0, s9  }
0xc: {  	s9 =	simm.s32 $0x10300;
	s8 =	sor.u32 s8, s7;
	s19 =	sadd.s32 $0x106400, s5  }
0xd: {  	s6 =	sor.u32 s17, s7;
	s20 =	sadd.s32 $0x107400, s5;
	[dreg:$0x5] =	wrdreg s19  }
0xe: {  	s21 =	sadd.s32 $0x108400, s5;
	s22 =	sadd.s32 $0x109400, s5;
	[dreg:$0x6] =	wrdreg s20  }
0xf: {  	s23 =	sadd.s32 $0x10A400, s5;
	s24 =	sadd.s32 $0x10B400, s5;
	[dreg:$0x7] =	wrdreg s21  }
0x10: {  	s25 =	sadd.s32 $0x10C400, s5;
	s26 =	sadd.s32 $0x10D400, s5;
	[dreg:$0x8] =	wrdreg s22  }
0x11: {  	s15 =	smax.u32 s0, $0x1;
	s0 =	simm.s32 $0x6300;
	[dreg:$0x9] =	wrdreg s23  }
0x12: {  	s17 =	simm.s32 $0x7300;
	s5 =	simm.s32 $0x8300;
	[dreg:$0xa] =	wrdreg s24  }
0x13: {  	s7 =	simm.s32 $0x1;
	s8 =	sshrl.u32 s8, $0x3;
	[dreg:$0xb] =	wrdreg s25  }
0x14: {  	s6 =	sshrl.u32 s6, $0x3;
	[dreg:$0xc] =	wrdreg s26;
	s20 =	simm.s32 $0x300  }
.Ltmp0:
0x15: {  	s22 =	simm.s32 $0x1300;
	s23 =	simm.s32 $0x1B00;
	(pc) =	sbr.rel .LBB2_1-.Ltmp0, $4  }
0x16: {  	s24 =	simm.s32 $0x2300;
	s25 =	simm.s32 $0x2B00;
	s26 =	simm.s32 $0x3300  }
0x17: {  	v2 =	vlaneseq.u32;
	s19 =	simm.s32 $0x7B00;
	s8 =	sadd.s32 s8, s4;
	s2 =	sadd.s32 s2, s6  }
0x18: {  	vm0 =	vmmov $0xffff;
	v1 =	vshrl.u32 v2, $0x3;
	s6 =	simm.s32 $0x6;
	s18 =	sadd.s32 $0x106000, s8;
	[dreg:$0xd] =	wrdreg s2  }
0x19: {  	v0 =	vand.u32 $0x7, v2;
	v2 =	vor.u32 $0x8, v2;
	v1 =	vmul.u32 $0x8, v1;
	s2 =	simm.s32 $0x5B00;
	[dreg:$0x4] =	wrdreg s18;
	s18 =	simm.s32 $0x7  }
.LBB2_5:
0x1a: {  	s15 =	sadd.s32 $0xFFFFFFFF, s15  }
0x1b: {  	p0 =	sne.s32 s15, $0x0  }
.Ltmp1:
0x1c: {  	_ = 	snop;
	(pc) =	sbr.rel @!p0 .LBB2_6-.Ltmp1, $1  }
0x1d: {  	_ =	sdelay $0x3  }
.LBB2_1:
0x1e: {  	s4 =	simm.s32 $0x100;
	s8 =	simm.s32 $0x400;
	s21 =	rddreg [dreg:$0xd]  }
0x1f: {  	[tilespmem:s3], [sflag:$0x7] =	stream.strided.gather [hbm4b:s21+s4], $0x200, s8, s4, $0x38;
	[tilespmem:$0x18300] =	vst v63  }
0x20: {  	_ =	swait.ge [sflag:s18], $0x200  }
0x21: {  	[sflag:s18] =	ssyncset.done $0x0  }
0x22: {  	s21 =	simm.s32 $0x200;
	s8 =	rddreg [dreg:$0x4];
	[sflag:s18] =	ssyncadd.s32 $0xFFFFFE00  }
0x23: {  	[tilespmem:s21], [sflag:$0x7] =	stream.linear.gather [hbm4b:s8+s3], $0x100, $0x38;
	[tilespmem:$0x18300] =	vst v63  }
0x24: {  	_ =	swait.ge [sflag:s18], $0x100  }
0x25: {  	[sflag:s18] =	ssyncset.done $0x0  }
0x26: {  	[sflag:s18] =	ssyncadd.s32 $0xFFFFFF00  }
0x27: {  	v3 =	vld [tilespmem:$0x200];
	_ =	sdelay $0x4  }
0x28: {  	(v2sf) =	vpush v3, $0x0;
	_ =	sdelay $0xe  }
0x29: {  	s21 =	spop (v2sf)  }
0x2a: {  	p0 =	slt.s32 s21, $0x1  }
.Ltmp2:
0x2b: {  	_ = 	snop;
	(pc) =	sbr.rel @p0 .LBB2_3-.Ltmp2, $1  }
0x2c: {  	_ =	sdelay $0x3  }
0x2d: {  	v3 =	vld [tilespmem:$0x0];
	_ =	sdelay $0x4  }
0x2e: {  	v4 =	vshll.u32 v3, $0x2  }
0x2f: {  	v3 =	vand.u32 $0x7, v3;
	v4 =	vand.u32 $0xFFFFFFE0, v4  }
0x30: {  	v3 =	vor.u32 v3, v4  }
0x31: {  	v4 =	vperm.xlane v3, v0;
	_ =	sdelay $0x1  }
0x32: {  	v4 =	vadd.s32 v1, v4;
	_ =	sdelay $0x1  }
0x33: {  	v3 =	vperm.xlane v3, v2;
	_ =	sdelay $0x1  }
0x34: {  	v3 =	vadd.s32 v1, v3  }
0x35: {  	[tilespmem:s20], [sflag:$0x1] =	stream.indirect_vreg.gather [hbm4b:s1+s3], $0x80, v4, vm0, $0xb8;
	[tilespmem:$0x18300] =	vst v63  }
0x36: {  	s8 =	simm.s32 $0xB00  }
0x37: {  	[tilespmem:s8], [sflag:$0x1] =	stream.indirect_vreg.gather [hbm4b:s11+s3], $0x80, v4, vm0, $0xb8;
	[tilespmem:$0x18300] =	vst v63  }
0x38: {  	_ = 	snop  }
0x39: {  	[tilespmem:s22], [sflag:$0x1] =	stream.indirect_vreg.gather [hbm4b:s1+s3], $0x80, v3, vm0, $0xb8;
	[tilespmem:$0x18300] =	vst v63  }
0x3a: {  	_ = 	snop  }
0x3b: {  	[tilespmem:s23], [sflag:$0x1] =	stream.indirect_vreg.gather [hbm4b:s11+s3], $0x80, v3, vm0, $0xb8;
	[tilespmem:$0x18300] =	vst v63  }
0x3c: {  	v3 =	vld [tilespmem:$0x10];
	_ =	sdelay $0x4  }
0x3d: {  	v49 =	vshll.u32 v3, $0x2  }
0x3e: {  	v3 =	vand.u32 $0x7, v3;
	v4 =	vand.u32 $0xFFFFFFE0, v49  }
0x3f: {  	v3 =	vor.u32 v3, v4  }
0x40: {  	v4 =	vperm.xlane v3, v0;
	_ =	sdelay $0x1  }
0x41: {  	v4 =	vadd.s32 v1, v4;
	_ =	sdelay $0x1  }
0x42: {  	v3 =	vperm.xlane v3, v2;
	_ =	sdelay $0x1  }
0x43: {  	v3 =	vadd.s32 v1, v3  }
0x44: {  	[tilespmem:s24], [sflag:$0x1] =	stream.indirect_vreg.gather [hbm4b:s1+s3], $0x80, v4, vm0, $0xb8;
	[tilespmem:$0x18300] =	vst v63  }
0x45: {  	_ = 	snop  }
0x46: {  	[tilespmem:s25], [sflag:$0x1] =	stream.indirect_vreg.gather [hbm4b:s11+s3], $0x80, v4, vm0, $0xb8;
	[tilespmem:$0x18300] =	vst v63  }
0x47: {  	_ = 	snop  }
0x48: {  	[tilespmem:s26], [sflag:$0x1] =	stream.indirect_vreg.gather [hbm4b:s1+s3], $0x80, v3, vm0, $0xb8;
	[tilespmem:$0x18300] =	vst v63  }
0x49: {  	_ = 	snop  }
0x4a: {  	[tilespmem:s28], [sflag:$0x1] =	stream.indirect_vreg.gather [hbm4b:s11+s3], $0x80, v3, vm0, $0xb8;
	[tilespmem:$0x18300] =	vst v63  }
0x4b: {  	v3 =	vld [tilespmem:$0x20];
	_ =	sdelay $0x4  }
0x4c: {  	v50 =	vshll.u32 v3, $0x2  }
0x4d: {  	v3 =	vand.u32 $0x7, v3;
	v4 =	vand.u32 $0xFFFFFFE0, v50  }
0x4e: {  	v3 =	vor.u32 v3, v4  }
0x4f: {  	v4 =	vperm.xlane v3, v0;
	_ =	sdelay $0x1  }
0x50: {  	v4 =	vadd.s32 v1, v4;
	_ =	sdelay $0x1  }
0x51: {  	v3 =	vperm.xlane v3, v2;
	_ =	sdelay $0x1  }
0x52: {  	v3 =	vadd.s32 v1, v3  }
0x53: {  	[tilespmem:s29], [sflag:$0x1] =	stream.indirect_vreg.gather [hbm4b:s1+s3], $0x80, v4, vm0, $0xb8;
	[tilespmem:$0x18300] =	vst v63  }
0x54: {  	_ = 	snop  }
0x55: {  	[tilespmem:s30], [sflag:$0x1] =	stream.indirect_vreg.gather [hbm4b:s11+s3], $0x80, v4, vm0, $0xb8;
	[tilespmem:$0x18300] =	vst v63  }
0x56: {  	_ = 	snop  }
0x57: {  	[tilespmem:s31], [sflag:$0x1] =	stream.indirect_vreg.gather [hbm4b:s1+s3], $0x80, v3, vm0, $0xb8;
	[tilespmem:$0x18300] =	vst v63  }
0x58: {  	_ = 	snop  }
0x59: {  	[tilespmem:s2], [sflag:$0x1] =	stream.indirect_vreg.gather [hbm4b:s11+s3], $0x80, v3, vm0, $0xb8;
	[tilespmem:$0x18300] =	vst v63  }
0x5a: {  	v3 =	vld [tilespmem:$0x30];
	_ =	sdelay $0x4  }
0x5b: {  	v51 =	vshll.u32 v3, $0x2  }
0x5c: {  	v3 =	vand.u32 $0x7, v3;
	v4 =	vand.u32 $0xFFFFFFE0, v51  }
0x5d: {  	v3 =	vor.u32 v3, v4  }
0x5e: {  	v4 =	vperm.xlane v3, v0;
	_ =	sdelay $0x1  }
0x5f: {  	v4 =	vadd.s32 v1, v4;
	_ =	sdelay $0x1  }
0x60: {  	v3 =	vperm.xlane v3, v2;
	_ =	sdelay $0x1  }
0x61: {  	v3 =	vadd.s32 v1, v3  }
0x62: {  	[tilespmem:s0], [sflag:$0x1] =	stream.indirect_vreg.gather [hbm4b:s1+s3], $0x80, v4, vm0, $0xb8;
	[tilespmem:$0x18300] =	vst v63  }
0x63: {  	_ = 	snop  }
0x64: {  	[tilespmem:s16], [sflag:$0x1] =	stream.indirect_vreg.gather [hbm4b:s11+s3], $0x80, v4, vm0, $0xb8;
	[tilespmem:$0x18300] =	vst v63  }
0x65: {  	_ = 	snop  }
0x66: {  	[tilespmem:s17], [sflag:$0x1] =	stream.indirect_vreg.gather [hbm4b:s1+s3], $0x80, v3, vm0, $0xb8;
	[tilespmem:$0x18300] =	vst v63  }
0x67: {  	_ = 	snop  }
0x68: {  	[tilespmem:s19], [sflag:$0x1] =	stream.indirect_vreg.gather [hbm4b:s11+s3], $0x80, v3, vm0, $0xb8;
	[tilespmem:$0x18300] =	vst v63  }
0x69: {  	v3 =	vld [tilespmem:$0x40];
	_ =	sdelay $0x4  }
0x6a: {  	v52 =	vshll.u32 v3, $0x2  }
0x6b: {  	v3 =	vand.u32 $0x7, v3;
	v4 =	vand.u32 $0xFFFFFFE0, v52  }
0x6c: {  	v3 =	vor.u32 v3, v4  }
0x6d: {  	v4 =	vperm.xlane v3, v0;
	_ =	sdelay $0x1  }
0x6e: {  	v4 =	vadd.s32 v1, v4;
	_ =	sdelay $0x1  }
0x6f: {  	v3 =	vperm.xlane v3, v2;
	_ =	sdelay $0x1  }
0x70: {  	v3 =	vadd.s32 v1, v3  }
0x71: {  	[tilespmem:s5], [sflag:$0x2] =	stream.indirect_vreg.gather [hbm4b:s1+s3], $0x80, v4, vm0, $0xb8;
	[tilespmem:$0x18300] =	vst v63  }
0x72: {  	s4 =	simm.s32 $0x8B00  }
0x73: {  	[tilespmem:s4], [sflag:$0x2] =	stream.indirect_vreg.gather [hbm4b:s11+s3], $0x80, v4, vm0, $0xb8;
	[tilespmem:$0x18300] =	vst v63  }
0x74: {  	s21 =	simm.s32 $0x9300  }
0x75: {  	[tilespmem:s21], [sflag:$0x2] =	stream.indirect_vreg.gather [hbm4b:s1+s3], $0x80, v3, vm0, $0xb8;
	[tilespmem:$0x18300] =	vst v63  }
0x76: {  	s21 =	simm.s32 $0x9B00  }
0x77: {  	[tilespmem:s21], [sflag:$0x2] =	stream.indirect_vreg.gather [hbm4b:s11+s3], $0x80, v3, vm0, $0xb8;
	[tilespmem:$0x18300] =	vst v63  }
0x78: {  	v3 =	vld [tilespmem:$0x50];
	_ =	sdelay $0x4  }
0x79: {  	v53 =	vshll.u32 v3, $0x2  }
0x7a: {  	v3 =	vand.u32 $0x7, v3;
	v4 =	vand.u32 $0xFFFFFFE0, v53  }
0x7b: {  	v3 =	vor.u32 v3, v4  }
0x7c: {  	v4 =	vperm.xlane v3, v0;
	_ =	sdelay $0x1  }
0x7d: {  	v4 =	vadd.s32 v1, v4;
	_ =	sdelay $0x1  }
0x7e: {  	v3 =	vperm.xlane v3, v2;
	_ =	sdelay $0x1  }
0x7f: {  	s21 =	simm.s32 $0xA300;
	v3 =	vadd.s32 v1, v3  }
0x80: {  	[tilespmem:s21], [sflag:$0x2] =	stream.indirect_vreg.gather [hbm4b:s1+s3], $0x80, v4, vm0, $0xb8;
	[tilespmem:$0x18300] =	vst v63  }
0x81: {  	s21 =	simm.s32 $0xAB00  }
0x82: {  	[tilespmem:s21], [sflag:$0x2] =	stream.indirect_vreg.gather [hbm4b:s11+s3], $0x80, v4, vm0, $0xb8;
	[tilespmem:$0x18300] =	vst v63  }
0x83: {  	s21 =	simm.s32 $0xB300  }
0x84: {  	[tilespmem:s21], [sflag:$0x2] =	stream.indirect_vreg.gather [hbm4b:s1+s3], $0x80, v3, vm0, $0xb8;
	[tilespmem:$0x18300] =	vst v63  }
0x85: {  	s21 =	simm.s32 $0xBB00  }
0x86: {  	[tilespmem:s21], [sflag:$0x2] =	stream.indirect_vreg.gather [hbm4b:s11+s3], $0x80, v3, vm0, $0xb8;
	[tilespmem:$0x18300] =	vst v63  }
0x87: {  	v3 =	vld [tilespmem:$0x60];
	_ =	sdelay $0x4  }
0x88: {  	v54 =	vshll.u32 v3, $0x2  }
0x89: {  	v3 =	vand.u32 $0x7, v3;
	v4 =	vand.u32 $0xFFFFFFE0, v54  }
0x8a: {  	v3 =	vor.u32 v3, v4  }
0x8b: {  	v4 =	vperm.xlane v3, v0;
	_ =	sdelay $0x1  }
0x8c: {  	v4 =	vadd.s32 v1, v4;
	_ =	sdelay $0x1  }
0x8d: {  	v3 =	vperm.xlane v3, v2;
	_ =	sdelay $0x1  }
0x8e: {  	s21 =	simm.s32 $0xC300;
	v3 =	vadd.s32 v1, v3  }
0x8f: {  	[tilespmem:s21], [sflag:$0x2] =	stream.indirect_vreg.gather [hbm4b:s1+s3], $0x80, v4, vm0, $0xb8;
	[tilespmem:$0x18300] =	vst v63  }
0x90: {  	s21 =	simm.s32 $0xCB00  }
0x91: {  	[tilespmem:s21], [sflag:$0x2] =	stream.indirect_vreg.gather [hbm4b:s11+s3], $0x80, v4, vm0, $0xb8;
	[tilespmem:$0x18300] =	vst v63  }
0x92: {  	s21 =	simm.s32 $0xD300  }
0x93: {  	[tilespmem:s21], [sflag:$0x2] =	stream.indirect_vreg.gather [hbm4b:s1+s3], $0x80, v3, vm0, $0xb8;
	[tilespmem:$0x18300] =	vst v63  }
0x94: {  	s21 =	simm.s32 $0xDB00  }
0x95: {  	[tilespmem:s21], [sflag:$0x2] =	stream.indirect_vreg.gather [hbm4b:s11+s3], $0x80, v3, vm0, $0xb8;
	[tilespmem:$0x18300] =	vst v63  }
0x96: {  	v3 =	vld [tilespmem:$0x70];
	_ =	sdelay $0x4  }
0x97: {  	v55 =	vshll.u32 v3, $0x2  }
0x98: {  	v3 =	vand.u32 $0x7, v3;
	v4 =	vand.u32 $0xFFFFFFE0, v55  }
0x99: {  	v3 =	vor.u32 v3, v4  }
0x9a: {  	v4 =	vperm.xlane v3, v0;
	_ =	sdelay $0x1  }
0x9b: {  	v4 =	vadd.s32 v1, v4;
	_ =	sdelay $0x1  }
0x9c: {  	v3 =	vperm.xlane v3, v2;
	_ =	sdelay $0x1  }
0x9d: {  	s21 =	simm.s32 $0xE300;
	v3 =	vadd.s32 v1, v3  }
0x9e: {  	[tilespmem:s21], [sflag:$0x2] =	stream.indirect_vreg.gather [hbm4b:s1+s3], $0x80, v4, vm0, $0xb8;
	[tilespmem:$0x18300] =	vst v63  }
0x9f: {  	s21 =	simm.s32 $0xEB00  }
0xa0: {  	[tilespmem:s21], [sflag:$0x2] =	stream.indirect_vreg.gather [hbm4b:s11+s3], $0x80, v4, vm0, $0xb8;
	[tilespmem:$0x18300] =	vst v63  }
0xa1: {  	s21 =	simm.s32 $0xF300  }
0xa2: {  	[tilespmem:s21], [sflag:$0x2] =	stream.indirect_vreg.gather [hbm4b:s1+s3], $0x80, v3, vm0, $0xb8;
	[tilespmem:$0x18300] =	vst v63  }
0xa3: {  	s21 =	simm.s32 $0xFB00  }
0xa4: {  	[tilespmem:s21], [sflag:$0x2] =	stream.indirect_vreg.gather [hbm4b:s11+s3], $0x80, v3, vm0, $0xb8;
	[tilespmem:$0x18300] =	vst v63  }
0xa5: {  	_ =	swait.ge [sflag:s7], $0x8000  }
0xa6: {  	[sflag:s7] =	ssyncset.done $0x0  }
0xa7: {  	s21 =	rddreg [dreg:$0x5];
	[sflag:s7] =	ssyncadd.s32 $0xFFFF8000  }
0xa8: {  	[hbm4b:s21+s3] =	stream.linear.scatter [tilespmem:s20], [sflag:$0x4], $0x8000, $0x38;
	[tilespmem:$0x18300] =	vst v63  }
0xa9: {  	v3 =	vld [tilespmem:$0x100];
	_ =	sdelay $0x4  }
0xaa: {  	v56 =	vshll.u32 v3, $0x2  }
0xab: {  	v3 =	vand.u32 $0x7, v3;
	v4 =	vand.u32 $0xFFFFFFE0, v56  }
0xac: {  	v3 =	vor.u32 v3, v4  }
0xad: {  	v4 =	vperm.xlane v3, v0;
	_ =	sdelay $0x1  }
0xae: {  	v4 =	vadd.s32 v1, v4;
	_ =	sdelay $0x1  }
0xaf: {  	v3 =	vperm.xlane v3, v2;
	_ =	sdelay $0x1  }
0xb0: {  	v3 =	vadd.s32 v1, v3  }
0xb1: {  	[tilespmem:s9], [sflag:$0x3] =	stream.indirect_vreg.gather [hbm4b:s1+s3], $0x80, v4, vm0, $0xb8;
	[tilespmem:$0x18300] =	vst v63  }
0xb2: {  	s21 =	simm.s32 $0x10B00  }
0xb3: {  	[tilespmem:s21], [sflag:$0x3] =	stream.indirect_vreg.gather [hbm4b:s11+s3], $0x80, v4, vm0, $0xb8;
	[tilespmem:$0x18300] =	vst v63  }
0xb4: {  	s21 =	simm.s32 $0x11300  }
0xb5: {  	[tilespmem:s21], [sflag:$0x3] =	stream.indirect_vreg.gather [hbm4b:s1+s3], $0x80, v3, vm0, $0xb8;
	[tilespmem:$0x18300] =	vst v63  }
0xb6: {  	s21 =	simm.s32 $0x11B00  }
0xb7: {  	[tilespmem:s21], [sflag:$0x3] =	stream.indirect_vreg.gather [hbm4b:s11+s3], $0x80, v3, vm0, $0xb8;
	[tilespmem:$0x18300] =	vst v63  }
0xb8: {  	v3 =	vld [tilespmem:$0x110];
	_ =	sdelay $0x4  }
0xb9: {  	v57 =	vshll.u32 v3, $0x2  }
0xba: {  	v3 =	vand.u32 $0x7, v3;
	v4 =	vand.u32 $0xFFFFFFE0, v57  }
0xbb: {  	v3 =	vor.u32 v3, v4  }
0xbc: {  	v4 =	vperm.xlane v3, v0;
	_ =	sdelay $0x1  }
0xbd: {  	v4 =	vadd.s32 v1, v4;
	_ =	sdelay $0x1  }
0xbe: {  	v3 =	vperm.xlane v3, v2;
	_ =	sdelay $0x1  }
0xbf: {  	s21 =	simm.s32 $0x12300;
	v3 =	vadd.s32 v1, v3  }
0xc0: {  	[tilespmem:s21], [sflag:$0x3] =	stream.indirect_vreg.gather [hbm4b:s1+s3], $0x80, v4, vm0, $0xb8;
	[tilespmem:$0x18300] =	vst v63  }
0xc1: {  	s21 =	simm.s32 $0x12B00  }
0xc2: {  	[tilespmem:s21], [sflag:$0x3] =	stream.indirect_vreg.gather [hbm4b:s11+s3], $0x80, v4, vm0, $0xb8;
	[tilespmem:$0x18300] =	vst v63  }
0xc3: {  	s21 =	simm.s32 $0x13300  }
0xc4: {  	[tilespmem:s21], [sflag:$0x3] =	stream.indirect_vreg.gather [hbm4b:s1+s3], $0x80, v3, vm0, $0xb8;
	[tilespmem:$0x18300] =	vst v63  }
0xc5: {  	s21 =	simm.s32 $0x13B00  }
0xc6: {  	[tilespmem:s21], [sflag:$0x3] =	stream.indirect_vreg.gather [hbm4b:s11+s3], $0x80, v3, vm0, $0xb8;
	[tilespmem:$0x18300] =	vst v63  }
0xc7: {  	v3 =	vld [tilespmem:$0x120];
	_ =	sdelay $0x4  }
0xc8: {  	v58 =	vshll.u32 v3, $0x2  }
0xc9: {  	v3 =	vand.u32 $0x7, v3;
	v4 =	vand.u32 $0xFFFFFFE0, v58  }
0xca: {  	v3 =	vor.u32 v3, v4  }
0xcb: {  	v4 =	vperm.xlane v3, v0;
	_ =	sdelay $0x1  }
0xcc: {  	v4 =	vadd.s32 v1, v4;
	_ =	sdelay $0x1  }
0xcd: {  	v3 =	vperm.xlane v3, v2;
	_ =	sdelay $0x1  }
0xce: {  	s21 =	simm.s32 $0x14300;
	v3 =	vadd.s32 v1, v3  }
0xcf: {  	[tilespmem:s21], [sflag:$0x3] =	stream.indirect_vreg.gather [hbm4b:s1+s3], $0x80, v4, vm0, $0xb8;
	[tilespmem:$0x18300] =	vst v63  }
0xd0: {  	s21 =	simm.s32 $0x14B00  }
0xd1: {  	[tilespmem:s21], [sflag:$0x3] =	stream.indirect_vreg.gather [hbm4b:s11+s3], $0x80, v4, vm0, $0xb8;
	[tilespmem:$0x18300] =	vst v63  }
0xd2: {  	s21 =	simm.s32 $0x15300  }
0xd3: {  	[tilespmem:s21], [sflag:$0x3] =	stream.indirect_vreg.gather [hbm4b:s1+s3], $0x80, v3, vm0, $0xb8;
	[tilespmem:$0x18300] =	vst v63  }
0xd4: {  	s21 =	simm.s32 $0x15B00  }
0xd5: {  	[tilespmem:s21], [sflag:$0x3] =	stream.indirect_vreg.gather [hbm4b:s11+s3], $0x80, v3, vm0, $0xb8;
	[tilespmem:$0x18300] =	vst v63  }
0xd6: {  	v3 =	vld [tilespmem:$0x130];
	_ =	sdelay $0x4  }
0xd7: {  	v59 =	vshll.u32 v3, $0x2  }
0xd8: {  	v3 =	vand.u32 $0x7, v3;
	v4 =	vand.u32 $0xFFFFFFE0, v59  }
0xd9: {  	v3 =	vor.u32 v3, v4  }
0xda: {  	v4 =	vperm.xlane v3, v0;
	_ =	sdelay $0x1  }
0xdb: {  	v4 =	vadd.s32 v1, v4;
	_ =	sdelay $0x1  }
0xdc: {  	v3 =	vperm.xlane v3, v2;
	_ =	sdelay $0x1  }
0xdd: {  	s21 =	simm.s32 $0x16300;
	v3 =	vadd.s32 v1, v3  }
0xde: {  	[tilespmem:s21], [sflag:$0x3] =	stream.indirect_vreg.gather [hbm4b:s1+s3], $0x80, v4, vm0, $0xb8;
	[tilespmem:$0x18300] =	vst v63  }
0xdf: {  	s21 =	simm.s32 $0x16B00  }
0xe0: {  	[tilespmem:s21], [sflag:$0x3] =	stream.indirect_vreg.gather [hbm4b:s11+s3], $0x80, v4, vm0, $0xb8;
	[tilespmem:$0x18300] =	vst v63  }
0xe1: {  	s21 =	simm.s32 $0x17300  }
0xe2: {  	[tilespmem:s21], [sflag:$0x3] =	stream.indirect_vreg.gather [hbm4b:s1+s3], $0x80, v3, vm0, $0xb8;
	[tilespmem:$0x18300] =	vst v63  }
0xe3: {  	s21 =	simm.s32 $0x17B00  }
0xe4: {  	[tilespmem:s21], [sflag:$0x3] =	stream.indirect_vreg.gather [hbm4b:s11+s3], $0x80, v3, vm0, $0xb8;
	[tilespmem:$0x18300] =	vst v63  }
0xe5: {  	_ =	swait.ge [sflag:s10], $0x8000  }
0xe6: {  	[sflag:s10] =	ssyncset.done $0x0  }
0xe7: {  	s21 =	rddreg [dreg:$0x6];
	[sflag:s10] =	ssyncadd.s32 $0xFFFF8000  }
0xe8: {  	[hbm4b:s21+s3] =	stream.linear.scatter [tilespmem:s5], [sflag:$0x5], $0x8000, $0x38;
	[tilespmem:$0x18300] =	vst v63  }
0xe9: {  	_ =	swait.ge [sflag:s12], $0x8000  }
0xea: {  	[sflag:s12] =	ssyncset.done $0x0  }
0xeb: {  	[sflag:s12] =	ssyncadd.s32 $0xFFFF8000  }
0xec: {  	v3 =	vld [tilespmem:$0x140];
	_ =	sdelay $0x4  }
0xed: {  	v60 =	vshll.u32 v3, $0x2  }
0xee: {  	v3 =	vand.u32 $0x7, v3;
	v4 =	vand.u32 $0xFFFFFFE0, v60  }
0xef: {  	v3 =	vor.u32 v3, v4  }
0xf0: {  	v4 =	vperm.xlane v3, v0;
	_ =	sdelay $0x1  }
0xf1: {  	v4 =	vadd.s32 v1, v4;
	_ =	sdelay $0x1  }
0xf2: {  	v3 =	vperm.xlane v3, v2;
	_ =	sdelay $0x1  }
0xf3: {  	v3 =	vadd.s32 v1, v3  }
0xf4: {  	[tilespmem:s20], [sflag:$0x1] =	stream.indirect_vreg.gather [hbm4b:s1+s3], $0x80, v4, vm0, $0xb8;
	[tilespmem:$0x18300] =	vst v63  }
0xf5: {  	_ = 	snop  }
0xf6: {  	[tilespmem:s8], [sflag:$0x1] =	stream.indirect_vreg.gather [hbm4b:s11+s3], $0x80, v4, vm0, $0xb8;
	[tilespmem:$0x18300] =	vst v63  }
0xf7: {  	_ = 	snop  }
0xf8: {  	[tilespmem:s22], [sflag:$0x1] =	stream.indirect_vreg.gather [hbm4b:s1+s3], $0x80, v3, vm0, $0xb8;
	[tilespmem:$0x18300] =	vst v63  }
0xf9: {  	_ = 	snop  }
0xfa: {  	[tilespmem:s23], [sflag:$0x1] =	stream.indirect_vreg.gather [hbm4b:s11+s3], $0x80, v3, vm0, $0xb8;
	[tilespmem:$0x18300] =	vst v63  }
0xfb: {  	v3 =	vld [tilespmem:$0x150];
	_ =	sdelay $0x4  }
0xfc: {  	v61 =	vshll.u32 v3, $0x2  }
0xfd: {  	v3 =	vand.u32 $0x7, v3;
	v4 =	vand.u32 $0xFFFFFFE0, v61  }
0xfe: {  	v3 =	vor.u32 v3, v4  }
0xff: {  	v4 =	vperm.xlane v3, v0;
	_ =	sdelay $0x1  }
0x100: {  	v4 =	vadd.s32 v1, v4;
	_ =	sdelay $0x1  }
0x101: {  	v3 =	vperm.xlane v3, v2;
	_ =	sdelay $0x1  }
0x102: {  	v3 =	vadd.s32 v1, v3  }
0x103: {  	[tilespmem:s24], [sflag:$0x1] =	stream.indirect_vreg.gather [hbm4b:s1+s3], $0x80, v4, vm0, $0xb8;
	[tilespmem:$0x18300] =	vst v63  }
0x104: {  	_ = 	snop  }
0x105: {  	[tilespmem:s25], [sflag:$0x1] =	stream.indirect_vreg.gather [hbm4b:s11+s3], $0x80, v4, vm0, $0xb8;
	[tilespmem:$0x18300] =	vst v63  }
0x106: {  	_ = 	snop  }
0x107: {  	[tilespmem:s26], [sflag:$0x1] =	stream.indirect_vreg.gather [hbm4b:s1+s3], $0x80, v3, vm0, $0xb8;
	[tilespmem:$0x18300] =	vst v63  }
0x108: {  	_ = 	snop  }
0x109: {  	[tilespmem:s28], [sflag:$0x1] =	stream.indirect_vreg.gather [hbm4b:s11+s3], $0x80, v3, vm0, $0xb8;
	[tilespmem:$0x18300] =	vst v63  }
0x10a: {  	v3 =	vld [tilespmem:$0x160];
	_ =	sdelay $0x4  }
0x10b: {  	v62 =	vshll.u32 v3, $0x2  }
0x10c: {  	v3 =	vand.u32 $0x7, v3;
	v4 =	vand.u32 $0xFFFFFFE0, v62  }
0x10d: {  	v3 =	vor.u32 v3, v4  }
0x10e: {  	v4 =	vperm.xlane v3, v0;
	_ =	sdelay $0x1  }
0x10f: {  	v4 =	vadd.s32 v1, v4;
	_ =	sdelay $0x1  }
0x110: {  	v3 =	vperm.xlane v3, v2;
	_ =	sdelay $0x1  }
0x111: {  	v3 =	vadd.s32 v1, v3  }
0x112: {  	[tilespmem:s29], [sflag:$0x1] =	stream.indirect_vreg.gather [hbm4b:s1+s3], $0x80, v4, vm0, $0xb8;
	[tilespmem:$0x18300] =	vst v63  }
0x113: {  	_ = 	snop  }
0x114: {  	[tilespmem:s30], [sflag:$0x1] =	stream.indirect_vreg.gather [hbm4b:s11+s3], $0x80, v4, vm0, $0xb8;
	[tilespmem:$0x18300] =	vst v63  }
0x115: {  	_ = 	snop  }
0x116: {  	[tilespmem:s31], [sflag:$0x1] =	stream.indirect_vreg.gather [hbm4b:s1+s3], $0x80, v3, vm0, $0xb8;
	[tilespmem:$0x18300] =	vst v63  }
0x117: {  	_ = 	snop  }
0x118: {  	[tilespmem:s2], [sflag:$0x1] =	stream.indirect_vreg.gather [hbm4b:s11+s3], $0x80, v3, vm0, $0xb8;
	[tilespmem:$0x18300] =	vst v63  }
0x119: {  	v3 =	vld [tilespmem:$0x170];
	_ =	sdelay $0x4  }
0x11a: {  	v63 =	vshll.u32 v3, $0x2  }
0x11b: {  	v3 =	vand.u32 $0x7, v3;
	v4 =	vand.u32 $0xFFFFFFE0, v63  }
0x11c: {  	v3 =	vor.u32 v3, v4  }
0x11d: {  	v4 =	vperm.xlane v3, v0;
	_ =	sdelay $0x1  }
0x11e: {  	v4 =	vadd.s32 v1, v4;
	_ =	sdelay $0x1  }
0x11f: {  	v3 =	vperm.xlane v3, v2;
	_ =	sdelay $0x1  }
0x120: {  	v3 =	vadd.s32 v1, v3  }
0x121: {  	[tilespmem:s0], [sflag:$0x1] =	stream.indirect_vreg.gather [hbm4b:s1+s3], $0x80, v4, vm0, $0xb8;
	[tilespmem:$0x18300] =	vst v63  }
0x122: {  	_ = 	snop  }
0x123: {  	[tilespmem:s16], [sflag:$0x1] =	stream.indirect_vreg.gather [hbm4b:s11+s3], $0x80, v4, vm0, $0xb8;
	[tilespmem:$0x18300] =	vst v63  }
0x124: {  	_ = 	snop  }
0x125: {  	[tilespmem:s17], [sflag:$0x1] =	stream.indirect_vreg.gather [hbm4b:s1+s3], $0x80, v3, vm0, $0xb8;
	[tilespmem:$0x18300] =	vst v63  }
0x126: {  	_ = 	snop  }
0x127: {  	[tilespmem:s19], [sflag:$0x1] =	stream.indirect_vreg.gather [hbm4b:s11+s3], $0x80, v3, vm0, $0xb8;
	[tilespmem:$0x18300] =	vst v63  }
0x128: {  	_ =	swait.ge [sflag:s13], $0x8000  }
0x129: {  	[sflag:s13] =	ssyncset.done $0x0  }
0x12a: {  	s8 =	rddreg [dreg:$0x7];
	[sflag:s13] =	ssyncadd.s32 $0xFFFF8000  }
0x12b: {  	[hbm4b:s8+s3] =	stream.linear.scatter [tilespmem:s9], [sflag:$0x6], $0x8000, $0x38;
	[tilespmem:$0x18300] =	vst v63  }
0x12c: {  	_ =	swait.ge [sflag:s7], $0x8000  }
0x12d: {  	[sflag:s7] =	ssyncset.done $0x0  }
0x12e: {  	s21 =	rddreg [dreg:$0x8];
	[sflag:s7] =	ssyncadd.s32 $0xFFFF8000  }
0x12f: {  	[hbm4b:s21+s3] =	stream.linear.scatter [tilespmem:s20], [sflag:$0x4], $0x8000, $0x38;
	[tilespmem:$0x18300] =	vst v63  }
0x130: {  	_ =	swait.ge [sflag:s12], $0x8000  }
0x131: {  	[sflag:s12] =	ssyncset.done $0x0  }
0x132: {  	[sflag:s12] =	ssyncadd.s32 $0xFFFF8000  }
0x133: {  	_ =	swait.ge [sflag:s14], $0x8000  }
0x134: {  	[sflag:s14] =	ssyncset.done $0x0  }
0x135: {  	[sflag:s14] =	ssyncadd.s32 $0xFFFF8000  }
0x136: {  	_ =	swait.ge [sflag:s6], $0x8000  }
0x137: {  	[sflag:s6] =	ssyncset.done $0x0  }
0x138: {  	[sflag:s6] =	ssyncadd.s32 $0xFFFF8000  }
.LBB2_3:
0x139: {  	v3 =	vld [tilespmem:$0x280];
	_ =	sdelay $0x4  }
0x13a: {  	(v2sf) =	vpush v3, $0x0;
	_ =	sdelay $0xe  }
0x13b: {  	s4 =	spop (v2sf)  }
0x13c: {  	p0 =	slt.s32 s4, $0x1  }
.Ltmp3:
0x13d: {  	_ = 	snop;
	(pc) =	sbr.rel @p0 .LBB2_5-.Ltmp3, $1  }
0x13e: {  	_ =	sdelay $0x3  }
0x13f: {  	v3 =	vld [tilespmem:$0x80];
	_ =	sdelay $0x4  }
0x140: {  	v4 =	vshll.u32 v3, $0x2  }
0x141: {  	v3 =	vand.u32 $0x7, v3;
	v4 =	vand.u32 $0xFFFFFFE0, v4  }
0x142: {  	v3 =	vor.u32 v3, v4  }
0x143: {  	v4 =	vperm.xlane v3, v0;
	_ =	sdelay $0x1  }
0x144: {  	v4 =	vadd.s32 v1, v4;
	_ =	sdelay $0x1  }
0x145: {  	v3 =	vperm.xlane v3, v2;
	_ =	sdelay $0x1  }
0x146: {  	v3 =	vadd.s32 v1, v3  }
0x147: {  	[tilespmem:s20], [sflag:$0x1] =	stream.indirect_vreg.gather [hbm4b:s1+s3], $0x80, v4, vm0, $0xb8;
	[tilespmem:$0x18300] =	vst v63  }
0x148: {  	s8 =	simm.s32 $0xB00  }
0x149: {  	[tilespmem:s8], [sflag:$0x1] =	stream.indirect_vreg.gather [hbm4b:s11+s3], $0x80, v4, vm0, $0xb8;
	[tilespmem:$0x18300] =	vst v63  }
0x14a: {  	_ = 	snop  }
0x14b: {  	[tilespmem:s22], [sflag:$0x1] =	stream.indirect_vreg.gather [hbm4b:s1+s3], $0x80, v3, vm0, $0xb8;
	[tilespmem:$0x18300] =	vst v63  }
0x14c: {  	_ = 	snop  }
0x14d: {  	[tilespmem:s23], [sflag:$0x1] =	stream.indirect_vreg.gather [hbm4b:s11+s3], $0x80, v3, vm0, $0xb8;
	[tilespmem:$0x18300] =	vst v63  }
0x14e: {  	v3 =	vld [tilespmem:$0x90];
	_ =	sdelay $0x4  }
0x14f: {  	v49 =	vshll.u32 v3, $0x2  }
0x150: {  	v3 =	vand.u32 $0x7, v3;
	v4 =	vand.u32 $0xFFFFFFE0, v49  }
0x151: {  	v3 =	vor.u32 v3, v4  }
0x152: {  	v4 =	vperm.xlane v3, v0;
	_ =	sdelay $0x1  }
0x153: {  	v4 =	vadd.s32 v1, v4;
	_ =	sdelay $0x1  }
0x154: {  	v3 =	vperm.xlane v3, v2;
	_ =	sdelay $0x1  }
0x155: {  	v3 =	vadd.s32 v1, v3  }
0x156: {  	[tilespmem:s24], [sflag:$0x1] =	stream.indirect_vreg.gather [hbm4b:s1+s3], $0x80, v4, vm0, $0xb8;
	[tilespmem:$0x18300] =	vst v63  }
0x157: {  	_ = 	snop  }
0x158: {  	[tilespmem:s25], [sflag:$0x1] =	stream.indirect_vreg.gather [hbm4b:s11+s3], $0x80, v4, vm0, $0xb8;
	[tilespmem:$0x18300] =	vst v63  }
0x159: {  	_ = 	snop  }
0x15a: {  	[tilespmem:s26], [sflag:$0x1] =	stream.indirect_vreg.gather [hbm4b:s1+s3], $0x80, v3, vm0, $0xb8;
	[tilespmem:$0x18300] =	vst v63  }
0x15b: {  	_ = 	snop  }
0x15c: {  	[tilespmem:s28], [sflag:$0x1] =	stream.indirect_vreg.gather [hbm4b:s11+s3], $0x80, v3, vm0, $0xb8;
	[tilespmem:$0x18300] =	vst v63  }
0x15d: {  	v3 =	vld [tilespmem:$0xA0];
	_ =	sdelay $0x4  }
0x15e: {  	v50 =	vshll.u32 v3, $0x2  }
0x15f: {  	v3 =	vand.u32 $0x7, v3;
	v4 =	vand.u32 $0xFFFFFFE0, v50  }
0x160: {  	v3 =	vor.u32 v3, v4  }
0x161: {  	v4 =	vperm.xlane v3, v0;
	_ =	sdelay $0x1  }
0x162: {  	v4 =	vadd.s32 v1, v4;
	_ =	sdelay $0x1  }
0x163: {  	v3 =	vperm.xlane v3, v2;
	_ =	sdelay $0x1  }
0x164: {  	v3 =	vadd.s32 v1, v3  }
0x165: {  	[tilespmem:s29], [sflag:$0x1] =	stream.indirect_vreg.gather [hbm4b:s1+s3], $0x80, v4, vm0, $0xb8;
	[tilespmem:$0x18300] =	vst v63  }
0x166: {  	_ = 	snop  }
0x167: {  	[tilespmem:s30], [sflag:$0x1] =	stream.indirect_vreg.gather [hbm4b:s11+s3], $0x80, v4, vm0, $0xb8;
	[tilespmem:$0x18300] =	vst v63  }
0x168: {  	_ = 	snop  }
0x169: {  	[tilespmem:s31], [sflag:$0x1] =	stream.indirect_vreg.gather [hbm4b:s1+s3], $0x80, v3, vm0, $0xb8;
	[tilespmem:$0x18300] =	vst v63  }
0x16a: {  	_ = 	snop  }
0x16b: {  	[tilespmem:s2], [sflag:$0x1] =	stream.indirect_vreg.gather [hbm4b:s11+s3], $0x80, v3, vm0, $0xb8;
	[tilespmem:$0x18300] =	vst v63  }
0x16c: {  	v3 =	vld [tilespmem:$0xB0];
	_ =	sdelay $0x4  }
0x16d: {  	v51 =	vshll.u32 v3, $0x2  }
0x16e: {  	v3 =	vand.u32 $0x7, v3;
	v4 =	vand.u32 $0xFFFFFFE0, v51  }
0x16f: {  	v3 =	vor.u32 v3, v4  }
0x170: {  	v4 =	vperm.xlane v3, v0;
	_ =	sdelay $0x1  }
0x171: {  	v4 =	vadd.s32 v1, v4;
	_ =	sdelay $0x1  }
0x172: {  	v3 =	vperm.xlane v3, v2;
	_ =	sdelay $0x1  }
0x173: {  	v3 =	vadd.s32 v1, v3  }
0x174: {  	[tilespmem:s0], [sflag:$0x1] =	stream.indirect_vreg.gather [hbm4b:s1+s3], $0x80, v4, vm0, $0xb8;
	[tilespmem:$0x18300] =	vst v63  }
0x175: {  	_ = 	snop  }
0x176: {  	[tilespmem:s16], [sflag:$0x1] =	stream.indirect_vreg.gather [hbm4b:s11+s3], $0x80, v4, vm0, $0xb8;
	[tilespmem:$0x18300] =	vst v63  }
0x177: {  	_ = 	snop  }
0x178: {  	[tilespmem:s17], [sflag:$0x1] =	stream.indirect_vreg.gather [hbm4b:s1+s3], $0x80, v3, vm0, $0xb8;
	[tilespmem:$0x18300] =	vst v63  }
0x179: {  	_ = 	snop  }
0x17a: {  	[tilespmem:s19], [sflag:$0x1] =	stream.indirect_vreg.gather [hbm4b:s11+s3], $0x80, v3, vm0, $0xb8;
	[tilespmem:$0x18300] =	vst v63  }
0x17b: {  	v3 =	vld [tilespmem:$0xC0];
	_ =	sdelay $0x4  }
0x17c: {  	v52 =	vshll.u32 v3, $0x2  }
0x17d: {  	v3 =	vand.u32 $0x7, v3;
	v4 =	vand.u32 $0xFFFFFFE0, v52  }
0x17e: {  	v3 =	vor.u32 v3, v4  }
0x17f: {  	v4 =	vperm.xlane v3, v0;
	_ =	sdelay $0x1  }
0x180: {  	v4 =	vadd.s32 v1, v4;
	_ =	sdelay $0x1  }
0x181: {  	v3 =	vperm.xlane v3, v2;
	_ =	sdelay $0x1  }
0x182: {  	v3 =	vadd.s32 v1, v3  }
0x183: {  	[tilespmem:s5], [sflag:$0x2] =	stream.indirect_vreg.gather [hbm4b:s1+s3], $0x80, v4, vm0, $0xb8;
	[tilespmem:$0x18300] =	vst v63  }
0x184: {  	s4 =	simm.s32 $0x8B00  }
0x185: {  	[tilespmem:s4], [sflag:$0x2] =	stream.indirect_vreg.gather [hbm4b:s11+s3], $0x80, v4, vm0, $0xb8;
	[tilespmem:$0x18300] =	vst v63  }
0x186: {  	s21 =	simm.s32 $0x9300  }
0x187: {  	[tilespmem:s21], [sflag:$0x2] =	stream.indirect_vreg.gather [hbm4b:s1+s3], $0x80, v3, vm0, $0xb8;
	[tilespmem:$0x18300] =	vst v63  }
0x188: {  	s21 =	simm.s32 $0x9B00  }
0x189: {  	[tilespmem:s21], [sflag:$0x2] =	stream.indirect_vreg.gather [hbm4b:s11+s3], $0x80, v3, vm0, $0xb8;
	[tilespmem:$0x18300] =	vst v63  }
0x18a: {  	v3 =	vld [tilespmem:$0xD0];
	_ =	sdelay $0x4  }
0x18b: {  	v53 =	vshll.u32 v3, $0x2  }
0x18c: {  	v3 =	vand.u32 $0x7, v3;
	v4 =	vand.u32 $0xFFFFFFE0, v53  }
0x18d: {  	v3 =	vor.u32 v3, v4  }
0x18e: {  	v4 =	vperm.xlane v3, v0;
	_ =	sdelay $0x1  }
0x18f: {  	v4 =	vadd.s32 v1, v4;
	_ =	sdelay $0x1  }
0x190: {  	v3 =	vperm.xlane v3, v2;
	_ =	sdelay $0x1  }
0x191: {  	s21 =	simm.s32 $0xA300;
	v3 =	vadd.s32 v1, v3  }
0x192: {  	[tilespmem:s21], [sflag:$0x2] =	stream.indirect_vreg.gather [hbm4b:s1+s3], $0x80, v4, vm0, $0xb8;
	[tilespmem:$0x18300] =	vst v63  }
0x193: {  	s21 =	simm.s32 $0xAB00  }
0x194: {  	[tilespmem:s21], [sflag:$0x2] =	stream.indirect_vreg.gather [hbm4b:s11+s3], $0x80, v4, vm0, $0xb8;
	[tilespmem:$0x18300] =	vst v63  }
0x195: {  	s21 =	simm.s32 $0xB300  }
0x196: {  	[tilespmem:s21], [sflag:$0x2] =	stream.indirect_vreg.gather [hbm4b:s1+s3], $0x80, v3, vm0, $0xb8;
	[tilespmem:$0x18300] =	vst v63  }
0x197: {  	s21 =	simm.s32 $0xBB00  }
0x198: {  	[tilespmem:s21], [sflag:$0x2] =	stream.indirect_vreg.gather [hbm4b:s11+s3], $0x80, v3, vm0, $0xb8;
	[tilespmem:$0x18300] =	vst v63  }
0x199: {  	v3 =	vld [tilespmem:$0xE0];
	_ =	sdelay $0x4  }
0x19a: {  	v54 =	vshll.u32 v3, $0x2  }
0x19b: {  	v3 =	vand.u32 $0x7, v3;
	v4 =	vand.u32 $0xFFFFFFE0, v54  }
0x19c: {  	v3 =	vor.u32 v3, v4  }
0x19d: {  	v4 =	vperm.xlane v3, v0;
	_ =	sdelay $0x1  }
0x19e: {  	v4 =	vadd.s32 v1, v4;
	_ =	sdelay $0x1  }
0x19f: {  	v3 =	vperm.xlane v3, v2;
	_ =	sdelay $0x1  }
0x1a0: {  	s21 =	simm.s32 $0xC300;
	v3 =	vadd.s32 v1, v3  }
0x1a1: {  	[tilespmem:s21], [sflag:$0x2] =	stream.indirect_vreg.gather [hbm4b:s1+s3], $0x80, v4, vm0, $0xb8;
	[tilespmem:$0x18300] =	vst v63  }
0x1a2: {  	s21 =	simm.s32 $0xCB00  }
0x1a3: {  	[tilespmem:s21], [sflag:$0x2] =	stream.indirect_vreg.gather [hbm4b:s11+s3], $0x80, v4, vm0, $0xb8;
	[tilespmem:$0x18300] =	vst v63  }
0x1a4: {  	s21 =	simm.s32 $0xD300  }
0x1a5: {  	[tilespmem:s21], [sflag:$0x2] =	stream.indirect_vreg.gather [hbm4b:s1+s3], $0x80, v3, vm0, $0xb8;
	[tilespmem:$0x18300] =	vst v63  }
0x1a6: {  	s21 =	simm.s32 $0xDB00  }
0x1a7: {  	[tilespmem:s21], [sflag:$0x2] =	stream.indirect_vreg.gather [hbm4b:s11+s3], $0x80, v3, vm0, $0xb8;
	[tilespmem:$0x18300] =	vst v63  }
0x1a8: {  	v3 =	vld [tilespmem:$0xF0];
	_ =	sdelay $0x4  }
0x1a9: {  	v55 =	vshll.u32 v3, $0x2  }
0x1aa: {  	v3 =	vand.u32 $0x7, v3;
	v4 =	vand.u32 $0xFFFFFFE0, v55  }
0x1ab: {  	v3 =	vor.u32 v3, v4  }
0x1ac: {  	v4 =	vperm.xlane v3, v0;
	_ =	sdelay $0x1  }
0x1ad: {  	v4 =	vadd.s32 v1, v4;
	_ =	sdelay $0x1  }
0x1ae: {  	v3 =	vperm.xlane v3, v2;
	_ =	sdelay $0x1  }
0x1af: {  	s21 =	simm.s32 $0xE300;
	v3 =	vadd.s32 v1, v3  }
0x1b0: {  	[tilespmem:s21], [sflag:$0x2] =	stream.indirect_vreg.gather [hbm4b:s1+s3], $0x80, v4, vm0, $0xb8;
	[tilespmem:$0x18300] =	vst v63  }
0x1b1: {  	s21 =	simm.s32 $0xEB00  }
0x1b2: {  	[tilespmem:s21], [sflag:$0x2] =	stream.indirect_vreg.gather [hbm4b:s11+s3], $0x80, v4, vm0, $0xb8;
	[tilespmem:$0x18300] =	vst v63  }
0x1b3: {  	s21 =	simm.s32 $0xF300  }
0x1b4: {  	[tilespmem:s21], [sflag:$0x2] =	stream.indirect_vreg.gather [hbm4b:s1+s3], $0x80, v3, vm0, $0xb8;
	[tilespmem:$0x18300] =	vst v63  }
0x1b5: {  	s21 =	simm.s32 $0xFB00  }
0x1b6: {  	[tilespmem:s21], [sflag:$0x2] =	stream.indirect_vreg.gather [hbm4b:s11+s3], $0x80, v3, vm0, $0xb8;
	[tilespmem:$0x18300] =	vst v63  }
0x1b7: {  	_ =	swait.ge [sflag:s7], $0x8000  }
0x1b8: {  	[sflag:s7] =	ssyncset.done $0x0  }
0x1b9: {  	s21 =	rddreg [dreg:$0x9];
	[sflag:s7] =	ssyncadd.s32 $0xFFFF8000  }
0x1ba: {  	[hbm4b:s21+s3] =	stream.linear.scatter [tilespmem:s20], [sflag:$0x4], $0x8000, $0x38;
	[tilespmem:$0x18300] =	vst v63  }
0x1bb: {  	v3 =	vld [tilespmem:$0x180];
	_ =	sdelay $0x4  }
0x1bc: {  	v56 =	vshll.u32 v3, $0x2  }
0x1bd: {  	v3 =	vand.u32 $0x7, v3;
	v4 =	vand.u32 $0xFFFFFFE0, v56  }
0x1be: {  	v3 =	vor.u32 v3, v4  }
0x1bf: {  	v4 =	vperm.xlane v3, v0;
	_ =	sdelay $0x1  }
0x1c0: {  	v4 =	vadd.s32 v1, v4;
	_ =	sdelay $0x1  }
0x1c1: {  	v3 =	vperm.xlane v3, v2;
	_ =	sdelay $0x1  }
0x1c2: {  	v3 =	vadd.s32 v1, v3  }
0x1c3: {  	[tilespmem:s9], [sflag:$0x3] =	stream.indirect_vreg.gather [hbm4b:s1+s3], $0x80, v4, vm0, $0xb8;
	[tilespmem:$0x18300] =	vst v63  }
0x1c4: {  	s21 =	simm.s32 $0x10B00  }
0x1c5: {  	[tilespmem:s21], [sflag:$0x3] =	stream.indirect_vreg.gather [hbm4b:s11+s3], $0x80, v4, vm0, $0xb8;
	[tilespmem:$0x18300] =	vst v63  }
0x1c6: {  	s21 =	simm.s32 $0x11300  }
0x1c7: {  	[tilespmem:s21], [sflag:$0x3] =	stream.indirect_vreg.gather [hbm4b:s1+s3], $0x80, v3, vm0, $0xb8;
	[tilespmem:$0x18300] =	vst v63  }
0x1c8: {  	s21 =	simm.s32 $0x11B00  }
0x1c9: {  	[tilespmem:s21], [sflag:$0x3] =	stream.indirect_vreg.gather [hbm4b:s11+s3], $0x80, v3, vm0, $0xb8;
	[tilespmem:$0x18300] =	vst v63  }
0x1ca: {  	v3 =	vld [tilespmem:$0x190];
	_ =	sdelay $0x4  }
0x1cb: {  	v57 =	vshll.u32 v3, $0x2  }
0x1cc: {  	v3 =	vand.u32 $0x7, v3;
	v4 =	vand.u32 $0xFFFFFFE0, v57  }
0x1cd: {  	v3 =	vor.u32 v3, v4  }
0x1ce: {  	v4 =	vperm.xlane v3, v0;
	_ =	sdelay $0x1  }
0x1cf: {  	v4 =	vadd.s32 v1, v4;
	_ =	sdelay $0x1  }
0x1d0: {  	v3 =	vperm.xlane v3, v2;
	_ =	sdelay $0x1  }
0x1d1: {  	s21 =	simm.s32 $0x12300;
	v3 =	vadd.s32 v1, v3  }
0x1d2: {  	[tilespmem:s21], [sflag:$0x3] =	stream.indirect_vreg.gather [hbm4b:s1+s3], $0x80, v4, vm0, $0xb8;
	[tilespmem:$0x18300] =	vst v63  }
0x1d3: {  	s21 =	simm.s32 $0x12B00  }
0x1d4: {  	[tilespmem:s21], [sflag:$0x3] =	stream.indirect_vreg.gather [hbm4b:s11+s3], $0x80, v4, vm0, $0xb8;
	[tilespmem:$0x18300] =	vst v63  }
0x1d5: {  	s21 =	simm.s32 $0x13300  }
0x1d6: {  	[tilespmem:s21], [sflag:$0x3] =	stream.indirect_vreg.gather [hbm4b:s1+s3], $0x80, v3, vm0, $0xb8;
	[tilespmem:$0x18300] =	vst v63  }
0x1d7: {  	s21 =	simm.s32 $0x13B00  }
0x1d8: {  	[tilespmem:s21], [sflag:$0x3] =	stream.indirect_vreg.gather [hbm4b:s11+s3], $0x80, v3, vm0, $0xb8;
	[tilespmem:$0x18300] =	vst v63  }
0x1d9: {  	v3 =	vld [tilespmem:$0x1A0];
	_ =	sdelay $0x4  }
0x1da: {  	v58 =	vshll.u32 v3, $0x2  }
0x1db: {  	v3 =	vand.u32 $0x7, v3;
	v4 =	vand.u32 $0xFFFFFFE0, v58  }
0x1dc: {  	v3 =	vor.u32 v3, v4  }
0x1dd: {  	v4 =	vperm.xlane v3, v0;
	_ =	sdelay $0x1  }
0x1de: {  	v4 =	vadd.s32 v1, v4;
	_ =	sdelay $0x1  }
0x1df: {  	v3 =	vperm.xlane v3, v2;
	_ =	sdelay $0x1  }
0x1e0: {  	s21 =	simm.s32 $0x14300;
	v3 =	vadd.s32 v1, v3  }
0x1e1: {  	[tilespmem:s21], [sflag:$0x3] =	stream.indirect_vreg.gather [hbm4b:s1+s3], $0x80, v4, vm0, $0xb8;
	[tilespmem:$0x18300] =	vst v63  }
0x1e2: {  	s21 =	simm.s32 $0x14B00  }
0x1e3: {  	[tilespmem:s21], [sflag:$0x3] =	stream.indirect_vreg.gather [hbm4b:s11+s3], $0x80, v4, vm0, $0xb8;
	[tilespmem:$0x18300] =	vst v63  }
0x1e4: {  	s21 =	simm.s32 $0x15300  }
0x1e5: {  	[tilespmem:s21], [sflag:$0x3] =	stream.indirect_vreg.gather [hbm4b:s1+s3], $0x80, v3, vm0, $0xb8;
	[tilespmem:$0x18300] =	vst v63  }
0x1e6: {  	s21 =	simm.s32 $0x15B00  }
0x1e7: {  	[tilespmem:s21], [sflag:$0x3] =	stream.indirect_vreg.gather [hbm4b:s11+s3], $0x80, v3, vm0, $0xb8;
	[tilespmem:$0x18300] =	vst v63  }
0x1e8: {  	v3 =	vld [tilespmem:$0x1B0];
	_ =	sdelay $0x4  }
0x1e9: {  	v59 =	vshll.u32 v3, $0x2  }
0x1ea: {  	v3 =	vand.u32 $0x7, v3;
	v4 =	vand.u32 $0xFFFFFFE0, v59  }
0x1eb: {  	v3 =	vor.u32 v3, v4  }
0x1ec: {  	v4 =	vperm.xlane v3, v0;
	_ =	sdelay $0x1  }
0x1ed: {  	v4 =	vadd.s32 v1, v4;
	_ =	sdelay $0x1  }
0x1ee: {  	v3 =	vperm.xlane v3, v2;
	_ =	sdelay $0x1  }
0x1ef: {  	s21 =	simm.s32 $0x16300;
	v3 =	vadd.s32 v1, v3  }
0x1f0: {  	[tilespmem:s21], [sflag:$0x3] =	stream.indirect_vreg.gather [hbm4b:s1+s3], $0x80, v4, vm0, $0xb8;
	[tilespmem:$0x18300] =	vst v63  }
0x1f1: {  	s21 =	simm.s32 $0x16B00  }
0x1f2: {  	[tilespmem:s21], [sflag:$0x3] =	stream.indirect_vreg.gather [hbm4b:s11+s3], $0x80, v4, vm0, $0xb8;
	[tilespmem:$0x18300] =	vst v63  }
0x1f3: {  	s21 =	simm.s32 $0x17300  }
0x1f4: {  	[tilespmem:s21], [sflag:$0x3] =	stream.indirect_vreg.gather [hbm4b:s1+s3], $0x80, v3, vm0, $0xb8;
	[tilespmem:$0x18300] =	vst v63  }
0x1f5: {  	s21 =	simm.s32 $0x17B00  }
0x1f6: {  	[tilespmem:s21], [sflag:$0x3] =	stream.indirect_vreg.gather [hbm4b:s11+s3], $0x80, v3, vm0, $0xb8;
	[tilespmem:$0x18300] =	vst v63  }
0x1f7: {  	_ =	swait.ge [sflag:s10], $0x8000  }
0x1f8: {  	[sflag:s10] =	ssyncset.done $0x0  }
0x1f9: {  	s21 =	rddreg [dreg:$0xa];
	[sflag:s10] =	ssyncadd.s32 $0xFFFF8000  }
0x1fa: {  	[hbm4b:s21+s3] =	stream.linear.scatter [tilespmem:s5], [sflag:$0x5], $0x8000, $0x38;
	[tilespmem:$0x18300] =	vst v63  }
0x1fb: {  	_ =	swait.ge [sflag:s12], $0x8000  }
0x1fc: {  	[sflag:s12] =	ssyncset.done $0x0  }
0x1fd: {  	[sflag:s12] =	ssyncadd.s32 $0xFFFF8000  }
0x1fe: {  	v3 =	vld [tilespmem:$0x1C0];
	_ =	sdelay $0x4  }
0x1ff: {  	v60 =	vshll.u32 v3, $0x2  }
0x200: {  	v3 =	vand.u32 $0x7, v3;
	v4 =	vand.u32 $0xFFFFFFE0, v60  }
0x201: {  	v3 =	vor.u32 v3, v4  }
0x202: {  	v4 =	vperm.xlane v3, v0;
	_ =	sdelay $0x1  }
0x203: {  	v4 =	vadd.s32 v1, v4;
	_ =	sdelay $0x1  }
0x204: {  	v3 =	vperm.xlane v3, v2;
	_ =	sdelay $0x1  }
0x205: {  	v3 =	vadd.s32 v1, v3  }
0x206: {  	[tilespmem:s20], [sflag:$0x1] =	stream.indirect_vreg.gather [hbm4b:s1+s3], $0x80, v4, vm0, $0xb8;
	[tilespmem:$0x18300] =	vst v63  }
0x207: {  	_ = 	snop  }
0x208: {  	[tilespmem:s8], [sflag:$0x1] =	stream.indirect_vreg.gather [hbm4b:s11+s3], $0x80, v4, vm0, $0xb8;
	[tilespmem:$0x18300] =	vst v63  }
0x209: {  	_ = 	snop  }
0x20a: {  	[tilespmem:s22], [sflag:$0x1] =	stream.indirect_vreg.gather [hbm4b:s1+s3], $0x80, v3, vm0, $0xb8;
	[tilespmem:$0x18300] =	vst v63  }
0x20b: {  	_ = 	snop  }
0x20c: {  	[tilespmem:s23], [sflag:$0x1] =	stream.indirect_vreg.gather [hbm4b:s11+s3], $0x80, v3, vm0, $0xb8;
	[tilespmem:$0x18300] =	vst v63  }
0x20d: {  	v3 =	vld [tilespmem:$0x1D0];
	_ =	sdelay $0x4  }
0x20e: {  	v61 =	vshll.u32 v3, $0x2  }
0x20f: {  	v3 =	vand.u32 $0x7, v3;
	v4 =	vand.u32 $0xFFFFFFE0, v61  }
0x210: {  	v3 =	vor.u32 v3, v4  }
0x211: {  	v4 =	vperm.xlane v3, v0;
	_ =	sdelay $0x1  }
0x212: {  	v4 =	vadd.s32 v1, v4;
	_ =	sdelay $0x1  }
0x213: {  	v3 =	vperm.xlane v3, v2;
	_ =	sdelay $0x1  }
0x214: {  	v3 =	vadd.s32 v1, v3  }
0x215: {  	[tilespmem:s24], [sflag:$0x1] =	stream.indirect_vreg.gather [hbm4b:s1+s3], $0x80, v4, vm0, $0xb8;
	[tilespmem:$0x18300] =	vst v63  }
0x216: {  	_ = 	snop  }
0x217: {  	[tilespmem:s25], [sflag:$0x1] =	stream.indirect_vreg.gather [hbm4b:s11+s3], $0x80, v4, vm0, $0xb8;
	[tilespmem:$0x18300] =	vst v63  }
0x218: {  	_ = 	snop  }
0x219: {  	[tilespmem:s26], [sflag:$0x1] =	stream.indirect_vreg.gather [hbm4b:s1+s3], $0x80, v3, vm0, $0xb8;
	[tilespmem:$0x18300] =	vst v63  }
0x21a: {  	_ = 	snop  }
0x21b: {  	[tilespmem:s28], [sflag:$0x1] =	stream.indirect_vreg.gather [hbm4b:s11+s3], $0x80, v3, vm0, $0xb8;
	[tilespmem:$0x18300] =	vst v63  }
0x21c: {  	v3 =	vld [tilespmem:$0x1E0];
	_ =	sdelay $0x4  }
0x21d: {  	v62 =	vshll.u32 v3, $0x2  }
0x21e: {  	v3 =	vand.u32 $0x7, v3;
	v4 =	vand.u32 $0xFFFFFFE0, v62  }
0x21f: {  	v3 =	vor.u32 v3, v4  }
0x220: {  	v4 =	vperm.xlane v3, v0;
	_ =	sdelay $0x1  }
0x221: {  	v4 =	vadd.s32 v1, v4;
	_ =	sdelay $0x1  }
0x222: {  	v3 =	vperm.xlane v3, v2;
	_ =	sdelay $0x1  }
0x223: {  	v3 =	vadd.s32 v1, v3  }
0x224: {  	[tilespmem:s29], [sflag:$0x1] =	stream.indirect_vreg.gather [hbm4b:s1+s3], $0x80, v4, vm0, $0xb8;
	[tilespmem:$0x18300] =	vst v63  }
0x225: {  	_ = 	snop  }
0x226: {  	[tilespmem:s30], [sflag:$0x1] =	stream.indirect_vreg.gather [hbm4b:s11+s3], $0x80, v4, vm0, $0xb8;
	[tilespmem:$0x18300] =	vst v63  }
0x227: {  	_ = 	snop  }
0x228: {  	[tilespmem:s31], [sflag:$0x1] =	stream.indirect_vreg.gather [hbm4b:s1+s3], $0x80, v3, vm0, $0xb8;
	[tilespmem:$0x18300] =	vst v63  }
0x229: {  	_ = 	snop  }
0x22a: {  	[tilespmem:s2], [sflag:$0x1] =	stream.indirect_vreg.gather [hbm4b:s11+s3], $0x80, v3, vm0, $0xb8;
	[tilespmem:$0x18300] =	vst v63  }
0x22b: {  	v3 =	vld [tilespmem:$0x1F0];
	_ =	sdelay $0x4  }
0x22c: {  	v63 =	vshll.u32 v3, $0x2  }
0x22d: {  	v3 =	vand.u32 $0x7, v3;
	v4 =	vand.u32 $0xFFFFFFE0, v63  }
0x22e: {  	v3 =	vor.u32 v3, v4  }
0x22f: {  	v4 =	vperm.xlane v3, v0;
	_ =	sdelay $0x1  }
0x230: {  	v4 =	vadd.s32 v1, v4;
	_ =	sdelay $0x1  }
0x231: {  	v3 =	vperm.xlane v3, v2;
	_ =	sdelay $0x1  }
0x232: {  	v3 =	vadd.s32 v1, v3  }
0x233: {  	[tilespmem:s0], [sflag:$0x1] =	stream.indirect_vreg.gather [hbm4b:s1+s3], $0x80, v4, vm0, $0xb8;
	[tilespmem:$0x18300] =	vst v63  }
0x234: {  	_ = 	snop  }
0x235: {  	[tilespmem:s16], [sflag:$0x1] =	stream.indirect_vreg.gather [hbm4b:s11+s3], $0x80, v4, vm0, $0xb8;
	[tilespmem:$0x18300] =	vst v63  }
0x236: {  	_ = 	snop  }
0x237: {  	[tilespmem:s17], [sflag:$0x1] =	stream.indirect_vreg.gather [hbm4b:s1+s3], $0x80, v3, vm0, $0xb8;
	[tilespmem:$0x18300] =	vst v63  }
0x238: {  	_ = 	snop  }
0x239: {  	[tilespmem:s19], [sflag:$0x1] =	stream.indirect_vreg.gather [hbm4b:s11+s3], $0x80, v3, vm0, $0xb8;
	[tilespmem:$0x18300] =	vst v63  }
0x23a: {  	_ =	swait.ge [sflag:s13], $0x8000  }
0x23b: {  	[sflag:s13] =	ssyncset.done $0x0  }
0x23c: {  	s8 =	rddreg [dreg:$0xb];
	[sflag:s13] =	ssyncadd.s32 $0xFFFF8000  }
0x23d: {  	[hbm4b:s8+s3] =	stream.linear.scatter [tilespmem:s9], [sflag:$0x6], $0x8000, $0x38;
	[tilespmem:$0x18300] =	vst v63  }
0x23e: {  	_ =	swait.ge [sflag:s7], $0x8000  }
0x23f: {  	[sflag:s7] =	ssyncset.done $0x0  }
0x240: {  	s21 =	rddreg [dreg:$0xc];
	[sflag:s7] =	ssyncadd.s32 $0xFFFF8000  }
0x241: {  	[hbm4b:s21+s3] =	stream.linear.scatter [tilespmem:s20], [sflag:$0x4], $0x8000, $0x38;
	[tilespmem:$0x18300] =	vst v63  }
0x242: {  	_ =	swait.ge [sflag:s12], $0x8000  }
0x243: {  	[sflag:s12] =	ssyncset.done $0x0  }
0x244: {  	[sflag:s12] =	ssyncadd.s32 $0xFFFF8000  }
0x245: {  	_ =	swait.ge [sflag:s14], $0x8000  }
.Ltmp4:
0x246: {  	[sflag:s14] =	ssyncset.done $0x0;
	(pc) =	sbr.rel .LBB2_5-.Ltmp4, $4  }
0x247: {  	[sflag:s14] =	ssyncadd.s32 $0xFFFF8000  }
0x248: {  	_ =	swait.ge [sflag:s6], $0x8000  }
0x249: {  	[sflag:s6] =	ssyncset.done $0x0  }
0x24a: {  	[sflag:s6] =	ssyncadd.s32 $0xFFFF8000  }
.LBB2_6:
0x24b: {  	_ =	sfence.sel $0x180000  }
0x24c: {  	[bflag:$0x0] =	sbarrier.arrive $0xFFFF  }
0x24d: {  	_ =	strace $0x9000004A  }
0x24e: {  	s0 =	stileid.u32;
	[bflag:$0x2] =	sbarrier.arrive $0xFFFF  }
0x24f: {  	p0 =	sne.s32 s0, $0x0;
	s0 =	rddreg [dreg:$0x3]  }
0x250: {  	s0 =	sadd.s32 @!p0 $0x100000, s0  }
0x251: {  	[sflag:s0] =	ssyncadd.tile.s32 @!p0 $0x1;
	_ =	shalt  }
.Lfunc_end2:
_tile_overlayer_lowered:
.L_overlay_start_2:
0x252: {  	(tag) =	ssettag $0x2  }
0x253: {  	s0 =	rddreg [dreg:$0x0];
	s2 =	stileid.u32  }
0x254: {  	s1 =	rddreg [dreg:$0x1];
	p0 =	sne.s32 s2, $0x0  }
0x255: {  	s3 =	rddreg [dreg:$0x2];
	[bflag:$0x3] =	sbarrier.arrive $0xFFFF;
	s2 =	simm.s32 @!p0 $0x1C07  }
0x256: {  	[timem:s3], [sflag:s2] =	dma.local @!p0 [hbm:s0], s1  }
0x257: {  	s0 =	simm.s32 @!p0 $0x7  }
0x258: {  	_ =	swait.ge @!p0 [sflag:s0], s1  }
0x259: {  	s1 =	ssub.s32 @!p0 $0x0, s1;
	[sflag:s0] =	ssyncset.done @!p0 $0x0  }
0x25a: {  	[sflag:s0] =	ssyncadd.s32 @!p0 s1  }
0x25b: {  	[bflag:$0x3] =	sbarrier.arrive $0xFFFF  }
0x25c: {  	_ =	shalt  }

// kernel: kernel.7.cloned.1.call-start
scs
__scs_entry_jumppad:
0x0: {  	(pc) =	sbr.rel $0x88, $3  }
0x1: {  	(tag) =	ssettag $0x0;
	lr =	simm.s32 $0x1  }
0x2: {  	[smem:$0x3F8B] =	sst lr;
	_ =	strace $0xD0000000  }
0x3: {  	_ = 	snop  }
0x4: {  	_ = 	snop  }
0x5: {  	_ = 	snop  }
0x6: {  	_ = 	snop  }
0x7: {  	_ = 	snop  }
__scs_overlays_trampoline_lowered:
0x8: {  	[smem:$0x3F9A] =	sst s0  }
0x9: {  	[smem:$0x3F9B] =	sst s1  }
0xa: {  	[smem:$0x3F9C] =	sst s2  }
0xb: {  	[smem:$0x3F9D] =	sst s3  }
0xc: {  	[smem:$0x3F9E] =	sst s4  }
0xd: {  	[smem:$0x3F9F] =	sst s5  }
0xe: {  	[smem:$0x3FA0] =	sst s6  }
0xf: {  	[smem:$0x3FA1] =	sst s7  }
0x10: {  	[smem:$0x3FA2] =	sst s8  }
0x11: {  	[smem:$0x3FA3] =	sst s9;
	s0 =	simm.s32 @!p0 $0x0  }
0x12: {  	s1 =	sld [smem:$0x3F89];
	s0 =	simm.s32 @p0 $0x1  }
0x13: {  	[smem:$0x3FA4] =	sst s0;
	s0 =	simm.s32 @!p1 $0x0  }
0x14: {  	s2 =	sld [smem:$0x3F88];
	s0 =	simm.s32 @p1 $0x1  }
0x15: {  	[smem:$0x3FA5] =	sst s0;
	s0 =	simm.s32 @!p2 $0x0  }
0x16: {  	s3 =	sld [smem:$0x3FDB];
	s0 =	simm.s32 @p2 $0x1  }
0x17: {  	s4 =	simm.s32 $0x1BF5;
	[smem:$0x3FA7] =	sst s0  }
0x18: {  	s0 =	sld [smem:$0x3F8A];
	_ =	swait.ge [sflag:s4], $0x0  }
0x19: {  	s7 =	sld [smem:$0x3F8B]  }
0x1a: {  	s8 =	sadd.s32 $0xFFFFE003, lr  }
0x1b: {  	s9 =	sadd.s32 $0xFFFFFEF7, lr;
	s5 =	simm.s32 $0xFFFFFFFF;
	p2 =	slt.u32 s8, $0xFFFFF086  }
0x1c: {  	p1 =	slt.u32 s9, $0xF7A;
	s5 =	simm.s32 @!p2 $0x0  }
0x1d: {  	s5 =	simm.s32 @p1 $0x1;
	p0 =	seq.s32 s7, s2  }
0x1e: {  	s7 =	smul.u32 @!p0 $0xF7A, s2;
	p2 =	seq.s32 @!p0 s5, $0x0  }
0x1f: {  	s9 =	smul.u32 $0xF7A, s1;
	s8 =	simm.s32 @!p0 $0x1BF5;
	p2 =	por !p2, p0  }
0x20: {  	[sflag:s8] =	ssyncset.s32 @!p0 $0xFFFFF086;
	s6 =	sadd.s32 @!p0 s3, s7;
	s7 =	simm.s32 @!p0 $0x108  }
0x21: {  	s3 =	sadd.s32 s3, s9;
	s6 =	sadd.s32 @!p0 $0x88, s6;
	s7 =	simm.s32 @p2 $0x1082  }
0x22: {  	[simem:s7], [sflag:s8] =	dma.local @!p0 [hbm:s6], $0xF7A  }
0x23: {  	s9 =	sor.u32 $0xD0000000, s2;
	s6 =	simm.s32 $0x108;
	_ =	swait.ge @!p0 [sflag:s8], $0x0  }
0x24: {  	s3 =	sadd.s32 $0x88, s3;
	s6 =	simm.s32 @!p1 $0x1082;
	[sflag:s4] =	ssyncset.s32 $0xFFFFF086  }
0x25: {  	[simem:s6], [sflag:s4] =	dma.local [hbm:s3], $0xF7A  }
0x26: {  	[smem:$0x3F8B] =	sst s1;
	(tag) =	ssettag s2;
	_ =	strace s9  }
0x27: {  	s1 =	sld [smem:$0x3F9B]  }
0x28: {  	s2 =	sld [smem:$0x3F9C]  }
0x29: {  	s4 =	sld [smem:$0x3F9E]  }
0x2a: {  	p0 =	seq.s32 s5, $0x0;
	s5 =	sld [smem:$0x3F9F]  }
0x2b: {  	s6 =	sld [smem:$0x3FA0]  }
0x2c: {  	s7 =	sld [smem:$0x3FA1]  }
0x2d: {  	s3 =	simm.s32 $0x108;
	s8 =	sld [smem:$0x3FA2]  }
0x2e: {  	s3 =	simm.s32 @!p0 $0x1082;
	s9 =	sld [smem:$0x3FA3]  }
0x2f: {  	lr =	sadd.s32 s0, s3;
	s0 =	sld [smem:$0x3F9A]  }
0x30: {  	s3 =	sld [smem:$0x3F9D]  }
0x31: {  	[smem:$0x3FA6] =	sst s10  }
0x32: {  	s10 =	sld [smem:$0x3FA4];
	_ =	sdelay $0x3  }
0x33: {  	p0 =	seq.s32 s10, $0x1;
	s10 =	sld [smem:$0x3FA6];
	_ =	sdelay $0x3  }
0x34: {  	[smem:$0x3FA6] =	sst s10  }
0x35: {  	s10 =	sld [smem:$0x3FA5];
	_ =	sdelay $0x3  }
0x36: {  	p1 =	seq.s32 s10, $0x1;
	s10 =	sld [smem:$0x3FA6];
	_ =	sdelay $0x3  }
0x37: {  	[smem:$0x3FA6] =	sst s10  }
0x38: {  	s10 =	sld [smem:$0x3FA7]  }
0x39: {  	_ = 	snop;
	(pc) =	sbr.ind lr, $3  }
0x3a: {  	_ = 	snop  }
0x3b: {  	_ = 	snop  }
0x3c: {  	p2 =	seq.s32 s10, $0x1;
	s10 =	sld [smem:$0x3FA6]  }
0x3d: {  	_ =	shalt  }
0x3e: {  	_ =	shalt  }
0x3f: {  	_ =	shalt  }
0x40: {  	_ =	shalt  }
0x41: {  	_ =	shalt  }
0x42: {  	_ =	shalt  }
0x43: {  	_ =	shalt  }
0x44: {  	_ =	shalt  }
0x45: {  	_ =	shalt  }
0x46: {  	_ =	shalt  }
0x47: {  	_ =	shalt  }
0x48: {  	_ =	shalt  }
0x49: {  	_ =	shalt  }
0x4a: {  	_ =	shalt  }
0x4b: {  	_ =	shalt  }
0x4c: {  	_ =	shalt  }
0x4d: {  	_ =	shalt  }
0x4e: {  	_ =	shalt  }
0x4f: {  	_ =	shalt  }
0x50: {  	_ =	shalt  }
0x51: {  	_ =	shalt  }
0x52: {  	_ =	shalt  }
0x53: {  	_ =	shalt  }
0x54: {  	_ =	shalt  }
0x55: {  	_ =	shalt  }
0x56: {  	_ =	shalt  }
0x57: {  	_ =	shalt  }
0x58: {  	_ =	shalt  }
0x59: {  	_ =	shalt  }
0x5a: {  	_ =	shalt  }
0x5b: {  	_ =	shalt  }
0x5c: {  	_ =	shalt  }
0x5d: {  	_ =	shalt  }
0x5e: {  	_ =	shalt  }
0x5f: {  	_ =	shalt  }
0x60: {  	_ =	shalt  }
0x61: {  	_ =	shalt  }
0x62: {  	_ =	shalt  }
0x63: {  	_ =	shalt  }
0x64: {  	_ =	shalt  }
0x65: {  	_ =	shalt  }
0x66: {  	_ =	shalt  }
0x67: {  	_ =	shalt  }
0x68: {  	_ =	shalt  }
0x69: {  	_ =	shalt  }
0x6a: {  	_ =	shalt  }
0x6b: {  	_ =	shalt  }
0x6c: {  	_ =	shalt  }
0x6d: {  	_ =	shalt  }
0x6e: {  	_ =	shalt  }
0x6f: {  	_ =	shalt  }
0x70: {  	_ =	shalt  }
0x71: {  	_ =	shalt  }
0x72: {  	_ =	shalt  }
0x73: {  	_ =	shalt  }
0x74: {  	_ =	shalt  }
0x75: {  	_ =	shalt  }
0x76: {  	_ =	shalt  }
0x77: {  	_ =	shalt  }
0x78: {  	_ =	shalt  }
0x79: {  	_ =	shalt  }
0x7a: {  	_ =	shalt  }
0x7b: {  	_ =	shalt  }
0x7c: {  	_ =	shalt  }
0x7d: {  	_ =	shalt  }
0x7e: {  	_ =	shalt  }
0x7f: {  	_ =	shalt  }
0x80: {  	_ =	shalt  }
0x81: {  	_ =	shalt  }
0x82: {  	_ =	shalt  }
0x83: {  	_ =	shalt  }
0x84: {  	_ =	shalt  }
0x85: {  	_ =	shalt  }
0x86: {  	_ =	shalt  }
0x87: {  	_ =	shalt  }
.Lfunc_end0:
.L_simem_size_0:
called_computation_lowered:
.L_overlay_start_0:
0x88: {  	s2 =	sld [smem:$0x3FD9]  }
0x89: {  	s3 =	sld [smem:$0x3FFE];
	_ =	sdelay $0x1  }
0x8a: {  	s1 =	srdreg.scid  }
0x8b: {  	s0 =	sand.u32 $0x1, s1  }
0x8c: {  	s14 =	sshll.u32 s0, $0xA;
	s2 =	sadd.s32 s3, s2  }
0x8d: {  	s2 =	sadd.s32 s2, s14  }
0x8e: {  	[smem:$0x3FB2] =	sst s2  }
0x8f: {  	_ = 	snop  }
0x90: {  	s2 =	sld [smem:$0x3FD0];
	_ =	sdelay $0x2  }
0x91: {  	s4 =	simm.s32 $0xB;
	s5 =	simm.s32 $0x10;
	s15 =	sld [smem:$0x3FC5]  }
0x92: {  	[smem:s5], [sflag:s4] =	dma.local [hbm:s2], $0x1  }
0x93: {  	_ =	swait.eq [sflag:s4], $0x1  }
0x94: {  	[sflag:s4] =	ssyncset.done $0x0  }
0x95: {  	s16 =	sld [smem:$0x12];
	[sflag:s4] =	ssyncadd.s32 $0xFFFFFFFF  }
0x96: {  	s17 =	sld [smem:$0x13];
	(tm) =	ssettm $0x1  }
0x97: {  	s18 =	sld [smem:$0x3FFB];
	_ =	sdelay $0x3  }
0x98: {  	_ =	strace s18  }
0x99: {  	s5 =	sld [smem:$0x3FFC];
	_ =	sdelay $0x3  }
0x9a: {  	_ =	strace s5  }
0x9b: {  	s5 =	sld [smem:$0x3FFD];
	_ =	sdelay $0x3  }
0x9c: {  	_ =	strace s5  }
0x9d: {  	_ =	strace $0x8FFFFFFF  }
0x9e: {  	s19 =	sld [smem:$0x3FDB];
	_ =	sdelay $0x1  }
0x9f: {  	s6 =	simm.s32 $_scs_section_size  }
0xa0: {  	s7 =	simm.s32 $_size__tile_overlayer_lowered;
	s8 =	simm.s32 $_tile_overlayer_lowered  }
0xa1: {  	s22 =	simm.s32 $0x1BFF;
	s21 =	sshll.u32 s8, $0x1;
	s5 =	sadd.s32 s6, s19  }
0xa2: {  	s9 =	simm.s32 $0x0;
	s20 =	sshll.u32 s7, $0x1;
	s7 =	sadd.s32 s21, s5  }
0xa3: {  	[timem:s9], [sflag:s22] =	dma.local [hbm:s7], s20  }
0xa4: {  	_ =	swait.ge [sflag:s22], s20  }
0xa5: {  	s6 =	ssub.s32 $0x0, s20;
	[sflag:s22] =	ssyncset.done $0x0  }
0xa6: {  	[sflag:s22] =	ssyncadd.s32 s6;
	_ =	sdelay $0x1  }
0xa7: {  	s23 =	simm.s32 $0x1B8B  }
0xa8: {  	_ =	swait.ge [sflag:s23], $0x1  }
0xa9: {  	[sflag:s23] =	ssyncset.done $0x0  }
0xaa: {  	s25 =	simm.s32 $0x1B8E;
	s24 =	sld [smem:$0x3FFE];
	[sflag:s23] =	ssyncadd.s32 $0xFFFFFFFF  }
0xab: {  	s26 =	simm.s32 $execute0_lowered;
	[smem:$0x3FD2] =	sst s25  }
0xac: {  	s7 =	sshll.u32 s26, $0x1;
	_ =	strace $0x80000046;
	[dreg:$0x1] =	wrdreg $0xFFFFFFFF  }
0xad: {  	s28 =	simm.s32 $_size_execute0_lowered;
	s5 =	sadd.s32 s5, s7;
	[dreg:$0x0] =	wrdreg $0x0  }
0xae: {  	s7 =	sshll.u32 s28, $0x1;
	[dreg:$0x2] =	wrdreg s5  }
0xaf: {  	[dreg:$0x3] =	wrdreg s7  }
0xb0: {  	[dreg:$0x4] =	wrdreg $0xC0  }
0xb1: {  	_ =	task [dreg:s9], $0x5FFFF  }
0xb2: {  	[dreg:$0x1] =	wrdreg $0xFFFFFFFF  }
0xb3: {  	[dreg:$0x0] =	wrdreg $0x60  }
0xb4: {  	[dreg:$0x2] =	wrdreg s15  }
0xb5: {  	[dreg:$0x3] =	wrdreg s17  }
0xb6: {  	[dreg:$0x4] =	wrdreg s16  }
0xb7: {  	[dreg:$0x5] =	wrdreg s24  }
0xb8: {  	[dreg:$0x6] =	wrdreg $0x9  }
0xb9: {  	_ =	task.clear_ibuf [dreg:s9], $0x7FFFF;
	_ =	strace $0x90000046  }
0xba: {  	s29 =	simm.s32 $0x9;
	_ =	strace $0x80000048  }
0xbb: {  	_ =	swait.ge [sflag:s29], $0x1  }
0xbc: {  	[sflag:s29] =	ssyncadd.s32 $0xFFFFFFFF  }
0xbd: {  	_ =	strace $0x90000048  }
0xbe: {  	_ =	sfence  }
0xbf: {  	s30 =	sld [smem:$0x0];
	_ =	sdelay $0x2  }
0xc0: {  	s31 =	sshll.u32 s1, $0xD;
	s1 =	sshrl.u32 s1, $0x2  }
0xc1: {  	s3 =	sand.u32 $0x4000, s31;
	s1 =	sadd.s32 s1, s30  }
0xc2: {  	s0 =	sor.u32 s3, s0;
	s1 =	sshll.u32 s1, $0x11  }
0xc3: {  	s0 =	sor.u32 s1, s0  }
0xc4: {  	s0 =	sadd.s32 $0x8F2B, s0  }
0xc5: {  	[sflag:s0] =	ssyncadd.remote.s32 $0x1  }
0xc6: {  	_ =	sfence.sel $0xFFFF  }
0xc7: {  	[dreg:$0x0] =	wrdreg $0xFFFFFFFF;
	(pc) =	sbr.abs _section_cstart, $3  }
0xc8: {  	[dreg:$0x1] =	wrdreg $0xFFFFFFFF  }
0xc9: {  	_ =	task.clear_ibuf [dreg:s9], $0x2FFFF;
	_ =	strace $0x9FFFFFFF  }
0xca: {  	(tm) =	ssettm $0x7FFFFFFF  }
0xcb: {  	_ =	shalt  }
tec
execute0_lowered:
.L_overlay_start_1:
0x0: {  	(tag) =	ssettag $0x1  }
0x1: {  	s1 =	rddreg [dreg:$0x0]  }
0x2: {  	s0 =	rddreg [dreg:$0x1]  }
0x3: {  	s2 =	rddreg [dreg:$0x2]  }
0x4: {  	s4 =	rddreg [dreg:$0x3];
	s3 =	simm.s32 $0x0  }
0x5: {  	s5 =	srdreg.scid;
	s8 =	stileid.u32;
	s28 =	simm.s32 $0x3B00  }
0x6: {  	s29 =	simm.s32 $0x4300;
	s30 =	simm.s32 $0x4B00;
	s31 =	simm.s32 $0x5300  }
0x7: {  	s10 =	simm.s32 $0x10300;
	s11 =	simm.s32 $0x2;
	s12 =	simm.s32 $0x4  }
0x8: {  	s13 =	simm.s32 $0x3;
	s14 =	simm.s32 $0x5;
	[smem:$0x7FF] =	sst s3  }
0x9: {  	s5 =	sand.u32 $0x1, s5;
	s6 =	sshll.u32 s8, $0x1;
	s8 =	sshrl.u32 s8, $0x1  }
0xa: {  	_ =	strace $0x80000047;
	s6 =	sor.u32 s5, s6;
	s16 =	sshll.u32 s8, $0xB  }
0xb: {  	s5 =	ssub.s32 $0x2, s5;
	s8 =	sshll.u32 s8, $0xA;
	s7 =	sshll.u32 s6, $0xF  }
0xc: {  	s6 =	sshll.u32 s6, $0x8;
	s9 =	sshrl.u32 s5, $0x1;
	s7 =	sadd.s32 s7, s4  }
0xd: {  	s6 =	sand.u32 $0x300, s6;
	s17 =	ssub.s32 s5, s9;
	s9 =	simm.s32 $0x1  }
0xe: {  	s4 =	sor.u32 s16, s6;
	s6 =	sor.u32 s8, s6;
	s19 =	sadd.s32 $0x6000, s7  }
0xf: {  	s20 =	sadd.s32 $0x7000, s7;
	s21 =	sadd.s32 $0x8000, s7;
	[dreg:$0x6] =	wrdreg s19  }
0x10: {  	s22 =	sadd.s32 $0x9000, s7;
	s23 =	sadd.s32 $0xA000, s7;
	[dreg:$0x7] =	wrdreg s20  }
0x11: {  	s24 =	sadd.s32 $0xB000, s7;
	s25 =	sadd.s32 $0xC000, s7;
	[dreg:$0x8] =	wrdreg s21  }
0x12: {  	s26 =	sadd.s32 $0xD000, s7;
	s15 =	smax.u32 s17, $0x1;
	[dreg:$0x9] =	wrdreg s22  }
0x13: {  	s16 =	simm.s32 $0x6B00;
	s17 =	simm.s32 $0x7300;
	[dreg:$0xa] =	wrdreg s23  }
0x14: {  	s7 =	simm.s32 $0x8300;
	s8 =	simm.s32 $0x6;
	[dreg:$0xb] =	wrdreg s24  }
0x15: {  	s4 =	sshrl.u32 s4, $0x3;
	s18 =	sshrl.u32 s6, $0x3;
	[dreg:$0xc] =	wrdreg s25  }
0x16: {  	s6 =	sadd.s32 $0x100, s1;
	[dreg:$0xd] =	wrdreg s26;
	s20 =	simm.s32 $0x300  }
.Ltmp0:
0x17: {  	s22 =	simm.s32 $0x1300;
	s23 =	simm.s32 $0x1B00;
	(pc) =	sbr.rel .LBB2_1-.Ltmp0, $4  }
0x18: {  	s24 =	simm.s32 $0x2300;
	s25 =	simm.s32 $0x2B00;
	s26 =	simm.s32 $0x3300  }
0x19: {  	v2 =	vlaneseq.u32;
	s19 =	simm.s32 $0x7B00;
	s21 =	simm.s32 $0x400;
	s0 =	sadd.s32 s0, s4  }
0x1a: {  	vm0 =	vmmov $0xffff;
	v1 =	vshrl.u32 v2, $0x3;
	[dreg:$0x5] =	wrdreg s0;
	s0 =	sadd.s32 s2, s18;
	s18 =	simm.s32 $0x7  }
0x1b: {  	v0 =	vand.u32 $0x7, v2;
	v2 =	vor.u32 $0x8, v2;
	v1 =	vmul.u32 $0x8, v1;
	s2 =	simm.s32 $0x6300;
	[dreg:$0xe] =	wrdreg s0;
	s0 =	simm.s32 $0x5B00  }
.LBB2_5:
0x1c: {  	s15 =	sadd.s32 $0xFFFFFFFF, s15  }
0x1d: {  	p0 =	sne.s32 s15, $0x0  }
.Ltmp1:
0x1e: {  	_ = 	snop;
	(pc) =	sbr.rel @!p0 .LBB2_6-.Ltmp1, $1  }
0x1f: {  	_ =	sdelay $0x3  }
.LBB2_1:
0x20: {  	s4 =	rddreg [dreg:$0x5];
	s5 =	simm.s32 $0x100  }
0x21: {  	[tilespmem:s3], [sflag:$0x7] =	stream.strided.gather [hbm4b:s4+s5], $0x200, s21, s5, $0x38;
	[tilespmem:$0x18300] =	vst v63  }
0x22: {  	_ =	swait.ge [sflag:s18], $0x200  }
0x23: {  	[sflag:s18] =	ssyncset.done $0x0  }
0x24: {  	s5 =	simm.s32 $0x200;
	s4 =	rddreg [dreg:$0xe];
	[sflag:s18] =	ssyncadd.s32 $0xFFFFFE00  }
0x25: {  	[tilespmem:s5], [sflag:$0x7] =	stream.linear.gather [hbm4b:s4+s3], $0x100, $0x38;
	[tilespmem:$0x18300] =	vst v63  }
0x26: {  	_ =	swait.ge [sflag:s18], $0x100  }
0x27: {  	[sflag:s18] =	ssyncset.done $0x0  }
0x28: {  	[sflag:s18] =	ssyncadd.s32 $0xFFFFFF00  }
0x29: {  	v3 =	vld [tilespmem:$0x200];
	_ =	sdelay $0x4  }
0x2a: {  	(v2sf) =	vpush v3, $0x0;
	_ =	sdelay $0xe  }
0x2b: {  	s5 =	spop (v2sf)  }
0x2c: {  	p0 =	slt.s32 s5, $0x1  }
.Ltmp2:
0x2d: {  	_ = 	snop;
	(pc) =	sbr.rel @p0 .LBB2_3-.Ltmp2, $1  }
0x2e: {  	_ =	sdelay $0x3  }
0x2f: {  	v3 =	vld [tilespmem:$0x0];
	_ =	sdelay $0x4  }
0x30: {  	v4 =	vshll.u32 v3, $0x2  }
0x31: {  	v3 =	vand.u32 $0x7, v3;
	v4 =	vand.u32 $0xFFFFFFE0, v4  }
0x32: {  	v3 =	vor.u32 v3, v4  }
0x33: {  	v4 =	vperm.xlane v3, v0;
	_ =	sdelay $0x1  }
0x34: {  	v4 =	vadd.s32 v1, v4;
	_ =	sdelay $0x1  }
0x35: {  	v3 =	vperm.xlane v3, v2;
	_ =	sdelay $0x1  }
0x36: {  	v3 =	vadd.s32 v1, v3  }
0x37: {  	[tilespmem:s20], [sflag:$0x1] =	stream.indirect_vreg.gather [hbm4b:s1+s3], $0x80, v4, vm0, $0xb8;
	[tilespmem:$0x18300] =	vst v63  }
0x38: {  	s5 =	simm.s32 $0xB00  }
0x39: {  	[tilespmem:s5], [sflag:$0x1] =	stream.indirect_vreg.gather [hbm4b:s6+s3], $0x80, v4, vm0, $0xb8;
	[tilespmem:$0x18300] =	vst v63  }
0x3a: {  	_ = 	snop  }
0x3b: {  	[tilespmem:s22], [sflag:$0x1] =	stream.indirect_vreg.gather [hbm4b:s1+s3], $0x80, v3, vm0, $0xb8;
	[tilespmem:$0x18300] =	vst v63  }
0x3c: {  	_ = 	snop  }
0x3d: {  	[tilespmem:s23], [sflag:$0x1] =	stream.indirect_vreg.gather [hbm4b:s6+s3], $0x80, v3, vm0, $0xb8;
	[tilespmem:$0x18300] =	vst v63  }
0x3e: {  	v3 =	vld [tilespmem:$0x10];
	_ =	sdelay $0x4  }
0x3f: {  	v49 =	vshll.u32 v3, $0x2  }
0x40: {  	v3 =	vand.u32 $0x7, v3;
	v4 =	vand.u32 $0xFFFFFFE0, v49  }
0x41: {  	v3 =	vor.u32 v3, v4  }
0x42: {  	v4 =	vperm.xlane v3, v0;
	_ =	sdelay $0x1  }
0x43: {  	v4 =	vadd.s32 v1, v4;
	_ =	sdelay $0x1  }
0x44: {  	v3 =	vperm.xlane v3, v2;
	_ =	sdelay $0x1  }
0x45: {  	v3 =	vadd.s32 v1, v3  }
0x46: {  	[tilespmem:s24], [sflag:$0x1] =	stream.indirect_vreg.gather [hbm4b:s1+s3], $0x80, v4, vm0, $0xb8;
	[tilespmem:$0x18300] =	vst v63  }
0x47: {  	_ = 	snop  }
0x48: {  	[tilespmem:s25], [sflag:$0x1] =	stream.indirect_vreg.gather [hbm4b:s6+s3], $0x80, v4, vm0, $0xb8;
	[tilespmem:$0x18300] =	vst v63  }
0x49: {  	_ = 	snop  }
0x4a: {  	[tilespmem:s26], [sflag:$0x1] =	stream.indirect_vreg.gather [hbm4b:s1+s3], $0x80, v3, vm0, $0xb8;
	[tilespmem:$0x18300] =	vst v63  }
0x4b: {  	_ = 	snop  }
0x4c: {  	[tilespmem:s28], [sflag:$0x1] =	stream.indirect_vreg.gather [hbm4b:s6+s3], $0x80, v3, vm0, $0xb8;
	[tilespmem:$0x18300] =	vst v63  }
0x4d: {  	v3 =	vld [tilespmem:$0x20];
	_ =	sdelay $0x4  }
0x4e: {  	v50 =	vshll.u32 v3, $0x2  }
0x4f: {  	v3 =	vand.u32 $0x7, v3;
	v4 =	vand.u32 $0xFFFFFFE0, v50  }
0x50: {  	v3 =	vor.u32 v3, v4  }
0x51: {  	v4 =	vperm.xlane v3, v0;
	_ =	sdelay $0x1  }
0x52: {  	v4 =	vadd.s32 v1, v4;
	_ =	sdelay $0x1  }
0x53: {  	v3 =	vperm.xlane v3, v2;
	_ =	sdelay $0x1  }
0x54: {  	v3 =	vadd.s32 v1, v3  }
0x55: {  	[tilespmem:s29], [sflag:$0x1] =	stream.indirect_vreg.gather [hbm4b:s1+s3], $0x80, v4, vm0, $0xb8;
	[tilespmem:$0x18300] =	vst v63  }
0x56: {  	_ = 	snop  }
0x57: {  	[tilespmem:s30], [sflag:$0x1] =	stream.indirect_vreg.gather [hbm4b:s6+s3], $0x80, v4, vm0, $0xb8;
	[tilespmem:$0x18300] =	vst v63  }
0x58: {  	_ = 	snop  }
0x59: {  	[tilespmem:s31], [sflag:$0x1] =	stream.indirect_vreg.gather [hbm4b:s1+s3], $0x80, v3, vm0, $0xb8;
	[tilespmem:$0x18300] =	vst v63  }
0x5a: {  	_ = 	snop  }
0x5b: {  	[tilespmem:s0], [sflag:$0x1] =	stream.indirect_vreg.gather [hbm4b:s6+s3], $0x80, v3, vm0, $0xb8;
	[tilespmem:$0x18300] =	vst v63  }
0x5c: {  	v3 =	vld [tilespmem:$0x30];
	_ =	sdelay $0x4  }
0x5d: {  	v51 =	vshll.u32 v3, $0x2  }
0x5e: {  	v3 =	vand.u32 $0x7, v3;
	v4 =	vand.u32 $0xFFFFFFE0, v51  }
0x5f: {  	v3 =	vor.u32 v3, v4  }
0x60: {  	v4 =	vperm.xlane v3, v0;
	_ =	sdelay $0x1  }
0x61: {  	v4 =	vadd.s32 v1, v4;
	_ =	sdelay $0x1  }
0x62: {  	v3 =	vperm.xlane v3, v2;
	_ =	sdelay $0x1  }
0x63: {  	v3 =	vadd.s32 v1, v3  }
0x64: {  	[tilespmem:s2], [sflag:$0x1] =	stream.indirect_vreg.gather [hbm4b:s1+s3], $0x80, v4, vm0, $0xb8;
	[tilespmem:$0x18300] =	vst v63  }
0x65: {  	_ = 	snop  }
0x66: {  	[tilespmem:s16], [sflag:$0x1] =	stream.indirect_vreg.gather [hbm4b:s6+s3], $0x80, v4, vm0, $0xb8;
	[tilespmem:$0x18300] =	vst v63  }
0x67: {  	_ = 	snop  }
0x68: {  	[tilespmem:s17], [sflag:$0x1] =	stream.indirect_vreg.gather [hbm4b:s1+s3], $0x80, v3, vm0, $0xb8;
	[tilespmem:$0x18300] =	vst v63  }
0x69: {  	_ = 	snop  }
0x6a: {  	[tilespmem:s19], [sflag:$0x1] =	stream.indirect_vreg.gather [hbm4b:s6+s3], $0x80, v3, vm0, $0xb8;
	[tilespmem:$0x18300] =	vst v63  }
0x6b: {  	v3 =	vld [tilespmem:$0x40];
	_ =	sdelay $0x4  }
0x6c: {  	v52 =	vshll.u32 v3, $0x2  }
0x6d: {  	v3 =	vand.u32 $0x7, v3;
	v4 =	vand.u32 $0xFFFFFFE0, v52  }
0x6e: {  	v3 =	vor.u32 v3, v4  }
0x6f: {  	v4 =	vperm.xlane v3, v0;
	_ =	sdelay $0x1  }
0x70: {  	v4 =	vadd.s32 v1, v4;
	_ =	sdelay $0x1  }
0x71: {  	v3 =	vperm.xlane v3, v2;
	_ =	sdelay $0x1  }
0x72: {  	v3 =	vadd.s32 v1, v3  }
0x73: {  	[tilespmem:s7], [sflag:$0x2] =	stream.indirect_vreg.gather [hbm4b:s1+s3], $0x80, v4, vm0, $0xb8;
	[tilespmem:$0x18300] =	vst v63  }
0x74: {  	s4 =	simm.s32 $0x8B00  }
0x75: {  	[tilespmem:s4], [sflag:$0x2] =	stream.indirect_vreg.gather [hbm4b:s6+s3], $0x80, v4, vm0, $0xb8;
	[tilespmem:$0x18300] =	vst v63  }
0x76: {  	s4 =	simm.s32 $0x9300  }
0x77: {  	[tilespmem:s4], [sflag:$0x2] =	stream.indirect_vreg.gather [hbm4b:s1+s3], $0x80, v3, vm0, $0xb8;
	[tilespmem:$0x18300] =	vst v63  }
0x78: {  	s4 =	simm.s32 $0x9B00  }
0x79: {  	[tilespmem:s4], [sflag:$0x2] =	stream.indirect_vreg.gather [hbm4b:s6+s3], $0x80, v3, vm0, $0xb8;
	[tilespmem:$0x18300] =	vst v63  }
0x7a: {  	v3 =	vld [tilespmem:$0x50];
	_ =	sdelay $0x4  }
0x7b: {  	v53 =	vshll.u32 v3, $0x2  }
0x7c: {  	v3 =	vand.u32 $0x7, v3;
	v4 =	vand.u32 $0xFFFFFFE0, v53  }
0x7d: {  	v3 =	vor.u32 v3, v4  }
0x7e: {  	v4 =	vperm.xlane v3, v0;
	_ =	sdelay $0x1  }
0x7f: {  	v4 =	vadd.s32 v1, v4;
	_ =	sdelay $0x1  }
0x80: {  	v3 =	vperm.xlane v3, v2;
	_ =	sdelay $0x1  }
0x81: {  	s4 =	simm.s32 $0xA300;
	v3 =	vadd.s32 v1, v3  }
0x82: {  	[tilespmem:s4], [sflag:$0x2] =	stream.indirect_vreg.gather [hbm4b:s1+s3], $0x80, v4, vm0, $0xb8;
	[tilespmem:$0x18300] =	vst v63  }
0x83: {  	s4 =	simm.s32 $0xAB00  }
0x84: {  	[tilespmem:s4], [sflag:$0x2] =	stream.indirect_vreg.gather [hbm4b:s6+s3], $0x80, v4, vm0, $0xb8;
	[tilespmem:$0x18300] =	vst v63  }
0x85: {  	s4 =	simm.s32 $0xB300  }
0x86: {  	[tilespmem:s4], [sflag:$0x2] =	stream.indirect_vreg.gather [hbm4b:s1+s3], $0x80, v3, vm0, $0xb8;
	[tilespmem:$0x18300] =	vst v63  }
0x87: {  	s4 =	simm.s32 $0xBB00  }
0x88: {  	[tilespmem:s4], [sflag:$0x2] =	stream.indirect_vreg.gather [hbm4b:s6+s3], $0x80, v3, vm0, $0xb8;
	[tilespmem:$0x18300] =	vst v63  }
0x89: {  	v3 =	vld [tilespmem:$0x60];
	_ =	sdelay $0x4  }
0x8a: {  	v54 =	vshll.u32 v3, $0x2  }
0x8b: {  	v3 =	vand.u32 $0x7, v3;
	v4 =	vand.u32 $0xFFFFFFE0, v54  }
0x8c: {  	v3 =	vor.u32 v3, v4  }
0x8d: {  	v4 =	vperm.xlane v3, v0;
	_ =	sdelay $0x1  }
0x8e: {  	v4 =	vadd.s32 v1, v4;
	_ =	sdelay $0x1  }
0x8f: {  	v3 =	vperm.xlane v3, v2;
	_ =	sdelay $0x1  }
0x90: {  	s4 =	simm.s32 $0xC300;
	v3 =	vadd.s32 v1, v3  }
0x91: {  	[tilespmem:s4], [sflag:$0x2] =	stream.indirect_vreg.gather [hbm4b:s1+s3], $0x80, v4, vm0, $0xb8;
	[tilespmem:$0x18300] =	vst v63  }
0x92: {  	s4 =	simm.s32 $0xCB00  }
0x93: {  	[tilespmem:s4], [sflag:$0x2] =	stream.indirect_vreg.gather [hbm4b:s6+s3], $0x80, v4, vm0, $0xb8;
	[tilespmem:$0x18300] =	vst v63  }
0x94: {  	s4 =	simm.s32 $0xD300  }
0x95: {  	[tilespmem:s4], [sflag:$0x2] =	stream.indirect_vreg.gather [hbm4b:s1+s3], $0x80, v3, vm0, $0xb8;
	[tilespmem:$0x18300] =	vst v63  }
0x96: {  	s4 =	simm.s32 $0xDB00  }
0x97: {  	[tilespmem:s4], [sflag:$0x2] =	stream.indirect_vreg.gather [hbm4b:s6+s3], $0x80, v3, vm0, $0xb8;
	[tilespmem:$0x18300] =	vst v63  }
0x98: {  	v3 =	vld [tilespmem:$0x70];
	_ =	sdelay $0x4  }
0x99: {  	v55 =	vshll.u32 v3, $0x2  }
0x9a: {  	v3 =	vand.u32 $0x7, v3;
	v4 =	vand.u32 $0xFFFFFFE0, v55  }
0x9b: {  	v3 =	vor.u32 v3, v4  }
0x9c: {  	v4 =	vperm.xlane v3, v0;
	_ =	sdelay $0x1  }
0x9d: {  	v4 =	vadd.s32 v1, v4;
	_ =	sdelay $0x1  }
0x9e: {  	v3 =	vperm.xlane v3, v2;
	_ =	sdelay $0x1  }
0x9f: {  	s4 =	simm.s32 $0xE300;
	v3 =	vadd.s32 v1, v3  }
0xa0: {  	[tilespmem:s4], [sflag:$0x2] =	stream.indirect_vreg.gather [hbm4b:s1+s3], $0x80, v4, vm0, $0xb8;
	[tilespmem:$0x18300] =	vst v63  }
0xa1: {  	s4 =	simm.s32 $0xEB00  }
0xa2: {  	[tilespmem:s4], [sflag:$0x2] =	stream.indirect_vreg.gather [hbm4b:s6+s3], $0x80, v4, vm0, $0xb8;
	[tilespmem:$0x18300] =	vst v63  }
0xa3: {  	s4 =	simm.s32 $0xF300  }
0xa4: {  	[tilespmem:s4], [sflag:$0x2] =	stream.indirect_vreg.gather [hbm4b:s1+s3], $0x80, v3, vm0, $0xb8;
	[tilespmem:$0x18300] =	vst v63  }
0xa5: {  	s4 =	simm.s32 $0xFB00  }
0xa6: {  	[tilespmem:s4], [sflag:$0x2] =	stream.indirect_vreg.gather [hbm4b:s6+s3], $0x80, v3, vm0, $0xb8;
	[tilespmem:$0x18300] =	vst v63  }
0xa7: {  	_ =	swait.ge [sflag:s9], $0x8000  }
0xa8: {  	[sflag:s9] =	ssyncset.done $0x0  }
0xa9: {  	s4 =	rddreg [dreg:$0x6];
	[sflag:s9] =	ssyncadd.s32 $0xFFFF8000  }
0xaa: {  	[hbm4b:s4+s3] =	stream.linear.scatter [tilespmem:s20], [sflag:$0x4], $0x8000, $0x38;
	[tilespmem:$0x18300] =	vst v63  }
0xab: {  	v3 =	vld [tilespmem:$0x100];
	_ =	sdelay $0x4  }
0xac: {  	v56 =	vshll.u32 v3, $0x2  }
0xad: {  	v3 =	vand.u32 $0x7, v3;
	v4 =	vand.u32 $0xFFFFFFE0, v56  }
0xae: {  	v3 =	vor.u32 v3, v4  }
0xaf: {  	v4 =	vperm.xlane v3, v0;
	_ =	sdelay $0x1  }
0xb0: {  	v4 =	vadd.s32 v1, v4;
	_ =	sdelay $0x1  }
0xb1: {  	v3 =	vperm.xlane v3, v2;
	_ =	sdelay $0x1  }
0xb2: {  	v3 =	vadd.s32 v1, v3  }
0xb3: {  	[tilespmem:s10], [sflag:$0x3] =	stream.indirect_vreg.gather [hbm4b:s1+s3], $0x80, v4, vm0, $0xb8;
	[tilespmem:$0x18300] =	vst v63  }
0xb4: {  	s4 =	simm.s32 $0x10B00  }
0xb5: {  	[tilespmem:s4], [sflag:$0x3] =	stream.indirect_vreg.gather [hbm4b:s6+s3], $0x80, v4, vm0, $0xb8;
	[tilespmem:$0x18300] =	vst v63  }
0xb6: {  	s4 =	simm.s32 $0x11300  }
0xb7: {  	[tilespmem:s4], [sflag:$0x3] =	stream.indirect_vreg.gather [hbm4b:s1+s3], $0x80, v3, vm0, $0xb8;
	[tilespmem:$0x18300] =	vst v63  }
0xb8: {  	s4 =	simm.s32 $0x11B00  }
0xb9: {  	[tilespmem:s4], [sflag:$0x3] =	stream.indirect_vreg.gather [hbm4b:s6+s3], $0x80, v3, vm0, $0xb8;
	[tilespmem:$0x18300] =	vst v63  }
0xba: {  	v3 =	vld [tilespmem:$0x110];
	_ =	sdelay $0x4  }
0xbb: {  	v57 =	vshll.u32 v3, $0x2  }
0xbc: {  	v3 =	vand.u32 $0x7, v3;
	v4 =	vand.u32 $0xFFFFFFE0, v57  }
0xbd: {  	v3 =	vor.u32 v3, v4  }
0xbe: {  	v4 =	vperm.xlane v3, v0;
	_ =	sdelay $0x1  }
0xbf: {  	v4 =	vadd.s32 v1, v4;
	_ =	sdelay $0x1  }
0xc0: {  	v3 =	vperm.xlane v3, v2;
	_ =	sdelay $0x1  }
0xc1: {  	s4 =	simm.s32 $0x12300;
	v3 =	vadd.s32 v1, v3  }
0xc2: {  	[tilespmem:s4], [sflag:$0x3] =	stream.indirect_vreg.gather [hbm4b:s1+s3], $0x80, v4, vm0, $0xb8;
	[tilespmem:$0x18300] =	vst v63  }
0xc3: {  	s4 =	simm.s32 $0x12B00  }
0xc4: {  	[tilespmem:s4], [sflag:$0x3] =	stream.indirect_vreg.gather [hbm4b:s6+s3], $0x80, v4, vm0, $0xb8;
	[tilespmem:$0x18300] =	vst v63  }
0xc5: {  	s4 =	simm.s32 $0x13300  }
0xc6: {  	[tilespmem:s4], [sflag:$0x3] =	stream.indirect_vreg.gather [hbm4b:s1+s3], $0x80, v3, vm0, $0xb8;
	[tilespmem:$0x18300] =	vst v63  }
0xc7: {  	s4 =	simm.s32 $0x13B00  }
0xc8: {  	[tilespmem:s4], [sflag:$0x3] =	stream.indirect_vreg.gather [hbm4b:s6+s3], $0x80, v3, vm0, $0xb8;
	[tilespmem:$0x18300] =	vst v63  }
0xc9: {  	v3 =	vld [tilespmem:$0x120];
	_ =	sdelay $0x4  }
0xca: {  	v58 =	vshll.u32 v3, $0x2  }
0xcb: {  	v3 =	vand.u32 $0x7, v3;
	v4 =	vand.u32 $0xFFFFFFE0, v58  }
0xcc: {  	v3 =	vor.u32 v3, v4  }
0xcd: {  	v4 =	vperm.xlane v3, v0;
	_ =	sdelay $0x1  }
0xce: {  	v4 =	vadd.s32 v1, v4;
	_ =	sdelay $0x1  }
0xcf: {  	v3 =	vperm.xlane v3, v2;
	_ =	sdelay $0x1  }
0xd0: {  	s4 =	simm.s32 $0x14300;
	v3 =	vadd.s32 v1, v3  }
0xd1: {  	[tilespmem:s4], [sflag:$0x3] =	stream.indirect_vreg.gather [hbm4b:s1+s3], $0x80, v4, vm0, $0xb8;
	[tilespmem:$0x18300] =	vst v63  }
0xd2: {  	s4 =	simm.s32 $0x14B00  }
0xd3: {  	[tilespmem:s4], [sflag:$0x3] =	stream.indirect_vreg.gather [hbm4b:s6+s3], $0x80, v4, vm0, $0xb8;
	[tilespmem:$0x18300] =	vst v63  }
0xd4: {  	s4 =	simm.s32 $0x15300  }
0xd5: {  	[tilespmem:s4], [sflag:$0x3] =	stream.indirect_vreg.gather [hbm4b:s1+s3], $0x80, v3, vm0, $0xb8;
	[tilespmem:$0x18300] =	vst v63  }
0xd6: {  	s4 =	simm.s32 $0x15B00  }
0xd7: {  	[tilespmem:s4], [sflag:$0x3] =	stream.indirect_vreg.gather [hbm4b:s6+s3], $0x80, v3, vm0, $0xb8;
	[tilespmem:$0x18300] =	vst v63  }
0xd8: {  	v3 =	vld [tilespmem:$0x130];
	_ =	sdelay $0x4  }
0xd9: {  	v59 =	vshll.u32 v3, $0x2  }
0xda: {  	v3 =	vand.u32 $0x7, v3;
	v4 =	vand.u32 $0xFFFFFFE0, v59  }
0xdb: {  	v3 =	vor.u32 v3, v4  }
0xdc: {  	v4 =	vperm.xlane v3, v0;
	_ =	sdelay $0x1  }
0xdd: {  	v4 =	vadd.s32 v1, v4;
	_ =	sdelay $0x1  }
0xde: {  	v3 =	vperm.xlane v3, v2;
	_ =	sdelay $0x1  }
0xdf: {  	s4 =	simm.s32 $0x16300;
	v3 =	vadd.s32 v1, v3  }
0xe0: {  	[tilespmem:s4], [sflag:$0x3] =	stream.indirect_vreg.gather [hbm4b:s1+s3], $0x80, v4, vm0, $0xb8;
	[tilespmem:$0x18300] =	vst v63  }
0xe1: {  	s4 =	simm.s32 $0x16B00  }
0xe2: {  	[tilespmem:s4], [sflag:$0x3] =	stream.indirect_vreg.gather [hbm4b:s6+s3], $0x80, v4, vm0, $0xb8;
	[tilespmem:$0x18300] =	vst v63  }
0xe3: {  	s4 =	simm.s32 $0x17300  }
0xe4: {  	[tilespmem:s4], [sflag:$0x3] =	stream.indirect_vreg.gather [hbm4b:s1+s3], $0x80, v3, vm0, $0xb8;
	[tilespmem:$0x18300] =	vst v63  }
0xe5: {  	s4 =	simm.s32 $0x17B00  }
0xe6: {  	[tilespmem:s4], [sflag:$0x3] =	stream.indirect_vreg.gather [hbm4b:s6+s3], $0x80, v3, vm0, $0xb8;
	[tilespmem:$0x18300] =	vst v63  }
0xe7: {  	_ =	swait.ge [sflag:s11], $0x8000  }
0xe8: {  	[sflag:s11] =	ssyncset.done $0x0  }
0xe9: {  	s4 =	rddreg [dreg:$0x7];
	[sflag:s11] =	ssyncadd.s32 $0xFFFF8000  }
0xea: {  	[hbm4b:s4+s3] =	stream.linear.scatter [tilespmem:s7], [sflag:$0x5], $0x8000, $0x38;
	[tilespmem:$0x18300] =	vst v63  }
0xeb: {  	_ =	swait.ge [sflag:s12], $0x8000  }
0xec: {  	[sflag:s12] =	ssyncset.done $0x0  }
0xed: {  	[sflag:s12] =	ssyncadd.s32 $0xFFFF8000  }
0xee: {  	v3 =	vld [tilespmem:$0x140];
	_ =	sdelay $0x4  }
0xef: {  	v60 =	vshll.u32 v3, $0x2  }
0xf0: {  	v3 =	vand.u32 $0x7, v3;
	v4 =	vand.u32 $0xFFFFFFE0, v60  }
0xf1: {  	v3 =	vor.u32 v3, v4  }
0xf2: {  	v4 =	vperm.xlane v3, v0;
	_ =	sdelay $0x1  }
0xf3: {  	v4 =	vadd.s32 v1, v4;
	_ =	sdelay $0x1  }
0xf4: {  	v3 =	vperm.xlane v3, v2;
	_ =	sdelay $0x1  }
0xf5: {  	v3 =	vadd.s32 v1, v3  }
0xf6: {  	[tilespmem:s20], [sflag:$0x1] =	stream.indirect_vreg.gather [hbm4b:s1+s3], $0x80, v4, vm0, $0xb8;
	[tilespmem:$0x18300] =	vst v63  }
0xf7: {  	_ = 	snop  }
0xf8: {  	[tilespmem:s5], [sflag:$0x1] =	stream.indirect_vreg.gather [hbm4b:s6+s3], $0x80, v4, vm0, $0xb8;
	[tilespmem:$0x18300] =	vst v63  }
0xf9: {  	_ = 	snop  }
0xfa: {  	[tilespmem:s22], [sflag:$0x1] =	stream.indirect_vreg.gather [hbm4b:s1+s3], $0x80, v3, vm0, $0xb8;
	[tilespmem:$0x18300] =	vst v63  }
0xfb: {  	_ = 	snop  }
0xfc: {  	[tilespmem:s23], [sflag:$0x1] =	stream.indirect_vreg.gather [hbm4b:s6+s3], $0x80, v3, vm0, $0xb8;
	[tilespmem:$0x18300] =	vst v63  }
0xfd: {  	v3 =	vld [tilespmem:$0x150];
	_ =	sdelay $0x4  }
0xfe: {  	v61 =	vshll.u32 v3, $0x2  }
0xff: {  	v3 =	vand.u32 $0x7, v3;
	v4 =	vand.u32 $0xFFFFFFE0, v61  }
0x100: {  	v3 =	vor.u32 v3, v4  }
0x101: {  	v4 =	vperm.xlane v3, v0;
	_ =	sdelay $0x1  }
0x102: {  	v4 =	vadd.s32 v1, v4;
	_ =	sdelay $0x1  }
0x103: {  	v3 =	vperm.xlane v3, v2;
	_ =	sdelay $0x1  }
0x104: {  	v3 =	vadd.s32 v1, v3  }
0x105: {  	[tilespmem:s24], [sflag:$0x1] =	stream.indirect_vreg.gather [hbm4b:s1+s3], $0x80, v4, vm0, $0xb8;
	[tilespmem:$0x18300] =	vst v63  }
0x106: {  	_ = 	snop  }
0x107: {  	[tilespmem:s25], [sflag:$0x1] =	stream.indirect_vreg.gather [hbm4b:s6+s3], $0x80, v4, vm0, $0xb8;
	[tilespmem:$0x18300] =	vst v63  }
0x108: {  	_ = 	snop  }
0x109: {  	[tilespmem:s26], [sflag:$0x1] =	stream.indirect_vreg.gather [hbm4b:s1+s3], $0x80, v3, vm0, $0xb8;
	[tilespmem:$0x18300] =	vst v63  }
0x10a: {  	_ = 	snop  }
0x10b: {  	[tilespmem:s28], [sflag:$0x1] =	stream.indirect_vreg.gather [hbm4b:s6+s3], $0x80, v3, vm0, $0xb8;
	[tilespmem:$0x18300] =	vst v63  }
0x10c: {  	v3 =	vld [tilespmem:$0x160];
	_ =	sdelay $0x4  }
0x10d: {  	v62 =	vshll.u32 v3, $0x2  }
0x10e: {  	v3 =	vand.u32 $0x7, v3;
	v4 =	vand.u32 $0xFFFFFFE0, v62  }
0x10f: {  	v3 =	vor.u32 v3, v4  }
0x110: {  	v4 =	vperm.xlane v3, v0;
	_ =	sdelay $0x1  }
0x111: {  	v4 =	vadd.s32 v1, v4;
	_ =	sdelay $0x1  }
0x112: {  	v3 =	vperm.xlane v3, v2;
	_ =	sdelay $0x1  }
0x113: {  	v3 =	vadd.s32 v1, v3  }
0x114: {  	[tilespmem:s29], [sflag:$0x1] =	stream.indirect_vreg.gather [hbm4b:s1+s3], $0x80, v4, vm0, $0xb8;
	[tilespmem:$0x18300] =	vst v63  }
0x115: {  	_ = 	snop  }
0x116: {  	[tilespmem:s30], [sflag:$0x1] =	stream.indirect_vreg.gather [hbm4b:s6+s3], $0x80, v4, vm0, $0xb8;
	[tilespmem:$0x18300] =	vst v63  }
0x117: {  	_ = 	snop  }
0x118: {  	[tilespmem:s31], [sflag:$0x1] =	stream.indirect_vreg.gather [hbm4b:s1+s3], $0x80, v3, vm0, $0xb8;
	[tilespmem:$0x18300] =	vst v63  }
0x119: {  	_ = 	snop  }
0x11a: {  	[tilespmem:s0], [sflag:$0x1] =	stream.indirect_vreg.gather [hbm4b:s6+s3], $0x80, v3, vm0, $0xb8;
	[tilespmem:$0x18300] =	vst v63  }
0x11b: {  	v3 =	vld [tilespmem:$0x170];
	_ =	sdelay $0x4  }
0x11c: {  	v63 =	vshll.u32 v3, $0x2  }
0x11d: {  	v3 =	vand.u32 $0x7, v3;
	v4 =	vand.u32 $0xFFFFFFE0, v63  }
0x11e: {  	v3 =	vor.u32 v3, v4  }
0x11f: {  	v4 =	vperm.xlane v3, v0;
	_ =	sdelay $0x1  }
0x120: {  	v4 =	vadd.s32 v1, v4;
	_ =	sdelay $0x1  }
0x121: {  	v3 =	vperm.xlane v3, v2;
	_ =	sdelay $0x1  }
0x122: {  	v3 =	vadd.s32 v1, v3  }
0x123: {  	[tilespmem:s2], [sflag:$0x1] =	stream.indirect_vreg.gather [hbm4b:s1+s3], $0x80, v4, vm0, $0xb8;
	[tilespmem:$0x18300] =	vst v63  }
0x124: {  	_ = 	snop  }
0x125: {  	[tilespmem:s16], [sflag:$0x1] =	stream.indirect_vreg.gather [hbm4b:s6+s3], $0x80, v4, vm0, $0xb8;
	[tilespmem:$0x18300] =	vst v63  }
0x126: {  	_ = 	snop  }
0x127: {  	[tilespmem:s17], [sflag:$0x1] =	stream.indirect_vreg.gather [hbm4b:s1+s3], $0x80, v3, vm0, $0xb8;
	[tilespmem:$0x18300] =	vst v63  }
0x128: {  	_ = 	snop  }
0x129: {  	[tilespmem:s19], [sflag:$0x1] =	stream.indirect_vreg.gather [hbm4b:s6+s3], $0x80, v3, vm0, $0xb8;
	[tilespmem:$0x18300] =	vst v63  }
0x12a: {  	_ =	swait.ge [sflag:s13], $0x8000  }
0x12b: {  	[sflag:s13] =	ssyncset.done $0x0  }
0x12c: {  	s5 =	rddreg [dreg:$0x8];
	[sflag:s13] =	ssyncadd.s32 $0xFFFF8000  }
0x12d: {  	[hbm4b:s5+s3] =	stream.linear.scatter [tilespmem:s10], [sflag:$0x6], $0x8000, $0x38;
	[tilespmem:$0x18300] =	vst v63  }
0x12e: {  	_ =	swait.ge [sflag:s9], $0x8000  }
0x12f: {  	[sflag:s9] =	ssyncset.done $0x0  }
0x130: {  	s5 =	rddreg [dreg:$0x9];
	[sflag:s9] =	ssyncadd.s32 $0xFFFF8000  }
0x131: {  	[hbm4b:s5+s3] =	stream.linear.scatter [tilespmem:s20], [sflag:$0x4], $0x8000, $0x38;
	[tilespmem:$0x18300] =	vst v63  }
0x132: {  	_ =	swait.ge [sflag:s12], $0x8000  }
0x133: {  	[sflag:s12] =	ssyncset.done $0x0  }
0x134: {  	[sflag:s12] =	ssyncadd.s32 $0xFFFF8000  }
0x135: {  	_ =	swait.ge [sflag:s14], $0x8000  }
0x136: {  	[sflag:s14] =	ssyncset.done $0x0  }
0x137: {  	[sflag:s14] =	ssyncadd.s32 $0xFFFF8000  }
0x138: {  	_ =	swait.ge [sflag:s8], $0x8000  }
0x139: {  	[sflag:s8] =	ssyncset.done $0x0  }
0x13a: {  	[sflag:s8] =	ssyncadd.s32 $0xFFFF8000  }
.LBB2_3:
0x13b: {  	v3 =	vld [tilespmem:$0x280];
	_ =	sdelay $0x4  }
0x13c: {  	(v2sf) =	vpush v3, $0x0;
	_ =	sdelay $0xe  }
0x13d: {  	s4 =	spop (v2sf)  }
0x13e: {  	p0 =	slt.s32 s4, $0x1  }
.Ltmp3:
0x13f: {  	_ = 	snop;
	(pc) =	sbr.rel @p0 .LBB2_5-.Ltmp3, $1  }
0x140: {  	_ =	sdelay $0x3  }
0x141: {  	v3 =	vld [tilespmem:$0x80];
	_ =	sdelay $0x4  }
0x142: {  	v4 =	vshll.u32 v3, $0x2  }
0x143: {  	v3 =	vand.u32 $0x7, v3;
	v4 =	vand.u32 $0xFFFFFFE0, v4  }
0x144: {  	v3 =	vor.u32 v3, v4  }
0x145: {  	v4 =	vperm.xlane v3, v0;
	_ =	sdelay $0x1  }
0x146: {  	v4 =	vadd.s32 v1, v4;
	_ =	sdelay $0x1  }
0x147: {  	v3 =	vperm.xlane v3, v2;
	_ =	sdelay $0x1  }
0x148: {  	v3 =	vadd.s32 v1, v3  }
0x149: {  	[tilespmem:s20], [sflag:$0x1] =	stream.indirect_vreg.gather [hbm4b:s1+s3], $0x80, v4, vm0, $0xb8;
	[tilespmem:$0x18300] =	vst v63  }
0x14a: {  	s5 =	simm.s32 $0xB00  }
0x14b: {  	[tilespmem:s5], [sflag:$0x1] =	stream.indirect_vreg.gather [hbm4b:s6+s3], $0x80, v4, vm0, $0xb8;
	[tilespmem:$0x18300] =	vst v63  }
0x14c: {  	_ = 	snop  }
0x14d: {  	[tilespmem:s22], [sflag:$0x1] =	stream.indirect_vreg.gather [hbm4b:s1+s3], $0x80, v3, vm0, $0xb8;
	[tilespmem:$0x18300] =	vst v63  }
0x14e: {  	_ = 	snop  }
0x14f: {  	[tilespmem:s23], [sflag:$0x1] =	stream.indirect_vreg.gather [hbm4b:s6+s3], $0x80, v3, vm0, $0xb8;
	[tilespmem:$0x18300] =	vst v63  }
0x150: {  	v3 =	vld [tilespmem:$0x90];
	_ =	sdelay $0x4  }
0x151: {  	v49 =	vshll.u32 v3, $0x2  }
0x152: {  	v3 =	vand.u32 $0x7, v3;
	v4 =	vand.u32 $0xFFFFFFE0, v49  }
0x153: {  	v3 =	vor.u32 v3, v4  }
0x154: {  	v4 =	vperm.xlane v3, v0;
	_ =	sdelay $0x1  }
0x155: {  	v4 =	vadd.s32 v1, v4;
	_ =	sdelay $0x1  }
0x156: {  	v3 =	vperm.xlane v3, v2;
	_ =	sdelay $0x1  }
0x157: {  	v3 =	vadd.s32 v1, v3  }
0x158: {  	[tilespmem:s24], [sflag:$0x1] =	stream.indirect_vreg.gather [hbm4b:s1+s3], $0x80, v4, vm0, $0xb8;
	[tilespmem:$0x18300] =	vst v63  }
0x159: {  	_ = 	snop  }
0x15a: {  	[tilespmem:s25], [sflag:$0x1] =	stream.indirect_vreg.gather [hbm4b:s6+s3], $0x80, v4, vm0, $0xb8;
	[tilespmem:$0x18300] =	vst v63  }
0x15b: {  	_ = 	snop  }
0x15c: {  	[tilespmem:s26], [sflag:$0x1] =	stream.indirect_vreg.gather [hbm4b:s1+s3], $0x80, v3, vm0, $0xb8;
	[tilespmem:$0x18300] =	vst v63  }
0x15d: {  	_ = 	snop  }
0x15e: {  	[tilespmem:s28], [sflag:$0x1] =	stream.indirect_vreg.gather [hbm4b:s6+s3], $0x80, v3, vm0, $0xb8;
	[tilespmem:$0x18300] =	vst v63  }
0x15f: {  	v3 =	vld [tilespmem:$0xA0];
	_ =	sdelay $0x4  }
0x160: {  	v50 =	vshll.u32 v3, $0x2  }
0x161: {  	v3 =	vand.u32 $0x7, v3;
	v4 =	vand.u32 $0xFFFFFFE0, v50  }
0x162: {  	v3 =	vor.u32 v3, v4  }
0x163: {  	v4 =	vperm.xlane v3, v0;
	_ =	sdelay $0x1  }
0x164: {  	v4 =	vadd.s32 v1, v4;
	_ =	sdelay $0x1  }
0x165: {  	v3 =	vperm.xlane v3, v2;
	_ =	sdelay $0x1  }
0x166: {  	v3 =	vadd.s32 v1, v3  }
0x167: {  	[tilespmem:s29], [sflag:$0x1] =	stream.indirect_vreg.gather [hbm4b:s1+s3], $0x80, v4, vm0, $0xb8;
	[tilespmem:$0x18300] =	vst v63  }
0x168: {  	_ = 	snop  }
0x169: {  	[tilespmem:s30], [sflag:$0x1] =	stream.indirect_vreg.gather [hbm4b:s6+s3], $0x80, v4, vm0, $0xb8;
	[tilespmem:$0x18300] =	vst v63  }
0x16a: {  	_ = 	snop  }
0x16b: {  	[tilespmem:s31], [sflag:$0x1] =	stream.indirect_vreg.gather [hbm4b:s1+s3], $0x80, v3, vm0, $0xb8;
	[tilespmem:$0x18300] =	vst v63  }
0x16c: {  	_ = 	snop  }
0x16d: {  	[tilespmem:s0], [sflag:$0x1] =	stream.indirect_vreg.gather [hbm4b:s6+s3], $0x80, v3, vm0, $0xb8;
	[tilespmem:$0x18300] =	vst v63  }
0x16e: {  	v3 =	vld [tilespmem:$0xB0];
	_ =	sdelay $0x4  }
0x16f: {  	v51 =	vshll.u32 v3, $0x2  }
0x170: {  	v3 =	vand.u32 $0x7, v3;
	v4 =	vand.u32 $0xFFFFFFE0, v51  }
0x171: {  	v3 =	vor.u32 v3, v4  }
0x172: {  	v4 =	vperm.xlane v3, v0;
	_ =	sdelay $0x1  }
0x173: {  	v4 =	vadd.s32 v1, v4;
	_ =	sdelay $0x1  }
0x174: {  	v3 =	vperm.xlane v3, v2;
	_ =	sdelay $0x1  }
0x175: {  	v3 =	vadd.s32 v1, v3  }
0x176: {  	[tilespmem:s2], [sflag:$0x1] =	stream.indirect_vreg.gather [hbm4b:s1+s3], $0x80, v4, vm0, $0xb8;
	[tilespmem:$0x18300] =	vst v63  }
0x177: {  	_ = 	snop  }
0x178: {  	[tilespmem:s16], [sflag:$0x1] =	stream.indirect_vreg.gather [hbm4b:s6+s3], $0x80, v4, vm0, $0xb8;
	[tilespmem:$0x18300] =	vst v63  }
0x179: {  	_ = 	snop  }
0x17a: {  	[tilespmem:s17], [sflag:$0x1] =	stream.indirect_vreg.gather [hbm4b:s1+s3], $0x80, v3, vm0, $0xb8;
	[tilespmem:$0x18300] =	vst v63  }
0x17b: {  	_ = 	snop  }
0x17c: {  	[tilespmem:s19], [sflag:$0x1] =	stream.indirect_vreg.gather [hbm4b:s6+s3], $0x80, v3, vm0, $0xb8;
	[tilespmem:$0x18300] =	vst v63  }
0x17d: {  	v3 =	vld [tilespmem:$0xC0];
	_ =	sdelay $0x4  }
0x17e: {  	v52 =	vshll.u32 v3, $0x2  }
0x17f: {  	v3 =	vand.u32 $0x7, v3;
	v4 =	vand.u32 $0xFFFFFFE0, v52  }
0x180: {  	v3 =	vor.u32 v3, v4  }
0x181: {  	v4 =	vperm.xlane v3, v0;
	_ =	sdelay $0x1  }
0x182: {  	v4 =	vadd.s32 v1, v4;
	_ =	sdelay $0x1  }
0x183: {  	v3 =	vperm.xlane v3, v2;
	_ =	sdelay $0x1  }
0x184: {  	v3 =	vadd.s32 v1, v3  }
0x185: {  	[tilespmem:s7], [sflag:$0x2] =	stream.indirect_vreg.gather [hbm4b:s1+s3], $0x80, v4, vm0, $0xb8;
	[tilespmem:$0x18300] =	vst v63  }
0x186: {  	s4 =	simm.s32 $0x8B00  }
0x187: {  	[tilespmem:s4], [sflag:$0x2] =	stream.indirect_vreg.gather [hbm4b:s6+s3], $0x80, v4, vm0, $0xb8;
	[tilespmem:$0x18300] =	vst v63  }
0x188: {  	s4 =	simm.s32 $0x9300  }
0x189: {  	[tilespmem:s4], [sflag:$0x2] =	stream.indirect_vreg.gather [hbm4b:s1+s3], $0x80, v3, vm0, $0xb8;
	[tilespmem:$0x18300] =	vst v63  }
0x18a: {  	s4 =	simm.s32 $0x9B00  }
0x18b: {  	[tilespmem:s4], [sflag:$0x2] =	stream.indirect_vreg.gather [hbm4b:s6+s3], $0x80, v3, vm0, $0xb8;
	[tilespmem:$0x18300] =	vst v63  }
0x18c: {  	v3 =	vld [tilespmem:$0xD0];
	_ =	sdelay $0x4  }
0x18d: {  	v53 =	vshll.u32 v3, $0x2  }
0x18e: {  	v3 =	vand.u32 $0x7, v3;
	v4 =	vand.u32 $0xFFFFFFE0, v53  }
0x18f: {  	v3 =	vor.u32 v3, v4  }
0x190: {  	v4 =	vperm.xlane v3, v0;
	_ =	sdelay $0x1  }
0x191: {  	v4 =	vadd.s32 v1, v4;
	_ =	sdelay $0x1  }
0x192: {  	v3 =	vperm.xlane v3, v2;
	_ =	sdelay $0x1  }
0x193: {  	s4 =	simm.s32 $0xA300;
	v3 =	vadd.s32 v1, v3  }
0x194: {  	[tilespmem:s4], [sflag:$0x2] =	stream.indirect_vreg.gather [hbm4b:s1+s3], $0x80, v4, vm0, $0xb8;
	[tilespmem:$0x18300] =	vst v63  }
0x195: {  	s4 =	simm.s32 $0xAB00  }
0x196: {  	[tilespmem:s4], [sflag:$0x2] =	stream.indirect_vreg.gather [hbm4b:s6+s3], $0x80, v4, vm0, $0xb8;
	[tilespmem:$0x18300] =	vst v63  }
0x197: {  	s4 =	simm.s32 $0xB300  }
0x198: {  	[tilespmem:s4], [sflag:$0x2] =	stream.indirect_vreg.gather [hbm4b:s1+s3], $0x80, v3, vm0, $0xb8;
	[tilespmem:$0x18300] =	vst v63  }
0x199: {  	s4 =	simm.s32 $0xBB00  }
0x19a: {  	[tilespmem:s4], [sflag:$0x2] =	stream.indirect_vreg.gather [hbm4b:s6+s3], $0x80, v3, vm0, $0xb8;
	[tilespmem:$0x18300] =	vst v63  }
0x19b: {  	v3 =	vld [tilespmem:$0xE0];
	_ =	sdelay $0x4  }
0x19c: {  	v54 =	vshll.u32 v3, $0x2  }
0x19d: {  	v3 =	vand.u32 $0x7, v3;
	v4 =	vand.u32 $0xFFFFFFE0, v54  }
0x19e: {  	v3 =	vor.u32 v3, v4  }
0x19f: {  	v4 =	vperm.xlane v3, v0;
	_ =	sdelay $0x1  }
0x1a0: {  	v4 =	vadd.s32 v1, v4;
	_ =	sdelay $0x1  }
0x1a1: {  	v3 =	vperm.xlane v3, v2;
	_ =	sdelay $0x1  }
0x1a2: {  	s4 =	simm.s32 $0xC300;
	v3 =	vadd.s32 v1, v3  }
0x1a3: {  	[tilespmem:s4], [sflag:$0x2] =	stream.indirect_vreg.gather [hbm4b:s1+s3], $0x80, v4, vm0, $0xb8;
	[tilespmem:$0x18300] =	vst v63  }
0x1a4: {  	s4 =	simm.s32 $0xCB00  }
0x1a5: {  	[tilespmem:s4], [sflag:$0x2] =	stream.indirect_vreg.gather [hbm4b:s6+s3], $0x80, v4, vm0, $0xb8;
	[tilespmem:$0x18300] =	vst v63  }
0x1a6: {  	s4 =	simm.s32 $0xD300  }
0x1a7: {  	[tilespmem:s4], [sflag:$0x2] =	stream.indirect_vreg.gather [hbm4b:s1+s3], $0x80, v3, vm0, $0xb8;
	[tilespmem:$0x18300] =	vst v63  }
0x1a8: {  	s4 =	simm.s32 $0xDB00  }
0x1a9: {  	[tilespmem:s4], [sflag:$0x2] =	stream.indirect_vreg.gather [hbm4b:s6+s3], $0x80, v3, vm0, $0xb8;
	[tilespmem:$0x18300] =	vst v63  }
0x1aa: {  	v3 =	vld [tilespmem:$0xF0];
	_ =	sdelay $0x4  }
0x1ab: {  	v55 =	vshll.u32 v3, $0x2  }
0x1ac: {  	v3 =	vand.u32 $0x7, v3;
	v4 =	vand.u32 $0xFFFFFFE0, v55  }
0x1ad: {  	v3 =	vor.u32 v3, v4  }
0x1ae: {  	v4 =	vperm.xlane v3, v0;
	_ =	sdelay $0x1  }
0x1af: {  	v4 =	vadd.s32 v1, v4;
	_ =	sdelay $0x1  }
0x1b0: {  	v3 =	vperm.xlane v3, v2;
	_ =	sdelay $0x1  }
0x1b1: {  	s4 =	simm.s32 $0xE300;
	v3 =	vadd.s32 v1, v3  }
0x1b2: {  	[tilespmem:s4], [sflag:$0x2] =	stream.indirect_vreg.gather [hbm4b:s1+s3], $0x80, v4, vm0, $0xb8;
	[tilespmem:$0x18300] =	vst v63  }
0x1b3: {  	s4 =	simm.s32 $0xEB00  }
0x1b4: {  	[tilespmem:s4], [sflag:$0x2] =	stream.indirect_vreg.gather [hbm4b:s6+s3], $0x80, v4, vm0, $0xb8;
	[tilespmem:$0x18300] =	vst v63  }
0x1b5: {  	s4 =	simm.s32 $0xF300  }
0x1b6: {  	[tilespmem:s4], [sflag:$0x2] =	stream.indirect_vreg.gather [hbm4b:s1+s3], $0x80, v3, vm0, $0xb8;
	[tilespmem:$0x18300] =	vst v63  }
0x1b7: {  	s4 =	simm.s32 $0xFB00  }
0x1b8: {  	[tilespmem:s4], [sflag:$0x2] =	stream.indirect_vreg.gather [hbm4b:s6+s3], $0x80, v3, vm0, $0xb8;
	[tilespmem:$0x18300] =	vst v63  }
0x1b9: {  	_ =	swait.ge [sflag:s9], $0x8000  }
0x1ba: {  	[sflag:s9] =	ssyncset.done $0x0  }
0x1bb: {  	s4 =	rddreg [dreg:$0xa];
	[sflag:s9] =	ssyncadd.s32 $0xFFFF8000  }
0x1bc: {  	[hbm4b:s4+s3] =	stream.linear.scatter [tilespmem:s20], [sflag:$0x4], $0x8000, $0x38;
	[tilespmem:$0x18300] =	vst v63  }
0x1bd: {  	v3 =	vld [tilespmem:$0x180];
	_ =	sdelay $0x4  }
0x1be: {  	v56 =	vshll.u32 v3, $0x2  }
0x1bf: {  	v3 =	vand.u32 $0x7, v3;
	v4 =	vand.u32 $0xFFFFFFE0, v56  }
0x1c0: {  	v3 =	vor.u32 v3, v4  }
0x1c1: {  	v4 =	vperm.xlane v3, v0;
	_ =	sdelay $0x1  }
0x1c2: {  	v4 =	vadd.s32 v1, v4;
	_ =	sdelay $0x1  }
0x1c3: {  	v3 =	vperm.xlane v3, v2;
	_ =	sdelay $0x1  }
0x1c4: {  	v3 =	vadd.s32 v1, v3  }
0x1c5: {  	[tilespmem:s10], [sflag:$0x3] =	stream.indirect_vreg.gather [hbm4b:s1+s3], $0x80, v4, vm0, $0xb8;
	[tilespmem:$0x18300] =	vst v63  }
0x1c6: {  	s4 =	simm.s32 $0x10B00  }
0x1c7: {  	[tilespmem:s4], [sflag:$0x3] =	stream.indirect_vreg.gather [hbm4b:s6+s3], $0x80, v4, vm0, $0xb8;
	[tilespmem:$0x18300] =	vst v63  }
0x1c8: {  	s4 =	simm.s32 $0x11300  }
0x1c9: {  	[tilespmem:s4], [sflag:$0x3] =	stream.indirect_vreg.gather [hbm4b:s1+s3], $0x80, v3, vm0, $0xb8;
	[tilespmem:$0x18300] =	vst v63  }
0x1ca: {  	s4 =	simm.s32 $0x11B00  }
0x1cb: {  	[tilespmem:s4], [sflag:$0x3] =	stream.indirect_vreg.gather [hbm4b:s6+s3], $0x80, v3, vm0, $0xb8;
	[tilespmem:$0x18300] =	vst v63  }
0x1cc: {  	v3 =	vld [tilespmem:$0x190];
	_ =	sdelay $0x4  }
0x1cd: {  	v57 =	vshll.u32 v3, $0x2  }
0x1ce: {  	v3 =	vand.u32 $0x7, v3;
	v4 =	vand.u32 $0xFFFFFFE0, v57  }
0x1cf: {  	v3 =	vor.u32 v3, v4  }
0x1d0: {  	v4 =	vperm.xlane v3, v0;
	_ =	sdelay $0x1  }
0x1d1: {  	v4 =	vadd.s32 v1, v4;
	_ =	sdelay $0x1  }
0x1d2: {  	v3 =	vperm.xlane v3, v2;
	_ =	sdelay $0x1  }
0x1d3: {  	s4 =	simm.s32 $0x12300;
	v3 =	vadd.s32 v1, v3  }
0x1d4: {  	[tilespmem:s4], [sflag:$0x3] =	stream.indirect_vreg.gather [hbm4b:s1+s3], $0x80, v4, vm0, $0xb8;
	[tilespmem:$0x18300] =	vst v63  }
0x1d5: {  	s4 =	simm.s32 $0x12B00  }
0x1d6: {  	[tilespmem:s4], [sflag:$0x3] =	stream.indirect_vreg.gather [hbm4b:s6+s3], $0x80, v4, vm0, $0xb8;
	[tilespmem:$0x18300] =	vst v63  }
0x1d7: {  	s4 =	simm.s32 $0x13300  }
0x1d8: {  	[tilespmem:s4], [sflag:$0x3] =	stream.indirect_vreg.gather [hbm4b:s1+s3], $0x80, v3, vm0, $0xb8;
	[tilespmem:$0x18300] =	vst v63  }
0x1d9: {  	s4 =	simm.s32 $0x13B00  }
0x1da: {  	[tilespmem:s4], [sflag:$0x3] =	stream.indirect_vreg.gather [hbm4b:s6+s3], $0x80, v3, vm0, $0xb8;
	[tilespmem:$0x18300] =	vst v63  }
0x1db: {  	v3 =	vld [tilespmem:$0x1A0];
	_ =	sdelay $0x4  }
0x1dc: {  	v58 =	vshll.u32 v3, $0x2  }
0x1dd: {  	v3 =	vand.u32 $0x7, v3;
	v4 =	vand.u32 $0xFFFFFFE0, v58  }
0x1de: {  	v3 =	vor.u32 v3, v4  }
0x1df: {  	v4 =	vperm.xlane v3, v0;
	_ =	sdelay $0x1  }
0x1e0: {  	v4 =	vadd.s32 v1, v4;
	_ =	sdelay $0x1  }
0x1e1: {  	v3 =	vperm.xlane v3, v2;
	_ =	sdelay $0x1  }
0x1e2: {  	s4 =	simm.s32 $0x14300;
	v3 =	vadd.s32 v1, v3  }
0x1e3: {  	[tilespmem:s4], [sflag:$0x3] =	stream.indirect_vreg.gather [hbm4b:s1+s3], $0x80, v4, vm0, $0xb8;
	[tilespmem:$0x18300] =	vst v63  }
0x1e4: {  	s4 =	simm.s32 $0x14B00  }
0x1e5: {  	[tilespmem:s4], [sflag:$0x3] =	stream.indirect_vreg.gather [hbm4b:s6+s3], $0x80, v4, vm0, $0xb8;
	[tilespmem:$0x18300] =	vst v63  }
0x1e6: {  	s4 =	simm.s32 $0x15300  }
0x1e7: {  	[tilespmem:s4], [sflag:$0x3] =	stream.indirect_vreg.gather [hbm4b:s1+s3], $0x80, v3, vm0, $0xb8;
	[tilespmem:$0x18300] =	vst v63  }
0x1e8: {  	s4 =	simm.s32 $0x15B00  }
0x1e9: {  	[tilespmem:s4], [sflag:$0x3] =	stream.indirect_vreg.gather [hbm4b:s6+s3], $0x80, v3, vm0, $0xb8;
	[tilespmem:$0x18300] =	vst v63  }
0x1ea: {  	v3 =	vld [tilespmem:$0x1B0];
	_ =	sdelay $0x4  }
0x1eb: {  	v59 =	vshll.u32 v3, $0x2  }
0x1ec: {  	v3 =	vand.u32 $0x7, v3;
	v4 =	vand.u32 $0xFFFFFFE0, v59  }
0x1ed: {  	v3 =	vor.u32 v3, v4  }
0x1ee: {  	v4 =	vperm.xlane v3, v0;
	_ =	sdelay $0x1  }
0x1ef: {  	v4 =	vadd.s32 v1, v4;
	_ =	sdelay $0x1  }
0x1f0: {  	v3 =	vperm.xlane v3, v2;
	_ =	sdelay $0x1  }
0x1f1: {  	s4 =	simm.s32 $0x16300;
	v3 =	vadd.s32 v1, v3  }
0x1f2: {  	[tilespmem:s4], [sflag:$0x3] =	stream.indirect_vreg.gather [hbm4b:s1+s3], $0x80, v4, vm0, $0xb8;
	[tilespmem:$0x18300] =	vst v63  }
0x1f3: {  	s4 =	simm.s32 $0x16B00  }
0x1f4: {  	[tilespmem:s4], [sflag:$0x3] =	stream.indirect_vreg.gather [hbm4b:s6+s3], $0x80, v4, vm0, $0xb8;
	[tilespmem:$0x18300] =	vst v63  }
0x1f5: {  	s4 =	simm.s32 $0x17300  }
0x1f6: {  	[tilespmem:s4], [sflag:$0x3] =	stream.indirect_vreg.gather [hbm4b:s1+s3], $0x80, v3, vm0, $0xb8;
	[tilespmem:$0x18300] =	vst v63  }
0x1f7: {  	s4 =	simm.s32 $0x17B00  }
0x1f8: {  	[tilespmem:s4], [sflag:$0x3] =	stream.indirect_vreg.gather [hbm4b:s6+s3], $0x80, v3, vm0, $0xb8;
	[tilespmem:$0x18300] =	vst v63  }
0x1f9: {  	_ =	swait.ge [sflag:s11], $0x8000  }
0x1fa: {  	[sflag:s11] =	ssyncset.done $0x0  }
0x1fb: {  	s4 =	rddreg [dreg:$0xb];
	[sflag:s11] =	ssyncadd.s32 $0xFFFF8000  }
0x1fc: {  	[hbm4b:s4+s3] =	stream.linear.scatter [tilespmem:s7], [sflag:$0x5], $0x8000, $0x38;
	[tilespmem:$0x18300] =	vst v63  }
0x1fd: {  	_ =	swait.ge [sflag:s12], $0x8000  }
0x1fe: {  	[sflag:s12] =	ssyncset.done $0x0  }
0x1ff: {  	[sflag:s12] =	ssyncadd.s32 $0xFFFF8000  }
0x200: {  	v3 =	vld [tilespmem:$0x1C0];
	_ =	sdelay $0x4  }
0x201: {  	v60 =	vshll.u32 v3, $0x2  }
0x202: {  	v3 =	vand.u32 $0x7, v3;
	v4 =	vand.u32 $0xFFFFFFE0, v60  }
0x203: {  	v3 =	vor.u32 v3, v4  }
0x204: {  	v4 =	vperm.xlane v3, v0;
	_ =	sdelay $0x1  }
0x205: {  	v4 =	vadd.s32 v1, v4;
	_ =	sdelay $0x1  }
0x206: {  	v3 =	vperm.xlane v3, v2;
	_ =	sdelay $0x1  }
0x207: {  	v3 =	vadd.s32 v1, v3  }
0x208: {  	[tilespmem:s20], [sflag:$0x1] =	stream.indirect_vreg.gather [hbm4b:s1+s3], $0x80, v4, vm0, $0xb8;
	[tilespmem:$0x18300] =	vst v63  }
0x209: {  	_ = 	snop  }
0x20a: {  	[tilespmem:s5], [sflag:$0x1] =	stream.indirect_vreg.gather [hbm4b:s6+s3], $0x80, v4, vm0, $0xb8;
	[tilespmem:$0x18300] =	vst v63  }
0x20b: {  	_ = 	snop  }
0x20c: {  	[tilespmem:s22], [sflag:$0x1] =	stream.indirect_vreg.gather [hbm4b:s1+s3], $0x80, v3, vm0, $0xb8;
	[tilespmem:$0x18300] =	vst v63  }
0x20d: {  	_ = 	snop  }
0x20e: {  	[tilespmem:s23], [sflag:$0x1] =	stream.indirect_vreg.gather [hbm4b:s6+s3], $0x80, v3, vm0, $0xb8;
	[tilespmem:$0x18300] =	vst v63  }
0x20f: {  	v3 =	vld [tilespmem:$0x1D0];
	_ =	sdelay $0x4  }
0x210: {  	v61 =	vshll.u32 v3, $0x2  }
0x211: {  	v3 =	vand.u32 $0x7, v3;
	v4 =	vand.u32 $0xFFFFFFE0, v61  }
0x212: {  	v3 =	vor.u32 v3, v4  }
0x213: {  	v4 =	vperm.xlane v3, v0;
	_ =	sdelay $0x1  }
0x214: {  	v4 =	vadd.s32 v1, v4;
	_ =	sdelay $0x1  }
0x215: {  	v3 =	vperm.xlane v3, v2;
	_ =	sdelay $0x1  }
0x216: {  	v3 =	vadd.s32 v1, v3  }
0x217: {  	[tilespmem:s24], [sflag:$0x1] =	stream.indirect_vreg.gather [hbm4b:s1+s3], $0x80, v4, vm0, $0xb8;
	[tilespmem:$0x18300] =	vst v63  }
0x218: {  	_ = 	snop  }
0x219: {  	[tilespmem:s25], [sflag:$0x1] =	stream.indirect_vreg.gather [hbm4b:s6+s3], $0x80, v4, vm0, $0xb8;
	[tilespmem:$0x18300] =	vst v63  }
0x21a: {  	_ = 	snop  }
0x21b: {  	[tilespmem:s26], [sflag:$0x1] =	stream.indirect_vreg.gather [hbm4b:s1+s3], $0x80, v3, vm0, $0xb8;
	[tilespmem:$0x18300] =	vst v63  }
0x21c: {  	_ = 	snop  }
0x21d: {  	[tilespmem:s28], [sflag:$0x1] =	stream.indirect_vreg.gather [hbm4b:s6+s3], $0x80, v3, vm0, $0xb8;
	[tilespmem:$0x18300] =	vst v63  }
0x21e: {  	v3 =	vld [tilespmem:$0x1E0];
	_ =	sdelay $0x4  }
0x21f: {  	v62 =	vshll.u32 v3, $0x2  }
0x220: {  	v3 =	vand.u32 $0x7, v3;
	v4 =	vand.u32 $0xFFFFFFE0, v62  }
0x221: {  	v3 =	vor.u32 v3, v4  }
0x222: {  	v4 =	vperm.xlane v3, v0;
	_ =	sdelay $0x1  }
0x223: {  	v4 =	vadd.s32 v1, v4;
	_ =	sdelay $0x1  }
0x224: {  	v3 =	vperm.xlane v3, v2;
	_ =	sdelay $0x1  }
0x225: {  	v3 =	vadd.s32 v1, v3  }
0x226: {  	[tilespmem:s29], [sflag:$0x1] =	stream.indirect_vreg.gather [hbm4b:s1+s3], $0x80, v4, vm0, $0xb8;
	[tilespmem:$0x18300] =	vst v63  }
0x227: {  	_ = 	snop  }
0x228: {  	[tilespmem:s30], [sflag:$0x1] =	stream.indirect_vreg.gather [hbm4b:s6+s3], $0x80, v4, vm0, $0xb8;
	[tilespmem:$0x18300] =	vst v63  }
0x229: {  	_ = 	snop  }
0x22a: {  	[tilespmem:s31], [sflag:$0x1] =	stream.indirect_vreg.gather [hbm4b:s1+s3], $0x80, v3, vm0, $0xb8;
	[tilespmem:$0x18300] =	vst v63  }
0x22b: {  	_ = 	snop  }
0x22c: {  	[tilespmem:s0], [sflag:$0x1] =	stream.indirect_vreg.gather [hbm4b:s6+s3], $0x80, v3, vm0, $0xb8;
	[tilespmem:$0x18300] =	vst v63  }
0x22d: {  	v3 =	vld [tilespmem:$0x1F0];
	_ =	sdelay $0x4  }
0x22e: {  	v63 =	vshll.u32 v3, $0x2  }
0x22f: {  	v3 =	vand.u32 $0x7, v3;
	v4 =	vand.u32 $0xFFFFFFE0, v63  }
0x230: {  	v3 =	vor.u32 v3, v4  }
0x231: {  	v4 =	vperm.xlane v3, v0;
	_ =	sdelay $0x1  }
0x232: {  	v4 =	vadd.s32 v1, v4;
	_ =	sdelay $0x1  }
0x233: {  	v3 =	vperm.xlane v3, v2;
	_ =	sdelay $0x1  }
0x234: {  	v3 =	vadd.s32 v1, v3  }
0x235: {  	[tilespmem:s2], [sflag:$0x1] =	stream.indirect_vreg.gather [hbm4b:s1+s3], $0x80, v4, vm0, $0xb8;
	[tilespmem:$0x18300] =	vst v63  }
0x236: {  	_ = 	snop  }
0x237: {  	[tilespmem:s16], [sflag:$0x1] =	stream.indirect_vreg.gather [hbm4b:s6+s3], $0x80, v4, vm0, $0xb8;
	[tilespmem:$0x18300] =	vst v63  }
0x238: {  	_ = 	snop  }
0x239: {  	[tilespmem:s17], [sflag:$0x1] =	stream.indirect_vreg.gather [hbm4b:s1+s3], $0x80, v3, vm0, $0xb8;
	[tilespmem:$0x18300] =	vst v63  }
0x23a: {  	_ = 	snop  }
0x23b: {  	[tilespmem:s19], [sflag:$0x1] =	stream.indirect_vreg.gather [hbm4b:s6+s3], $0x80, v3, vm0, $0xb8;
	[tilespmem:$0x18300] =	vst v63  }
0x23c: {  	_ =	swait.ge [sflag:s13], $0x8000  }
0x23d: {  	[sflag:s13] =	ssyncset.done $0x0  }
0x23e: {  	s5 =	rddreg [dreg:$0xc];
	[sflag:s13] =	ssyncadd.s32 $0xFFFF8000  }
0x23f: {  	[hbm4b:s5+s3] =	stream.linear.scatter [tilespmem:s10], [sflag:$0x6], $0x8000, $0x38;
	[tilespmem:$0x18300] =	vst v63  }
0x240: {  	_ =	swait.ge [sflag:s9], $0x8000  }
0x241: {  	[sflag:s9] =	ssyncset.done $0x0  }
0x242: {  	s5 =	rddreg [dreg:$0xd];
	[sflag:s9] =	ssyncadd.s32 $0xFFFF8000  }
0x243: {  	[hbm4b:s5+s3] =	stream.linear.scatter [tilespmem:s20], [sflag:$0x4], $0x8000, $0x38;
	[tilespmem:$0x18300] =	vst v63  }
0x244: {  	_ =	swait.ge [sflag:s12], $0x8000  }
0x245: {  	[sflag:s12] =	ssyncset.done $0x0  }
0x246: {  	[sflag:s12] =	ssyncadd.s32 $0xFFFF8000  }
0x247: {  	_ =	swait.ge [sflag:s14], $0x8000  }
.Ltmp4:
0x248: {  	[sflag:s14] =	ssyncset.done $0x0;
	(pc) =	sbr.rel .LBB2_5-.Ltmp4, $4  }
0x249: {  	[sflag:s14] =	ssyncadd.s32 $0xFFFF8000  }
0x24a: {  	_ =	swait.ge [sflag:s8], $0x8000  }
0x24b: {  	[sflag:s8] =	ssyncset.done $0x0  }
0x24c: {  	[sflag:s8] =	ssyncadd.s32 $0xFFFF8000  }
.LBB2_6:
0x24d: {  	_ =	sfence.sel $0x180000  }
0x24e: {  	[bflag:$0x0] =	sbarrier.arrive $0xFFFF  }
0x24f: {  	_ =	strace $0x90000047  }
0x250: {  	s0 =	stileid.u32;
	[bflag:$0x2] =	sbarrier.arrive $0xFFFF  }
0x251: {  	p0 =	sne.s32 s0, $0x0;
	s0 =	rddreg [dreg:$0x4]  }
0x252: {  	s0 =	sadd.s32 @!p0 $0x100000, s0  }
0x253: {  	[sflag:s0] =	ssyncadd.tile.s32 @!p0 $0x1;
	_ =	shalt  }
.Lfunc_end2:
_tile_overlayer_lowered:
.L_overlay_start_2:
0x254: {  	(tag) =	ssettag $0x2  }
0x255: {  	s0 =	rddreg [dreg:$0x0];
	s2 =	stileid.u32  }
0x256: {  	s1 =	rddreg [dreg:$0x1];
	p0 =	sne.s32 s2, $0x0  }
0x257: {  	s3 =	rddreg [dreg:$0x2];
	[bflag:$0x3] =	sbarrier.arrive $0xFFFF;
	s2 =	simm.s32 @!p0 $0x1C07  }
0x258: {  	[timem:s3], [sflag:s2] =	dma.local @!p0 [hbm:s0], s1  }
0x259: {  	s0 =	simm.s32 @!p0 $0x7  }
0x25a: {  	_ =	swait.ge @!p0 [sflag:s0], s1  }
0x25b: {  	s1 =	ssub.s32 @!p0 $0x0, s1;
	[sflag:s0] =	ssyncset.done @!p0 $0x0  }
0x25c: {  	[sflag:s0] =	ssyncadd.s32 @!p0 s1  }
0x25d: {  	[bflag:$0x3] =	sbarrier.arrive $0xFFFF  }
0x25e: {  	_ =	shalt  }

</sc_bundles>
